<compile_context>
chip_gen: v7x
topology: tpu7x:2x2x1
jax: 0.10.2.dev20260603
libtpu: 0.0.44.dev20260713+nightly
codegen_flags: <defaults>
</compile_context>

<pallas_src>
import functools

import jax
import jax.numpy as jnp
from jax import lax
from jax.experimental import pallas as pl
from jax.experimental.pallas import tpu as pltpu
from jax.experimental.pallas import tpu_sc as plsc

_NC = 2
_NS = 16
_NW = _NC * _NS

_CHUNK = 80
_ZR = 128
_NPAD = 10240
_DH = 64


def _make_prop(n_pad, e, d, npass):
    per_w = e // _NW
    n_chunks = per_w // _CHUNK
    rows_pt = n_pad // _NS
    mesh = plsc.VectorSubcoreMesh(
        core_axis_name="c", subcore_axis_name="s",
        num_cores=_NC, num_subcores=_NS)

    _NB = 4
    n_main = n_chunks // _NB - 1

    @functools.partial(
        pl.kernel,
        out_type=[jax.ShapeDtypeStruct((_NC, n_pad, d), jnp.float32)] * npass,
        mesh=mesh,
        compiler_params=pltpu.CompilerParams(use_tc_tiling_on_sc=(d % 128 == 0)),
        scratch_types=[
            pltpu.VMEM((n_chunks, _CHUNK), jnp.int32),
            pltpu.VMEM((n_chunks, _CHUNK), jnp.int32),
        ] + [pltpu.VMEM((_CHUNK, d), jnp.float32)] * _NB
        + [
            pltpu.VMEM((_ZR, d), jnp.float32),
            pltpu.VMEM_SHARED((n_pad, d), jnp.float32),
        ] + [pltpu.SemaphoreType.DMA] * _NB,
    )
    def prop(*refs):
        xs_tabs = refs[:npass]
        src_hbm, dst_hbm, zeros_hbm = refs[npass:npass + 3]
        outs = refs[npass + 3:2 * npass + 3]
        bufs_and_rest = refs[2 * npass + 5:]
        src_v, dst_v = refs[2 * npass + 3:2 * npass + 5]
        bufs = bufs_and_rest[:_NB]
        zbuf_v = bufs_and_rest[_NB]
        acc = bufs_and_rest[_NB + 1]
        sem_g = bufs_and_rest[_NB + 2:_NB + 2 + _NB]
        cid = lax.axis_index("c")
        sid = lax.axis_index("s")
        wid = cid * _NS + sid
        pltpu.sync_copy(src_hbm.at[wid], src_v)
        pltpu.sync_copy(dst_hbm.at[wid], dst_v)
        pltpu.sync_copy(zeros_hbm, zbuf_v)

        def zero_own():
            for j in range(rows_pt // _ZR):
                pltpu.sync_copy(zbuf_v, acc.at[pl.ds(sid * rows_pt + j * _ZR, _ZR)])

        def run_pass(xs_hbm, out_hbm):
            def start_g(j, b):
                pltpu.async_copy(xs_hbm.at[src_v.at[j]], bufs[b], sem_g[b])

            def finish_g(b):
                pltpu.make_async_copy(xs_hbm.at[src_v.at[0]], bufs[b],
                                      sem_g[b]).wait()

            def scat(j, b):
                pltpu.sync_copy(bufs[b], acc.at[dst_v.at[j]], add=True)

            for b in range(_NB):
                start_g(b, b)

            def body(i, carry):
                for b in range(_NB):
                    finish_g(b)
                    scat(_NB * i + b, b)
                    start_g(_NB * (i + 1) + b, b)
                return carry

            lax.fori_loop(0, n_main, body, 0)
            for c in range(_NB * n_main, n_chunks):
                b = c % _NB
                if c >= _NB * n_main + _NB:
                    start_g(c, b)
                finish_g(b)
                scat(c, b)
            plsc.subcore_barrier()
            pltpu.sync_copy(acc.at[pl.ds(sid * rows_pt, rows_pt)],
                            out_hbm.at[cid, pl.ds(sid * rows_pt, rows_pt)])

        for p in range(npass):
            zero_own()
            plsc.subcore_barrier()
            run_pass(xs_tabs[p], outs[p])

    return prop


def _make_deg(n_pad, e):
    d = 16
    per_w = e // _NW
    n_chunks = per_w // _CHUNK
    rows_pt = n_pad // _NS
    mesh = plsc.VectorSubcoreMesh(
        core_axis_name="c", subcore_axis_name="s",
        num_cores=_NC, num_subcores=_NS)

    @functools.partial(
        pl.kernel,
        out_type=jax.ShapeDtypeStruct((_NC, n_pad, d), jnp.float32),
        mesh=mesh,
        compiler_params=pltpu.CompilerParams(use_tc_tiling_on_sc=False),
        scratch_types=[
            pltpu.VMEM((n_chunks, _CHUNK), jnp.int32),
            pltpu.VMEM((_CHUNK, d), jnp.float32),
            pltpu.VMEM((_ZR, d), jnp.float32),
            pltpu.VMEM_SHARED((n_pad, d), jnp.float32),
        ],
    )
    def deg(ones_hbm, dst_hbm, zeros_hbm, out_hbm, dst_v, ones_v, zbuf_v, acc):
        cid = lax.axis_index("c")
        sid = lax.axis_index("s")
        wid = cid * _NS + sid
        pltpu.sync_copy(dst_hbm.at[wid], dst_v)
        pltpu.sync_copy(ones_hbm, ones_v)
        pltpu.sync_copy(zeros_hbm, zbuf_v)
        for j in range(rows_pt // _ZR):
            pltpu.sync_copy(zbuf_v, acc.at[pl.ds(sid * rows_pt + j * _ZR, _ZR)])
        plsc.subcore_barrier()

        def body(j, carry):
            pltpu.sync_copy(ones_v, acc.at[dst_v.at[j]], add=True)
            return carry

        lax.fori_loop(0, n_chunks, body, 0)
        plsc.subcore_barrier()
        pltpu.sync_copy(acc.at[pl.ds(sid * rows_pt, rows_pt)],
                        out_hbm.at[cid, pl.ds(sid * rows_pt, rows_pt)])

    return deg


_RB = 1000
_EPS = 1e-5


def _in_relu(s):
    m = jnp.mean(s, axis=1, keepdims=True)
    c = s - m
    v = jnp.mean(c * c, axis=1, keepdims=True)
    return jnp.maximum(c * lax.rsqrt(v + _EPS), 0.0)


def _m1_body(x_ref, w1_ref, wr_ref, br_ref, xw1_ref, xwr_ref):
    x = x_ref[...]
    xw1_ref[...] = jnp.dot(x, w1_ref[...], preferred_element_type=jnp.float32)
    xwr_ref[...] = (jnp.dot(x, wr_ref[...], preferred_element_type=jnp.float32)
                    + br_ref[...])


def _s1_body(da_ref, db_ref, xw1_ref, xs1lo_ref, xs1hi_ref,
             dinv_ref, invdeg_ref):
    deg = da_ref[...][:, :1] + db_ref[...][:, :1] + 1.0
    dinv = lax.rsqrt(deg)
    invdeg = 1.0 / deg
    xs1 = dinv * xw1_ref[...]
    xs1lo_ref[...] = xs1[:, :_DH]
    xs1hi_ref[...] = xs1[:, _DH:]
    dinv_ref[...] = dinv
    invdeg_ref[...] = invdeg


def _t1_body(palo_ref, pahi_ref, pblo_ref, pbhi_ref, xw1_ref, dinv_ref,
             invdeg_ref, b1_ref, w2_ref, xw2_ref, xs2lo_ref, xs2hi_ref):
    dinv = dinv_ref[...]
    p = jnp.concatenate([palo_ref[...] + pblo_ref[...],
                         pahi_ref[...] + pbhi_ref[...]], axis=1)
    s = dinv * p + invdeg_ref[...] * xw1_ref[...] + b1_ref[...]
    h1 = _in_relu(s)
    xw2 = jnp.dot(h1, w2_ref[...], preferred_element_type=jnp.float32)
    xs2 = dinv * xw2
    xw2_ref[...] = xw2
    xs2lo_ref[...] = xs2[:, :_DH]
    xs2hi_ref[...] = xs2[:, _DH:]


def _t2_body(palo_ref, pahi_ref, pblo_ref, pbhi_ref, xw2_ref, dinv_ref,
             invdeg_ref, b2_ref, xwr_ref, w3_ref, h_ref, hw3_ref, xs3_ref):
    dinv = dinv_ref[...]
    p = jnp.concatenate([palo_ref[...] + pblo_ref[...],
                         pahi_ref[...] + pbhi_ref[...]], axis=1)
    s = dinv * p + invdeg_ref[...] * xw2_ref[...] + b2_ref[...]
    h = _in_relu(s) + xwr_ref[...]
    hw3 = jnp.dot(h, w3_ref[...], preferred_element_type=jnp.float32)
    h_ref[...] = h
    hw3_ref[...] = hw3
    xs3_ref[...] = dinv * hw3


def _t3_body(pa_ref, pb_ref, hw3_ref, dinv_ref, invdeg_ref, b3_ref, out_ref):
    s = (dinv_ref[...] * (pa_ref[...] + pb_ref[...])
         + invdeg_ref[...] * hw3_ref[...] + b3_ref[...])
    out_ref[...] = jax.nn.sigmoid(s) - 0.5


def _row_spec(d):
    return pl.BlockSpec((_RB, d), lambda i: (i, 0))


def _full_spec(r, c):
    return pl.BlockSpec((r, c), lambda i: (0, 0))


def kernel(x, edge_index, W1, b1, W2, b2, Wr, br, W3, b3):
    n, in_dim = x.shape
    hid = W1.shape[1]
    e = edge_index.shape[1]
    e_pad = -(-e // (_NW * _CHUNK)) * (_NW * _CHUNK)
    per_w = e_pad // _NW
    n_chunks = per_w // _CHUNK
    i32 = jnp.int32
    fill = jnp.full((e_pad - e,), _NPAD - 1, i32)
    src = jnp.concatenate([edge_index[0], fill]).reshape(_NW, n_chunks, _CHUNK)
    dst = jnp.concatenate([edge_index[1], fill]).reshape(_NW, n_chunks, _CHUNK)

    prop_h = _make_prop(_NPAD, e_pad, _DH, 2)
    prop_16 = _make_prop(_NPAD, e_pad, 16, 1)
    deg_k = _make_deg(_NPAD, e_pad)
    zeros_h = jnp.zeros((_ZR, _DH), jnp.float32)
    zeros_16 = jnp.zeros((_ZR, 16), jnp.float32)
    ones_rows = jnp.ones((_CHUNK, 16), jnp.float32)

    grid = (n // _RB,)
    f32 = jnp.float32

    degp = deg_k(ones_rows, dst, zeros_16)
    xw1, xwr = pl.pallas_call(
        _m1_body,
        grid=grid,
        in_specs=[_row_spec(in_dim), _full_spec(in_dim, hid),
                  _full_spec(in_dim, hid), _full_spec(1, hid)],
        out_specs=[_row_spec(hid), _row_spec(hid)],
        out_shape=[jax.ShapeDtypeStruct((n, hid), f32)] * 2,
    )(x, W1, Wr, br.reshape(1, hid))

    xs1lo, xs1hi, dinv, invdeg = pl.pallas_call(
        _s1_body,
        grid=grid,
        in_specs=[_row_spec(16), _row_spec(16), _row_spec(hid)],
        out_specs=[_row_spec(_DH), _row_spec(_DH), _row_spec(1), _row_spec(1)],
        out_shape=[jax.ShapeDtypeStruct((n, _DH), f32)] * 2
        + [jax.ShapeDtypeStruct((n, 1), f32)] * 2,
    )(degp[0], degp[1], xw1)

    p1lo, p1hi = prop_h(xs1lo, xs1hi, src, dst, zeros_h)
    xw2, xs2lo, xs2hi = pl.pallas_call(
        _t1_body,
        grid=grid,
        in_specs=[_row_spec(_DH)] * 4
        + [_row_spec(hid), _row_spec(1), _row_spec(1), _full_spec(1, hid),
           _full_spec(hid, hid)],
        out_specs=[_row_spec(hid), _row_spec(_DH), _row_spec(_DH)],
        out_shape=[jax.ShapeDtypeStruct((n, hid), f32)]
        + [jax.ShapeDtypeStruct((n, _DH), f32)] * 2,
    )(p1lo[0], p1hi[0], p1lo[1], p1hi[1], xw1, dinv, invdeg,
      b1.reshape(1, hid), W2)

    w3p = jnp.zeros((hid, 16), f32).at[:, : W3.shape[1]].set(W3)
    b3p = jnp.zeros((1, 16), f32).at[0, : W3.shape[1]].set(b3)
    p2lo, p2hi = prop_h(xs2lo, xs2hi, src, dst, zeros_h)
    h, hw3, xs3 = pl.pallas_call(
        _t2_body,
        grid=grid,
        in_specs=[_row_spec(_DH)] * 4
        + [_row_spec(hid), _row_spec(1), _row_spec(1), _full_spec(1, hid),
           _row_spec(hid), _full_spec(hid, 16)],
        out_specs=[_row_spec(hid), _row_spec(16), _row_spec(16)],
        out_shape=[jax.ShapeDtypeStruct((n, hid), f32),
                   jax.ShapeDtypeStruct((n, 16), f32),
                   jax.ShapeDtypeStruct((n, 16), f32)],
    )(p2lo[0], p2hi[0], p2lo[1], p2hi[1], xw2, dinv, invdeg,
      b2.reshape(1, hid), xwr, w3p)

    (p3,) = prop_16(xs3, src, dst, zeros_16)
    outp = pl.pallas_call(
        _t3_body,
        grid=grid,
        in_specs=[_row_spec(16), _row_spec(16), _row_spec(16),
                  _row_spec(1), _row_spec(1), _full_spec(1, 16)],
        out_specs=_row_spec(16),
        out_shape=jax.ShapeDtypeStruct((n, 16), f32),
    )(p3[0], p3[1], hw3, dinv, invdeg, b3p)

    return (h, outp[:, : W3.shape[1]])

# --- scband reference (transcript-rebuilt; emitter-appended) ---
"""Pipeline reference for scband-graph-block-41008347742531 (READ-ONLY COPY).

The authoritative reference and input builder live on the scoring server;
editing this copy changes nothing except your own understanding.
"""

import jax, jax.numpy as jnp
import numpy as np

N = 10000
E = 320000
IN_DIM = 128
HID = 128
OUT_DIM = 128


def setup_inputs(seed: int = 0) -> dict:
    key = jax.random.key(seed)
    ks = jax.random.split(key, 10)
    x = jax.random.normal(ks[0], (N, IN_DIM), dtype=jnp.float32)
    edge_index = jax.random.randint(ks[1], (2, E), 0, N, dtype=jnp.int32)
    W1 = jax.random.normal(ks[2], (IN_DIM, HID), dtype=jnp.float32) * 0.05
    b1 = jnp.zeros((HID,), dtype=jnp.float32)
    W2 = jax.random.normal(ks[3], (HID, OUT_DIM), dtype=jnp.float32) * 0.05
    b2 = jnp.zeros((OUT_DIM,), dtype=jnp.float32)
    Wr = jax.random.normal(ks[4], (IN_DIM, OUT_DIM), dtype=jnp.float32) * 0.05
    br = jnp.zeros((OUT_DIM,), dtype=jnp.float32)
    W3 = jax.random.normal(ks[5], (OUT_DIM, 2), dtype=jnp.float32) * 0.05
    b3 = jnp.zeros((2,), dtype=jnp.float32)
    return {"x": x, "edge_index": edge_index, "W1": W1, "b1": b1, "W2": W2, "b2": b2, "Wr": Wr, "br": br, "W3": W3, "b3": b3}


def _gcn_conv(x, src, dst, W, b, n):
    # PyG-style GCNConv: add self loops, symmetric degree normalization, linear, scatter-add
    xw = x @ W
    loop = jnp.arange(n, dtype=src.dtype)
    src2 = jnp.concatenate([src, loop])
    dst2 = jnp.concatenate([dst, loop])
    deg = jax.ops.segment_sum(jnp.ones_like(dst2, dtype=xw.dtype), dst2, num_segments=n)
    dinv = jnp.where(deg > 0, deg ** -0.5, 0.0)
    norm = dinv[src2] * dinv[dst2]
    msg = jnp.take(xw, src2, axis=0) * norm[:, None]
    out = jax.ops.segment_sum(msg, dst2, num_segments=n)
    return out + b


def _instance_norm_rowwise(x, eps=1e-5):
    # torch InstanceNorm1d on 2D [N, C] input (affine=False): treats it as (C=N, L=C),
    # i.e. normalizes each row over the feature dim with biased variance.
    m = jnp.mean(x, axis=1, keepdims=True)
    v = jnp.var(x, axis=1, keepdims=True)
    return (x - m) / jnp.sqrt(v + eps)


def reference(x, edge_index, W1, b1, W2, b2, Wr, br, W3, b3):
    src = edge_index[0]
    dst = edge_index[1]
    n = x.shape[0]
    h = _gcn_conv(x, src, dst, W1, b1, n)
    h = jax.nn.relu(_instance_norm_rowwise(h))
    h = _gcn_conv(h, src, dst, W2, b2, n)
    h = jax.nn.relu(_instance_norm_rowwise(h))
    h = h + (x @ Wr + br)
    out = jax.nn.sigmoid(_gcn_conv(h, src, dst, W3, b3, n)) - 0.5
    return (h, out)

if __name__ == "__main__":
    import jax
    _d = setup_inputs()
    print(jax.jit(kernel)(*tuple(_d.values())))

</pallas_src>

<mosaic_0001>
#map = affine_map<(d0, d1) -> (0, 0)>
#map1 = affine_map<(d0, d1) -> (0, 0, 0)>
module attributes {stable_mosaic.version = 14 : i64} {
  func.func @prop(%arg0: i32, %arg1: i32, %arg2: memref<10000x64xf32, #tpu.memory_space<hbm>>, %arg3: memref<10000x64xf32, #tpu.memory_space<hbm>>, %arg4: memref<32x125x80xi32, #tpu.memory_space<hbm>>, %arg5: memref<32x125x80xi32, #tpu.memory_space<hbm>>, %arg6: memref<128x64xf32, #tpu.memory_space<hbm>>, %arg7: memref<2x10240x64xf32, #tpu.memory_space<hbm>>, %arg8: memref<2x10240x64xf32, #tpu.memory_space<hbm>>, %arg9: memref<125x80xi32, #tpu.memory_space<vmem>>, %arg10: memref<125x80xi32, #tpu.memory_space<vmem>>, %arg11: memref<80x64xf32, #tpu.memory_space<vmem>>, %arg12: memref<80x64xf32, #tpu.memory_space<vmem>>, %arg13: memref<80x64xf32, #tpu.memory_space<vmem>>, %arg14: memref<80x64xf32, #tpu.memory_space<vmem>>, %arg15: memref<128x64xf32, #tpu.memory_space<vmem>>, %arg16: memref<10240x64xf32, #tpu.memory_space<vmem_shared>>, %arg17: memref<!tpu.dma_semaphore, #tpu.memory_space<semaphore_mem>>, %arg18: memref<!tpu.dma_semaphore, #tpu.memory_space<semaphore_mem>>, %arg19: memref<!tpu.dma_semaphore, #tpu.memory_space<semaphore_mem>>, %arg20: memref<!tpu.dma_semaphore, #tpu.memory_space<semaphore_mem>>) attributes {dimension_semantics = [#tpu.dimension_semantics<core_parallel>, #tpu.dimension_semantics<subcore_parallel>], iteration_bounds = array<i64: 2, 16>, scalar_prefetch = 0 : i64, scratch_operands = 12 : i64, tpu.core_type = #tpu.core_type<sc_vector_subcore>, window_params = [{transform_indices = #map}, {transform_indices = #map}, {transform_indices = #map1}, {transform_indices = #map1}, {transform_indices = #map}, {transform_indices = #map1}, {transform_indices = #map1}]} {
    %mul3A = arith.constant 16 : i32
    %mul3A_0 = arith.muli %arg0, %mul3A : i32
    %add3A = arith.addi %mul3A_0, %arg1 : i32
    "tpu.region"() ({
      %run_scoped3A_210 = tpu.sem_alloc : memref<!tpu.dma_semaphore, #tpu.memory_space<semaphore_mem>>
      %dma_start3A_211 = arith.constant 0 : i32
      %dma_start3A_212 = arith.constant 0 : i32
      %dma_start3A_213 = tpu.memref_slice %arg4[%add3A, %dma_start3A_211, %dma_start3A_212] : memref<32x125x80xi32, #tpu.memory_space<hbm>> -> memref<1x125x80xi32, #tpu.memory_space<hbm>>
      %dma_start3A_214 = tpu.memref_squeeze %dma_start3A_213 : memref<1x125x80xi32, #tpu.memory_space<hbm>> -> memref<125x80xi32, #tpu.memory_space<hbm>>
      %dma_start3A_215 = arith.constant 0 : i32
      %dma_start3A_216 = arith.constant 0 : i32
      %dma_start3A_217 = tpu.memref_slice %arg4[%add3A, %dma_start3A_215, %dma_start3A_216] : memref<32x125x80xi32, #tpu.memory_space<hbm>> -> memref<1x125x80xi32, #tpu.memory_space<hbm>>
      %dma_start3A_218 = tpu.memref_squeeze %dma_start3A_217 : memref<1x125x80xi32, #tpu.memory_space<hbm>> -> memref<125x80xi32, #tpu.memory_space<hbm>>
      tpu.enqueue_dma source(%dma_start3A_218 : memref<125x80xi32, #tpu.memory_space<hbm>>) target(%arg9 : memref<125x80xi32, #tpu.memory_space<vmem>>) target_semaphore(%run_scoped3A_210 : memref<!tpu.dma_semaphore, #tpu.memory_space<semaphore_mem>>)
      %dma_wait3A_219 = arith.constant 0 : i32
      %dma_wait3A_220 = arith.constant 0 : i32
      %dma_wait3A_221 = tpu.memref_slice %arg4[%add3A, %dma_wait3A_219, %dma_wait3A_220] : memref<32x125x80xi32, #tpu.memory_space<hbm>> -> memref<1x125x80xi32, #tpu.memory_space<hbm>>
      %dma_wait3A_222 = tpu.memref_squeeze %dma_wait3A_221 : memref<1x125x80xi32, #tpu.memory_space<hbm>> -> memref<125x80xi32, #tpu.memory_space<hbm>>
      %dma_wait3A_223 = arith.constant 0 : i32
      %dma_wait3A_224 = arith.constant 0 : i32
      %dma_wait3A_225 = tpu.memref_slice %arg4[%add3A, %dma_wait3A_223, %dma_wait3A_224] : memref<32x125x80xi32, #tpu.memory_space<hbm>> -> memref<1x125x80xi32, #tpu.memory_space<hbm>>
      %dma_wait3A_226 = tpu.memref_squeeze %dma_wait3A_225 : memref<1x125x80xi32, #tpu.memory_space<hbm>> -> memref<125x80xi32, #tpu.memory_space<hbm>>
      tpu.wait_dma2 semaphore(%run_scoped3A_210 : memref<!tpu.dma_semaphore, #tpu.memory_space<semaphore_mem>>) src(%dma_wait3A_226 : memref<125x80xi32, #tpu.memory_space<hbm>>) dst(%arg9 : memref<125x80xi32, #tpu.memory_space<vmem>>)
      tpu.yield
    }) : () -> ()
    "tpu.region"() ({
      %run_scoped3A_210 = tpu.sem_alloc : memref<!tpu.dma_semaphore, #tpu.memory_space<semaphore_mem>>
      %dma_start3A_211 = arith.constant 0 : i32
      %dma_start3A_212 = arith.constant 0 : i32
      %dma_start3A_213 = tpu.memref_slice %arg5[%add3A, %dma_start3A_211, %dma_start3A_212] : memref<32x125x80xi32, #tpu.memory_space<hbm>> -> memref<1x125x80xi32, #tpu.memory_space<hbm>>
      %dma_start3A_214 = tpu.memref_squeeze %dma_start3A_213 : memref<1x125x80xi32, #tpu.memory_space<hbm>> -> memref<125x80xi32, #tpu.memory_space<hbm>>
      %dma_start3A_215 = arith.constant 0 : i32
      %dma_start3A_216 = arith.constant 0 : i32
      %dma_start3A_217 = tpu.memref_slice %arg5[%add3A, %dma_start3A_215, %dma_start3A_216] : memref<32x125x80xi32, #tpu.memory_space<hbm>> -> memref<1x125x80xi32, #tpu.memory_space<hbm>>
      %dma_start3A_218 = tpu.memref_squeeze %dma_start3A_217 : memref<1x125x80xi32, #tpu.memory_space<hbm>> -> memref<125x80xi32, #tpu.memory_space<hbm>>
      tpu.enqueue_dma source(%dma_start3A_218 : memref<125x80xi32, #tpu.memory_space<hbm>>) target(%arg10 : memref<125x80xi32, #tpu.memory_space<vmem>>) target_semaphore(%run_scoped3A_210 : memref<!tpu.dma_semaphore, #tpu.memory_space<semaphore_mem>>)
      %dma_wait3A_219 = arith.constant 0 : i32
      %dma_wait3A_220 = arith.constant 0 : i32
      %dma_wait3A_221 = tpu.memref_slice %arg5[%add3A, %dma_wait3A_219, %dma_wait3A_220] : memref<32x125x80xi32, #tpu.memory_space<hbm>> -> memref<1x125x80xi32, #tpu.memory_space<hbm>>
      %dma_wait3A_222 = tpu.memref_squeeze %dma_wait3A_221 : memref<1x125x80xi32, #tpu.memory_space<hbm>> -> memref<125x80xi32, #tpu.memory_space<hbm>>
      %dma_wait3A_223 = arith.constant 0 : i32
      %dma_wait3A_224 = arith.constant 0 : i32
      %dma_wait3A_225 = tpu.memref_slice %arg5[%add3A, %dma_wait3A_223, %dma_wait3A_224] : memref<32x125x80xi32, #tpu.memory_space<hbm>> -> memref<1x125x80xi32, #tpu.memory_space<hbm>>
      %dma_wait3A_226 = tpu.memref_squeeze %dma_wait3A_225 : memref<1x125x80xi32, #tpu.memory_space<hbm>> -> memref<125x80xi32, #tpu.memory_space<hbm>>
      tpu.wait_dma2 semaphore(%run_scoped3A_210 : memref<!tpu.dma_semaphore, #tpu.memory_space<semaphore_mem>>) src(%dma_wait3A_226 : memref<125x80xi32, #tpu.memory_space<hbm>>) dst(%arg10 : memref<125x80xi32, #tpu.memory_space<vmem>>)
      tpu.yield
    }) : () -> ()
    "tpu.region"() ({
      %run_scoped3A_210 = tpu.sem_alloc : memref<!tpu.dma_semaphore, #tpu.memory_space<semaphore_mem>>
      tpu.enqueue_dma source(%arg6 : memref<128x64xf32, #tpu.memory_space<hbm>>) target(%arg15 : memref<128x64xf32, #tpu.memory_space<vmem>>) target_semaphore(%run_scoped3A_210 : memref<!tpu.dma_semaphore, #tpu.memory_space<semaphore_mem>>)
      tpu.wait_dma2 semaphore(%run_scoped3A_210 : memref<!tpu.dma_semaphore, #tpu.memory_space<semaphore_mem>>) src(%arg6 : memref<128x64xf32, #tpu.memory_space<hbm>>) dst(%arg15 : memref<128x64xf32, #tpu.memory_space<vmem>>)
      tpu.yield
    }) : () -> ()
    %mul3A_1 = arith.constant 640 : i32
    %mul3A_2 = arith.muli %arg1, %mul3A_1 : i32
    %add3A_3 = arith.constant 0 : i32
    %add3A_4 = arith.addi %mul3A_2, %add3A_3 : i32
    "tpu.region"() ({
      %run_scoped3A_210 = tpu.sem_alloc : memref<!tpu.dma_semaphore, #tpu.memory_space<semaphore_mem>>
      %dma_start3A_211 = arith.constant 0 : i32
      %dma_start3A_212 = tpu.memref_slice %arg16[%add3A_4, %dma_start3A_211] : memref<10240x64xf32, #tpu.memory_space<vmem_shared>> -> memref<128x64xf32, #tpu.memory_space<vmem_shared>>
      %dma_start3A_213 = arith.constant 0 : i32
      %dma_start3A_214 = tpu.memref_slice %arg16[%add3A_4, %dma_start3A_213] : memref<10240x64xf32, #tpu.memory_space<vmem_shared>> -> memref<128x64xf32, #tpu.memory_space<vmem_shared>>
      tpu.enqueue_dma source(%arg15 : memref<128x64xf32, #tpu.memory_space<vmem>>) target(%dma_start3A_214 : memref<128x64xf32, #tpu.memory_space<vmem_shared>>) target_semaphore(%run_scoped3A_210 : memref<!tpu.dma_semaphore, #tpu.memory_space<semaphore_mem>>)
      %dma_wait3A_215 = arith.constant 0 : i32
      %dma_wait3A_216 = tpu.memref_slice %arg16[%add3A_4, %dma_wait3A_215] : memref<10240x64xf32, #tpu.memory_space<vmem_shared>> -> memref<128x64xf32, #tpu.memory_space<vmem_shared>>
      %dma_wait3A_217 = arith.constant 0 : i32
      %dma_wait3A_218 = tpu.memref_slice %arg16[%add3A_4, %dma_wait3A_217] : memref<10240x64xf32, #tpu.memory_space<vmem_shared>> -> memref<128x64xf32, #tpu.memory_space<vmem_shared>>
      tpu.wait_dma2 semaphore(%run_scoped3A_210 : memref<!tpu.dma_semaphore, #tpu.memory_space<semaphore_mem>>) src(%arg15 : memref<128x64xf32, #tpu.memory_space<vmem>>) dst(%dma_wait3A_218 : memref<128x64xf32, #tpu.memory_space<vmem_shared>>)
      tpu.yield
    }) : () -> ()
    %mul3A_5 = arith.constant 640 : i32
    %mul3A_6 = arith.muli %arg1, %mul3A_5 : i32
    %add3A_7 = arith.constant 128 : i32
    %add3A_8 = arith.addi %mul3A_6, %add3A_7 : i32
    "tpu.region"() ({
      %run_scoped3A_210 = tpu.sem_alloc : memref<!tpu.dma_semaphore, #tpu.memory_space<semaphore_mem>>
      %dma_start3A_211 = arith.constant 0 : i32
      %dma_start3A_212 = tpu.memref_slice %arg16[%add3A_8, %dma_start3A_211] : memref<10240x64xf32, #tpu.memory_space<vmem_shared>> -> memref<128x64xf32, #tpu.memory_space<vmem_shared>>
      %dma_start3A_213 = arith.constant 0 : i32
      %dma_start3A_214 = tpu.memref_slice %arg16[%add3A_8, %dma_start3A_213] : memref<10240x64xf32, #tpu.memory_space<vmem_shared>> -> memref<128x64xf32, #tpu.memory_space<vmem_shared>>
      tpu.enqueue_dma source(%arg15 : memref<128x64xf32, #tpu.memory_space<vmem>>) target(%dma_start3A_214 : memref<128x64xf32, #tpu.memory_space<vmem_shared>>) target_semaphore(%run_scoped3A_210 : memref<!tpu.dma_semaphore, #tpu.memory_space<semaphore_mem>>)
      %dma_wait3A_215 = arith.constant 0 : i32
      %dma_wait3A_216 = tpu.memref_slice %arg16[%add3A_8, %dma_wait3A_215] : memref<10240x64xf32, #tpu.memory_space<vmem_shared>> -> memref<128x64xf32, #tpu.memory_space<vmem_shared>>
      %dma_wait3A_217 = arith.constant 0 : i32
      %dma_wait3A_218 = tpu.memref_slice %arg16[%add3A_8, %dma_wait3A_217] : memref<10240x64xf32, #tpu.memory_space<vmem_shared>> -> memref<128x64xf32, #tpu.memory_space<vmem_shared>>
      tpu.wait_dma2 semaphore(%run_scoped3A_210 : memref<!tpu.dma_semaphore, #tpu.memory_space<semaphore_mem>>) src(%arg15 : memref<128x64xf32, #tpu.memory_space<vmem>>) dst(%dma_wait3A_218 : memref<128x64xf32, #tpu.memory_space<vmem_shared>>)
      tpu.yield
    }) : () -> ()
    %mul3A_9 = arith.constant 640 : i32
    %mul3A_10 = arith.muli %arg1, %mul3A_9 : i32
    %add3A_11 = arith.constant 256 : i32
    %add3A_12 = arith.addi %mul3A_10, %add3A_11 : i32
    "tpu.region"() ({
      %run_scoped3A_210 = tpu.sem_alloc : memref<!tpu.dma_semaphore, #tpu.memory_space<semaphore_mem>>
      %dma_start3A_211 = arith.constant 0 : i32
      %dma_start3A_212 = tpu.memref_slice %arg16[%add3A_12, %dma_start3A_211] : memref<10240x64xf32, #tpu.memory_space<vmem_shared>> -> memref<128x64xf32, #tpu.memory_space<vmem_shared>>
      %dma_start3A_213 = arith.constant 0 : i32
      %dma_start3A_214 = tpu.memref_slice %arg16[%add3A_12, %dma_start3A_213] : memref<10240x64xf32, #tpu.memory_space<vmem_shared>> -> memref<128x64xf32, #tpu.memory_space<vmem_shared>>
      tpu.enqueue_dma source(%arg15 : memref<128x64xf32, #tpu.memory_space<vmem>>) target(%dma_start3A_214 : memref<128x64xf32, #tpu.memory_space<vmem_shared>>) target_semaphore(%run_scoped3A_210 : memref<!tpu.dma_semaphore, #tpu.memory_space<semaphore_mem>>)
      %dma_wait3A_215 = arith.constant 0 : i32
      %dma_wait3A_216 = tpu.memref_slice %arg16[%add3A_12, %dma_wait3A_215] : memref<10240x64xf32, #tpu.memory_space<vmem_shared>> -> memref<128x64xf32, #tpu.memory_space<vmem_shared>>
      %dma_wait3A_217 = arith.constant 0 : i32
      %dma_wait3A_218 = tpu.memref_slice %arg16[%add3A_12, %dma_wait3A_217] : memref<10240x64xf32, #tpu.memory_space<vmem_shared>> -> memref<128x64xf32, #tpu.memory_space<vmem_shared>>
      tpu.wait_dma2 semaphore(%run_scoped3A_210 : memref<!tpu.dma_semaphore, #tpu.memory_space<semaphore_mem>>) src(%arg15 : memref<128x64xf32, #tpu.memory_space<vmem>>) dst(%dma_wait3A_218 : memref<128x64xf32, #tpu.memory_space<vmem_shared>>)
      tpu.yield
    }) : () -> ()
    %mul3A_13 = arith.constant 640 : i32
    %mul3A_14 = arith.muli %arg1, %mul3A_13 : i32
    %add3A_15 = arith.constant 384 : i32
    %add3A_16 = arith.addi %mul3A_14, %add3A_15 : i32
    "tpu.region"() ({
      %run_scoped3A_210 = tpu.sem_alloc : memref<!tpu.dma_semaphore, #tpu.memory_space<semaphore_mem>>
      %dma_start3A_211 = arith.constant 0 : i32
      %dma_start3A_212 = tpu.memref_slice %arg16[%add3A_16, %dma_start3A_211] : memref<10240x64xf32, #tpu.memory_space<vmem_shared>> -> memref<128x64xf32, #tpu.memory_space<vmem_shared>>
      %dma_start3A_213 = arith.constant 0 : i32
      %dma_start3A_214 = tpu.memref_slice %arg16[%add3A_16, %dma_start3A_213] : memref<10240x64xf32, #tpu.memory_space<vmem_shared>> -> memref<128x64xf32, #tpu.memory_space<vmem_shared>>
      tpu.enqueue_dma source(%arg15 : memref<128x64xf32, #tpu.memory_space<vmem>>) target(%dma_start3A_214 : memref<128x64xf32, #tpu.memory_space<vmem_shared>>) target_semaphore(%run_scoped3A_210 : memref<!tpu.dma_semaphore, #tpu.memory_space<semaphore_mem>>)
      %dma_wait3A_215 = arith.constant 0 : i32
      %dma_wait3A_216 = tpu.memref_slice %arg16[%add3A_16, %dma_wait3A_215] : memref<10240x64xf32, #tpu.memory_space<vmem_shared>> -> memref<128x64xf32, #tpu.memory_space<vmem_shared>>
      %dma_wait3A_217 = arith.constant 0 : i32
      %dma_wait3A_218 = tpu.memref_slice %arg16[%add3A_16, %dma_wait3A_217] : memref<10240x64xf32, #tpu.memory_space<vmem_shared>> -> memref<128x64xf32, #tpu.memory_space<vmem_shared>>
      tpu.wait_dma2 semaphore(%run_scoped3A_210 : memref<!tpu.dma_semaphore, #tpu.memory_space<semaphore_mem>>) src(%arg15 : memref<128x64xf32, #tpu.memory_space<vmem>>) dst(%dma_wait3A_218 : memref<128x64xf32, #tpu.memory_space<vmem_shared>>)
      tpu.yield
    }) : () -> ()
    %mul3A_17 = arith.constant 640 : i32
    %mul3A_18 = arith.muli %arg1, %mul3A_17 : i32
    %add3A_19 = arith.constant 512 : i32
    %add3A_20 = arith.addi %mul3A_18, %add3A_19 : i32
    "tpu.region"() ({
      %run_scoped3A_210 = tpu.sem_alloc : memref<!tpu.dma_semaphore, #tpu.memory_space<semaphore_mem>>
      %dma_start3A_211 = arith.constant 0 : i32
      %dma_start3A_212 = tpu.memref_slice %arg16[%add3A_20, %dma_start3A_211] : memref<10240x64xf32, #tpu.memory_space<vmem_shared>> -> memref<128x64xf32, #tpu.memory_space<vmem_shared>>
      %dma_start3A_213 = arith.constant 0 : i32
      %dma_start3A_214 = tpu.memref_slice %arg16[%add3A_20, %dma_start3A_213] : memref<10240x64xf32, #tpu.memory_space<vmem_shared>> -> memref<128x64xf32, #tpu.memory_space<vmem_shared>>
      tpu.enqueue_dma source(%arg15 : memref<128x64xf32, #tpu.memory_space<vmem>>) target(%dma_start3A_214 : memref<128x64xf32, #tpu.memory_space<vmem_shared>>) target_semaphore(%run_scoped3A_210 : memref<!tpu.dma_semaphore, #tpu.memory_space<semaphore_mem>>)
      %dma_wait3A_215 = arith.constant 0 : i32
      %dma_wait3A_216 = tpu.memref_slice %arg16[%add3A_20, %dma_wait3A_215] : memref<10240x64xf32, #tpu.memory_space<vmem_shared>> -> memref<128x64xf32, #tpu.memory_space<vmem_shared>>
      %dma_wait3A_217 = arith.constant 0 : i32
      %dma_wait3A_218 = tpu.memref_slice %arg16[%add3A_20, %dma_wait3A_217] : memref<10240x64xf32, #tpu.memory_space<vmem_shared>> -> memref<128x64xf32, #tpu.memory_space<vmem_shared>>
      tpu.wait_dma2 semaphore(%run_scoped3A_210 : memref<!tpu.dma_semaphore, #tpu.memory_space<semaphore_mem>>) src(%arg15 : memref<128x64xf32, #tpu.memory_space<vmem>>) dst(%dma_wait3A_218 : memref<128x64xf32, #tpu.memory_space<vmem_shared>>)
      tpu.yield
    }) : () -> ()
    %barrier3A = arith.constant 0 : index
    tpu.barrier barrier_id(%barrier3A)
    %dma_start3A = arith.constant 0 : i32
    %dma_start3A_21 = arith.constant 0 : i32
    %dma_start3A_22 = tpu.memref_slice %arg9[%dma_start3A, %dma_start3A_21] : memref<125x80xi32, #tpu.memory_space<vmem>> -> memref<1x80xi32, #tpu.memory_space<vmem>>
    %dma_start3A_23 = tpu.memref_squeeze %dma_start3A_22 : memref<1x80xi32, #tpu.memory_space<vmem>> -> memref<80xi32, #tpu.memory_space<vmem>>
    %dma_start3A_24 = arith.constant 0 : i32
    %dma_start3A_25 = arith.constant 0 : i32
    %dma_start3A_26 = tpu.memref_slice %arg2[%dma_start3A_24, %dma_start3A_25] : memref<10000x64xf32, #tpu.memory_space<hbm>> -> memref<10000x64xf32, #tpu.memory_space<hbm>>
    tpu.enqueue_indirect_dma source(%dma_start3A_26 : memref<10000x64xf32, #tpu.memory_space<hbm>>) target(%arg11 : memref<80x64xf32, #tpu.memory_space<vmem>>) offsets(%dma_start3A_23 : memref<80xi32, #tpu.memory_space<vmem>>) semaphore(%arg17 : memref<!tpu.dma_semaphore, #tpu.memory_space<semaphore_mem>>)
    %dma_start3A_27 = arith.constant 1 : i32
    %dma_start3A_28 = arith.constant 0 : i32
    %dma_start3A_29 = tpu.memref_slice %arg9[%dma_start3A_27, %dma_start3A_28] : memref<125x80xi32, #tpu.memory_space<vmem>> -> memref<1x80xi32, #tpu.memory_space<vmem>>
    %dma_start3A_30 = tpu.memref_squeeze %dma_start3A_29 : memref<1x80xi32, #tpu.memory_space<vmem>> -> memref<80xi32, #tpu.memory_space<vmem>>
    %dma_start3A_31 = arith.constant 0 : i32
    %dma_start3A_32 = arith.constant 0 : i32
    %dma_start3A_33 = tpu.memref_slice %arg2[%dma_start3A_31, %dma_start3A_32] : memref<10000x64xf32, #tpu.memory_space<hbm>> -> memref<10000x64xf32, #tpu.memory_space<hbm>>
    tpu.enqueue_indirect_dma source(%dma_start3A_33 : memref<10000x64xf32, #tpu.memory_space<hbm>>) target(%arg12 : memref<80x64xf32, #tpu.memory_space<vmem>>) offsets(%dma_start3A_30 : memref<80xi32, #tpu.memory_space<vmem>>) semaphore(%arg18 : memref<!tpu.dma_semaphore, #tpu.memory_space<semaphore_mem>>)
    %dma_start3A_34 = arith.constant 2 : i32
    %dma_start3A_35 = arith.constant 0 : i32
    %dma_start3A_36 = tpu.memref_slice %arg9[%dma_start3A_34, %dma_start3A_35] : memref<125x80xi32, #tpu.memory_space<vmem>> -> memref<1x80xi32, #tpu.memory_space<vmem>>
    %dma_start3A_37 = tpu.memref_squeeze %dma_start3A_36 : memref<1x80xi32, #tpu.memory_space<vmem>> -> memref<80xi32, #tpu.memory_space<vmem>>
    %dma_start3A_38 = arith.constant 0 : i32
    %dma_start3A_39 = arith.constant 0 : i32
    %dma_start3A_40 = tpu.memref_slice %arg2[%dma_start3A_38, %dma_start3A_39] : memref<10000x64xf32, #tpu.memory_space<hbm>> -> memref<10000x64xf32, #tpu.memory_space<hbm>>
    tpu.enqueue_indirect_dma source(%dma_start3A_40 : memref<10000x64xf32, #tpu.memory_space<hbm>>) target(%arg13 : memref<80x64xf32, #tpu.memory_space<vmem>>) offsets(%dma_start3A_37 : memref<80xi32, #tpu.memory_space<vmem>>) semaphore(%arg19 : memref<!tpu.dma_semaphore, #tpu.memory_space<semaphore_mem>>)
    %dma_start3A_41 = arith.constant 3 : i32
    %dma_start3A_42 = arith.constant 0 : i32
    %dma_start3A_43 = tpu.memref_slice %arg9[%dma_start3A_41, %dma_start3A_42] : memref<125x80xi32, #tpu.memory_space<vmem>> -> memref<1x80xi32, #tpu.memory_space<vmem>>
    %dma_start3A_44 = tpu.memref_squeeze %dma_start3A_43 : memref<1x80xi32, #tpu.memory_space<vmem>> -> memref<80xi32, #tpu.memory_space<vmem>>
    %dma_start3A_45 = arith.constant 0 : i32
    %dma_start3A_46 = arith.constant 0 : i32
    %dma_start3A_47 = tpu.memref_slice %arg2[%dma_start3A_45, %dma_start3A_46] : memref<10000x64xf32, #tpu.memory_space<hbm>> -> memref<10000x64xf32, #tpu.memory_space<hbm>>
    tpu.enqueue_indirect_dma source(%dma_start3A_47 : memref<10000x64xf32, #tpu.memory_space<hbm>>) target(%arg14 : memref<80x64xf32, #tpu.memory_space<vmem>>) offsets(%dma_start3A_44 : memref<80xi32, #tpu.memory_space<vmem>>) semaphore(%arg20 : memref<!tpu.dma_semaphore, #tpu.memory_space<semaphore_mem>>)
    %scan3A = arith.constant 0 : i32
    %scan3A_48 = arith.constant 0 : i32
    %scan3A_49 = arith.constant 30 : i32
    %scan3A_50 = arith.addi %scan3A_48, %scan3A_49 : i32
    %scan3A_51 = arith.constant 1 : i32
    scf.for %scan3A_210 = %scan3A_48 to %scan3A_50 step %scan3A_51  : i32 {
      %dma_wait3A_211 = arith.constant 0 : i32
      %dma_wait3A_212 = arith.constant 0 : i32
      %dma_wait3A_213 = tpu.memref_slice %arg9[%dma_wait3A_211, %dma_wait3A_212] : memref<125x80xi32, #tpu.memory_space<vmem>> -> memref<1x80xi32, #tpu.memory_space<vmem>>
      %dma_wait3A_214 = tpu.memref_squeeze %dma_wait3A_213 : memref<1x80xi32, #tpu.memory_space<vmem>> -> memref<80xi32, #tpu.memory_space<vmem>>
      %dma_wait3A_215 = arith.constant 0 : i32
      %dma_wait3A_216 = arith.constant 0 : i32
      %dma_wait3A_217 = tpu.memref_slice %arg2[%dma_wait3A_215, %dma_wait3A_216] : memref<10000x64xf32, #tpu.memory_space<hbm>> -> memref<10000x64xf32, #tpu.memory_space<hbm>>
      tpu.wait_indirect_dma semaphore(%arg17 : memref<!tpu.dma_semaphore, #tpu.memory_space<semaphore_mem>>) src(%dma_wait3A_217 : memref<10000x64xf32, #tpu.memory_space<hbm>>) dst(%arg11 : memref<80x64xf32, #tpu.memory_space<vmem>>)
      %mul3A_218 = arith.constant 4 : i32
      %mul3A_219 = arith.muli %mul3A_218, %scan3A_210 : i32
      %add3A_220 = arith.constant 0 : i32
      %add3A_221 = arith.addi %mul3A_219, %add3A_220 : i32
      "tpu.region"() ({
        %run_scoped3A_303 = tpu.sem_alloc : memref<!tpu.dma_semaphore, #tpu.memory_space<semaphore_mem>>
        %dma_start3A_304 = arith.constant 0 : i32
        %dma_start3A_305 = tpu.memref_slice %arg10[%add3A_221, %dma_start3A_304] : memref<125x80xi32, #tpu.memory_space<vmem>> -> memref<1x80xi32, #tpu.memory_space<vmem>>
        %dma_start3A_306 = tpu.memref_squeeze %dma_start3A_305 : memref<1x80xi32, #tpu.memory_space<vmem>> -> memref<80xi32, #tpu.memory_space<vmem>>
        %dma_start3A_307 = arith.constant 0 : i32
        %dma_start3A_308 = arith.constant 0 : i32
        %dma_start3A_309 = tpu.memref_slice %arg16[%dma_start3A_307, %dma_start3A_308] : memref<10240x64xf32, #tpu.memory_space<vmem_shared>> -> memref<10240x64xf32, #tpu.memory_space<vmem_shared>>
        tpu.enqueue_indirect_dma source(%arg11 : memref<80x64xf32, #tpu.memory_space<vmem>>) target(%dma_start3A_309 : memref<10240x64xf32, #tpu.memory_space<vmem_shared>>) offsets(%dma_start3A_306 : memref<80xi32, #tpu.memory_space<vmem>>) semaphore(%run_scoped3A_303 : memref<!tpu.dma_semaphore, #tpu.memory_space<semaphore_mem>>) {add = true}
        %dma_wait3A_310 = arith.constant 0 : i32
        %dma_wait3A_311 = tpu.memref_slice %arg10[%add3A_221, %dma_wait3A_310] : memref<125x80xi32, #tpu.memory_space<vmem>> -> memref<1x80xi32, #tpu.memory_space<vmem>>
        %dma_wait3A_312 = tpu.memref_squeeze %dma_wait3A_311 : memref<1x80xi32, #tpu.memory_space<vmem>> -> memref<80xi32, #tpu.memory_space<vmem>>
        %dma_wait3A_313 = arith.constant 0 : i32
        %dma_wait3A_314 = arith.constant 0 : i32
        %dma_wait3A_315 = tpu.memref_slice %arg16[%dma_wait3A_313, %dma_wait3A_314] : memref<10240x64xf32, #tpu.memory_space<vmem_shared>> -> memref<10240x64xf32, #tpu.memory_space<vmem_shared>>
        tpu.wait_indirect_dma semaphore(%run_scoped3A_303 : memref<!tpu.dma_semaphore, #tpu.memory_space<semaphore_mem>>) src(%arg11 : memref<80x64xf32, #tpu.memory_space<vmem>>) dst(%dma_wait3A_315 : memref<10240x64xf32, #tpu.memory_space<vmem_shared>>)
        tpu.yield
      }) : () -> ()
      %add3A_222 = arith.constant 1 : i32
      %add3A_223 = arith.addi %scan3A_210, %add3A_222 : i32
      %mul3A_224 = arith.constant 4 : i32
      %mul3A_225 = arith.muli %mul3A_224, %add3A_223 : i32
      %add3A_226 = arith.constant 0 : i32
      %add3A_227 = arith.addi %mul3A_225, %add3A_226 : i32
      %dma_start3A_228 = arith.constant 0 : i32
      %dma_start3A_229 = tpu.memref_slice %arg9[%add3A_227, %dma_start3A_228] : memref<125x80xi32, #tpu.memory_space<vmem>> -> memref<1x80xi32, #tpu.memory_space<vmem>>
      %dma_start3A_230 = tpu.memref_squeeze %dma_start3A_229 : memref<1x80xi32, #tpu.memory_space<vmem>> -> memref<80xi32, #tpu.memory_space<vmem>>
      %dma_start3A_231 = arith.constant 0 : i32
      %dma_start3A_232 = arith.constant 0 : i32
      %dma_start3A_233 = tpu.memref_slice %arg2[%dma_start3A_231, %dma_start3A_232] : memref<10000x64xf32, #tpu.memory_space<hbm>> -> memref<10000x64xf32, #tpu.memory_space<hbm>>
      tpu.enqueue_indirect_dma source(%dma_start3A_233 : memref<10000x64xf32, #tpu.memory_space<hbm>>) target(%arg11 : memref<80x64xf32, #tpu.memory_space<vmem>>) offsets(%dma_start3A_230 : memref<80xi32, #tpu.memory_space<vmem>>) semaphore(%arg17 : memref<!tpu.dma_semaphore, #tpu.memory_space<semaphore_mem>>)
      %dma_wait3A_234 = arith.constant 0 : i32
      %dma_wait3A_235 = arith.constant 0 : i32
      %dma_wait3A_236 = tpu.memref_slice %arg9[%dma_wait3A_234, %dma_wait3A_235] : memref<125x80xi32, #tpu.memory_space<vmem>> -> memref<1x80xi32, #tpu.memory_space<vmem>>
      %dma_wait3A_237 = tpu.memref_squeeze %dma_wait3A_236 : memref<1x80xi32, #tpu.memory_space<vmem>> -> memref<80xi32, #tpu.memory_space<vmem>>
      %dma_wait3A_238 = arith.constant 0 : i32
      %dma_wait3A_239 = arith.constant 0 : i32
      %dma_wait3A_240 = tpu.memref_slice %arg2[%dma_wait3A_238, %dma_wait3A_239] : memref<10000x64xf32, #tpu.memory_space<hbm>> -> memref<10000x64xf32, #tpu.memory_space<hbm>>
      tpu.wait_indirect_dma semaphore(%arg18 : memref<!tpu.dma_semaphore, #tpu.memory_space<semaphore_mem>>) src(%dma_wait3A_240 : memref<10000x64xf32, #tpu.memory_space<hbm>>) dst(%arg12 : memref<80x64xf32, #tpu.memory_space<vmem>>)
      %mul3A_241 = arith.constant 4 : i32
      %mul3A_242 = arith.muli %mul3A_241, %scan3A_210 : i32
      %add3A_243 = arith.constant 1 : i32
      %add3A_244 = arith.addi %mul3A_242, %add3A_243 : i32
      "tpu.region"() ({
        %run_scoped3A_303 = tpu.sem_alloc : memref<!tpu.dma_semaphore, #tpu.memory_space<semaphore_mem>>
        %dma_start3A_304 = arith.constant 0 : i32
        %dma_start3A_305 = tpu.memref_slice %arg10[%add3A_244, %dma_start3A_304] : memref<125x80xi32, #tpu.memory_space<vmem>> -> memref<1x80xi32, #tpu.memory_space<vmem>>
        %dma_start3A_306 = tpu.memref_squeeze %dma_start3A_305 : memref<1x80xi32, #tpu.memory_space<vmem>> -> memref<80xi32, #tpu.memory_space<vmem>>
        %dma_start3A_307 = arith.constant 0 : i32
        %dma_start3A_308 = arith.constant 0 : i32
        %dma_start3A_309 = tpu.memref_slice %arg16[%dma_start3A_307, %dma_start3A_308] : memref<10240x64xf32, #tpu.memory_space<vmem_shared>> -> memref<10240x64xf32, #tpu.memory_space<vmem_shared>>
        tpu.enqueue_indirect_dma source(%arg12 : memref<80x64xf32, #tpu.memory_space<vmem>>) target(%dma_start3A_309 : memref<10240x64xf32, #tpu.memory_space<vmem_shared>>) offsets(%dma_start3A_306 : memref<80xi32, #tpu.memory_space<vmem>>) semaphore(%run_scoped3A_303 : memref<!tpu.dma_semaphore, #tpu.memory_space<semaphore_mem>>) {add = true}
        %dma_wait3A_310 = arith.constant 0 : i32
        %dma_wait3A_311 = tpu.memref_slice %arg10[%add3A_244, %dma_wait3A_310] : memref<125x80xi32, #tpu.memory_space<vmem>> -> memref<1x80xi32, #tpu.memory_space<vmem>>
        %dma_wait3A_312 = tpu.memref_squeeze %dma_wait3A_311 : memref<1x80xi32, #tpu.memory_space<vmem>> -> memref<80xi32, #tpu.memory_space<vmem>>
        %dma_wait3A_313 = arith.constant 0 : i32
        %dma_wait3A_314 = arith.constant 0 : i32
        %dma_wait3A_315 = tpu.memref_slice %arg16[%dma_wait3A_313, %dma_wait3A_314] : memref<10240x64xf32, #tpu.memory_space<vmem_shared>> -> memref<10240x64xf32, #tpu.memory_space<vmem_shared>>
        tpu.wait_indirect_dma semaphore(%run_scoped3A_303 : memref<!tpu.dma_semaphore, #tpu.memory_space<semaphore_mem>>) src(%arg12 : memref<80x64xf32, #tpu.memory_space<vmem>>) dst(%dma_wait3A_315 : memref<10240x64xf32, #tpu.memory_space<vmem_shared>>)
        tpu.yield
      }) : () -> ()
      %add3A_245 = arith.constant 1 : i32
      %add3A_246 = arith.addi %scan3A_210, %add3A_245 : i32
      %mul3A_247 = arith.constant 4 : i32
      %mul3A_248 = arith.muli %mul3A_247, %add3A_246 : i32
      %add3A_249 = arith.constant 1 : i32
      %add3A_250 = arith.addi %mul3A_248, %add3A_249 : i32
      %dma_start3A_251 = arith.constant 0 : i32
      %dma_start3A_252 = tpu.memref_slice %arg9[%add3A_250, %dma_start3A_251] : memref<125x80xi32, #tpu.memory_space<vmem>> -> memref<1x80xi32, #tpu.memory_space<vmem>>
      %dma_start3A_253 = tpu.memref_squeeze %dma_start3A_252 : memref<1x80xi32, #tpu.memory_space<vmem>> -> memref<80xi32, #tpu.memory_space<vmem>>
      %dma_start3A_254 = arith.constant 0 : i32
      %dma_start3A_255 = arith.constant 0 : i32
      %dma_start3A_256 = tpu.memref_slice %arg2[%dma_start3A_254, %dma_start3A_255] : memref<10000x64xf32, #tpu.memory_space<hbm>> -> memref<10000x64xf32, #tpu.memory_space<hbm>>
      tpu.enqueue_indirect_dma source(%dma_start3A_256 : memref<10000x64xf32, #tpu.memory_space<hbm>>) target(%arg12 : memref<80x64xf32, #tpu.memory_space<vmem>>) offsets(%dma_start3A_253 : memref<80xi32, #tpu.memory_space<vmem>>) semaphore(%arg18 : memref<!tpu.dma_semaphore, #tpu.memory_space<semaphore_mem>>)
      %dma_wait3A_257 = arith.constant 0 : i32
      %dma_wait3A_258 = arith.constant 0 : i32
      %dma_wait3A_259 = tpu.memref_slice %arg9[%dma_wait3A_257, %dma_wait3A_258] : memref<125x80xi32, #tpu.memory_space<vmem>> -> memref<1x80xi32, #tpu.memory_space<vmem>>
      %dma_wait3A_260 = tpu.memref_squeeze %dma_wait3A_259 : memref<1x80xi32, #tpu.memory_space<vmem>> -> memref<80xi32, #tpu.memory_space<vmem>>
      %dma_wait3A_261 = arith.constant 0 : i32
      %dma_wait3A_262 = arith.constant 0 : i32
      %dma_wait3A_263 = tpu.memref_slice %arg2[%dma_wait3A_261, %dma_wait3A_262] : memref<10000x64xf32, #tpu.memory_space<hbm>> -> memref<10000x64xf32, #tpu.memory_space<hbm>>
      tpu.wait_indirect_dma semaphore(%arg19 : memref<!tpu.dma_semaphore, #tpu.memory_space<semaphore_mem>>) src(%dma_wait3A_263 : memref<10000x64xf32, #tpu.memory_space<hbm>>) dst(%arg13 : memref<80x64xf32, #tpu.memory_space<vmem>>)
      %mul3A_264 = arith.constant 4 : i32
      %mul3A_265 = arith.muli %mul3A_264, %scan3A_210 : i32
      %add3A_266 = arith.constant 2 : i32
      %add3A_267 = arith.addi %mul3A_265, %add3A_266 : i32
      "tpu.region"() ({
        %run_scoped3A_303 = tpu.sem_alloc : memref<!tpu.dma_semaphore, #tpu.memory_space<semaphore_mem>>
        %dma_start3A_304 = arith.constant 0 : i32
        %dma_start3A_305 = tpu.memref_slice %arg10[%add3A_267, %dma_start3A_304] : memref<125x80xi32, #tpu.memory_space<vmem>> -> memref<1x80xi32, #tpu.memory_space<vmem>>
        %dma_start3A_306 = tpu.memref_squeeze %dma_start3A_305 : memref<1x80xi32, #tpu.memory_space<vmem>> -> memref<80xi32, #tpu.memory_space<vmem>>
        %dma_start3A_307 = arith.constant 0 : i32
        %dma_start3A_308 = arith.constant 0 : i32
        %dma_start3A_309 = tpu.memref_slice %arg16[%dma_start3A_307, %dma_start3A_308] : memref<10240x64xf32, #tpu.memory_space<vmem_shared>> -> memref<10240x64xf32, #tpu.memory_space<vmem_shared>>
        tpu.enqueue_indirect_dma source(%arg13 : memref<80x64xf32, #tpu.memory_space<vmem>>) target(%dma_start3A_309 : memref<10240x64xf32, #tpu.memory_space<vmem_shared>>) offsets(%dma_start3A_306 : memref<80xi32, #tpu.memory_space<vmem>>) semaphore(%run_scoped3A_303 : memref<!tpu.dma_semaphore, #tpu.memory_space<semaphore_mem>>) {add = true}
        %dma_wait3A_310 = arith.constant 0 : i32
        %dma_wait3A_311 = tpu.memref_slice %arg10[%add3A_267, %dma_wait3A_310] : memref<125x80xi32, #tpu.memory_space<vmem>> -> memref<1x80xi32, #tpu.memory_space<vmem>>
        %dma_wait3A_312 = tpu.memref_squeeze %dma_wait3A_311 : memref<1x80xi32, #tpu.memory_space<vmem>> -> memref<80xi32, #tpu.memory_space<vmem>>
        %dma_wait3A_313 = arith.constant 0 : i32
        %dma_wait3A_314 = arith.constant 0 : i32
        %dma_wait3A_315 = tpu.memref_slice %arg16[%dma_wait3A_313, %dma_wait3A_314] : memref<10240x64xf32, #tpu.memory_space<vmem_shared>> -> memref<10240x64xf32, #tpu.memory_space<vmem_shared>>
        tpu.wait_indirect_dma semaphore(%run_scoped3A_303 : memref<!tpu.dma_semaphore, #tpu.memory_space<semaphore_mem>>) src(%arg13 : memref<80x64xf32, #tpu.memory_space<vmem>>) dst(%dma_wait3A_315 : memref<10240x64xf32, #tpu.memory_space<vmem_shared>>)
        tpu.yield
      }) : () -> ()
      %add3A_268 = arith.constant 1 : i32
      %add3A_269 = arith.addi %scan3A_210, %add3A_268 : i32
      %mul3A_270 = arith.constant 4 : i32
      %mul3A_271 = arith.muli %mul3A_270, %add3A_269 : i32
      %add3A_272 = arith.constant 2 : i32
      %add3A_273 = arith.addi %mul3A_271, %add3A_272 : i32
      %dma_start3A_274 = arith.constant 0 : i32
      %dma_start3A_275 = tpu.memref_slice %arg9[%add3A_273, %dma_start3A_274] : memref<125x80xi32, #tpu.memory_space<vmem>> -> memref<1x80xi32, #tpu.memory_space<vmem>>
      %dma_start3A_276 = tpu.memref_squeeze %dma_start3A_275 : memref<1x80xi32, #tpu.memory_space<vmem>> -> memref<80xi32, #tpu.memory_space<vmem>>
      %dma_start3A_277 = arith.constant 0 : i32
      %dma_start3A_278 = arith.constant 0 : i32
      %dma_start3A_279 = tpu.memref_slice %arg2[%dma_start3A_277, %dma_start3A_278] : memref<10000x64xf32, #tpu.memory_space<hbm>> -> memref<10000x64xf32, #tpu.memory_space<hbm>>
      tpu.enqueue_indirect_dma source(%dma_start3A_279 : memref<10000x64xf32, #tpu.memory_space<hbm>>) target(%arg13 : memref<80x64xf32, #tpu.memory_space<vmem>>) offsets(%dma_start3A_276 : memref<80xi32, #tpu.memory_space<vmem>>) semaphore(%arg19 : memref<!tpu.dma_semaphore, #tpu.memory_space<semaphore_mem>>)
      %dma_wait3A_280 = arith.constant 0 : i32
      %dma_wait3A_281 = arith.constant 0 : i32
      %dma_wait3A_282 = tpu.memref_slice %arg9[%dma_wait3A_280, %dma_wait3A_281] : memref<125x80xi32, #tpu.memory_space<vmem>> -> memref<1x80xi32, #tpu.memory_space<vmem>>
      %dma_wait3A_283 = tpu.memref_squeeze %dma_wait3A_282 : memref<1x80xi32, #tpu.memory_space<vmem>> -> memref<80xi32, #tpu.memory_space<vmem>>
      %dma_wait3A_284 = arith.constant 0 : i32
      %dma_wait3A_285 = arith.constant 0 : i32
      %dma_wait3A_286 = tpu.memref_slice %arg2[%dma_wait3A_284, %dma_wait3A_285] : memref<10000x64xf32, #tpu.memory_space<hbm>> -> memref<10000x64xf32, #tpu.memory_space<hbm>>
      tpu.wait_indirect_dma semaphore(%arg20 : memref<!tpu.dma_semaphore, #tpu.memory_space<semaphore_mem>>) src(%dma_wait3A_286 : memref<10000x64xf32, #tpu.memory_space<hbm>>) dst(%arg14 : memref<80x64xf32, #tpu.memory_space<vmem>>)
      %mul3A_287 = arith.constant 4 : i32
      %mul3A_288 = arith.muli %mul3A_287, %scan3A_210 : i32
      %add3A_289 = arith.constant 3 : i32
      %add3A_290 = arith.addi %mul3A_288, %add3A_289 : i32
      "tpu.region"() ({
        %run_scoped3A_303 = tpu.sem_alloc : memref<!tpu.dma_semaphore, #tpu.memory_space<semaphore_mem>>
        %dma_start3A_304 = arith.constant 0 : i32
        %dma_start3A_305 = tpu.memref_slice %arg10[%add3A_290, %dma_start3A_304] : memref<125x80xi32, #tpu.memory_space<vmem>> -> memref<1x80xi32, #tpu.memory_space<vmem>>
        %dma_start3A_306 = tpu.memref_squeeze %dma_start3A_305 : memref<1x80xi32, #tpu.memory_space<vmem>> -> memref<80xi32, #tpu.memory_space<vmem>>
        %dma_start3A_307 = arith.constant 0 : i32
        %dma_start3A_308 = arith.constant 0 : i32
        %dma_start3A_309 = tpu.memref_slice %arg16[%dma_start3A_307, %dma_start3A_308] : memref<10240x64xf32, #tpu.memory_space<vmem_shared>> -> memref<10240x64xf32, #tpu.memory_space<vmem_shared>>
        tpu.enqueue_indirect_dma source(%arg14 : memref<80x64xf32, #tpu.memory_space<vmem>>) target(%dma_start3A_309 : memref<10240x64xf32, #tpu.memory_space<vmem_shared>>) offsets(%dma_start3A_306 : memref<80xi32, #tpu.memory_space<vmem>>) semaphore(%run_scoped3A_303 : memref<!tpu.dma_semaphore, #tpu.memory_space<semaphore_mem>>) {add = true}
        %dma_wait3A_310 = arith.constant 0 : i32
        %dma_wait3A_311 = tpu.memref_slice %arg10[%add3A_290, %dma_wait3A_310] : memref<125x80xi32, #tpu.memory_space<vmem>> -> memref<1x80xi32, #tpu.memory_space<vmem>>
        %dma_wait3A_312 = tpu.memref_squeeze %dma_wait3A_311 : memref<1x80xi32, #tpu.memory_space<vmem>> -> memref<80xi32, #tpu.memory_space<vmem>>
        %dma_wait3A_313 = arith.constant 0 : i32
        %dma_wait3A_314 = arith.constant 0 : i32
        %dma_wait3A_315 = tpu.memref_slice %arg16[%dma_wait3A_313, %dma_wait3A_314] : memref<10240x64xf32, #tpu.memory_space<vmem_shared>> -> memref<10240x64xf32, #tpu.memory_space<vmem_shared>>
        tpu.wait_indirect_dma semaphore(%run_scoped3A_303 : memref<!tpu.dma_semaphore, #tpu.memory_space<semaphore_mem>>) src(%arg14 : memref<80x64xf32, #tpu.memory_space<vmem>>) dst(%dma_wait3A_315 : memref<10240x64xf32, #tpu.memory_space<vmem_shared>>)
        tpu.yield
      }) : () -> ()
      %add3A_291 = arith.constant 1 : i32
      %add3A_292 = arith.addi %scan3A_210, %add3A_291 : i32
      %mul3A_293 = arith.constant 4 : i32
      %mul3A_294 = arith.muli %mul3A_293, %add3A_292 : i32
      %add3A_295 = arith.constant 3 : i32
      %add3A_296 = arith.addi %mul3A_294, %add3A_295 : i32
      %dma_start3A_297 = arith.constant 0 : i32
      %dma_start3A_298 = tpu.memref_slice %arg9[%add3A_296, %dma_start3A_297] : memref<125x80xi32, #tpu.memory_space<vmem>> -> memref<1x80xi32, #tpu.memory_space<vmem>>
      %dma_start3A_299 = tpu.memref_squeeze %dma_start3A_298 : memref<1x80xi32, #tpu.memory_space<vmem>> -> memref<80xi32, #tpu.memory_space<vmem>>
      %dma_start3A_300 = arith.constant 0 : i32
      %dma_start3A_301 = arith.constant 0 : i32
      %dma_start3A_302 = tpu.memref_slice %arg2[%dma_start3A_300, %dma_start3A_301] : memref<10000x64xf32, #tpu.memory_space<hbm>> -> memref<10000x64xf32, #tpu.memory_space<hbm>>
      tpu.enqueue_indirect_dma source(%dma_start3A_302 : memref<10000x64xf32, #tpu.memory_space<hbm>>) target(%arg14 : memref<80x64xf32, #tpu.memory_space<vmem>>) offsets(%dma_start3A_299 : memref<80xi32, #tpu.memory_space<vmem>>) semaphore(%arg20 : memref<!tpu.dma_semaphore, #tpu.memory_space<semaphore_mem>>)
    }
    %scan3A_52 = arith.constant 30 : i32
    %dma_wait3A = arith.constant 0 : i32
    %dma_wait3A_53 = arith.constant 0 : i32
    %dma_wait3A_54 = tpu.memref_slice %arg9[%dma_wait3A, %dma_wait3A_53] : memref<125x80xi32, #tpu.memory_space<vmem>> -> memref<1x80xi32, #tpu.memory_space<vmem>>
    %dma_wait3A_55 = tpu.memref_squeeze %dma_wait3A_54 : memref<1x80xi32, #tpu.memory_space<vmem>> -> memref<80xi32, #tpu.memory_space<vmem>>
    %dma_wait3A_56 = arith.constant 0 : i32
    %dma_wait3A_57 = arith.constant 0 : i32
    %dma_wait3A_58 = tpu.memref_slice %arg2[%dma_wait3A_56, %dma_wait3A_57] : memref<10000x64xf32, #tpu.memory_space<hbm>> -> memref<10000x64xf32, #tpu.memory_space<hbm>>
    tpu.wait_indirect_dma semaphore(%arg17 : memref<!tpu.dma_semaphore, #tpu.memory_space<semaphore_mem>>) src(%dma_wait3A_58 : memref<10000x64xf32, #tpu.memory_space<hbm>>) dst(%arg11 : memref<80x64xf32, #tpu.memory_space<vmem>>)
    %run_scoped3A = arith.constant 120 : i32
    "tpu.region"() ({
      %run_scoped3A_210 = tpu.sem_alloc : memref<!tpu.dma_semaphore, #tpu.memory_space<semaphore_mem>>
      %dma_start3A_211 = arith.constant 0 : i32
      %dma_start3A_212 = tpu.memref_slice %arg10[%run_scoped3A, %dma_start3A_211] : memref<125x80xi32, #tpu.memory_space<vmem>> -> memref<1x80xi32, #tpu.memory_space<vmem>>
      %dma_start3A_213 = tpu.memref_squeeze %dma_start3A_212 : memref<1x80xi32, #tpu.memory_space<vmem>> -> memref<80xi32, #tpu.memory_space<vmem>>
      %dma_start3A_214 = arith.constant 0 : i32
      %dma_start3A_215 = arith.constant 0 : i32
      %dma_start3A_216 = tpu.memref_slice %arg16[%dma_start3A_214, %dma_start3A_215] : memref<10240x64xf32, #tpu.memory_space<vmem_shared>> -> memref<10240x64xf32, #tpu.memory_space<vmem_shared>>
      tpu.enqueue_indirect_dma source(%arg11 : memref<80x64xf32, #tpu.memory_space<vmem>>) target(%dma_start3A_216 : memref<10240x64xf32, #tpu.memory_space<vmem_shared>>) offsets(%dma_start3A_213 : memref<80xi32, #tpu.memory_space<vmem>>) semaphore(%run_scoped3A_210 : memref<!tpu.dma_semaphore, #tpu.memory_space<semaphore_mem>>) {add = true}
      %dma_wait3A_217 = arith.constant 0 : i32
      %dma_wait3A_218 = tpu.memref_slice %arg10[%run_scoped3A, %dma_wait3A_217] : memref<125x80xi32, #tpu.memory_space<vmem>> -> memref<1x80xi32, #tpu.memory_space<vmem>>
      %dma_wait3A_219 = tpu.memref_squeeze %dma_wait3A_218 : memref<1x80xi32, #tpu.memory_space<vmem>> -> memref<80xi32, #tpu.memory_space<vmem>>
      %dma_wait3A_220 = arith.constant 0 : i32
      %dma_wait3A_221 = arith.constant 0 : i32
      %dma_wait3A_222 = tpu.memref_slice %arg16[%dma_wait3A_220, %dma_wait3A_221] : memref<10240x64xf32, #tpu.memory_space<vmem_shared>> -> memref<10240x64xf32, #tpu.memory_space<vmem_shared>>
      tpu.wait_indirect_dma semaphore(%run_scoped3A_210 : memref<!tpu.dma_semaphore, #tpu.memory_space<semaphore_mem>>) src(%arg11 : memref<80x64xf32, #tpu.memory_space<vmem>>) dst(%dma_wait3A_222 : memref<10240x64xf32, #tpu.memory_space<vmem_shared>>)
      tpu.yield
    }) : () -> ()
    %dma_wait3A_59 = arith.constant 0 : i32
    %dma_wait3A_60 = arith.constant 0 : i32
    %dma_wait3A_61 = tpu.memref_slice %arg9[%dma_wait3A_59, %dma_wait3A_60] : memref<125x80xi32, #tpu.memory_space<vmem>> -> memref<1x80xi32, #tpu.memory_space<vmem>>
    %dma_wait3A_62 = tpu.memref_squeeze %dma_wait3A_61 : memref<1x80xi32, #tpu.memory_space<vmem>> -> memref<80xi32, #tpu.memory_space<vmem>>
    %dma_wait3A_63 = arith.constant 0 : i32
    %dma_wait3A_64 = arith.constant 0 : i32
    %dma_wait3A_65 = tpu.memref_slice %arg2[%dma_wait3A_63, %dma_wait3A_64] : memref<10000x64xf32, #tpu.memory_space<hbm>> -> memref<10000x64xf32, #tpu.memory_space<hbm>>
    tpu.wait_indirect_dma semaphore(%arg18 : memref<!tpu.dma_semaphore, #tpu.memory_space<semaphore_mem>>) src(%dma_wait3A_65 : memref<10000x64xf32, #tpu.memory_space<hbm>>) dst(%arg12 : memref<80x64xf32, #tpu.memory_space<vmem>>)
    %run_scoped3A_66 = arith.constant 121 : i32
    "tpu.region"() ({
      %run_scoped3A_210 = tpu.sem_alloc : memref<!tpu.dma_semaphore, #tpu.memory_space<semaphore_mem>>
      %dma_start3A_211 = arith.constant 0 : i32
      %dma_start3A_212 = tpu.memref_slice %arg10[%run_scoped3A_66, %dma_start3A_211] : memref<125x80xi32, #tpu.memory_space<vmem>> -> memref<1x80xi32, #tpu.memory_space<vmem>>
      %dma_start3A_213 = tpu.memref_squeeze %dma_start3A_212 : memref<1x80xi32, #tpu.memory_space<vmem>> -> memref<80xi32, #tpu.memory_space<vmem>>
      %dma_start3A_214 = arith.constant 0 : i32
      %dma_start3A_215 = arith.constant 0 : i32
      %dma_start3A_216 = tpu.memref_slice %arg16[%dma_start3A_214, %dma_start3A_215] : memref<10240x64xf32, #tpu.memory_space<vmem_shared>> -> memref<10240x64xf32, #tpu.memory_space<vmem_shared>>
      tpu.enqueue_indirect_dma source(%arg12 : memref<80x64xf32, #tpu.memory_space<vmem>>) target(%dma_start3A_216 : memref<10240x64xf32, #tpu.memory_space<vmem_shared>>) offsets(%dma_start3A_213 : memref<80xi32, #tpu.memory_space<vmem>>) semaphore(%run_scoped3A_210 : memref<!tpu.dma_semaphore, #tpu.memory_space<semaphore_mem>>) {add = true}
      %dma_wait3A_217 = arith.constant 0 : i32
      %dma_wait3A_218 = tpu.memref_slice %arg10[%run_scoped3A_66, %dma_wait3A_217] : memref<125x80xi32, #tpu.memory_space<vmem>> -> memref<1x80xi32, #tpu.memory_space<vmem>>
      %dma_wait3A_219 = tpu.memref_squeeze %dma_wait3A_218 : memref<1x80xi32, #tpu.memory_space<vmem>> -> memref<80xi32, #tpu.memory_space<vmem>>
      %dma_wait3A_220 = arith.constant 0 : i32
      %dma_wait3A_221 = arith.constant 0 : i32
      %dma_wait3A_222 = tpu.memref_slice %arg16[%dma_wait3A_220, %dma_wait3A_221] : memref<10240x64xf32, #tpu.memory_space<vmem_shared>> -> memref<10240x64xf32, #tpu.memory_space<vmem_shared>>
      tpu.wait_indirect_dma semaphore(%run_scoped3A_210 : memref<!tpu.dma_semaphore, #tpu.memory_space<semaphore_mem>>) src(%arg12 : memref<80x64xf32, #tpu.memory_space<vmem>>) dst(%dma_wait3A_222 : memref<10240x64xf32, #tpu.memory_space<vmem_shared>>)
      tpu.yield
    }) : () -> ()
    %dma_wait3A_67 = arith.constant 0 : i32
    %dma_wait3A_68 = arith.constant 0 : i32
    %dma_wait3A_69 = tpu.memref_slice %arg9[%dma_wait3A_67, %dma_wait3A_68] : memref<125x80xi32, #tpu.memory_space<vmem>> -> memref<1x80xi32, #tpu.memory_space<vmem>>
    %dma_wait3A_70 = tpu.memref_squeeze %dma_wait3A_69 : memref<1x80xi32, #tpu.memory_space<vmem>> -> memref<80xi32, #tpu.memory_space<vmem>>
    %dma_wait3A_71 = arith.constant 0 : i32
    %dma_wait3A_72 = arith.constant 0 : i32
    %dma_wait3A_73 = tpu.memref_slice %arg2[%dma_wait3A_71, %dma_wait3A_72] : memref<10000x64xf32, #tpu.memory_space<hbm>> -> memref<10000x64xf32, #tpu.memory_space<hbm>>
    tpu.wait_indirect_dma semaphore(%arg19 : memref<!tpu.dma_semaphore, #tpu.memory_space<semaphore_mem>>) src(%dma_wait3A_73 : memref<10000x64xf32, #tpu.memory_space<hbm>>) dst(%arg13 : memref<80x64xf32, #tpu.memory_space<vmem>>)
    %run_scoped3A_74 = arith.constant 122 : i32
    "tpu.region"() ({
      %run_scoped3A_210 = tpu.sem_alloc : memref<!tpu.dma_semaphore, #tpu.memory_space<semaphore_mem>>
      %dma_start3A_211 = arith.constant 0 : i32
      %dma_start3A_212 = tpu.memref_slice %arg10[%run_scoped3A_74, %dma_start3A_211] : memref<125x80xi32, #tpu.memory_space<vmem>> -> memref<1x80xi32, #tpu.memory_space<vmem>>
      %dma_start3A_213 = tpu.memref_squeeze %dma_start3A_212 : memref<1x80xi32, #tpu.memory_space<vmem>> -> memref<80xi32, #tpu.memory_space<vmem>>
      %dma_start3A_214 = arith.constant 0 : i32
      %dma_start3A_215 = arith.constant 0 : i32
      %dma_start3A_216 = tpu.memref_slice %arg16[%dma_start3A_214, %dma_start3A_215] : memref<10240x64xf32, #tpu.memory_space<vmem_shared>> -> memref<10240x64xf32, #tpu.memory_space<vmem_shared>>
      tpu.enqueue_indirect_dma source(%arg13 : memref<80x64xf32, #tpu.memory_space<vmem>>) target(%dma_start3A_216 : memref<10240x64xf32, #tpu.memory_space<vmem_shared>>) offsets(%dma_start3A_213 : memref<80xi32, #tpu.memory_space<vmem>>) semaphore(%run_scoped3A_210 : memref<!tpu.dma_semaphore, #tpu.memory_space<semaphore_mem>>) {add = true}
      %dma_wait3A_217 = arith.constant 0 : i32
      %dma_wait3A_218 = tpu.memref_slice %arg10[%run_scoped3A_74, %dma_wait3A_217] : memref<125x80xi32, #tpu.memory_space<vmem>> -> memref<1x80xi32, #tpu.memory_space<vmem>>
      %dma_wait3A_219 = tpu.memref_squeeze %dma_wait3A_218 : memref<1x80xi32, #tpu.memory_space<vmem>> -> memref<80xi32, #tpu.memory_space<vmem>>
      %dma_wait3A_220 = arith.constant 0 : i32
      %dma_wait3A_221 = arith.constant 0 : i32
      %dma_wait3A_222 = tpu.memref_slice %arg16[%dma_wait3A_220, %dma_wait3A_221] : memref<10240x64xf32, #tpu.memory_space<vmem_shared>> -> memref<10240x64xf32, #tpu.memory_space<vmem_shared>>
      tpu.wait_indirect_dma semaphore(%run_scoped3A_210 : memref<!tpu.dma_semaphore, #tpu.memory_space<semaphore_mem>>) src(%arg13 : memref<80x64xf32, #tpu.memory_space<vmem>>) dst(%dma_wait3A_222 : memref<10240x64xf32, #tpu.memory_space<vmem_shared>>)
      tpu.yield
    }) : () -> ()
    %dma_wait3A_75 = arith.constant 0 : i32
    %dma_wait3A_76 = arith.constant 0 : i32
    %dma_wait3A_77 = tpu.memref_slice %arg9[%dma_wait3A_75, %dma_wait3A_76] : memref<125x80xi32, #tpu.memory_space<vmem>> -> memref<1x80xi32, #tpu.memory_space<vmem>>
    %dma_wait3A_78 = tpu.memref_squeeze %dma_wait3A_77 : memref<1x80xi32, #tpu.memory_space<vmem>> -> memref<80xi32, #tpu.memory_space<vmem>>
    %dma_wait3A_79 = arith.constant 0 : i32
    %dma_wait3A_80 = arith.constant 0 : i32
    %dma_wait3A_81 = tpu.memref_slice %arg2[%dma_wait3A_79, %dma_wait3A_80] : memref<10000x64xf32, #tpu.memory_space<hbm>> -> memref<10000x64xf32, #tpu.memory_space<hbm>>
    tpu.wait_indirect_dma semaphore(%arg20 : memref<!tpu.dma_semaphore, #tpu.memory_space<semaphore_mem>>) src(%dma_wait3A_81 : memref<10000x64xf32, #tpu.memory_space<hbm>>) dst(%arg14 : memref<80x64xf32, #tpu.memory_space<vmem>>)
    %run_scoped3A_82 = arith.constant 123 : i32
    "tpu.region"() ({
      %run_scoped3A_210 = tpu.sem_alloc : memref<!tpu.dma_semaphore, #tpu.memory_space<semaphore_mem>>
      %dma_start3A_211 = arith.constant 0 : i32
      %dma_start3A_212 = tpu.memref_slice %arg10[%run_scoped3A_82, %dma_start3A_211] : memref<125x80xi32, #tpu.memory_space<vmem>> -> memref<1x80xi32, #tpu.memory_space<vmem>>
      %dma_start3A_213 = tpu.memref_squeeze %dma_start3A_212 : memref<1x80xi32, #tpu.memory_space<vmem>> -> memref<80xi32, #tpu.memory_space<vmem>>
      %dma_start3A_214 = arith.constant 0 : i32
      %dma_start3A_215 = arith.constant 0 : i32
      %dma_start3A_216 = tpu.memref_slice %arg16[%dma_start3A_214, %dma_start3A_215] : memref<10240x64xf32, #tpu.memory_space<vmem_shared>> -> memref<10240x64xf32, #tpu.memory_space<vmem_shared>>
      tpu.enqueue_indirect_dma source(%arg14 : memref<80x64xf32, #tpu.memory_space<vmem>>) target(%dma_start3A_216 : memref<10240x64xf32, #tpu.memory_space<vmem_shared>>) offsets(%dma_start3A_213 : memref<80xi32, #tpu.memory_space<vmem>>) semaphore(%run_scoped3A_210 : memref<!tpu.dma_semaphore, #tpu.memory_space<semaphore_mem>>) {add = true}
      %dma_wait3A_217 = arith.constant 0 : i32
      %dma_wait3A_218 = tpu.memref_slice %arg10[%run_scoped3A_82, %dma_wait3A_217] : memref<125x80xi32, #tpu.memory_space<vmem>> -> memref<1x80xi32, #tpu.memory_space<vmem>>
      %dma_wait3A_219 = tpu.memref_squeeze %dma_wait3A_218 : memref<1x80xi32, #tpu.memory_space<vmem>> -> memref<80xi32, #tpu.memory_space<vmem>>
      %dma_wait3A_220 = arith.constant 0 : i32
      %dma_wait3A_221 = arith.constant 0 : i32
      %dma_wait3A_222 = tpu.memref_slice %arg16[%dma_wait3A_220, %dma_wait3A_221] : memref<10240x64xf32, #tpu.memory_space<vmem_shared>> -> memref<10240x64xf32, #tpu.memory_space<vmem_shared>>
      tpu.wait_indirect_dma semaphore(%run_scoped3A_210 : memref<!tpu.dma_semaphore, #tpu.memory_space<semaphore_mem>>) src(%arg14 : memref<80x64xf32, #tpu.memory_space<vmem>>) dst(%dma_wait3A_222 : memref<10240x64xf32, #tpu.memory_space<vmem_shared>>)
      tpu.yield
    }) : () -> ()
    %dma_start3A_83 = arith.constant 124 : i32
    %dma_start3A_84 = arith.constant 0 : i32
    %dma_start3A_85 = tpu.memref_slice %arg9[%dma_start3A_83, %dma_start3A_84] : memref<125x80xi32, #tpu.memory_space<vmem>> -> memref<1x80xi32, #tpu.memory_space<vmem>>
    %dma_start3A_86 = tpu.memref_squeeze %dma_start3A_85 : memref<1x80xi32, #tpu.memory_space<vmem>> -> memref<80xi32, #tpu.memory_space<vmem>>
    %dma_start3A_87 = arith.constant 0 : i32
    %dma_start3A_88 = arith.constant 0 : i32
    %dma_start3A_89 = tpu.memref_slice %arg2[%dma_start3A_87, %dma_start3A_88] : memref<10000x64xf32, #tpu.memory_space<hbm>> -> memref<10000x64xf32, #tpu.memory_space<hbm>>
    tpu.enqueue_indirect_dma source(%dma_start3A_89 : memref<10000x64xf32, #tpu.memory_space<hbm>>) target(%arg11 : memref<80x64xf32, #tpu.memory_space<vmem>>) offsets(%dma_start3A_86 : memref<80xi32, #tpu.memory_space<vmem>>) semaphore(%arg17 : memref<!tpu.dma_semaphore, #tpu.memory_space<semaphore_mem>>)
    %dma_wait3A_90 = arith.constant 0 : i32
    %dma_wait3A_91 = arith.constant 0 : i32
    %dma_wait3A_92 = tpu.memref_slice %arg9[%dma_wait3A_90, %dma_wait3A_91] : memref<125x80xi32, #tpu.memory_space<vmem>> -> memref<1x80xi32, #tpu.memory_space<vmem>>
    %dma_wait3A_93 = tpu.memref_squeeze %dma_wait3A_92 : memref<1x80xi32, #tpu.memory_space<vmem>> -> memref<80xi32, #tpu.memory_space<vmem>>
    %dma_wait3A_94 = arith.constant 0 : i32
    %dma_wait3A_95 = arith.constant 0 : i32
    %dma_wait3A_96 = tpu.memref_slice %arg2[%dma_wait3A_94, %dma_wait3A_95] : memref<10000x64xf32, #tpu.memory_space<hbm>> -> memref<10000x64xf32, #tpu.memory_space<hbm>>
    tpu.wait_indirect_dma semaphore(%arg17 : memref<!tpu.dma_semaphore, #tpu.memory_space<semaphore_mem>>) src(%dma_wait3A_96 : memref<10000x64xf32, #tpu.memory_space<hbm>>) dst(%arg11 : memref<80x64xf32, #tpu.memory_space<vmem>>)
    %run_scoped3A_97 = arith.constant 124 : i32
    "tpu.region"() ({
      %run_scoped3A_210 = tpu.sem_alloc : memref<!tpu.dma_semaphore, #tpu.memory_space<semaphore_mem>>
      %dma_start3A_211 = arith.constant 0 : i32
      %dma_start3A_212 = tpu.memref_slice %arg10[%run_scoped3A_97, %dma_start3A_211] : memref<125x80xi32, #tpu.memory_space<vmem>> -> memref<1x80xi32, #tpu.memory_space<vmem>>
      %dma_start3A_213 = tpu.memref_squeeze %dma_start3A_212 : memref<1x80xi32, #tpu.memory_space<vmem>> -> memref<80xi32, #tpu.memory_space<vmem>>
      %dma_start3A_214 = arith.constant 0 : i32
      %dma_start3A_215 = arith.constant 0 : i32
      %dma_start3A_216 = tpu.memref_slice %arg16[%dma_start3A_214, %dma_start3A_215] : memref<10240x64xf32, #tpu.memory_space<vmem_shared>> -> memref<10240x64xf32, #tpu.memory_space<vmem_shared>>
      tpu.enqueue_indirect_dma source(%arg11 : memref<80x64xf32, #tpu.memory_space<vmem>>) target(%dma_start3A_216 : memref<10240x64xf32, #tpu.memory_space<vmem_shared>>) offsets(%dma_start3A_213 : memref<80xi32, #tpu.memory_space<vmem>>) semaphore(%run_scoped3A_210 : memref<!tpu.dma_semaphore, #tpu.memory_space<semaphore_mem>>) {add = true}
      %dma_wait3A_217 = arith.constant 0 : i32
      %dma_wait3A_218 = tpu.memref_slice %arg10[%run_scoped3A_97, %dma_wait3A_217] : memref<125x80xi32, #tpu.memory_space<vmem>> -> memref<1x80xi32, #tpu.memory_space<vmem>>
      %dma_wait3A_219 = tpu.memref_squeeze %dma_wait3A_218 : memref<1x80xi32, #tpu.memory_space<vmem>> -> memref<80xi32, #tpu.memory_space<vmem>>
      %dma_wait3A_220 = arith.constant 0 : i32
      %dma_wait3A_221 = arith.constant 0 : i32
      %dma_wait3A_222 = tpu.memref_slice %arg16[%dma_wait3A_220, %dma_wait3A_221] : memref<10240x64xf32, #tpu.memory_space<vmem_shared>> -> memref<10240x64xf32, #tpu.memory_space<vmem_shared>>
      tpu.wait_indirect_dma semaphore(%run_scoped3A_210 : memref<!tpu.dma_semaphore, #tpu.memory_space<semaphore_mem>>) src(%arg11 : memref<80x64xf32, #tpu.memory_space<vmem>>) dst(%dma_wait3A_222 : memref<10240x64xf32, #tpu.memory_space<vmem_shared>>)
      tpu.yield
    }) : () -> ()
    %barrier3A_98 = arith.constant 0 : index
    tpu.barrier barrier_id(%barrier3A_98)
    %mul3A_99 = arith.constant 640 : i32
    %mul3A_100 = arith.muli %arg1, %mul3A_99 : i32
    %mul3A_101 = arith.constant 640 : i32
    %mul3A_102 = arith.muli %arg1, %mul3A_101 : i32
    "tpu.region"() ({
      %run_scoped3A_210 = tpu.sem_alloc : memref<!tpu.dma_semaphore, #tpu.memory_space<semaphore_mem>>
      %dma_start3A_211 = arith.constant 0 : i32
      %dma_start3A_212 = tpu.memref_slice %arg7[%arg0, %mul3A_102, %dma_start3A_211] : memref<2x10240x64xf32, #tpu.memory_space<hbm>> -> memref<1x640x64xf32, #tpu.memory_space<hbm>>
      %dma_start3A_213 = tpu.memref_squeeze %dma_start3A_212 : memref<1x640x64xf32, #tpu.memory_space<hbm>> -> memref<640x64xf32, #tpu.memory_space<hbm>>
      %dma_start3A_214 = arith.constant 0 : i32
      %dma_start3A_215 = tpu.memref_slice %arg16[%mul3A_100, %dma_start3A_214] : memref<10240x64xf32, #tpu.memory_space<vmem_shared>> -> memref<640x64xf32, #tpu.memory_space<vmem_shared>>
      tpu.enqueue_dma source(%dma_start3A_215 : memref<640x64xf32, #tpu.memory_space<vmem_shared>>) target(%dma_start3A_213 : memref<640x64xf32, #tpu.memory_space<hbm>>) target_semaphore(%run_scoped3A_210 : memref<!tpu.dma_semaphore, #tpu.memory_space<semaphore_mem>>)
      %dma_wait3A_216 = arith.constant 0 : i32
      %dma_wait3A_217 = tpu.memref_slice %arg7[%arg0, %mul3A_102, %dma_wait3A_216] : memref<2x10240x64xf32, #tpu.memory_space<hbm>> -> memref<1x640x64xf32, #tpu.memory_space<hbm>>
      %dma_wait3A_218 = tpu.memref_squeeze %dma_wait3A_217 : memref<1x640x64xf32, #tpu.memory_space<hbm>> -> memref<640x64xf32, #tpu.memory_space<hbm>>
      %dma_wait3A_219 = arith.constant 0 : i32
      %dma_wait3A_220 = tpu.memref_slice %arg16[%mul3A_100, %dma_wait3A_219] : memref<10240x64xf32, #tpu.memory_space<vmem_shared>> -> memref<640x64xf32, #tpu.memory_space<vmem_shared>>
      tpu.wait_dma2 semaphore(%run_scoped3A_210 : memref<!tpu.dma_semaphore, #tpu.memory_space<semaphore_mem>>) src(%dma_wait3A_220 : memref<640x64xf32, #tpu.memory_space<vmem_shared>>) dst(%dma_wait3A_218 : memref<640x64xf32, #tpu.memory_space<hbm>>)
      tpu.yield
    }) : () -> ()
    %mul3A_103 = arith.constant 640 : i32
    %mul3A_104 = arith.muli %arg1, %mul3A_103 : i32
    %add3A_105 = arith.constant 0 : i32
    %add3A_106 = arith.addi %mul3A_104, %add3A_105 : i32
    "tpu.region"() ({
      %run_scoped3A_210 = tpu.sem_alloc : memref<!tpu.dma_semaphore, #tpu.memory_space<semaphore_mem>>
      %dma_start3A_211 = arith.constant 0 : i32
      %dma_start3A_212 = tpu.memref_slice %arg16[%add3A_106, %dma_start3A_211] : memref<10240x64xf32, #tpu.memory_space<vmem_shared>> -> memref<128x64xf32, #tpu.memory_space<vmem_shared>>
      %dma_start3A_213 = arith.constant 0 : i32
      %dma_start3A_214 = tpu.memref_slice %arg16[%add3A_106, %dma_start3A_213] : memref<10240x64xf32, #tpu.memory_space<vmem_shared>> -> memref<128x64xf32, #tpu.memory_space<vmem_shared>>
      tpu.enqueue_dma source(%arg15 : memref<128x64xf32, #tpu.memory_space<vmem>>) target(%dma_start3A_214 : memref<128x64xf32, #tpu.memory_space<vmem_shared>>) target_semaphore(%run_scoped3A_210 : memref<!tpu.dma_semaphore, #tpu.memory_space<semaphore_mem>>)
      %dma_wait3A_215 = arith.constant 0 : i32
      %dma_wait3A_216 = tpu.memref_slice %arg16[%add3A_106, %dma_wait3A_215] : memref<10240x64xf32, #tpu.memory_space<vmem_shared>> -> memref<128x64xf32, #tpu.memory_space<vmem_shared>>
      %dma_wait3A_217 = arith.constant 0 : i32
      %dma_wait3A_218 = tpu.memref_slice %arg16[%add3A_106, %dma_wait3A_217] : memref<10240x64xf32, #tpu.memory_space<vmem_shared>> -> memref<128x64xf32, #tpu.memory_space<vmem_shared>>
      tpu.wait_dma2 semaphore(%run_scoped3A_210 : memref<!tpu.dma_semaphore, #tpu.memory_space<semaphore_mem>>) src(%arg15 : memref<128x64xf32, #tpu.memory_space<vmem>>) dst(%dma_wait3A_218 : memref<128x64xf32, #tpu.memory_space<vmem_shared>>)
      tpu.yield
    }) : () -> ()
    %mul3A_107 = arith.constant 640 : i32
    %mul3A_108 = arith.muli %arg1, %mul3A_107 : i32
    %add3A_109 = arith.constant 128 : i32
    %add3A_110 = arith.addi %mul3A_108, %add3A_109 : i32
    "tpu.region"() ({
      %run_scoped3A_210 = tpu.sem_alloc : memref<!tpu.dma_semaphore, #tpu.memory_space<semaphore_mem>>
      %dma_start3A_211 = arith.constant 0 : i32
      %dma_start3A_212 = tpu.memref_slice %arg16[%add3A_110, %dma_start3A_211] : memref<10240x64xf32, #tpu.memory_space<vmem_shared>> -> memref<128x64xf32, #tpu.memory_space<vmem_shared>>
      %dma_start3A_213 = arith.constant 0 : i32
      %dma_start3A_214 = tpu.memref_slice %arg16[%add3A_110, %dma_start3A_213] : memref<10240x64xf32, #tpu.memory_space<vmem_shared>> -> memref<128x64xf32, #tpu.memory_space<vmem_shared>>
      tpu.enqueue_dma source(%arg15 : memref<128x64xf32, #tpu.memory_space<vmem>>) target(%dma_start3A_214 : memref<128x64xf32, #tpu.memory_space<vmem_shared>>) target_semaphore(%run_scoped3A_210 : memref<!tpu.dma_semaphore, #tpu.memory_space<semaphore_mem>>)
      %dma_wait3A_215 = arith.constant 0 : i32
      %dma_wait3A_216 = tpu.memref_slice %arg16[%add3A_110, %dma_wait3A_215] : memref<10240x64xf32, #tpu.memory_space<vmem_shared>> -> memref<128x64xf32, #tpu.memory_space<vmem_shared>>
      %dma_wait3A_217 = arith.constant 0 : i32
      %dma_wait3A_218 = tpu.memref_slice %arg16[%add3A_110, %dma_wait3A_217] : memref<10240x64xf32, #tpu.memory_space<vmem_shared>> -> memref<128x64xf32, #tpu.memory_space<vmem_shared>>
      tpu.wait_dma2 semaphore(%run_scoped3A_210 : memref<!tpu.dma_semaphore, #tpu.memory_space<semaphore_mem>>) src(%arg15 : memref<128x64xf32, #tpu.memory_space<vmem>>) dst(%dma_wait3A_218 : memref<128x64xf32, #tpu.memory_space<vmem_shared>>)
      tpu.yield
    }) : () -> ()
    %mul3A_111 = arith.constant 640 : i32
    %mul3A_112 = arith.muli %arg1, %mul3A_111 : i32
    %add3A_113 = arith.constant 256 : i32
    %add3A_114 = arith.addi %mul3A_112, %add3A_113 : i32
    "tpu.region"() ({
      %run_scoped3A_210 = tpu.sem_alloc : memref<!tpu.dma_semaphore, #tpu.memory_space<semaphore_mem>>
      %dma_start3A_211 = arith.constant 0 : i32
      %dma_start3A_212 = tpu.memref_slice %arg16[%add3A_114, %dma_start3A_211] : memref<10240x64xf32, #tpu.memory_space<vmem_shared>> -> memref<128x64xf32, #tpu.memory_space<vmem_shared>>
      %dma_start3A_213 = arith.constant 0 : i32
      %dma_start3A_214 = tpu.memref_slice %arg16[%add3A_114, %dma_start3A_213] : memref<10240x64xf32, #tpu.memory_space<vmem_shared>> -> memref<128x64xf32, #tpu.memory_space<vmem_shared>>
      tpu.enqueue_dma source(%arg15 : memref<128x64xf32, #tpu.memory_space<vmem>>) target(%dma_start3A_214 : memref<128x64xf32, #tpu.memory_space<vmem_shared>>) target_semaphore(%run_scoped3A_210 : memref<!tpu.dma_semaphore, #tpu.memory_space<semaphore_mem>>)
      %dma_wait3A_215 = arith.constant 0 : i32
      %dma_wait3A_216 = tpu.memref_slice %arg16[%add3A_114, %dma_wait3A_215] : memref<10240x64xf32, #tpu.memory_space<vmem_shared>> -> memref<128x64xf32, #tpu.memory_space<vmem_shared>>
      %dma_wait3A_217 = arith.constant 0 : i32
      %dma_wait3A_218 = tpu.memref_slice %arg16[%add3A_114, %dma_wait3A_217] : memref<10240x64xf32, #tpu.memory_space<vmem_shared>> -> memref<128x64xf32, #tpu.memory_space<vmem_shared>>
      tpu.wait_dma2 semaphore(%run_scoped3A_210 : memref<!tpu.dma_semaphore, #tpu.memory_space<semaphore_mem>>) src(%arg15 : memref<128x64xf32, #tpu.memory_space<vmem>>) dst(%dma_wait3A_218 : memref<128x64xf32, #tpu.memory_space<vmem_shared>>)
      tpu.yield
    }) : () -> ()
    %mul3A_115 = arith.constant 640 : i32
    %mul3A_116 = arith.muli %arg1, %mul3A_115 : i32
    %add3A_117 = arith.constant 384 : i32
    %add3A_118 = arith.addi %mul3A_116, %add3A_117 : i32
    "tpu.region"() ({
      %run_scoped3A_210 = tpu.sem_alloc : memref<!tpu.dma_semaphore, #tpu.memory_space<semaphore_mem>>
      %dma_start3A_211 = arith.constant 0 : i32
      %dma_start3A_212 = tpu.memref_slice %arg16[%add3A_118, %dma_start3A_211] : memref<10240x64xf32, #tpu.memory_space<vmem_shared>> -> memref<128x64xf32, #tpu.memory_space<vmem_shared>>
      %dma_start3A_213 = arith.constant 0 : i32
      %dma_start3A_214 = tpu.memref_slice %arg16[%add3A_118, %dma_start3A_213] : memref<10240x64xf32, #tpu.memory_space<vmem_shared>> -> memref<128x64xf32, #tpu.memory_space<vmem_shared>>
      tpu.enqueue_dma source(%arg15 : memref<128x64xf32, #tpu.memory_space<vmem>>) target(%dma_start3A_214 : memref<128x64xf32, #tpu.memory_space<vmem_shared>>) target_semaphore(%run_scoped3A_210 : memref<!tpu.dma_semaphore, #tpu.memory_space<semaphore_mem>>)
      %dma_wait3A_215 = arith.constant 0 : i32
      %dma_wait3A_216 = tpu.memref_slice %arg16[%add3A_118, %dma_wait3A_215] : memref<10240x64xf32, #tpu.memory_space<vmem_shared>> -> memref<128x64xf32, #tpu.memory_space<vmem_shared>>
      %dma_wait3A_217 = arith.constant 0 : i32
      %dma_wait3A_218 = tpu.memref_slice %arg16[%add3A_118, %dma_wait3A_217] : memref<10240x64xf32, #tpu.memory_space<vmem_shared>> -> memref<128x64xf32, #tpu.memory_space<vmem_shared>>
      tpu.wait_dma2 semaphore(%run_scoped3A_210 : memref<!tpu.dma_semaphore, #tpu.memory_space<semaphore_mem>>) src(%arg15 : memref<128x64xf32, #tpu.memory_space<vmem>>) dst(%dma_wait3A_218 : memref<128x64xf32, #tpu.memory_space<vmem_shared>>)
      tpu.yield
    }) : () -> ()
    %mul3A_119 = arith.constant 640 : i32
    %mul3A_120 = arith.muli %arg1, %mul3A_119 : i32
    %add3A_121 = arith.constant 512 : i32
    %add3A_122 = arith.addi %mul3A_120, %add3A_121 : i32
    "tpu.region"() ({
      %run_scoped3A_210 = tpu.sem_alloc : memref<!tpu.dma_semaphore, #tpu.memory_space<semaphore_mem>>
      %dma_start3A_211 = arith.constant 0 : i32
      %dma_start3A_212 = tpu.memref_slice %arg16[%add3A_122, %dma_start3A_211] : memref<10240x64xf32, #tpu.memory_space<vmem_shared>> -> memref<128x64xf32, #tpu.memory_space<vmem_shared>>
      %dma_start3A_213 = arith.constant 0 : i32
      %dma_start3A_214 = tpu.memref_slice %arg16[%add3A_122, %dma_start3A_213] : memref<10240x64xf32, #tpu.memory_space<vmem_shared>> -> memref<128x64xf32, #tpu.memory_space<vmem_shared>>
      tpu.enqueue_dma source(%arg15 : memref<128x64xf32, #tpu.memory_space<vmem>>) target(%dma_start3A_214 : memref<128x64xf32, #tpu.memory_space<vmem_shared>>) target_semaphore(%run_scoped3A_210 : memref<!tpu.dma_semaphore, #tpu.memory_space<semaphore_mem>>)
      %dma_wait3A_215 = arith.constant 0 : i32
      %dma_wait3A_216 = tpu.memref_slice %arg16[%add3A_122, %dma_wait3A_215] : memref<10240x64xf32, #tpu.memory_space<vmem_shared>> -> memref<128x64xf32, #tpu.memory_space<vmem_shared>>
      %dma_wait3A_217 = arith.constant 0 : i32
      %dma_wait3A_218 = tpu.memref_slice %arg16[%add3A_122, %dma_wait3A_217] : memref<10240x64xf32, #tpu.memory_space<vmem_shared>> -> memref<128x64xf32, #tpu.memory_space<vmem_shared>>
      tpu.wait_dma2 semaphore(%run_scoped3A_210 : memref<!tpu.dma_semaphore, #tpu.memory_space<semaphore_mem>>) src(%arg15 : memref<128x64xf32, #tpu.memory_space<vmem>>) dst(%dma_wait3A_218 : memref<128x64xf32, #tpu.memory_space<vmem_shared>>)
      tpu.yield
    }) : () -> ()
    %barrier3A_123 = arith.constant 0 : index
    tpu.barrier barrier_id(%barrier3A_123)
    %dma_start3A_124 = arith.constant 0 : i32
    %dma_start3A_125 = arith.constant 0 : i32
    %dma_start3A_126 = tpu.memref_slice %arg9[%dma_start3A_124, %dma_start3A_125] : memref<125x80xi32, #tpu.memory_space<vmem>> -> memref<1x80xi32, #tpu.memory_space<vmem>>
    %dma_start3A_127 = tpu.memref_squeeze %dma_start3A_126 : memref<1x80xi32, #tpu.memory_space<vmem>> -> memref<80xi32, #tpu.memory_space<vmem>>
    %dma_start3A_128 = arith.constant 0 : i32
    %dma_start3A_129 = arith.constant 0 : i32
    %dma_start3A_130 = tpu.memref_slice %arg3[%dma_start3A_128, %dma_start3A_129] : memref<10000x64xf32, #tpu.memory_space<hbm>> -> memref<10000x64xf32, #tpu.memory_space<hbm>>
    tpu.enqueue_indirect_dma source(%dma_start3A_130 : memref<10000x64xf32, #tpu.memory_space<hbm>>) target(%arg11 : memref<80x64xf32, #tpu.memory_space<vmem>>) offsets(%dma_start3A_127 : memref<80xi32, #tpu.memory_space<vmem>>) semaphore(%arg17 : memref<!tpu.dma_semaphore, #tpu.memory_space<semaphore_mem>>)
    %dma_start3A_131 = arith.constant 1 : i32
    %dma_start3A_132 = arith.constant 0 : i32
    %dma_start3A_133 = tpu.memref_slice %arg9[%dma_start3A_131, %dma_start3A_132] : memref<125x80xi32, #tpu.memory_space<vmem>> -> memref<1x80xi32, #tpu.memory_space<vmem>>
    %dma_start3A_134 = tpu.memref_squeeze %dma_start3A_133 : memref<1x80xi32, #tpu.memory_space<vmem>> -> memref<80xi32, #tpu.memory_space<vmem>>
    %dma_start3A_135 = arith.constant 0 : i32
    %dma_start3A_136 = arith.constant 0 : i32
    %dma_start3A_137 = tpu.memref_slice %arg3[%dma_start3A_135, %dma_start3A_136] : memref<10000x64xf32, #tpu.memory_space<hbm>> -> memref<10000x64xf32, #tpu.memory_space<hbm>>
    tpu.enqueue_indirect_dma source(%dma_start3A_137 : memref<10000x64xf32, #tpu.memory_space<hbm>>) target(%arg12 : memref<80x64xf32, #tpu.memory_space<vmem>>) offsets(%dma_start3A_134 : memref<80xi32, #tpu.memory_space<vmem>>) semaphore(%arg18 : memref<!tpu.dma_semaphore, #tpu.memory_space<semaphore_mem>>)
    %dma_start3A_138 = arith.constant 2 : i32
    %dma_start3A_139 = arith.constant 0 : i32
    %dma_start3A_140 = tpu.memref_slice %arg9[%dma_start3A_138, %dma_start3A_139] : memref<125x80xi32, #tpu.memory_space<vmem>> -> memref<1x80xi32, #tpu.memory_space<vmem>>
    %dma_start3A_141 = tpu.memref_squeeze %dma_start3A_140 : memref<1x80xi32, #tpu.memory_space<vmem>> -> memref<80xi32, #tpu.memory_space<vmem>>
    %dma_start3A_142 = arith.constant 0 : i32
    %dma_start3A_143 = arith.constant 0 : i32
    %dma_start3A_144 = tpu.memref_slice %arg3[%dma_start3A_142, %dma_start3A_143] : memref<10000x64xf32, #tpu.memory_space<hbm>> -> memref<10000x64xf32, #tpu.memory_space<hbm>>
    tpu.enqueue_indirect_dma source(%dma_start3A_144 : memref<10000x64xf32, #tpu.memory_space<hbm>>) target(%arg13 : memref<80x64xf32, #tpu.memory_space<vmem>>) offsets(%dma_start3A_141 : memref<80xi32, #tpu.memory_space<vmem>>) semaphore(%arg19 : memref<!tpu.dma_semaphore, #tpu.memory_space<semaphore_mem>>)
    %dma_start3A_145 = arith.constant 3 : i32
    %dma_start3A_146 = arith.constant 0 : i32
    %dma_start3A_147 = tpu.memref_slice %arg9[%dma_start3A_145, %dma_start3A_146] : memref<125x80xi32, #tpu.memory_space<vmem>> -> memref<1x80xi32, #tpu.memory_space<vmem>>
    %dma_start3A_148 = tpu.memref_squeeze %dma_start3A_147 : memref<1x80xi32, #tpu.memory_space<vmem>> -> memref<80xi32, #tpu.memory_space<vmem>>
    %dma_start3A_149 = arith.constant 0 : i32
    %dma_start3A_150 = arith.constant 0 : i32
    %dma_start3A_151 = tpu.memref_slice %arg3[%dma_start3A_149, %dma_start3A_150] : memref<10000x64xf32, #tpu.memory_space<hbm>> -> memref<10000x64xf32, #tpu.memory_space<hbm>>
    tpu.enqueue_indirect_dma source(%dma_start3A_151 : memref<10000x64xf32, #tpu.memory_space<hbm>>) target(%arg14 : memref<80x64xf32, #tpu.memory_space<vmem>>) offsets(%dma_start3A_148 : memref<80xi32, #tpu.memory_space<vmem>>) semaphore(%arg20 : memref<!tpu.dma_semaphore, #tpu.memory_space<semaphore_mem>>)
    %scan3A_152 = arith.constant 0 : i32
    %scan3A_153 = arith.constant 0 : i32
    %scan3A_154 = arith.constant 30 : i32
    %scan3A_155 = arith.addi %scan3A_153, %scan3A_154 : i32
    %scan3A_156 = arith.constant 1 : i32
    scf.for %scan3A_210 = %scan3A_153 to %scan3A_155 step %scan3A_156  : i32 {
      %dma_wait3A_211 = arith.constant 0 : i32
      %dma_wait3A_212 = arith.constant 0 : i32
      %dma_wait3A_213 = tpu.memref_slice %arg9[%dma_wait3A_211, %dma_wait3A_212] : memref<125x80xi32, #tpu.memory_space<vmem>> -> memref<1x80xi32, #tpu.memory_space<vmem>>
      %dma_wait3A_214 = tpu.memref_squeeze %dma_wait3A_213 : memref<1x80xi32, #tpu.memory_space<vmem>> -> memref<80xi32, #tpu.memory_space<vmem>>
      %dma_wait3A_215 = arith.constant 0 : i32
      %dma_wait3A_216 = arith.constant 0 : i32
      %dma_wait3A_217 = tpu.memref_slice %arg3[%dma_wait3A_215, %dma_wait3A_216] : memref<10000x64xf32, #tpu.memory_space<hbm>> -> memref<10000x64xf32, #tpu.memory_space<hbm>>
      tpu.wait_indirect_dma semaphore(%arg17 : memref<!tpu.dma_semaphore, #tpu.memory_space<semaphore_mem>>) src(%dma_wait3A_217 : memref<10000x64xf32, #tpu.memory_space<hbm>>) dst(%arg11 : memref<80x64xf32, #tpu.memory_space<vmem>>)
      %mul3A_218 = arith.constant 4 : i32
      %mul3A_219 = arith.muli %mul3A_218, %scan3A_210 : i32
      %add3A_220 = arith.constant 0 : i32
      %add3A_221 = arith.addi %mul3A_219, %add3A_220 : i32
      "tpu.region"() ({
        %run_scoped3A_303 = tpu.sem_alloc : memref<!tpu.dma_semaphore, #tpu.memory_space<semaphore_mem>>
        %dma_start3A_304 = arith.constant 0 : i32
        %dma_start3A_305 = tpu.memref_slice %arg10[%add3A_221, %dma_start3A_304] : memref<125x80xi32, #tpu.memory_space<vmem>> -> memref<1x80xi32, #tpu.memory_space<vmem>>
        %dma_start3A_306 = tpu.memref_squeeze %dma_start3A_305 : memref<1x80xi32, #tpu.memory_space<vmem>> -> memref<80xi32, #tpu.memory_space<vmem>>
        %dma_start3A_307 = arith.constant 0 : i32
        %dma_start3A_308 = arith.constant 0 : i32
        %dma_start3A_309 = tpu.memref_slice %arg16[%dma_start3A_307, %dma_start3A_308] : memref<10240x64xf32, #tpu.memory_space<vmem_shared>> -> memref<10240x64xf32, #tpu.memory_space<vmem_shared>>
        tpu.enqueue_indirect_dma source(%arg11 : memref<80x64xf32, #tpu.memory_space<vmem>>) target(%dma_start3A_309 : memref<10240x64xf32, #tpu.memory_space<vmem_shared>>) offsets(%dma_start3A_306 : memref<80xi32, #tpu.memory_space<vmem>>) semaphore(%run_scoped3A_303 : memref<!tpu.dma_semaphore, #tpu.memory_space<semaphore_mem>>) {add = true}
        %dma_wait3A_310 = arith.constant 0 : i32
        %dma_wait3A_311 = tpu.memref_slice %arg10[%add3A_221, %dma_wait3A_310] : memref<125x80xi32, #tpu.memory_space<vmem>> -> memref<1x80xi32, #tpu.memory_space<vmem>>
        %dma_wait3A_312 = tpu.memref_squeeze %dma_wait3A_311 : memref<1x80xi32, #tpu.memory_space<vmem>> -> memref<80xi32, #tpu.memory_space<vmem>>
        %dma_wait3A_313 = arith.constant 0 : i32
        %dma_wait3A_314 = arith.constant 0 : i32
        %dma_wait3A_315 = tpu.memref_slice %arg16[%dma_wait3A_313, %dma_wait3A_314] : memref<10240x64xf32, #tpu.memory_space<vmem_shared>> -> memref<10240x64xf32, #tpu.memory_space<vmem_shared>>
        tpu.wait_indirect_dma semaphore(%run_scoped3A_303 : memref<!tpu.dma_semaphore, #tpu.memory_space<semaphore_mem>>) src(%arg11 : memref<80x64xf32, #tpu.memory_space<vmem>>) dst(%dma_wait3A_315 : memref<10240x64xf32, #tpu.memory_space<vmem_shared>>)
        tpu.yield
      }) : () -> ()
      %add3A_222 = arith.constant 1 : i32
      %add3A_223 = arith.addi %scan3A_210, %add3A_222 : i32
      %mul3A_224 = arith.constant 4 : i32
      %mul3A_225 = arith.muli %mul3A_224, %add3A_223 : i32
      %add3A_226 = arith.constant 0 : i32
      %add3A_227 = arith.addi %mul3A_225, %add3A_226 : i32
      %dma_start3A_228 = arith.constant 0 : i32
      %dma_start3A_229 = tpu.memref_slice %arg9[%add3A_227, %dma_start3A_228] : memref<125x80xi32, #tpu.memory_space<vmem>> -> memref<1x80xi32, #tpu.memory_space<vmem>>
      %dma_start3A_230 = tpu.memref_squeeze %dma_start3A_229 : memref<1x80xi32, #tpu.memory_space<vmem>> -> memref<80xi32, #tpu.memory_space<vmem>>
      %dma_start3A_231 = arith.constant 0 : i32
      %dma_start3A_232 = arith.constant 0 : i32
      %dma_start3A_233 = tpu.memref_slice %arg3[%dma_start3A_231, %dma_start3A_232] : memref<10000x64xf32, #tpu.memory_space<hbm>> -> memref<10000x64xf32, #tpu.memory_space<hbm>>
      tpu.enqueue_indirect_dma source(%dma_start3A_233 : memref<10000x64xf32, #tpu.memory_space<hbm>>) target(%arg11 : memref<80x64xf32, #tpu.memory_space<vmem>>) offsets(%dma_start3A_230 : memref<80xi32, #tpu.memory_space<vmem>>) semaphore(%arg17 : memref<!tpu.dma_semaphore, #tpu.memory_space<semaphore_mem>>)
      %dma_wait3A_234 = arith.constant 0 : i32
      %dma_wait3A_235 = arith.constant 0 : i32
      %dma_wait3A_236 = tpu.memref_slice %arg9[%dma_wait3A_234, %dma_wait3A_235] : memref<125x80xi32, #tpu.memory_space<vmem>> -> memref<1x80xi32, #tpu.memory_space<vmem>>
      %dma_wait3A_237 = tpu.memref_squeeze %dma_wait3A_236 : memref<1x80xi32, #tpu.memory_space<vmem>> -> memref<80xi32, #tpu.memory_space<vmem>>
      %dma_wait3A_238 = arith.constant 0 : i32
      %dma_wait3A_239 = arith.constant 0 : i32
      %dma_wait3A_240 = tpu.memref_slice %arg3[%dma_wait3A_238, %dma_wait3A_239] : memref<10000x64xf32, #tpu.memory_space<hbm>> -> memref<10000x64xf32, #tpu.memory_space<hbm>>
      tpu.wait_indirect_dma semaphore(%arg18 : memref<!tpu.dma_semaphore, #tpu.memory_space<semaphore_mem>>) src(%dma_wait3A_240 : memref<10000x64xf32, #tpu.memory_space<hbm>>) dst(%arg12 : memref<80x64xf32, #tpu.memory_space<vmem>>)
      %mul3A_241 = arith.constant 4 : i32
      %mul3A_242 = arith.muli %mul3A_241, %scan3A_210 : i32
      %add3A_243 = arith.constant 1 : i32
      %add3A_244 = arith.addi %mul3A_242, %add3A_243 : i32
      "tpu.region"() ({
        %run_scoped3A_303 = tpu.sem_alloc : memref<!tpu.dma_semaphore, #tpu.memory_space<semaphore_mem>>
        %dma_start3A_304 = arith.constant 0 : i32
        %dma_start3A_305 = tpu.memref_slice %arg10[%add3A_244, %dma_start3A_304] : memref<125x80xi32, #tpu.memory_space<vmem>> -> memref<1x80xi32, #tpu.memory_space<vmem>>
        %dma_start3A_306 = tpu.memref_squeeze %dma_start3A_305 : memref<1x80xi32, #tpu.memory_space<vmem>> -> memref<80xi32, #tpu.memory_space<vmem>>
        %dma_start3A_307 = arith.constant 0 : i32
        %dma_start3A_308 = arith.constant 0 : i32
        %dma_start3A_309 = tpu.memref_slice %arg16[%dma_start3A_307, %dma_start3A_308] : memref<10240x64xf32, #tpu.memory_space<vmem_shared>> -> memref<10240x64xf32, #tpu.memory_space<vmem_shared>>
        tpu.enqueue_indirect_dma source(%arg12 : memref<80x64xf32, #tpu.memory_space<vmem>>) target(%dma_start3A_309 : memref<10240x64xf32, #tpu.memory_space<vmem_shared>>) offsets(%dma_start3A_306 : memref<80xi32, #tpu.memory_space<vmem>>) semaphore(%run_scoped3A_303 : memref<!tpu.dma_semaphore, #tpu.memory_space<semaphore_mem>>) {add = true}
        %dma_wait3A_310 = arith.constant 0 : i32
        %dma_wait3A_311 = tpu.memref_slice %arg10[%add3A_244, %dma_wait3A_310] : memref<125x80xi32, #tpu.memory_space<vmem>> -> memref<1x80xi32, #tpu.memory_space<vmem>>
        %dma_wait3A_312 = tpu.memref_squeeze %dma_wait3A_311 : memref<1x80xi32, #tpu.memory_space<vmem>> -> memref<80xi32, #tpu.memory_space<vmem>>
        %dma_wait3A_313 = arith.constant 0 : i32
        %dma_wait3A_314 = arith.constant 0 : i32
        %dma_wait3A_315 = tpu.memref_slice %arg16[%dma_wait3A_313, %dma_wait3A_314] : memref<10240x64xf32, #tpu.memory_space<vmem_shared>> -> memref<10240x64xf32, #tpu.memory_space<vmem_shared>>
        tpu.wait_indirect_dma semaphore(%run_scoped3A_303 : memref<!tpu.dma_semaphore, #tpu.memory_space<semaphore_mem>>) src(%arg12 : memref<80x64xf32, #tpu.memory_space<vmem>>) dst(%dma_wait3A_315 : memref<10240x64xf32, #tpu.memory_space<vmem_shared>>)
        tpu.yield
      }) : () -> ()
      %add3A_245 = arith.constant 1 : i32
      %add3A_246 = arith.addi %scan3A_210, %add3A_245 : i32
      %mul3A_247 = arith.constant 4 : i32
      %mul3A_248 = arith.muli %mul3A_247, %add3A_246 : i32
      %add3A_249 = arith.constant 1 : i32
      %add3A_250 = arith.addi %mul3A_248, %add3A_249 : i32
      %dma_start3A_251 = arith.constant 0 : i32
      %dma_start3A_252 = tpu.memref_slice %arg9[%add3A_250, %dma_start3A_251] : memref<125x80xi32, #tpu.memory_space<vmem>> -> memref<1x80xi32, #tpu.memory_space<vmem>>
      %dma_start3A_253 = tpu.memref_squeeze %dma_start3A_252 : memref<1x80xi32, #tpu.memory_space<vmem>> -> memref<80xi32, #tpu.memory_space<vmem>>
      %dma_start3A_254 = arith.constant 0 : i32
      %dma_start3A_255 = arith.constant 0 : i32
      %dma_start3A_256 = tpu.memref_slice %arg3[%dma_start3A_254, %dma_start3A_255] : memref<10000x64xf32, #tpu.memory_space<hbm>> -> memref<10000x64xf32, #tpu.memory_space<hbm>>
      tpu.enqueue_indirect_dma source(%dma_start3A_256 : memref<10000x64xf32, #tpu.memory_space<hbm>>) target(%arg12 : memref<80x64xf32, #tpu.memory_space<vmem>>) offsets(%dma_start3A_253 : memref<80xi32, #tpu.memory_space<vmem>>) semaphore(%arg18 : memref<!tpu.dma_semaphore, #tpu.memory_space<semaphore_mem>>)
      %dma_wait3A_257 = arith.constant 0 : i32
      %dma_wait3A_258 = arith.constant 0 : i32
      %dma_wait3A_259 = tpu.memref_slice %arg9[%dma_wait3A_257, %dma_wait3A_258] : memref<125x80xi32, #tpu.memory_space<vmem>> -> memref<1x80xi32, #tpu.memory_space<vmem>>
      %dma_wait3A_260 = tpu.memref_squeeze %dma_wait3A_259 : memref<1x80xi32, #tpu.memory_space<vmem>> -> memref<80xi32, #tpu.memory_space<vmem>>
      %dma_wait3A_261 = arith.constant 0 : i32
      %dma_wait3A_262 = arith.constant 0 : i32
      %dma_wait3A_263 = tpu.memref_slice %arg3[%dma_wait3A_261, %dma_wait3A_262] : memref<10000x64xf32, #tpu.memory_space<hbm>> -> memref<10000x64xf32, #tpu.memory_space<hbm>>
      tpu.wait_indirect_dma semaphore(%arg19 : memref<!tpu.dma_semaphore, #tpu.memory_space<semaphore_mem>>) src(%dma_wait3A_263 : memref<10000x64xf32, #tpu.memory_space<hbm>>) dst(%arg13 : memref<80x64xf32, #tpu.memory_space<vmem>>)
      %mul3A_264 = arith.constant 4 : i32
      %mul3A_265 = arith.muli %mul3A_264, %scan3A_210 : i32
      %add3A_266 = arith.constant 2 : i32
      %add3A_267 = arith.addi %mul3A_265, %add3A_266 : i32
      "tpu.region"() ({
        %run_scoped3A_303 = tpu.sem_alloc : memref<!tpu.dma_semaphore, #tpu.memory_space<semaphore_mem>>
        %dma_start3A_304 = arith.constant 0 : i32
        %dma_start3A_305 = tpu.memref_slice %arg10[%add3A_267, %dma_start3A_304] : memref<125x80xi32, #tpu.memory_space<vmem>> -> memref<1x80xi32, #tpu.memory_space<vmem>>
        %dma_start3A_306 = tpu.memref_squeeze %dma_start3A_305 : memref<1x80xi32, #tpu.memory_space<vmem>> -> memref<80xi32, #tpu.memory_space<vmem>>
        %dma_start3A_307 = arith.constant 0 : i32
        %dma_start3A_308 = arith.constant 0 : i32
        %dma_start3A_309 = tpu.memref_slice %arg16[%dma_start3A_307, %dma_start3A_308] : memref<10240x64xf32, #tpu.memory_space<vmem_shared>> -> memref<10240x64xf32, #tpu.memory_space<vmem_shared>>
        tpu.enqueue_indirect_dma source(%arg13 : memref<80x64xf32, #tpu.memory_space<vmem>>) target(%dma_start3A_309 : memref<10240x64xf32, #tpu.memory_space<vmem_shared>>) offsets(%dma_start3A_306 : memref<80xi32, #tpu.memory_space<vmem>>) semaphore(%run_scoped3A_303 : memref<!tpu.dma_semaphore, #tpu.memory_space<semaphore_mem>>) {add = true}
        %dma_wait3A_310 = arith.constant 0 : i32
        %dma_wait3A_311 = tpu.memref_slice %arg10[%add3A_267, %dma_wait3A_310] : memref<125x80xi32, #tpu.memory_space<vmem>> -> memref<1x80xi32, #tpu.memory_space<vmem>>
        %dma_wait3A_312 = tpu.memref_squeeze %dma_wait3A_311 : memref<1x80xi32, #tpu.memory_space<vmem>> -> memref<80xi32, #tpu.memory_space<vmem>>
        %dma_wait3A_313 = arith.constant 0 : i32
        %dma_wait3A_314 = arith.constant 0 : i32
        %dma_wait3A_315 = tpu.memref_slice %arg16[%dma_wait3A_313, %dma_wait3A_314] : memref<10240x64xf32, #tpu.memory_space<vmem_shared>> -> memref<10240x64xf32, #tpu.memory_space<vmem_shared>>
        tpu.wait_indirect_dma semaphore(%run_scoped3A_303 : memref<!tpu.dma_semaphore, #tpu.memory_space<semaphore_mem>>) src(%arg13 : memref<80x64xf32, #tpu.memory_space<vmem>>) dst(%dma_wait3A_315 : memref<10240x64xf32, #tpu.memory_space<vmem_shared>>)
        tpu.yield
      }) : () -> ()
      %add3A_268 = arith.constant 1 : i32
      %add3A_269 = arith.addi %scan3A_210, %add3A_268 : i32
      %mul3A_270 = arith.constant 4 : i32
      %mul3A_271 = arith.muli %mul3A_270, %add3A_269 : i32
      %add3A_272 = arith.constant 2 : i32
      %add3A_273 = arith.addi %mul3A_271, %add3A_272 : i32
      %dma_start3A_274 = arith.constant 0 : i32
      %dma_start3A_275 = tpu.memref_slice %arg9[%add3A_273, %dma_start3A_274] : memref<125x80xi32, #tpu.memory_space<vmem>> -> memref<1x80xi32, #tpu.memory_space<vmem>>
      %dma_start3A_276 = tpu.memref_squeeze %dma_start3A_275 : memref<1x80xi32, #tpu.memory_space<vmem>> -> memref<80xi32, #tpu.memory_space<vmem>>
      %dma_start3A_277 = arith.constant 0 : i32
      %dma_start3A_278 = arith.constant 0 : i32
      %dma_start3A_279 = tpu.memref_slice %arg3[%dma_start3A_277, %dma_start3A_278] : memref<10000x64xf32, #tpu.memory_space<hbm>> -> memref<10000x64xf32, #tpu.memory_space<hbm>>
      tpu.enqueue_indirect_dma source(%dma_start3A_279 : memref<10000x64xf32, #tpu.memory_space<hbm>>) target(%arg13 : memref<80x64xf32, #tpu.memory_space<vmem>>) offsets(%dma_start3A_276 : memref<80xi32, #tpu.memory_space<vmem>>) semaphore(%arg19 : memref<!tpu.dma_semaphore, #tpu.memory_space<semaphore_mem>>)
      %dma_wait3A_280 = arith.constant 0 : i32
      %dma_wait3A_281 = arith.constant 0 : i32
      %dma_wait3A_282 = tpu.memref_slice %arg9[%dma_wait3A_280, %dma_wait3A_281] : memref<125x80xi32, #tpu.memory_space<vmem>> -> memref<1x80xi32, #tpu.memory_space<vmem>>
      %dma_wait3A_283 = tpu.memref_squeeze %dma_wait3A_282 : memref<1x80xi32, #tpu.memory_space<vmem>> -> memref<80xi32, #tpu.memory_space<vmem>>
      %dma_wait3A_284 = arith.constant 0 : i32
      %dma_wait3A_285 = arith.constant 0 : i32
      %dma_wait3A_286 = tpu.memref_slice %arg3[%dma_wait3A_284, %dma_wait3A_285] : memref<10000x64xf32, #tpu.memory_space<hbm>> -> memref<10000x64xf32, #tpu.memory_space<hbm>>
      tpu.wait_indirect_dma semaphore(%arg20 : memref<!tpu.dma_semaphore, #tpu.memory_space<semaphore_mem>>) src(%dma_wait3A_286 : memref<10000x64xf32, #tpu.memory_space<hbm>>) dst(%arg14 : memref<80x64xf32, #tpu.memory_space<vmem>>)
      %mul3A_287 = arith.constant 4 : i32
      %mul3A_288 = arith.muli %mul3A_287, %scan3A_210 : i32
      %add3A_289 = arith.constant 3 : i32
      %add3A_290 = arith.addi %mul3A_288, %add3A_289 : i32
      "tpu.region"() ({
        %run_scoped3A_303 = tpu.sem_alloc : memref<!tpu.dma_semaphore, #tpu.memory_space<semaphore_mem>>
        %dma_start3A_304 = arith.constant 0 : i32
        %dma_start3A_305 = tpu.memref_slice %arg10[%add3A_290, %dma_start3A_304] : memref<125x80xi32, #tpu.memory_space<vmem>> -> memref<1x80xi32, #tpu.memory_space<vmem>>
        %dma_start3A_306 = tpu.memref_squeeze %dma_start3A_305 : memref<1x80xi32, #tpu.memory_space<vmem>> -> memref<80xi32, #tpu.memory_space<vmem>>
        %dma_start3A_307 = arith.constant 0 : i32
        %dma_start3A_308 = arith.constant 0 : i32
        %dma_start3A_309 = tpu.memref_slice %arg16[%dma_start3A_307, %dma_start3A_308] : memref<10240x64xf32, #tpu.memory_space<vmem_shared>> -> memref<10240x64xf32, #tpu.memory_space<vmem_shared>>
        tpu.enqueue_indirect_dma source(%arg14 : memref<80x64xf32, #tpu.memory_space<vmem>>) target(%dma_start3A_309 : memref<10240x64xf32, #tpu.memory_space<vmem_shared>>) offsets(%dma_start3A_306 : memref<80xi32, #tpu.memory_space<vmem>>) semaphore(%run_scoped3A_303 : memref<!tpu.dma_semaphore, #tpu.memory_space<semaphore_mem>>) {add = true}
        %dma_wait3A_310 = arith.constant 0 : i32
        %dma_wait3A_311 = tpu.memref_slice %arg10[%add3A_290, %dma_wait3A_310] : memref<125x80xi32, #tpu.memory_space<vmem>> -> memref<1x80xi32, #tpu.memory_space<vmem>>
        %dma_wait3A_312 = tpu.memref_squeeze %dma_wait3A_311 : memref<1x80xi32, #tpu.memory_space<vmem>> -> memref<80xi32, #tpu.memory_space<vmem>>
        %dma_wait3A_313 = arith.constant 0 : i32
        %dma_wait3A_314 = arith.constant 0 : i32
        %dma_wait3A_315 = tpu.memref_slice %arg16[%dma_wait3A_313, %dma_wait3A_314] : memref<10240x64xf32, #tpu.memory_space<vmem_shared>> -> memref<10240x64xf32, #tpu.memory_space<vmem_shared>>
        tpu.wait_indirect_dma semaphore(%run_scoped3A_303 : memref<!tpu.dma_semaphore, #tpu.memory_space<semaphore_mem>>) src(%arg14 : memref<80x64xf32, #tpu.memory_space<vmem>>) dst(%dma_wait3A_315 : memref<10240x64xf32, #tpu.memory_space<vmem_shared>>)
        tpu.yield
      }) : () -> ()
      %add3A_291 = arith.constant 1 : i32
      %add3A_292 = arith.addi %scan3A_210, %add3A_291 : i32
      %mul3A_293 = arith.constant 4 : i32
      %mul3A_294 = arith.muli %mul3A_293, %add3A_292 : i32
      %add3A_295 = arith.constant 3 : i32
      %add3A_296 = arith.addi %mul3A_294, %add3A_295 : i32
      %dma_start3A_297 = arith.constant 0 : i32
      %dma_start3A_298 = tpu.memref_slice %arg9[%add3A_296, %dma_start3A_297] : memref<125x80xi32, #tpu.memory_space<vmem>> -> memref<1x80xi32, #tpu.memory_space<vmem>>
      %dma_start3A_299 = tpu.memref_squeeze %dma_start3A_298 : memref<1x80xi32, #tpu.memory_space<vmem>> -> memref<80xi32, #tpu.memory_space<vmem>>
      %dma_start3A_300 = arith.constant 0 : i32
      %dma_start3A_301 = arith.constant 0 : i32
      %dma_start3A_302 = tpu.memref_slice %arg3[%dma_start3A_300, %dma_start3A_301] : memref<10000x64xf32, #tpu.memory_space<hbm>> -> memref<10000x64xf32, #tpu.memory_space<hbm>>
      tpu.enqueue_indirect_dma source(%dma_start3A_302 : memref<10000x64xf32, #tpu.memory_space<hbm>>) target(%arg14 : memref<80x64xf32, #tpu.memory_space<vmem>>) offsets(%dma_start3A_299 : memref<80xi32, #tpu.memory_space<vmem>>) semaphore(%arg20 : memref<!tpu.dma_semaphore, #tpu.memory_space<semaphore_mem>>)
    }
    %scan3A_157 = arith.constant 30 : i32
    %dma_wait3A_158 = arith.constant 0 : i32
    %dma_wait3A_159 = arith.constant 0 : i32
    %dma_wait3A_160 = tpu.memref_slice %arg9[%dma_wait3A_158, %dma_wait3A_159] : memref<125x80xi32, #tpu.memory_space<vmem>> -> memref<1x80xi32, #tpu.memory_space<vmem>>
    %dma_wait3A_161 = tpu.memref_squeeze %dma_wait3A_160 : memref<1x80xi32, #tpu.memory_space<vmem>> -> memref<80xi32, #tpu.memory_space<vmem>>
    %dma_wait3A_162 = arith.constant 0 : i32
    %dma_wait3A_163 = arith.constant 0 : i32
    %dma_wait3A_164 = tpu.memref_slice %arg3[%dma_wait3A_162, %dma_wait3A_163] : memref<10000x64xf32, #tpu.memory_space<hbm>> -> memref<10000x64xf32, #tpu.memory_space<hbm>>
    tpu.wait_indirect_dma semaphore(%arg17 : memref<!tpu.dma_semaphore, #tpu.memory_space<semaphore_mem>>) src(%dma_wait3A_164 : memref<10000x64xf32, #tpu.memory_space<hbm>>) dst(%arg11 : memref<80x64xf32, #tpu.memory_space<vmem>>)
    %run_scoped3A_165 = arith.constant 120 : i32
    "tpu.region"() ({
      %run_scoped3A_210 = tpu.sem_alloc : memref<!tpu.dma_semaphore, #tpu.memory_space<semaphore_mem>>
      %dma_start3A_211 = arith.constant 0 : i32
      %dma_start3A_212 = tpu.memref_slice %arg10[%run_scoped3A_165, %dma_start3A_211] : memref<125x80xi32, #tpu.memory_space<vmem>> -> memref<1x80xi32, #tpu.memory_space<vmem>>
      %dma_start3A_213 = tpu.memref_squeeze %dma_start3A_212 : memref<1x80xi32, #tpu.memory_space<vmem>> -> memref<80xi32, #tpu.memory_space<vmem>>
      %dma_start3A_214 = arith.constant 0 : i32
      %dma_start3A_215 = arith.constant 0 : i32
      %dma_start3A_216 = tpu.memref_slice %arg16[%dma_start3A_214, %dma_start3A_215] : memref<10240x64xf32, #tpu.memory_space<vmem_shared>> -> memref<10240x64xf32, #tpu.memory_space<vmem_shared>>
      tpu.enqueue_indirect_dma source(%arg11 : memref<80x64xf32, #tpu.memory_space<vmem>>) target(%dma_start3A_216 : memref<10240x64xf32, #tpu.memory_space<vmem_shared>>) offsets(%dma_start3A_213 : memref<80xi32, #tpu.memory_space<vmem>>) semaphore(%run_scoped3A_210 : memref<!tpu.dma_semaphore, #tpu.memory_space<semaphore_mem>>) {add = true}
      %dma_wait3A_217 = arith.constant 0 : i32
      %dma_wait3A_218 = tpu.memref_slice %arg10[%run_scoped3A_165, %dma_wait3A_217] : memref<125x80xi32, #tpu.memory_space<vmem>> -> memref<1x80xi32, #tpu.memory_space<vmem>>
      %dma_wait3A_219 = tpu.memref_squeeze %dma_wait3A_218 : memref<1x80xi32, #tpu.memory_space<vmem>> -> memref<80xi32, #tpu.memory_space<vmem>>
      %dma_wait3A_220 = arith.constant 0 : i32
      %dma_wait3A_221 = arith.constant 0 : i32
      %dma_wait3A_222 = tpu.memref_slice %arg16[%dma_wait3A_220, %dma_wait3A_221] : memref<10240x64xf32, #tpu.memory_space<vmem_shared>> -> memref<10240x64xf32, #tpu.memory_space<vmem_shared>>
      tpu.wait_indirect_dma semaphore(%run_scoped3A_210 : memref<!tpu.dma_semaphore, #tpu.memory_space<semaphore_mem>>) src(%arg11 : memref<80x64xf32, #tpu.memory_space<vmem>>) dst(%dma_wait3A_222 : memref<10240x64xf32, #tpu.memory_space<vmem_shared>>)
      tpu.yield
    }) : () -> ()
    %dma_wait3A_166 = arith.constant 0 : i32
    %dma_wait3A_167 = arith.constant 0 : i32
    %dma_wait3A_168 = tpu.memref_slice %arg9[%dma_wait3A_166, %dma_wait3A_167] : memref<125x80xi32, #tpu.memory_space<vmem>> -> memref<1x80xi32, #tpu.memory_space<vmem>>
    %dma_wait3A_169 = tpu.memref_squeeze %dma_wait3A_168 : memref<1x80xi32, #tpu.memory_space<vmem>> -> memref<80xi32, #tpu.memory_space<vmem>>
    %dma_wait3A_170 = arith.constant 0 : i32
    %dma_wait3A_171 = arith.constant 0 : i32
    %dma_wait3A_172 = tpu.memref_slice %arg3[%dma_wait3A_170, %dma_wait3A_171] : memref<10000x64xf32, #tpu.memory_space<hbm>> -> memref<10000x64xf32, #tpu.memory_space<hbm>>
    tpu.wait_indirect_dma semaphore(%arg18 : memref<!tpu.dma_semaphore, #tpu.memory_space<semaphore_mem>>) src(%dma_wait3A_172 : memref<10000x64xf32, #tpu.memory_space<hbm>>) dst(%arg12 : memref<80x64xf32, #tpu.memory_space<vmem>>)
    %run_scoped3A_173 = arith.constant 121 : i32
    "tpu.region"() ({
      %run_scoped3A_210 = tpu.sem_alloc : memref<!tpu.dma_semaphore, #tpu.memory_space<semaphore_mem>>
      %dma_start3A_211 = arith.constant 0 : i32
      %dma_start3A_212 = tpu.memref_slice %arg10[%run_scoped3A_173, %dma_start3A_211] : memref<125x80xi32, #tpu.memory_space<vmem>> -> memref<1x80xi32, #tpu.memory_space<vmem>>
      %dma_start3A_213 = tpu.memref_squeeze %dma_start3A_212 : memref<1x80xi32, #tpu.memory_space<vmem>> -> memref<80xi32, #tpu.memory_space<vmem>>
      %dma_start3A_214 = arith.constant 0 : i32
      %dma_start3A_215 = arith.constant 0 : i32
      %dma_start3A_216 = tpu.memref_slice %arg16[%dma_start3A_214, %dma_start3A_215] : memref<10240x64xf32, #tpu.memory_space<vmem_shared>> -> memref<10240x64xf32, #tpu.memory_space<vmem_shared>>
      tpu.enqueue_indirect_dma source(%arg12 : memref<80x64xf32, #tpu.memory_space<vmem>>) target(%dma_start3A_216 : memref<10240x64xf32, #tpu.memory_space<vmem_shared>>) offsets(%dma_start3A_213 : memref<80xi32, #tpu.memory_space<vmem>>) semaphore(%run_scoped3A_210 : memref<!tpu.dma_semaphore, #tpu.memory_space<semaphore_mem>>) {add = true}
      %dma_wait3A_217 = arith.constant 0 : i32
      %dma_wait3A_218 = tpu.memref_slice %arg10[%run_scoped3A_173, %dma_wait3A_217] : memref<125x80xi32, #tpu.memory_space<vmem>> -> memref<1x80xi32, #tpu.memory_space<vmem>>
      %dma_wait3A_219 = tpu.memref_squeeze %dma_wait3A_218 : memref<1x80xi32, #tpu.memory_space<vmem>> -> memref<80xi32, #tpu.memory_space<vmem>>
      %dma_wait3A_220 = arith.constant 0 : i32
      %dma_wait3A_221 = arith.constant 0 : i32
      %dma_wait3A_222 = tpu.memref_slice %arg16[%dma_wait3A_220, %dma_wait3A_221] : memref<10240x64xf32, #tpu.memory_space<vmem_shared>> -> memref<10240x64xf32, #tpu.memory_space<vmem_shared>>
      tpu.wait_indirect_dma semaphore(%run_scoped3A_210 : memref<!tpu.dma_semaphore, #tpu.memory_space<semaphore_mem>>) src(%arg12 : memref<80x64xf32, #tpu.memory_space<vmem>>) dst(%dma_wait3A_222 : memref<10240x64xf32, #tpu.memory_space<vmem_shared>>)
      tpu.yield
    }) : () -> ()
    %dma_wait3A_174 = arith.constant 0 : i32
    %dma_wait3A_175 = arith.constant 0 : i32
    %dma_wait3A_176 = tpu.memref_slice %arg9[%dma_wait3A_174, %dma_wait3A_175] : memref<125x80xi32, #tpu.memory_space<vmem>> -> memref<1x80xi32, #tpu.memory_space<vmem>>
    %dma_wait3A_177 = tpu.memref_squeeze %dma_wait3A_176 : memref<1x80xi32, #tpu.memory_space<vmem>> -> memref<80xi32, #tpu.memory_space<vmem>>
    %dma_wait3A_178 = arith.constant 0 : i32
    %dma_wait3A_179 = arith.constant 0 : i32
    %dma_wait3A_180 = tpu.memref_slice %arg3[%dma_wait3A_178, %dma_wait3A_179] : memref<10000x64xf32, #tpu.memory_space<hbm>> -> memref<10000x64xf32, #tpu.memory_space<hbm>>
    tpu.wait_indirect_dma semaphore(%arg19 : memref<!tpu.dma_semaphore, #tpu.memory_space<semaphore_mem>>) src(%dma_wait3A_180 : memref<10000x64xf32, #tpu.memory_space<hbm>>) dst(%arg13 : memref<80x64xf32, #tpu.memory_space<vmem>>)
    %run_scoped3A_181 = arith.constant 122 : i32
    "tpu.region"() ({
      %run_scoped3A_210 = tpu.sem_alloc : memref<!tpu.dma_semaphore, #tpu.memory_space<semaphore_mem>>
      %dma_start3A_211 = arith.constant 0 : i32
      %dma_start3A_212 = tpu.memref_slice %arg10[%run_scoped3A_181, %dma_start3A_211] : memref<125x80xi32, #tpu.memory_space<vmem>> -> memref<1x80xi32, #tpu.memory_space<vmem>>
      %dma_start3A_213 = tpu.memref_squeeze %dma_start3A_212 : memref<1x80xi32, #tpu.memory_space<vmem>> -> memref<80xi32, #tpu.memory_space<vmem>>
      %dma_start3A_214 = arith.constant 0 : i32
      %dma_start3A_215 = arith.constant 0 : i32
      %dma_start3A_216 = tpu.memref_slice %arg16[%dma_start3A_214, %dma_start3A_215] : memref<10240x64xf32, #tpu.memory_space<vmem_shared>> -> memref<10240x64xf32, #tpu.memory_space<vmem_shared>>
      tpu.enqueue_indirect_dma source(%arg13 : memref<80x64xf32, #tpu.memory_space<vmem>>) target(%dma_start3A_216 : memref<10240x64xf32, #tpu.memory_space<vmem_shared>>) offsets(%dma_start3A_213 : memref<80xi32, #tpu.memory_space<vmem>>) semaphore(%run_scoped3A_210 : memref<!tpu.dma_semaphore, #tpu.memory_space<semaphore_mem>>) {add = true}
      %dma_wait3A_217 = arith.constant 0 : i32
      %dma_wait3A_218 = tpu.memref_slice %arg10[%run_scoped3A_181, %dma_wait3A_217] : memref<125x80xi32, #tpu.memory_space<vmem>> -> memref<1x80xi32, #tpu.memory_space<vmem>>
      %dma_wait3A_219 = tpu.memref_squeeze %dma_wait3A_218 : memref<1x80xi32, #tpu.memory_space<vmem>> -> memref<80xi32, #tpu.memory_space<vmem>>
      %dma_wait3A_220 = arith.constant 0 : i32
      %dma_wait3A_221 = arith.constant 0 : i32
      %dma_wait3A_222 = tpu.memref_slice %arg16[%dma_wait3A_220, %dma_wait3A_221] : memref<10240x64xf32, #tpu.memory_space<vmem_shared>> -> memref<10240x64xf32, #tpu.memory_space<vmem_shared>>
      tpu.wait_indirect_dma semaphore(%run_scoped3A_210 : memref<!tpu.dma_semaphore, #tpu.memory_space<semaphore_mem>>) src(%arg13 : memref<80x64xf32, #tpu.memory_space<vmem>>) dst(%dma_wait3A_222 : memref<10240x64xf32, #tpu.memory_space<vmem_shared>>)
      tpu.yield
    }) : () -> ()
    %dma_wait3A_182 = arith.constant 0 : i32
    %dma_wait3A_183 = arith.constant 0 : i32
    %dma_wait3A_184 = tpu.memref_slice %arg9[%dma_wait3A_182, %dma_wait3A_183] : memref<125x80xi32, #tpu.memory_space<vmem>> -> memref<1x80xi32, #tpu.memory_space<vmem>>
    %dma_wait3A_185 = tpu.memref_squeeze %dma_wait3A_184 : memref<1x80xi32, #tpu.memory_space<vmem>> -> memref<80xi32, #tpu.memory_space<vmem>>
    %dma_wait3A_186 = arith.constant 0 : i32
    %dma_wait3A_187 = arith.constant 0 : i32
    %dma_wait3A_188 = tpu.memref_slice %arg3[%dma_wait3A_186, %dma_wait3A_187] : memref<10000x64xf32, #tpu.memory_space<hbm>> -> memref<10000x64xf32, #tpu.memory_space<hbm>>
    tpu.wait_indirect_dma semaphore(%arg20 : memref<!tpu.dma_semaphore, #tpu.memory_space<semaphore_mem>>) src(%dma_wait3A_188 : memref<10000x64xf32, #tpu.memory_space<hbm>>) dst(%arg14 : memref<80x64xf32, #tpu.memory_space<vmem>>)
    %run_scoped3A_189 = arith.constant 123 : i32
    "tpu.region"() ({
      %run_scoped3A_210 = tpu.sem_alloc : memref<!tpu.dma_semaphore, #tpu.memory_space<semaphore_mem>>
      %dma_start3A_211 = arith.constant 0 : i32
      %dma_start3A_212 = tpu.memref_slice %arg10[%run_scoped3A_189, %dma_start3A_211] : memref<125x80xi32, #tpu.memory_space<vmem>> -> memref<1x80xi32, #tpu.memory_space<vmem>>
      %dma_start3A_213 = tpu.memref_squeeze %dma_start3A_212 : memref<1x80xi32, #tpu.memory_space<vmem>> -> memref<80xi32, #tpu.memory_space<vmem>>
      %dma_start3A_214 = arith.constant 0 : i32
      %dma_start3A_215 = arith.constant 0 : i32
      %dma_start3A_216 = tpu.memref_slice %arg16[%dma_start3A_214, %dma_start3A_215] : memref<10240x64xf32, #tpu.memory_space<vmem_shared>> -> memref<10240x64xf32, #tpu.memory_space<vmem_shared>>
      tpu.enqueue_indirect_dma source(%arg14 : memref<80x64xf32, #tpu.memory_space<vmem>>) target(%dma_start3A_216 : memref<10240x64xf32, #tpu.memory_space<vmem_shared>>) offsets(%dma_start3A_213 : memref<80xi32, #tpu.memory_space<vmem>>) semaphore(%run_scoped3A_210 : memref<!tpu.dma_semaphore, #tpu.memory_space<semaphore_mem>>) {add = true}
      %dma_wait3A_217 = arith.constant 0 : i32
      %dma_wait3A_218 = tpu.memref_slice %arg10[%run_scoped3A_189, %dma_wait3A_217] : memref<125x80xi32, #tpu.memory_space<vmem>> -> memref<1x80xi32, #tpu.memory_space<vmem>>
      %dma_wait3A_219 = tpu.memref_squeeze %dma_wait3A_218 : memref<1x80xi32, #tpu.memory_space<vmem>> -> memref<80xi32, #tpu.memory_space<vmem>>
      %dma_wait3A_220 = arith.constant 0 : i32
      %dma_wait3A_221 = arith.constant 0 : i32
      %dma_wait3A_222 = tpu.memref_slice %arg16[%dma_wait3A_220, %dma_wait3A_221] : memref<10240x64xf32, #tpu.memory_space<vmem_shared>> -> memref<10240x64xf32, #tpu.memory_space<vmem_shared>>
      tpu.wait_indirect_dma semaphore(%run_scoped3A_210 : memref<!tpu.dma_semaphore, #tpu.memory_space<semaphore_mem>>) src(%arg14 : memref<80x64xf32, #tpu.memory_space<vmem>>) dst(%dma_wait3A_222 : memref<10240x64xf32, #tpu.memory_space<vmem_shared>>)
      tpu.yield
    }) : () -> ()
    %dma_start3A_190 = arith.constant 124 : i32
    %dma_start3A_191 = arith.constant 0 : i32
    %dma_start3A_192 = tpu.memref_slice %arg9[%dma_start3A_190, %dma_start3A_191] : memref<125x80xi32, #tpu.memory_space<vmem>> -> memref<1x80xi32, #tpu.memory_space<vmem>>
    %dma_start3A_193 = tpu.memref_squeeze %dma_start3A_192 : memref<1x80xi32, #tpu.memory_space<vmem>> -> memref<80xi32, #tpu.memory_space<vmem>>
    %dma_start3A_194 = arith.constant 0 : i32
    %dma_start3A_195 = arith.constant 0 : i32
    %dma_start3A_196 = tpu.memref_slice %arg3[%dma_start3A_194, %dma_start3A_195] : memref<10000x64xf32, #tpu.memory_space<hbm>> -> memref<10000x64xf32, #tpu.memory_space<hbm>>
    tpu.enqueue_indirect_dma source(%dma_start3A_196 : memref<10000x64xf32, #tpu.memory_space<hbm>>) target(%arg11 : memref<80x64xf32, #tpu.memory_space<vmem>>) offsets(%dma_start3A_193 : memref<80xi32, #tpu.memory_space<vmem>>) semaphore(%arg17 : memref<!tpu.dma_semaphore, #tpu.memory_space<semaphore_mem>>)
    %dma_wait3A_197 = arith.constant 0 : i32
    %dma_wait3A_198 = arith.constant 0 : i32
    %dma_wait3A_199 = tpu.memref_slice %arg9[%dma_wait3A_197, %dma_wait3A_198] : memref<125x80xi32, #tpu.memory_space<vmem>> -> memref<1x80xi32, #tpu.memory_space<vmem>>
    %dma_wait3A_200 = tpu.memref_squeeze %dma_wait3A_199 : memref<1x80xi32, #tpu.memory_space<vmem>> -> memref<80xi32, #tpu.memory_space<vmem>>
    %dma_wait3A_201 = arith.constant 0 : i32
    %dma_wait3A_202 = arith.constant 0 : i32
    %dma_wait3A_203 = tpu.memref_slice %arg3[%dma_wait3A_201, %dma_wait3A_202] : memref<10000x64xf32, #tpu.memory_space<hbm>> -> memref<10000x64xf32, #tpu.memory_space<hbm>>
    tpu.wait_indirect_dma semaphore(%arg17 : memref<!tpu.dma_semaphore, #tpu.memory_space<semaphore_mem>>) src(%dma_wait3A_203 : memref<10000x64xf32, #tpu.memory_space<hbm>>) dst(%arg11 : memref<80x64xf32, #tpu.memory_space<vmem>>)
    %run_scoped3A_204 = arith.constant 124 : i32
    "tpu.region"() ({
      %run_scoped3A_210 = tpu.sem_alloc : memref<!tpu.dma_semaphore, #tpu.memory_space<semaphore_mem>>
      %dma_start3A_211 = arith.constant 0 : i32
      %dma_start3A_212 = tpu.memref_slice %arg10[%run_scoped3A_204, %dma_start3A_211] : memref<125x80xi32, #tpu.memory_space<vmem>> -> memref<1x80xi32, #tpu.memory_space<vmem>>
      %dma_start3A_213 = tpu.memref_squeeze %dma_start3A_212 : memref<1x80xi32, #tpu.memory_space<vmem>> -> memref<80xi32, #tpu.memory_space<vmem>>
      %dma_start3A_214 = arith.constant 0 : i32
      %dma_start3A_215 = arith.constant 0 : i32
      %dma_start3A_216 = tpu.memref_slice %arg16[%dma_start3A_214, %dma_start3A_215] : memref<10240x64xf32, #tpu.memory_space<vmem_shared>> -> memref<10240x64xf32, #tpu.memory_space<vmem_shared>>
      tpu.enqueue_indirect_dma source(%arg11 : memref<80x64xf32, #tpu.memory_space<vmem>>) target(%dma_start3A_216 : memref<10240x64xf32, #tpu.memory_space<vmem_shared>>) offsets(%dma_start3A_213 : memref<80xi32, #tpu.memory_space<vmem>>) semaphore(%run_scoped3A_210 : memref<!tpu.dma_semaphore, #tpu.memory_space<semaphore_mem>>) {add = true}
      %dma_wait3A_217 = arith.constant 0 : i32
      %dma_wait3A_218 = tpu.memref_slice %arg10[%run_scoped3A_204, %dma_wait3A_217] : memref<125x80xi32, #tpu.memory_space<vmem>> -> memref<1x80xi32, #tpu.memory_space<vmem>>
      %dma_wait3A_219 = tpu.memref_squeeze %dma_wait3A_218 : memref<1x80xi32, #tpu.memory_space<vmem>> -> memref<80xi32, #tpu.memory_space<vmem>>
      %dma_wait3A_220 = arith.constant 0 : i32
      %dma_wait3A_221 = arith.constant 0 : i32
      %dma_wait3A_222 = tpu.memref_slice %arg16[%dma_wait3A_220, %dma_wait3A_221] : memref<10240x64xf32, #tpu.memory_space<vmem_shared>> -> memref<10240x64xf32, #tpu.memory_space<vmem_shared>>
      tpu.wait_indirect_dma semaphore(%run_scoped3A_210 : memref<!tpu.dma_semaphore, #tpu.memory_space<semaphore_mem>>) src(%arg11 : memref<80x64xf32, #tpu.memory_space<vmem>>) dst(%dma_wait3A_222 : memref<10240x64xf32, #tpu.memory_space<vmem_shared>>)
      tpu.yield
    }) : () -> ()
    %barrier3A_205 = arith.constant 0 : index
    tpu.barrier barrier_id(%barrier3A_205)
    %mul3A_206 = arith.constant 640 : i32
    %mul3A_207 = arith.muli %arg1, %mul3A_206 : i32
    %mul3A_208 = arith.constant 640 : i32
    %mul3A_209 = arith.muli %arg1, %mul3A_208 : i32
    "tpu.region"() ({
      %run_scoped3A_210 = tpu.sem_alloc : memref<!tpu.dma_semaphore, #tpu.memory_space<semaphore_mem>>
      %dma_start3A_211 = arith.constant 0 : i32
      %dma_start3A_212 = tpu.memref_slice %arg8[%arg0, %mul3A_209, %dma_start3A_211] : memref<2x10240x64xf32, #tpu.memory_space<hbm>> -> memref<1x640x64xf32, #tpu.memory_space<hbm>>
      %dma_start3A_213 = tpu.memref_squeeze %dma_start3A_212 : memref<1x640x64xf32, #tpu.memory_space<hbm>> -> memref<640x64xf32, #tpu.memory_space<hbm>>
      %dma_start3A_214 = arith.constant 0 : i32
      %dma_start3A_215 = tpu.memref_slice %arg16[%mul3A_207, %dma_start3A_214] : memref<10240x64xf32, #tpu.memory_space<vmem_shared>> -> memref<640x64xf32, #tpu.memory_space<vmem_shared>>
      tpu.enqueue_dma source(%dma_start3A_215 : memref<640x64xf32, #tpu.memory_space<vmem_shared>>) target(%dma_start3A_213 : memref<640x64xf32, #tpu.memory_space<hbm>>) target_semaphore(%run_scoped3A_210 : memref<!tpu.dma_semaphore, #tpu.memory_space<semaphore_mem>>)
      %dma_wait3A_216 = arith.constant 0 : i32
      %dma_wait3A_217 = tpu.memref_slice %arg8[%arg0, %mul3A_209, %dma_wait3A_216] : memref<2x10240x64xf32, #tpu.memory_space<hbm>> -> memref<1x640x64xf32, #tpu.memory_space<hbm>>
      %dma_wait3A_218 = tpu.memref_squeeze %dma_wait3A_217 : memref<1x640x64xf32, #tpu.memory_space<hbm>> -> memref<640x64xf32, #tpu.memory_space<hbm>>
      %dma_wait3A_219 = arith.constant 0 : i32
      %dma_wait3A_220 = tpu.memref_slice %arg16[%mul3A_207, %dma_wait3A_219] : memref<10240x64xf32, #tpu.memory_space<vmem_shared>> -> memref<640x64xf32, #tpu.memory_space<vmem_shared>>
      tpu.wait_dma2 semaphore(%run_scoped3A_210 : memref<!tpu.dma_semaphore, #tpu.memory_space<semaphore_mem>>) src(%dma_wait3A_220 : memref<640x64xf32, #tpu.memory_space<vmem_shared>>) dst(%dma_wait3A_218 : memref<640x64xf32, #tpu.memory_space<hbm>>)
      tpu.yield
    }) : () -> ()
    return
  }
}

#map = affine_map<(d0, d1) -> (0, 0)>
#map1 = affine_map<(d0, d1) -> (0, 0, 0)>
module attributes {stable_mosaic.version = 14 : i64} {
  func.func @deg(%arg0: i32, %arg1: i32, %arg2: memref<80x16xf32, #tpu.memory_space<hbm>>, %arg3: memref<32x125x80xi32, #tpu.memory_space<hbm>>, %arg4: memref<128x16xf32, #tpu.memory_space<hbm>>, %arg5: memref<2x10240x16xf32, #tpu.memory_space<hbm>>, %arg6: memref<125x80xi32, #tpu.memory_space<vmem>>, %arg7: memref<80x16xf32, #tpu.memory_space<vmem>>, %arg8: memref<128x16xf32, #tpu.memory_space<vmem>>, %arg9: memref<10240x16xf32, #tpu.memory_space<vmem_shared>>) attributes {dimension_semantics = [#tpu.dimension_semantics<core_parallel>, #tpu.dimension_semantics<subcore_parallel>], iteration_bounds = array<i64: 2, 16>, scalar_prefetch = 0 : i64, scratch_operands = 4 : i64, tpu.core_type = #tpu.core_type<sc_vector_subcore>, window_params = [{transform_indices = #map}, {transform_indices = #map1}, {transform_indices = #map}, {transform_indices = #map1}]} {
    %mul3A = arith.constant 16 : i32
    %mul3A_0 = arith.muli %arg0, %mul3A : i32
    %add3A = arith.addi %mul3A_0, %arg1 : i32
    "tpu.region"() ({
      %run_scoped3A = tpu.sem_alloc : memref<!tpu.dma_semaphore, #tpu.memory_space<semaphore_mem>>
      %dma_start3A = arith.constant 0 : i32
      %dma_start3A_31 = arith.constant 0 : i32
      %dma_start3A_32 = tpu.memref_slice %arg3[%add3A, %dma_start3A, %dma_start3A_31] : memref<32x125x80xi32, #tpu.memory_space<hbm>> -> memref<1x125x80xi32, #tpu.memory_space<hbm>>
      %dma_start3A_33 = tpu.memref_squeeze %dma_start3A_32 : memref<1x125x80xi32, #tpu.memory_space<hbm>> -> memref<125x80xi32, #tpu.memory_space<hbm>>
      %dma_start3A_34 = arith.constant 0 : i32
      %dma_start3A_35 = arith.constant 0 : i32
      %dma_start3A_36 = tpu.memref_slice %arg3[%add3A, %dma_start3A_34, %dma_start3A_35] : memref<32x125x80xi32, #tpu.memory_space<hbm>> -> memref<1x125x80xi32, #tpu.memory_space<hbm>>
      %dma_start3A_37 = tpu.memref_squeeze %dma_start3A_36 : memref<1x125x80xi32, #tpu.memory_space<hbm>> -> memref<125x80xi32, #tpu.memory_space<hbm>>
      tpu.enqueue_dma source(%dma_start3A_37 : memref<125x80xi32, #tpu.memory_space<hbm>>) target(%arg6 : memref<125x80xi32, #tpu.memory_space<vmem>>) target_semaphore(%run_scoped3A : memref<!tpu.dma_semaphore, #tpu.memory_space<semaphore_mem>>)
      %dma_wait3A = arith.constant 0 : i32
      %dma_wait3A_38 = arith.constant 0 : i32
      %dma_wait3A_39 = tpu.memref_slice %arg3[%add3A, %dma_wait3A, %dma_wait3A_38] : memref<32x125x80xi32, #tpu.memory_space<hbm>> -> memref<1x125x80xi32, #tpu.memory_space<hbm>>
      %dma_wait3A_40 = tpu.memref_squeeze %dma_wait3A_39 : memref<1x125x80xi32, #tpu.memory_space<hbm>> -> memref<125x80xi32, #tpu.memory_space<hbm>>
      %dma_wait3A_41 = arith.constant 0 : i32
      %dma_wait3A_42 = arith.constant 0 : i32
      %dma_wait3A_43 = tpu.memref_slice %arg3[%add3A, %dma_wait3A_41, %dma_wait3A_42] : memref<32x125x80xi32, #tpu.memory_space<hbm>> -> memref<1x125x80xi32, #tpu.memory_space<hbm>>
      %dma_wait3A_44 = tpu.memref_squeeze %dma_wait3A_43 : memref<1x125x80xi32, #tpu.memory_space<hbm>> -> memref<125x80xi32, #tpu.memory_space<hbm>>
      tpu.wait_dma2 semaphore(%run_scoped3A : memref<!tpu.dma_semaphore, #tpu.memory_space<semaphore_mem>>) src(%dma_wait3A_44 : memref<125x80xi32, #tpu.memory_space<hbm>>) dst(%arg6 : memref<125x80xi32, #tpu.memory_space<vmem>>)
      tpu.yield
    }) : () -> ()
    "tpu.region"() ({
      %run_scoped3A = tpu.sem_alloc : memref<!tpu.dma_semaphore, #tpu.memory_space<semaphore_mem>>
      tpu.enqueue_dma source(%arg2 : memref<80x16xf32, #tpu.memory_space<hbm>>) target(%arg7 : memref<80x16xf32, #tpu.memory_space<vmem>>) target_semaphore(%run_scoped3A : memref<!tpu.dma_semaphore, #tpu.memory_space<semaphore_mem>>)
      tpu.wait_dma2 semaphore(%run_scoped3A : memref<!tpu.dma_semaphore, #tpu.memory_space<semaphore_mem>>) src(%arg2 : memref<80x16xf32, #tpu.memory_space<hbm>>) dst(%arg7 : memref<80x16xf32, #tpu.memory_space<vmem>>)
      tpu.yield
    }) : () -> ()
    "tpu.region"() ({
      %run_scoped3A = tpu.sem_alloc : memref<!tpu.dma_semaphore, #tpu.memory_space<semaphore_mem>>
      tpu.enqueue_dma source(%arg4 : memref<128x16xf32, #tpu.memory_space<hbm>>) target(%arg8 : memref<128x16xf32, #tpu.memory_space<vmem>>) target_semaphore(%run_scoped3A : memref<!tpu.dma_semaphore, #tpu.memory_space<semaphore_mem>>)
      tpu.wait_dma2 semaphore(%run_scoped3A : memref<!tpu.dma_semaphore, #tpu.memory_space<semaphore_mem>>) src(%arg4 : memref<128x16xf32, #tpu.memory_space<hbm>>) dst(%arg8 : memref<128x16xf32, #tpu.memory_space<vmem>>)
      tpu.yield
    }) : () -> ()
    %mul3A_1 = arith.constant 640 : i32
    %mul3A_2 = arith.muli %arg1, %mul3A_1 : i32
    %add3A_3 = arith.constant 0 : i32
    %add3A_4 = arith.addi %mul3A_2, %add3A_3 : i32
    "tpu.region"() ({
      %run_scoped3A = tpu.sem_alloc : memref<!tpu.dma_semaphore, #tpu.memory_space<semaphore_mem>>
      %dma_start3A = arith.constant 0 : i32
      %dma_start3A_31 = tpu.memref_slice %arg9[%add3A_4, %dma_start3A] : memref<10240x16xf32, #tpu.memory_space<vmem_shared>> -> memref<128x16xf32, #tpu.memory_space<vmem_shared>>
      %dma_start3A_32 = arith.constant 0 : i32
      %dma_start3A_33 = tpu.memref_slice %arg9[%add3A_4, %dma_start3A_32] : memref<10240x16xf32, #tpu.memory_space<vmem_shared>> -> memref<128x16xf32, #tpu.memory_space<vmem_shared>>
      tpu.enqueue_dma source(%arg8 : memref<128x16xf32, #tpu.memory_space<vmem>>) target(%dma_start3A_33 : memref<128x16xf32, #tpu.memory_space<vmem_shared>>) target_semaphore(%run_scoped3A : memref<!tpu.dma_semaphore, #tpu.memory_space<semaphore_mem>>)
      %dma_wait3A = arith.constant 0 : i32
      %dma_wait3A_34 = tpu.memref_slice %arg9[%add3A_4, %dma_wait3A] : memref<10240x16xf32, #tpu.memory_space<vmem_shared>> -> memref<128x16xf32, #tpu.memory_space<vmem_shared>>
      %dma_wait3A_35 = arith.constant 0 : i32
      %dma_wait3A_36 = tpu.memref_slice %arg9[%add3A_4, %dma_wait3A_35] : memref<10240x16xf32, #tpu.memory_space<vmem_shared>> -> memref<128x16xf32, #tpu.memory_space<vmem_shared>>
      tpu.wait_dma2 semaphore(%run_scoped3A : memref<!tpu.dma_semaphore, #tpu.memory_space<semaphore_mem>>) src(%arg8 : memref<128x16xf32, #tpu.memory_space<vmem>>) dst(%dma_wait3A_36 : memref<128x16xf32, #tpu.memory_space<vmem_shared>>)
      tpu.yield
    }) : () -> ()
    %mul3A_5 = arith.constant 640 : i32
    %mul3A_6 = arith.muli %arg1, %mul3A_5 : i32
    %add3A_7 = arith.constant 128 : i32
    %add3A_8 = arith.addi %mul3A_6, %add3A_7 : i32
    "tpu.region"() ({
      %run_scoped3A = tpu.sem_alloc : memref<!tpu.dma_semaphore, #tpu.memory_space<semaphore_mem>>
      %dma_start3A = arith.constant 0 : i32
      %dma_start3A_31 = tpu.memref_slice %arg9[%add3A_8, %dma_start3A] : memref<10240x16xf32, #tpu.memory_space<vmem_shared>> -> memref<128x16xf32, #tpu.memory_space<vmem_shared>>
      %dma_start3A_32 = arith.constant 0 : i32
      %dma_start3A_33 = tpu.memref_slice %arg9[%add3A_8, %dma_start3A_32] : memref<10240x16xf32, #tpu.memory_space<vmem_shared>> -> memref<128x16xf32, #tpu.memory_space<vmem_shared>>
      tpu.enqueue_dma source(%arg8 : memref<128x16xf32, #tpu.memory_space<vmem>>) target(%dma_start3A_33 : memref<128x16xf32, #tpu.memory_space<vmem_shared>>) target_semaphore(%run_scoped3A : memref<!tpu.dma_semaphore, #tpu.memory_space<semaphore_mem>>)
      %dma_wait3A = arith.constant 0 : i32
      %dma_wait3A_34 = tpu.memref_slice %arg9[%add3A_8, %dma_wait3A] : memref<10240x16xf32, #tpu.memory_space<vmem_shared>> -> memref<128x16xf32, #tpu.memory_space<vmem_shared>>
      %dma_wait3A_35 = arith.constant 0 : i32
      %dma_wait3A_36 = tpu.memref_slice %arg9[%add3A_8, %dma_wait3A_35] : memref<10240x16xf32, #tpu.memory_space<vmem_shared>> -> memref<128x16xf32, #tpu.memory_space<vmem_shared>>
      tpu.wait_dma2 semaphore(%run_scoped3A : memref<!tpu.dma_semaphore, #tpu.memory_space<semaphore_mem>>) src(%arg8 : memref<128x16xf32, #tpu.memory_space<vmem>>) dst(%dma_wait3A_36 : memref<128x16xf32, #tpu.memory_space<vmem_shared>>)
      tpu.yield
    }) : () -> ()
    %mul3A_9 = arith.constant 640 : i32
    %mul3A_10 = arith.muli %arg1, %mul3A_9 : i32
    %add3A_11 = arith.constant 256 : i32
    %add3A_12 = arith.addi %mul3A_10, %add3A_11 : i32
    "tpu.region"() ({
      %run_scoped3A = tpu.sem_alloc : memref<!tpu.dma_semaphore, #tpu.memory_space<semaphore_mem>>
      %dma_start3A = arith.constant 0 : i32
      %dma_start3A_31 = tpu.memref_slice %arg9[%add3A_12, %dma_start3A] : memref<10240x16xf32, #tpu.memory_space<vmem_shared>> -> memref<128x16xf32, #tpu.memory_space<vmem_shared>>
      %dma_start3A_32 = arith.constant 0 : i32
      %dma_start3A_33 = tpu.memref_slice %arg9[%add3A_12, %dma_start3A_32] : memref<10240x16xf32, #tpu.memory_space<vmem_shared>> -> memref<128x16xf32, #tpu.memory_space<vmem_shared>>
      tpu.enqueue_dma source(%arg8 : memref<128x16xf32, #tpu.memory_space<vmem>>) target(%dma_start3A_33 : memref<128x16xf32, #tpu.memory_space<vmem_shared>>) target_semaphore(%run_scoped3A : memref<!tpu.dma_semaphore, #tpu.memory_space<semaphore_mem>>)
      %dma_wait3A = arith.constant 0 : i32
      %dma_wait3A_34 = tpu.memref_slice %arg9[%add3A_12, %dma_wait3A] : memref<10240x16xf32, #tpu.memory_space<vmem_shared>> -> memref<128x16xf32, #tpu.memory_space<vmem_shared>>
      %dma_wait3A_35 = arith.constant 0 : i32
      %dma_wait3A_36 = tpu.memref_slice %arg9[%add3A_12, %dma_wait3A_35] : memref<10240x16xf32, #tpu.memory_space<vmem_shared>> -> memref<128x16xf32, #tpu.memory_space<vmem_shared>>
      tpu.wait_dma2 semaphore(%run_scoped3A : memref<!tpu.dma_semaphore, #tpu.memory_space<semaphore_mem>>) src(%arg8 : memref<128x16xf32, #tpu.memory_space<vmem>>) dst(%dma_wait3A_36 : memref<128x16xf32, #tpu.memory_space<vmem_shared>>)
      tpu.yield
    }) : () -> ()
    %mul3A_13 = arith.constant 640 : i32
    %mul3A_14 = arith.muli %arg1, %mul3A_13 : i32
    %add3A_15 = arith.constant 384 : i32
    %add3A_16 = arith.addi %mul3A_14, %add3A_15 : i32
    "tpu.region"() ({
      %run_scoped3A = tpu.sem_alloc : memref<!tpu.dma_semaphore, #tpu.memory_space<semaphore_mem>>
      %dma_start3A = arith.constant 0 : i32
      %dma_start3A_31 = tpu.memref_slice %arg9[%add3A_16, %dma_start3A] : memref<10240x16xf32, #tpu.memory_space<vmem_shared>> -> memref<128x16xf32, #tpu.memory_space<vmem_shared>>
      %dma_start3A_32 = arith.constant 0 : i32
      %dma_start3A_33 = tpu.memref_slice %arg9[%add3A_16, %dma_start3A_32] : memref<10240x16xf32, #tpu.memory_space<vmem_shared>> -> memref<128x16xf32, #tpu.memory_space<vmem_shared>>
      tpu.enqueue_dma source(%arg8 : memref<128x16xf32, #tpu.memory_space<vmem>>) target(%dma_start3A_33 : memref<128x16xf32, #tpu.memory_space<vmem_shared>>) target_semaphore(%run_scoped3A : memref<!tpu.dma_semaphore, #tpu.memory_space<semaphore_mem>>)
      %dma_wait3A = arith.constant 0 : i32
      %dma_wait3A_34 = tpu.memref_slice %arg9[%add3A_16, %dma_wait3A] : memref<10240x16xf32, #tpu.memory_space<vmem_shared>> -> memref<128x16xf32, #tpu.memory_space<vmem_shared>>
      %dma_wait3A_35 = arith.constant 0 : i32
      %dma_wait3A_36 = tpu.memref_slice %arg9[%add3A_16, %dma_wait3A_35] : memref<10240x16xf32, #tpu.memory_space<vmem_shared>> -> memref<128x16xf32, #tpu.memory_space<vmem_shared>>
      tpu.wait_dma2 semaphore(%run_scoped3A : memref<!tpu.dma_semaphore, #tpu.memory_space<semaphore_mem>>) src(%arg8 : memref<128x16xf32, #tpu.memory_space<vmem>>) dst(%dma_wait3A_36 : memref<128x16xf32, #tpu.memory_space<vmem_shared>>)
      tpu.yield
    }) : () -> ()
    %mul3A_17 = arith.constant 640 : i32
    %mul3A_18 = arith.muli %arg1, %mul3A_17 : i32
    %add3A_19 = arith.constant 512 : i32
    %add3A_20 = arith.addi %mul3A_18, %add3A_19 : i32
    "tpu.region"() ({
      %run_scoped3A = tpu.sem_alloc : memref<!tpu.dma_semaphore, #tpu.memory_space<semaphore_mem>>
      %dma_start3A = arith.constant 0 : i32
      %dma_start3A_31 = tpu.memref_slice %arg9[%add3A_20, %dma_start3A] : memref<10240x16xf32, #tpu.memory_space<vmem_shared>> -> memref<128x16xf32, #tpu.memory_space<vmem_shared>>
      %dma_start3A_32 = arith.constant 0 : i32
      %dma_start3A_33 = tpu.memref_slice %arg9[%add3A_20, %dma_start3A_32] : memref<10240x16xf32, #tpu.memory_space<vmem_shared>> -> memref<128x16xf32, #tpu.memory_space<vmem_shared>>
      tpu.enqueue_dma source(%arg8 : memref<128x16xf32, #tpu.memory_space<vmem>>) target(%dma_start3A_33 : memref<128x16xf32, #tpu.memory_space<vmem_shared>>) target_semaphore(%run_scoped3A : memref<!tpu.dma_semaphore, #tpu.memory_space<semaphore_mem>>)
      %dma_wait3A = arith.constant 0 : i32
      %dma_wait3A_34 = tpu.memref_slice %arg9[%add3A_20, %dma_wait3A] : memref<10240x16xf32, #tpu.memory_space<vmem_shared>> -> memref<128x16xf32, #tpu.memory_space<vmem_shared>>
      %dma_wait3A_35 = arith.constant 0 : i32
      %dma_wait3A_36 = tpu.memref_slice %arg9[%add3A_20, %dma_wait3A_35] : memref<10240x16xf32, #tpu.memory_space<vmem_shared>> -> memref<128x16xf32, #tpu.memory_space<vmem_shared>>
      tpu.wait_dma2 semaphore(%run_scoped3A : memref<!tpu.dma_semaphore, #tpu.memory_space<semaphore_mem>>) src(%arg8 : memref<128x16xf32, #tpu.memory_space<vmem>>) dst(%dma_wait3A_36 : memref<128x16xf32, #tpu.memory_space<vmem_shared>>)
      tpu.yield
    }) : () -> ()
    %barrier3A = arith.constant 0 : index
    tpu.barrier barrier_id(%barrier3A)
    %scan3A = arith.constant 0 : i32
    %scan3A_21 = arith.constant 0 : i32
    %scan3A_22 = arith.constant 125 : i32
    %scan3A_23 = arith.addi %scan3A_21, %scan3A_22 : i32
    %scan3A_24 = arith.constant 1 : i32
    scf.for %scan3A_31 = %scan3A_21 to %scan3A_23 step %scan3A_24  : i32 {
      "tpu.region"() ({
        %run_scoped3A = tpu.sem_alloc : memref<!tpu.dma_semaphore, #tpu.memory_space<semaphore_mem>>
        %dma_start3A = arith.constant 0 : i32
        %dma_start3A_32 = tpu.memref_slice %arg6[%scan3A_31, %dma_start3A] : memref<125x80xi32, #tpu.memory_space<vmem>> -> memref<1x80xi32, #tpu.memory_space<vmem>>
        %dma_start3A_33 = tpu.memref_squeeze %dma_start3A_32 : memref<1x80xi32, #tpu.memory_space<vmem>> -> memref<80xi32, #tpu.memory_space<vmem>>
        %dma_start3A_34 = arith.constant 0 : i32
        %dma_start3A_35 = arith.constant 0 : i32
        %dma_start3A_36 = tpu.memref_slice %arg9[%dma_start3A_34, %dma_start3A_35] : memref<10240x16xf32, #tpu.memory_space<vmem_shared>> -> memref<10240x16xf32, #tpu.memory_space<vmem_shared>>
        tpu.enqueue_indirect_dma source(%arg7 : memref<80x16xf32, #tpu.memory_space<vmem>>) target(%dma_start3A_36 : memref<10240x16xf32, #tpu.memory_space<vmem_shared>>) offsets(%dma_start3A_33 : memref<80xi32, #tpu.memory_space<vmem>>) semaphore(%run_scoped3A : memref<!tpu.dma_semaphore, #tpu.memory_space<semaphore_mem>>) {add = true}
        %dma_wait3A = arith.constant 0 : i32
        %dma_wait3A_37 = tpu.memref_slice %arg6[%scan3A_31, %dma_wait3A] : memref<125x80xi32, #tpu.memory_space<vmem>> -> memref<1x80xi32, #tpu.memory_space<vmem>>
        %dma_wait3A_38 = tpu.memref_squeeze %dma_wait3A_37 : memref<1x80xi32, #tpu.memory_space<vmem>> -> memref<80xi32, #tpu.memory_space<vmem>>
        %dma_wait3A_39 = arith.constant 0 : i32
        %dma_wait3A_40 = arith.constant 0 : i32
        %dma_wait3A_41 = tpu.memref_slice %arg9[%dma_wait3A_39, %dma_wait3A_40] : memref<10240x16xf32, #tpu.memory_space<vmem_shared>> -> memref<10240x16xf32, #tpu.memory_space<vmem_shared>>
        tpu.wait_indirect_dma semaphore(%run_scoped3A : memref<!tpu.dma_semaphore, #tpu.memory_space<semaphore_mem>>) src(%arg7 : memref<80x16xf32, #tpu.memory_space<vmem>>) dst(%dma_wait3A_41 : memref<10240x16xf32, #tpu.memory_space<vmem_shared>>)
        tpu.yield
      }) : () -> ()
    }
    %scan3A_25 = arith.constant 125 : i32
    %barrier3A_26 = arith.constant 0 : index
    tpu.barrier barrier_id(%barrier3A_26)
    %mul3A_27 = arith.constant 640 : i32
    %mul3A_28 = arith.muli %arg1, %mul3A_27 : i32
    %mul3A_29 = arith.constant 640 : i32
    %mul3A_30 = arith.muli %arg1, %mul3A_29 : i32
    "tpu.region"() ({
      %run_scoped3A = tpu.sem_alloc : memref<!tpu.dma_semaphore, #tpu.memory_space<semaphore_mem>>
      %dma_start3A = arith.constant 0 : i32
      %dma_start3A_31 = tpu.memref_slice %arg5[%arg0, %mul3A_30, %dma_start3A] : memref<2x10240x16xf32, #tpu.memory_space<hbm>> -> memref<1x640x16xf32, #tpu.memory_space<hbm>>
      %dma_start3A_32 = tpu.memref_squeeze %dma_start3A_31 : memref<1x640x16xf32, #tpu.memory_space<hbm>> -> memref<640x16xf32, #tpu.memory_space<hbm>>
      %dma_start3A_33 = arith.constant 0 : i32
      %dma_start3A_34 = tpu.memref_slice %arg9[%mul3A_28, %dma_start3A_33] : memref<10240x16xf32, #tpu.memory_space<vmem_shared>> -> memref<640x16xf32, #tpu.memory_space<vmem_shared>>
      tpu.enqueue_dma source(%dma_start3A_34 : memref<640x16xf32, #tpu.memory_space<vmem_shared>>) target(%dma_start3A_32 : memref<640x16xf32, #tpu.memory_space<hbm>>) target_semaphore(%run_scoped3A : memref<!tpu.dma_semaphore, #tpu.memory_space<semaphore_mem>>)
      %dma_wait3A = arith.constant 0 : i32
      %dma_wait3A_35 = tpu.memref_slice %arg5[%arg0, %mul3A_30, %dma_wait3A] : memref<2x10240x16xf32, #tpu.memory_space<hbm>> -> memref<1x640x16xf32, #tpu.memory_space<hbm>>
      %dma_wait3A_36 = tpu.memref_squeeze %dma_wait3A_35 : memref<1x640x16xf32, #tpu.memory_space<hbm>> -> memref<640x16xf32, #tpu.memory_space<hbm>>
      %dma_wait3A_37 = arith.constant 0 : i32
      %dma_wait3A_38 = tpu.memref_slice %arg9[%mul3A_28, %dma_wait3A_37] : memref<10240x16xf32, #tpu.memory_space<vmem_shared>> -> memref<640x16xf32, #tpu.memory_space<vmem_shared>>
      tpu.wait_dma2 semaphore(%run_scoped3A : memref<!tpu.dma_semaphore, #tpu.memory_space<semaphore_mem>>) src(%dma_wait3A_38 : memref<640x16xf32, #tpu.memory_space<vmem_shared>>) dst(%dma_wait3A_36 : memref<640x16xf32, #tpu.memory_space<hbm>>)
      tpu.yield
    }) : () -> ()
    return
  }
}

#map = affine_map<(d0, d1) -> (0, 0)>
#map1 = affine_map<(d0, d1) -> (0, 0, 0)>
module attributes {stable_mosaic.version = 14 : i64} {
  func.func @prop(%arg0: i32, %arg1: i32, %arg2: memref<10000x16xf32, #tpu.memory_space<hbm>>, %arg3: memref<32x125x80xi32, #tpu.memory_space<hbm>>, %arg4: memref<32x125x80xi32, #tpu.memory_space<hbm>>, %arg5: memref<128x16xf32, #tpu.memory_space<hbm>>, %arg6: memref<2x10240x16xf32, #tpu.memory_space<hbm>>, %arg7: memref<125x80xi32, #tpu.memory_space<vmem>>, %arg8: memref<125x80xi32, #tpu.memory_space<vmem>>, %arg9: memref<80x16xf32, #tpu.memory_space<vmem>>, %arg10: memref<80x16xf32, #tpu.memory_space<vmem>>, %arg11: memref<80x16xf32, #tpu.memory_space<vmem>>, %arg12: memref<80x16xf32, #tpu.memory_space<vmem>>, %arg13: memref<128x16xf32, #tpu.memory_space<vmem>>, %arg14: memref<10240x16xf32, #tpu.memory_space<vmem_shared>>, %arg15: memref<!tpu.dma_semaphore, #tpu.memory_space<semaphore_mem>>, %arg16: memref<!tpu.dma_semaphore, #tpu.memory_space<semaphore_mem>>, %arg17: memref<!tpu.dma_semaphore, #tpu.memory_space<semaphore_mem>>, %arg18: memref<!tpu.dma_semaphore, #tpu.memory_space<semaphore_mem>>) attributes {dimension_semantics = [#tpu.dimension_semantics<core_parallel>, #tpu.dimension_semantics<subcore_parallel>], iteration_bounds = array<i64: 2, 16>, scalar_prefetch = 0 : i64, scratch_operands = 12 : i64, tpu.core_type = #tpu.core_type<sc_vector_subcore>, window_params = [{transform_indices = #map}, {transform_indices = #map1}, {transform_indices = #map1}, {transform_indices = #map}, {transform_indices = #map1}]} {
    %mul3A = arith.constant 16 : i32
    %mul3A_0 = arith.muli %arg0, %mul3A : i32
    %add3A = arith.addi %mul3A_0, %arg1 : i32
    "tpu.region"() ({
      %run_scoped3A_103 = tpu.sem_alloc : memref<!tpu.dma_semaphore, #tpu.memory_space<semaphore_mem>>
      %dma_start3A_104 = arith.constant 0 : i32
      %dma_start3A_105 = arith.constant 0 : i32
      %dma_start3A_106 = tpu.memref_slice %arg3[%add3A, %dma_start3A_104, %dma_start3A_105] : memref<32x125x80xi32, #tpu.memory_space<hbm>> -> memref<1x125x80xi32, #tpu.memory_space<hbm>>
      %dma_start3A_107 = tpu.memref_squeeze %dma_start3A_106 : memref<1x125x80xi32, #tpu.memory_space<hbm>> -> memref<125x80xi32, #tpu.memory_space<hbm>>
      %dma_start3A_108 = arith.constant 0 : i32
      %dma_start3A_109 = arith.constant 0 : i32
      %dma_start3A_110 = tpu.memref_slice %arg3[%add3A, %dma_start3A_108, %dma_start3A_109] : memref<32x125x80xi32, #tpu.memory_space<hbm>> -> memref<1x125x80xi32, #tpu.memory_space<hbm>>
      %dma_start3A_111 = tpu.memref_squeeze %dma_start3A_110 : memref<1x125x80xi32, #tpu.memory_space<hbm>> -> memref<125x80xi32, #tpu.memory_space<hbm>>
      tpu.enqueue_dma source(%dma_start3A_111 : memref<125x80xi32, #tpu.memory_space<hbm>>) target(%arg7 : memref<125x80xi32, #tpu.memory_space<vmem>>) target_semaphore(%run_scoped3A_103 : memref<!tpu.dma_semaphore, #tpu.memory_space<semaphore_mem>>)
      %dma_wait3A_112 = arith.constant 0 : i32
      %dma_wait3A_113 = arith.constant 0 : i32
      %dma_wait3A_114 = tpu.memref_slice %arg3[%add3A, %dma_wait3A_112, %dma_wait3A_113] : memref<32x125x80xi32, #tpu.memory_space<hbm>> -> memref<1x125x80xi32, #tpu.memory_space<hbm>>
      %dma_wait3A_115 = tpu.memref_squeeze %dma_wait3A_114 : memref<1x125x80xi32, #tpu.memory_space<hbm>> -> memref<125x80xi32, #tpu.memory_space<hbm>>
      %dma_wait3A_116 = arith.constant 0 : i32
      %dma_wait3A_117 = arith.constant 0 : i32
      %dma_wait3A_118 = tpu.memref_slice %arg3[%add3A, %dma_wait3A_116, %dma_wait3A_117] : memref<32x125x80xi32, #tpu.memory_space<hbm>> -> memref<1x125x80xi32, #tpu.memory_space<hbm>>
      %dma_wait3A_119 = tpu.memref_squeeze %dma_wait3A_118 : memref<1x125x80xi32, #tpu.memory_space<hbm>> -> memref<125x80xi32, #tpu.memory_space<hbm>>
      tpu.wait_dma2 semaphore(%run_scoped3A_103 : memref<!tpu.dma_semaphore, #tpu.memory_space<semaphore_mem>>) src(%dma_wait3A_119 : memref<125x80xi32, #tpu.memory_space<hbm>>) dst(%arg7 : memref<125x80xi32, #tpu.memory_space<vmem>>)
      tpu.yield
    }) : () -> ()
    "tpu.region"() ({
      %run_scoped3A_103 = tpu.sem_alloc : memref<!tpu.dma_semaphore, #tpu.memory_space<semaphore_mem>>
      %dma_start3A_104 = arith.constant 0 : i32
      %dma_start3A_105 = arith.constant 0 : i32
      %dma_start3A_106 = tpu.memref_slice %arg4[%add3A, %dma_start3A_104, %dma_start3A_105] : memref<32x125x80xi32, #tpu.memory_space<hbm>> -> memref<1x125x80xi32, #tpu.memory_space<hbm>>
      %dma_start3A_107 = tpu.memref_squeeze %dma_start3A_106 : memref<1x125x80xi32, #tpu.memory_space<hbm>> -> memref<125x80xi32, #tpu.memory_space<hbm>>
      %dma_start3A_108 = arith.constant 0 : i32
      %dma_start3A_109 = arith.constant 0 : i32
      %dma_start3A_110 = tpu.memref_slice %arg4[%add3A, %dma_start3A_108, %dma_start3A_109] : memref<32x125x80xi32, #tpu.memory_space<hbm>> -> memref<1x125x80xi32, #tpu.memory_space<hbm>>
      %dma_start3A_111 = tpu.memref_squeeze %dma_start3A_110 : memref<1x125x80xi32, #tpu.memory_space<hbm>> -> memref<125x80xi32, #tpu.memory_space<hbm>>
      tpu.enqueue_dma source(%dma_start3A_111 : memref<125x80xi32, #tpu.memory_space<hbm>>) target(%arg8 : memref<125x80xi32, #tpu.memory_space<vmem>>) target_semaphore(%run_scoped3A_103 : memref<!tpu.dma_semaphore, #tpu.memory_space<semaphore_mem>>)
      %dma_wait3A_112 = arith.constant 0 : i32
      %dma_wait3A_113 = arith.constant 0 : i32
      %dma_wait3A_114 = tpu.memref_slice %arg4[%add3A, %dma_wait3A_112, %dma_wait3A_113] : memref<32x125x80xi32, #tpu.memory_space<hbm>> -> memref<1x125x80xi32, #tpu.memory_space<hbm>>
      %dma_wait3A_115 = tpu.memref_squeeze %dma_wait3A_114 : memref<1x125x80xi32, #tpu.memory_space<hbm>> -> memref<125x80xi32, #tpu.memory_space<hbm>>
      %dma_wait3A_116 = arith.constant 0 : i32
      %dma_wait3A_117 = arith.constant 0 : i32
      %dma_wait3A_118 = tpu.memref_slice %arg4[%add3A, %dma_wait3A_116, %dma_wait3A_117] : memref<32x125x80xi32, #tpu.memory_space<hbm>> -> memref<1x125x80xi32, #tpu.memory_space<hbm>>
      %dma_wait3A_119 = tpu.memref_squeeze %dma_wait3A_118 : memref<1x125x80xi32, #tpu.memory_space<hbm>> -> memref<125x80xi32, #tpu.memory_space<hbm>>
      tpu.wait_dma2 semaphore(%run_scoped3A_103 : memref<!tpu.dma_semaphore, #tpu.memory_space<semaphore_mem>>) src(%dma_wait3A_119 : memref<125x80xi32, #tpu.memory_space<hbm>>) dst(%arg8 : memref<125x80xi32, #tpu.memory_space<vmem>>)
      tpu.yield
    }) : () -> ()
    "tpu.region"() ({
      %run_scoped3A_103 = tpu.sem_alloc : memref<!tpu.dma_semaphore, #tpu.memory_space<semaphore_mem>>
      tpu.enqueue_dma source(%arg5 : memref<128x16xf32, #tpu.memory_space<hbm>>) target(%arg13 : memref<128x16xf32, #tpu.memory_space<vmem>>) target_semaphore(%run_scoped3A_103 : memref<!tpu.dma_semaphore, #tpu.memory_space<semaphore_mem>>)
      tpu.wait_dma2 semaphore(%run_scoped3A_103 : memref<!tpu.dma_semaphore, #tpu.memory_space<semaphore_mem>>) src(%arg5 : memref<128x16xf32, #tpu.memory_space<hbm>>) dst(%arg13 : memref<128x16xf32, #tpu.memory_space<vmem>>)
      tpu.yield
    }) : () -> ()
    %mul3A_1 = arith.constant 640 : i32
    %mul3A_2 = arith.muli %arg1, %mul3A_1 : i32
    %add3A_3 = arith.constant 0 : i32
    %add3A_4 = arith.addi %mul3A_2, %add3A_3 : i32
    "tpu.region"() ({
      %run_scoped3A_103 = tpu.sem_alloc : memref<!tpu.dma_semaphore, #tpu.memory_space<semaphore_mem>>
      %dma_start3A_104 = arith.constant 0 : i32
      %dma_start3A_105 = tpu.memref_slice %arg14[%add3A_4, %dma_start3A_104] : memref<10240x16xf32, #tpu.memory_space<vmem_shared>> -> memref<128x16xf32, #tpu.memory_space<vmem_shared>>
      %dma_start3A_106 = arith.constant 0 : i32
      %dma_start3A_107 = tpu.memref_slice %arg14[%add3A_4, %dma_start3A_106] : memref<10240x16xf32, #tpu.memory_space<vmem_shared>> -> memref<128x16xf32, #tpu.memory_space<vmem_shared>>
      tpu.enqueue_dma source(%arg13 : memref<128x16xf32, #tpu.memory_space<vmem>>) target(%dma_start3A_107 : memref<128x16xf32, #tpu.memory_space<vmem_shared>>) target_semaphore(%run_scoped3A_103 : memref<!tpu.dma_semaphore, #tpu.memory_space<semaphore_mem>>)
      %dma_wait3A_108 = arith.constant 0 : i32
      %dma_wait3A_109 = tpu.memref_slice %arg14[%add3A_4, %dma_wait3A_108] : memref<10240x16xf32, #tpu.memory_space<vmem_shared>> -> memref<128x16xf32, #tpu.memory_space<vmem_shared>>
      %dma_wait3A_110 = arith.constant 0 : i32
      %dma_wait3A_111 = tpu.memref_slice %arg14[%add3A_4, %dma_wait3A_110] : memref<10240x16xf32, #tpu.memory_space<vmem_shared>> -> memref<128x16xf32, #tpu.memory_space<vmem_shared>>
      tpu.wait_dma2 semaphore(%run_scoped3A_103 : memref<!tpu.dma_semaphore, #tpu.memory_space<semaphore_mem>>) src(%arg13 : memref<128x16xf32, #tpu.memory_space<vmem>>) dst(%dma_wait3A_111 : memref<128x16xf32, #tpu.memory_space<vmem_shared>>)
      tpu.yield
    }) : () -> ()
    %mul3A_5 = arith.constant 640 : i32
    %mul3A_6 = arith.muli %arg1, %mul3A_5 : i32
    %add3A_7 = arith.constant 128 : i32
    %add3A_8 = arith.addi %mul3A_6, %add3A_7 : i32
    "tpu.region"() ({
      %run_scoped3A_103 = tpu.sem_alloc : memref<!tpu.dma_semaphore, #tpu.memory_space<semaphore_mem>>
      %dma_start3A_104 = arith.constant 0 : i32
      %dma_start3A_105 = tpu.memref_slice %arg14[%add3A_8, %dma_start3A_104] : memref<10240x16xf32, #tpu.memory_space<vmem_shared>> -> memref<128x16xf32, #tpu.memory_space<vmem_shared>>
      %dma_start3A_106 = arith.constant 0 : i32
      %dma_start3A_107 = tpu.memref_slice %arg14[%add3A_8, %dma_start3A_106] : memref<10240x16xf32, #tpu.memory_space<vmem_shared>> -> memref<128x16xf32, #tpu.memory_space<vmem_shared>>
      tpu.enqueue_dma source(%arg13 : memref<128x16xf32, #tpu.memory_space<vmem>>) target(%dma_start3A_107 : memref<128x16xf32, #tpu.memory_space<vmem_shared>>) target_semaphore(%run_scoped3A_103 : memref<!tpu.dma_semaphore, #tpu.memory_space<semaphore_mem>>)
      %dma_wait3A_108 = arith.constant 0 : i32
      %dma_wait3A_109 = tpu.memref_slice %arg14[%add3A_8, %dma_wait3A_108] : memref<10240x16xf32, #tpu.memory_space<vmem_shared>> -> memref<128x16xf32, #tpu.memory_space<vmem_shared>>
      %dma_wait3A_110 = arith.constant 0 : i32
      %dma_wait3A_111 = tpu.memref_slice %arg14[%add3A_8, %dma_wait3A_110] : memref<10240x16xf32, #tpu.memory_space<vmem_shared>> -> memref<128x16xf32, #tpu.memory_space<vmem_shared>>
      tpu.wait_dma2 semaphore(%run_scoped3A_103 : memref<!tpu.dma_semaphore, #tpu.memory_space<semaphore_mem>>) src(%arg13 : memref<128x16xf32, #tpu.memory_space<vmem>>) dst(%dma_wait3A_111 : memref<128x16xf32, #tpu.memory_space<vmem_shared>>)
      tpu.yield
    }) : () -> ()
    %mul3A_9 = arith.constant 640 : i32
    %mul3A_10 = arith.muli %arg1, %mul3A_9 : i32
    %add3A_11 = arith.constant 256 : i32
    %add3A_12 = arith.addi %mul3A_10, %add3A_11 : i32
    "tpu.region"() ({
      %run_scoped3A_103 = tpu.sem_alloc : memref<!tpu.dma_semaphore, #tpu.memory_space<semaphore_mem>>
      %dma_start3A_104 = arith.constant 0 : i32
      %dma_start3A_105 = tpu.memref_slice %arg14[%add3A_12, %dma_start3A_104] : memref<10240x16xf32, #tpu.memory_space<vmem_shared>> -> memref<128x16xf32, #tpu.memory_space<vmem_shared>>
      %dma_start3A_106 = arith.constant 0 : i32
      %dma_start3A_107 = tpu.memref_slice %arg14[%add3A_12, %dma_start3A_106] : memref<10240x16xf32, #tpu.memory_space<vmem_shared>> -> memref<128x16xf32, #tpu.memory_space<vmem_shared>>
      tpu.enqueue_dma source(%arg13 : memref<128x16xf32, #tpu.memory_space<vmem>>) target(%dma_start3A_107 : memref<128x16xf32, #tpu.memory_space<vmem_shared>>) target_semaphore(%run_scoped3A_103 : memref<!tpu.dma_semaphore, #tpu.memory_space<semaphore_mem>>)
      %dma_wait3A_108 = arith.constant 0 : i32
      %dma_wait3A_109 = tpu.memref_slice %arg14[%add3A_12, %dma_wait3A_108] : memref<10240x16xf32, #tpu.memory_space<vmem_shared>> -> memref<128x16xf32, #tpu.memory_space<vmem_shared>>
      %dma_wait3A_110 = arith.constant 0 : i32
      %dma_wait3A_111 = tpu.memref_slice %arg14[%add3A_12, %dma_wait3A_110] : memref<10240x16xf32, #tpu.memory_space<vmem_shared>> -> memref<128x16xf32, #tpu.memory_space<vmem_shared>>
      tpu.wait_dma2 semaphore(%run_scoped3A_103 : memref<!tpu.dma_semaphore, #tpu.memory_space<semaphore_mem>>) src(%arg13 : memref<128x16xf32, #tpu.memory_space<vmem>>) dst(%dma_wait3A_111 : memref<128x16xf32, #tpu.memory_space<vmem_shared>>)
      tpu.yield
    }) : () -> ()
    %mul3A_13 = arith.constant 640 : i32
    %mul3A_14 = arith.muli %arg1, %mul3A_13 : i32
    %add3A_15 = arith.constant 384 : i32
    %add3A_16 = arith.addi %mul3A_14, %add3A_15 : i32
    "tpu.region"() ({
      %run_scoped3A_103 = tpu.sem_alloc : memref<!tpu.dma_semaphore, #tpu.memory_space<semaphore_mem>>
      %dma_start3A_104 = arith.constant 0 : i32
      %dma_start3A_105 = tpu.memref_slice %arg14[%add3A_16, %dma_start3A_104] : memref<10240x16xf32, #tpu.memory_space<vmem_shared>> -> memref<128x16xf32, #tpu.memory_space<vmem_shared>>
      %dma_start3A_106 = arith.constant 0 : i32
      %dma_start3A_107 = tpu.memref_slice %arg14[%add3A_16, %dma_start3A_106] : memref<10240x16xf32, #tpu.memory_space<vmem_shared>> -> memref<128x16xf32, #tpu.memory_space<vmem_shared>>
      tpu.enqueue_dma source(%arg13 : memref<128x16xf32, #tpu.memory_space<vmem>>) target(%dma_start3A_107 : memref<128x16xf32, #tpu.memory_space<vmem_shared>>) target_semaphore(%run_scoped3A_103 : memref<!tpu.dma_semaphore, #tpu.memory_space<semaphore_mem>>)
      %dma_wait3A_108 = arith.constant 0 : i32
      %dma_wait3A_109 = tpu.memref_slice %arg14[%add3A_16, %dma_wait3A_108] : memref<10240x16xf32, #tpu.memory_space<vmem_shared>> -> memref<128x16xf32, #tpu.memory_space<vmem_shared>>
      %dma_wait3A_110 = arith.constant 0 : i32
      %dma_wait3A_111 = tpu.memref_slice %arg14[%add3A_16, %dma_wait3A_110] : memref<10240x16xf32, #tpu.memory_space<vmem_shared>> -> memref<128x16xf32, #tpu.memory_space<vmem_shared>>
      tpu.wait_dma2 semaphore(%run_scoped3A_103 : memref<!tpu.dma_semaphore, #tpu.memory_space<semaphore_mem>>) src(%arg13 : memref<128x16xf32, #tpu.memory_space<vmem>>) dst(%dma_wait3A_111 : memref<128x16xf32, #tpu.memory_space<vmem_shared>>)
      tpu.yield
    }) : () -> ()
    %mul3A_17 = arith.constant 640 : i32
    %mul3A_18 = arith.muli %arg1, %mul3A_17 : i32
    %add3A_19 = arith.constant 512 : i32
    %add3A_20 = arith.addi %mul3A_18, %add3A_19 : i32
    "tpu.region"() ({
      %run_scoped3A_103 = tpu.sem_alloc : memref<!tpu.dma_semaphore, #tpu.memory_space<semaphore_mem>>
      %dma_start3A_104 = arith.constant 0 : i32
      %dma_start3A_105 = tpu.memref_slice %arg14[%add3A_20, %dma_start3A_104] : memref<10240x16xf32, #tpu.memory_space<vmem_shared>> -> memref<128x16xf32, #tpu.memory_space<vmem_shared>>
      %dma_start3A_106 = arith.constant 0 : i32
      %dma_start3A_107 = tpu.memref_slice %arg14[%add3A_20, %dma_start3A_106] : memref<10240x16xf32, #tpu.memory_space<vmem_shared>> -> memref<128x16xf32, #tpu.memory_space<vmem_shared>>
      tpu.enqueue_dma source(%arg13 : memref<128x16xf32, #tpu.memory_space<vmem>>) target(%dma_start3A_107 : memref<128x16xf32, #tpu.memory_space<vmem_shared>>) target_semaphore(%run_scoped3A_103 : memref<!tpu.dma_semaphore, #tpu.memory_space<semaphore_mem>>)
      %dma_wait3A_108 = arith.constant 0 : i32
      %dma_wait3A_109 = tpu.memref_slice %arg14[%add3A_20, %dma_wait3A_108] : memref<10240x16xf32, #tpu.memory_space<vmem_shared>> -> memref<128x16xf32, #tpu.memory_space<vmem_shared>>
      %dma_wait3A_110 = arith.constant 0 : i32
      %dma_wait3A_111 = tpu.memref_slice %arg14[%add3A_20, %dma_wait3A_110] : memref<10240x16xf32, #tpu.memory_space<vmem_shared>> -> memref<128x16xf32, #tpu.memory_space<vmem_shared>>
      tpu.wait_dma2 semaphore(%run_scoped3A_103 : memref<!tpu.dma_semaphore, #tpu.memory_space<semaphore_mem>>) src(%arg13 : memref<128x16xf32, #tpu.memory_space<vmem>>) dst(%dma_wait3A_111 : memref<128x16xf32, #tpu.memory_space<vmem_shared>>)
      tpu.yield
    }) : () -> ()
    %barrier3A = arith.constant 0 : index
    tpu.barrier barrier_id(%barrier3A)
    %dma_start3A = arith.constant 0 : i32
    %dma_start3A_21 = arith.constant 0 : i32
    %dma_start3A_22 = tpu.memref_slice %arg7[%dma_start3A, %dma_start3A_21] : memref<125x80xi32, #tpu.memory_space<vmem>> -> memref<1x80xi32, #tpu.memory_space<vmem>>
    %dma_start3A_23 = tpu.memref_squeeze %dma_start3A_22 : memref<1x80xi32, #tpu.memory_space<vmem>> -> memref<80xi32, #tpu.memory_space<vmem>>
    %dma_start3A_24 = arith.constant 0 : i32
    %dma_start3A_25 = arith.constant 0 : i32
    %dma_start3A_26 = tpu.memref_slice %arg2[%dma_start3A_24, %dma_start3A_25] : memref<10000x16xf32, #tpu.memory_space<hbm>> -> memref<10000x16xf32, #tpu.memory_space<hbm>>
    tpu.enqueue_indirect_dma source(%dma_start3A_26 : memref<10000x16xf32, #tpu.memory_space<hbm>>) target(%arg9 : memref<80x16xf32, #tpu.memory_space<vmem>>) offsets(%dma_start3A_23 : memref<80xi32, #tpu.memory_space<vmem>>) semaphore(%arg15 : memref<!tpu.dma_semaphore, #tpu.memory_space<semaphore_mem>>)
    %dma_start3A_27 = arith.constant 1 : i32
    %dma_start3A_28 = arith.constant 0 : i32
    %dma_start3A_29 = tpu.memref_slice %arg7[%dma_start3A_27, %dma_start3A_28] : memref<125x80xi32, #tpu.memory_space<vmem>> -> memref<1x80xi32, #tpu.memory_space<vmem>>
    %dma_start3A_30 = tpu.memref_squeeze %dma_start3A_29 : memref<1x80xi32, #tpu.memory_space<vmem>> -> memref<80xi32, #tpu.memory_space<vmem>>
    %dma_start3A_31 = arith.constant 0 : i32
    %dma_start3A_32 = arith.constant 0 : i32
    %dma_start3A_33 = tpu.memref_slice %arg2[%dma_start3A_31, %dma_start3A_32] : memref<10000x16xf32, #tpu.memory_space<hbm>> -> memref<10000x16xf32, #tpu.memory_space<hbm>>
    tpu.enqueue_indirect_dma source(%dma_start3A_33 : memref<10000x16xf32, #tpu.memory_space<hbm>>) target(%arg10 : memref<80x16xf32, #tpu.memory_space<vmem>>) offsets(%dma_start3A_30 : memref<80xi32, #tpu.memory_space<vmem>>) semaphore(%arg16 : memref<!tpu.dma_semaphore, #tpu.memory_space<semaphore_mem>>)
    %dma_start3A_34 = arith.constant 2 : i32
    %dma_start3A_35 = arith.constant 0 : i32
    %dma_start3A_36 = tpu.memref_slice %arg7[%dma_start3A_34, %dma_start3A_35] : memref<125x80xi32, #tpu.memory_space<vmem>> -> memref<1x80xi32, #tpu.memory_space<vmem>>
    %dma_start3A_37 = tpu.memref_squeeze %dma_start3A_36 : memref<1x80xi32, #tpu.memory_space<vmem>> -> memref<80xi32, #tpu.memory_space<vmem>>
    %dma_start3A_38 = arith.constant 0 : i32
    %dma_start3A_39 = arith.constant 0 : i32
    %dma_start3A_40 = tpu.memref_slice %arg2[%dma_start3A_38, %dma_start3A_39] : memref<10000x16xf32, #tpu.memory_space<hbm>> -> memref<10000x16xf32, #tpu.memory_space<hbm>>
    tpu.enqueue_indirect_dma source(%dma_start3A_40 : memref<10000x16xf32, #tpu.memory_space<hbm>>) target(%arg11 : memref<80x16xf32, #tpu.memory_space<vmem>>) offsets(%dma_start3A_37 : memref<80xi32, #tpu.memory_space<vmem>>) semaphore(%arg17 : memref<!tpu.dma_semaphore, #tpu.memory_space<semaphore_mem>>)
    %dma_start3A_41 = arith.constant 3 : i32
    %dma_start3A_42 = arith.constant 0 : i32
    %dma_start3A_43 = tpu.memref_slice %arg7[%dma_start3A_41, %dma_start3A_42] : memref<125x80xi32, #tpu.memory_space<vmem>> -> memref<1x80xi32, #tpu.memory_space<vmem>>
    %dma_start3A_44 = tpu.memref_squeeze %dma_start3A_43 : memref<1x80xi32, #tpu.memory_space<vmem>> -> memref<80xi32, #tpu.memory_space<vmem>>
    %dma_start3A_45 = arith.constant 0 : i32
    %dma_start3A_46 = arith.constant 0 : i32
    %dma_start3A_47 = tpu.memref_slice %arg2[%dma_start3A_45, %dma_start3A_46] : memref<10000x16xf32, #tpu.memory_space<hbm>> -> memref<10000x16xf32, #tpu.memory_space<hbm>>
    tpu.enqueue_indirect_dma source(%dma_start3A_47 : memref<10000x16xf32, #tpu.memory_space<hbm>>) target(%arg12 : memref<80x16xf32, #tpu.memory_space<vmem>>) offsets(%dma_start3A_44 : memref<80xi32, #tpu.memory_space<vmem>>) semaphore(%arg18 : memref<!tpu.dma_semaphore, #tpu.memory_space<semaphore_mem>>)
    %scan3A = arith.constant 0 : i32
    %scan3A_48 = arith.constant 0 : i32
    %scan3A_49 = arith.constant 30 : i32
    %scan3A_50 = arith.addi %scan3A_48, %scan3A_49 : i32
    %scan3A_51 = arith.constant 1 : i32
    scf.for %scan3A_103 = %scan3A_48 to %scan3A_50 step %scan3A_51  : i32 {
      %dma_wait3A_104 = arith.constant 0 : i32
      %dma_wait3A_105 = arith.constant 0 : i32
      %dma_wait3A_106 = tpu.memref_slice %arg7[%dma_wait3A_104, %dma_wait3A_105] : memref<125x80xi32, #tpu.memory_space<vmem>> -> memref<1x80xi32, #tpu.memory_space<vmem>>
      %dma_wait3A_107 = tpu.memref_squeeze %dma_wait3A_106 : memref<1x80xi32, #tpu.memory_space<vmem>> -> memref<80xi32, #tpu.memory_space<vmem>>
      %dma_wait3A_108 = arith.constant 0 : i32
      %dma_wait3A_109 = arith.constant 0 : i32
      %dma_wait3A_110 = tpu.memref_slice %arg2[%dma_wait3A_108, %dma_wait3A_109] : memref<10000x16xf32, #tpu.memory_space<hbm>> -> memref<10000x16xf32, #tpu.memory_space<hbm>>
      tpu.wait_indirect_dma semaphore(%arg15 : memref<!tpu.dma_semaphore, #tpu.memory_space<semaphore_mem>>) src(%dma_wait3A_110 : memref<10000x16xf32, #tpu.memory_space<hbm>>) dst(%arg9 : memref<80x16xf32, #tpu.memory_space<vmem>>)
      %mul3A_111 = arith.constant 4 : i32
      %mul3A_112 = arith.muli %mul3A_111, %scan3A_103 : i32
      %add3A_113 = arith.constant 0 : i32
      %add3A_114 = arith.addi %mul3A_112, %add3A_113 : i32
      "tpu.region"() ({
        %run_scoped3A_196 = tpu.sem_alloc : memref<!tpu.dma_semaphore, #tpu.memory_space<semaphore_mem>>
        %dma_start3A_197 = arith.constant 0 : i32
        %dma_start3A_198 = tpu.memref_slice %arg8[%add3A_114, %dma_start3A_197] : memref<125x80xi32, #tpu.memory_space<vmem>> -> memref<1x80xi32, #tpu.memory_space<vmem>>
        %dma_start3A_199 = tpu.memref_squeeze %dma_start3A_198 : memref<1x80xi32, #tpu.memory_space<vmem>> -> memref<80xi32, #tpu.memory_space<vmem>>
        %dma_start3A_200 = arith.constant 0 : i32
        %dma_start3A_201 = arith.constant 0 : i32
        %dma_start3A_202 = tpu.memref_slice %arg14[%dma_start3A_200, %dma_start3A_201] : memref<10240x16xf32, #tpu.memory_space<vmem_shared>> -> memref<10240x16xf32, #tpu.memory_space<vmem_shared>>
        tpu.enqueue_indirect_dma source(%arg9 : memref<80x16xf32, #tpu.memory_space<vmem>>) target(%dma_start3A_202 : memref<10240x16xf32, #tpu.memory_space<vmem_shared>>) offsets(%dma_start3A_199 : memref<80xi32, #tpu.memory_space<vmem>>) semaphore(%run_scoped3A_196 : memref<!tpu.dma_semaphore, #tpu.memory_space<semaphore_mem>>) {add = true}
        %dma_wait3A_203 = arith.constant 0 : i32
        %dma_wait3A_204 = tpu.memref_slice %arg8[%add3A_114, %dma_wait3A_203] : memref<125x80xi32, #tpu.memory_space<vmem>> -> memref<1x80xi32, #tpu.memory_space<vmem>>
        %dma_wait3A_205 = tpu.memref_squeeze %dma_wait3A_204 : memref<1x80xi32, #tpu.memory_space<vmem>> -> memref<80xi32, #tpu.memory_space<vmem>>
        %dma_wait3A_206 = arith.constant 0 : i32
        %dma_wait3A_207 = arith.constant 0 : i32
        %dma_wait3A_208 = tpu.memref_slice %arg14[%dma_wait3A_206, %dma_wait3A_207] : memref<10240x16xf32, #tpu.memory_space<vmem_shared>> -> memref<10240x16xf32, #tpu.memory_space<vmem_shared>>
        tpu.wait_indirect_dma semaphore(%run_scoped3A_196 : memref<!tpu.dma_semaphore, #tpu.memory_space<semaphore_mem>>) src(%arg9 : memref<80x16xf32, #tpu.memory_space<vmem>>) dst(%dma_wait3A_208 : memref<10240x16xf32, #tpu.memory_space<vmem_shared>>)
        tpu.yield
      }) : () -> ()
      %add3A_115 = arith.constant 1 : i32
      %add3A_116 = arith.addi %scan3A_103, %add3A_115 : i32
      %mul3A_117 = arith.constant 4 : i32
      %mul3A_118 = arith.muli %mul3A_117, %add3A_116 : i32
      %add3A_119 = arith.constant 0 : i32
      %add3A_120 = arith.addi %mul3A_118, %add3A_119 : i32
      %dma_start3A_121 = arith.constant 0 : i32
      %dma_start3A_122 = tpu.memref_slice %arg7[%add3A_120, %dma_start3A_121] : memref<125x80xi32, #tpu.memory_space<vmem>> -> memref<1x80xi32, #tpu.memory_space<vmem>>
      %dma_start3A_123 = tpu.memref_squeeze %dma_start3A_122 : memref<1x80xi32, #tpu.memory_space<vmem>> -> memref<80xi32, #tpu.memory_space<vmem>>
      %dma_start3A_124 = arith.constant 0 : i32
      %dma_start3A_125 = arith.constant 0 : i32
      %dma_start3A_126 = tpu.memref_slice %arg2[%dma_start3A_124, %dma_start3A_125] : memref<10000x16xf32, #tpu.memory_space<hbm>> -> memref<10000x16xf32, #tpu.memory_space<hbm>>
      tpu.enqueue_indirect_dma source(%dma_start3A_126 : memref<10000x16xf32, #tpu.memory_space<hbm>>) target(%arg9 : memref<80x16xf32, #tpu.memory_space<vmem>>) offsets(%dma_start3A_123 : memref<80xi32, #tpu.memory_space<vmem>>) semaphore(%arg15 : memref<!tpu.dma_semaphore, #tpu.memory_space<semaphore_mem>>)
      %dma_wait3A_127 = arith.constant 0 : i32
      %dma_wait3A_128 = arith.constant 0 : i32
      %dma_wait3A_129 = tpu.memref_slice %arg7[%dma_wait3A_127, %dma_wait3A_128] : memref<125x80xi32, #tpu.memory_space<vmem>> -> memref<1x80xi32, #tpu.memory_space<vmem>>
      %dma_wait3A_130 = tpu.memref_squeeze %dma_wait3A_129 : memref<1x80xi32, #tpu.memory_space<vmem>> -> memref<80xi32, #tpu.memory_space<vmem>>
      %dma_wait3A_131 = arith.constant 0 : i32
      %dma_wait3A_132 = arith.constant 0 : i32
      %dma_wait3A_133 = tpu.memref_slice %arg2[%dma_wait3A_131, %dma_wait3A_132] : memref<10000x16xf32, #tpu.memory_space<hbm>> -> memref<10000x16xf32, #tpu.memory_space<hbm>>
      tpu.wait_indirect_dma semaphore(%arg16 : memref<!tpu.dma_semaphore, #tpu.memory_space<semaphore_mem>>) src(%dma_wait3A_133 : memref<10000x16xf32, #tpu.memory_space<hbm>>) dst(%arg10 : memref<80x16xf32, #tpu.memory_space<vmem>>)
      %mul3A_134 = arith.constant 4 : i32
      %mul3A_135 = arith.muli %mul3A_134, %scan3A_103 : i32
      %add3A_136 = arith.constant 1 : i32
      %add3A_137 = arith.addi %mul3A_135, %add3A_136 : i32
      "tpu.region"() ({
        %run_scoped3A_196 = tpu.sem_alloc : memref<!tpu.dma_semaphore, #tpu.memory_space<semaphore_mem>>
        %dma_start3A_197 = arith.constant 0 : i32
        %dma_start3A_198 = tpu.memref_slice %arg8[%add3A_137, %dma_start3A_197] : memref<125x80xi32, #tpu.memory_space<vmem>> -> memref<1x80xi32, #tpu.memory_space<vmem>>
        %dma_start3A_199 = tpu.memref_squeeze %dma_start3A_198 : memref<1x80xi32, #tpu.memory_space<vmem>> -> memref<80xi32, #tpu.memory_space<vmem>>
        %dma_start3A_200 = arith.constant 0 : i32
        %dma_start3A_201 = arith.constant 0 : i32
        %dma_start3A_202 = tpu.memref_slice %arg14[%dma_start3A_200, %dma_start3A_201] : memref<10240x16xf32, #tpu.memory_space<vmem_shared>> -> memref<10240x16xf32, #tpu.memory_space<vmem_shared>>
        tpu.enqueue_indirect_dma source(%arg10 : memref<80x16xf32, #tpu.memory_space<vmem>>) target(%dma_start3A_202 : memref<10240x16xf32, #tpu.memory_space<vmem_shared>>) offsets(%dma_start3A_199 : memref<80xi32, #tpu.memory_space<vmem>>) semaphore(%run_scoped3A_196 : memref<!tpu.dma_semaphore, #tpu.memory_space<semaphore_mem>>) {add = true}
        %dma_wait3A_203 = arith.constant 0 : i32
        %dma_wait3A_204 = tpu.memref_slice %arg8[%add3A_137, %dma_wait3A_203] : memref<125x80xi32, #tpu.memory_space<vmem>> -> memref<1x80xi32, #tpu.memory_space<vmem>>
        %dma_wait3A_205 = tpu.memref_squeeze %dma_wait3A_204 : memref<1x80xi32, #tpu.memory_space<vmem>> -> memref<80xi32, #tpu.memory_space<vmem>>
        %dma_wait3A_206 = arith.constant 0 : i32
        %dma_wait3A_207 = arith.constant 0 : i32
        %dma_wait3A_208 = tpu.memref_slice %arg14[%dma_wait3A_206, %dma_wait3A_207] : memref<10240x16xf32, #tpu.memory_space<vmem_shared>> -> memref<10240x16xf32, #tpu.memory_space<vmem_shared>>
        tpu.wait_indirect_dma semaphore(%run_scoped3A_196 : memref<!tpu.dma_semaphore, #tpu.memory_space<semaphore_mem>>) src(%arg10 : memref<80x16xf32, #tpu.memory_space<vmem>>) dst(%dma_wait3A_208 : memref<10240x16xf32, #tpu.memory_space<vmem_shared>>)
        tpu.yield
      }) : () -> ()
      %add3A_138 = arith.constant 1 : i32
      %add3A_139 = arith.addi %scan3A_103, %add3A_138 : i32
      %mul3A_140 = arith.constant 4 : i32
      %mul3A_141 = arith.muli %mul3A_140, %add3A_139 : i32
      %add3A_142 = arith.constant 1 : i32
      %add3A_143 = arith.addi %mul3A_141, %add3A_142 : i32
      %dma_start3A_144 = arith.constant 0 : i32
      %dma_start3A_145 = tpu.memref_slice %arg7[%add3A_143, %dma_start3A_144] : memref<125x80xi32, #tpu.memory_space<vmem>> -> memref<1x80xi32, #tpu.memory_space<vmem>>
      %dma_start3A_146 = tpu.memref_squeeze %dma_start3A_145 : memref<1x80xi32, #tpu.memory_space<vmem>> -> memref<80xi32, #tpu.memory_space<vmem>>
      %dma_start3A_147 = arith.constant 0 : i32
      %dma_start3A_148 = arith.constant 0 : i32
      %dma_start3A_149 = tpu.memref_slice %arg2[%dma_start3A_147, %dma_start3A_148] : memref<10000x16xf32, #tpu.memory_space<hbm>> -> memref<10000x16xf32, #tpu.memory_space<hbm>>
      tpu.enqueue_indirect_dma source(%dma_start3A_149 : memref<10000x16xf32, #tpu.memory_space<hbm>>) target(%arg10 : memref<80x16xf32, #tpu.memory_space<vmem>>) offsets(%dma_start3A_146 : memref<80xi32, #tpu.memory_space<vmem>>) semaphore(%arg16 : memref<!tpu.dma_semaphore, #tpu.memory_space<semaphore_mem>>)
      %dma_wait3A_150 = arith.constant 0 : i32
      %dma_wait3A_151 = arith.constant 0 : i32
      %dma_wait3A_152 = tpu.memref_slice %arg7[%dma_wait3A_150, %dma_wait3A_151] : memref<125x80xi32, #tpu.memory_space<vmem>> -> memref<1x80xi32, #tpu.memory_space<vmem>>
      %dma_wait3A_153 = tpu.memref_squeeze %dma_wait3A_152 : memref<1x80xi32, #tpu.memory_space<vmem>> -> memref<80xi32, #tpu.memory_space<vmem>>
      %dma_wait3A_154 = arith.constant 0 : i32
      %dma_wait3A_155 = arith.constant 0 : i32
      %dma_wait3A_156 = tpu.memref_slice %arg2[%dma_wait3A_154, %dma_wait3A_155] : memref<10000x16xf32, #tpu.memory_space<hbm>> -> memref<10000x16xf32, #tpu.memory_space<hbm>>
      tpu.wait_indirect_dma semaphore(%arg17 : memref<!tpu.dma_semaphore, #tpu.memory_space<semaphore_mem>>) src(%dma_wait3A_156 : memref<10000x16xf32, #tpu.memory_space<hbm>>) dst(%arg11 : memref<80x16xf32, #tpu.memory_space<vmem>>)
      %mul3A_157 = arith.constant 4 : i32
      %mul3A_158 = arith.muli %mul3A_157, %scan3A_103 : i32
      %add3A_159 = arith.constant 2 : i32
      %add3A_160 = arith.addi %mul3A_158, %add3A_159 : i32
      "tpu.region"() ({
        %run_scoped3A_196 = tpu.sem_alloc : memref<!tpu.dma_semaphore, #tpu.memory_space<semaphore_mem>>
        %dma_start3A_197 = arith.constant 0 : i32
        %dma_start3A_198 = tpu.memref_slice %arg8[%add3A_160, %dma_start3A_197] : memref<125x80xi32, #tpu.memory_space<vmem>> -> memref<1x80xi32, #tpu.memory_space<vmem>>
        %dma_start3A_199 = tpu.memref_squeeze %dma_start3A_198 : memref<1x80xi32, #tpu.memory_space<vmem>> -> memref<80xi32, #tpu.memory_space<vmem>>
        %dma_start3A_200 = arith.constant 0 : i32
        %dma_start3A_201 = arith.constant 0 : i32
        %dma_start3A_202 = tpu.memref_slice %arg14[%dma_start3A_200, %dma_start3A_201] : memref<10240x16xf32, #tpu.memory_space<vmem_shared>> -> memref<10240x16xf32, #tpu.memory_space<vmem_shared>>
        tpu.enqueue_indirect_dma source(%arg11 : memref<80x16xf32, #tpu.memory_space<vmem>>) target(%dma_start3A_202 : memref<10240x16xf32, #tpu.memory_space<vmem_shared>>) offsets(%dma_start3A_199 : memref<80xi32, #tpu.memory_space<vmem>>) semaphore(%run_scoped3A_196 : memref<!tpu.dma_semaphore, #tpu.memory_space<semaphore_mem>>) {add = true}
        %dma_wait3A_203 = arith.constant 0 : i32
        %dma_wait3A_204 = tpu.memref_slice %arg8[%add3A_160, %dma_wait3A_203] : memref<125x80xi32, #tpu.memory_space<vmem>> -> memref<1x80xi32, #tpu.memory_space<vmem>>
        %dma_wait3A_205 = tpu.memref_squeeze %dma_wait3A_204 : memref<1x80xi32, #tpu.memory_space<vmem>> -> memref<80xi32, #tpu.memory_space<vmem>>
        %dma_wait3A_206 = arith.constant 0 : i32
        %dma_wait3A_207 = arith.constant 0 : i32
        %dma_wait3A_208 = tpu.memref_slice %arg14[%dma_wait3A_206, %dma_wait3A_207] : memref<10240x16xf32, #tpu.memory_space<vmem_shared>> -> memref<10240x16xf32, #tpu.memory_space<vmem_shared>>
        tpu.wait_indirect_dma semaphore(%run_scoped3A_196 : memref<!tpu.dma_semaphore, #tpu.memory_space<semaphore_mem>>) src(%arg11 : memref<80x16xf32, #tpu.memory_space<vmem>>) dst(%dma_wait3A_208 : memref<10240x16xf32, #tpu.memory_space<vmem_shared>>)
        tpu.yield
      }) : () -> ()
      %add3A_161 = arith.constant 1 : i32
      %add3A_162 = arith.addi %scan3A_103, %add3A_161 : i32
      %mul3A_163 = arith.constant 4 : i32
      %mul3A_164 = arith.muli %mul3A_163, %add3A_162 : i32
      %add3A_165 = arith.constant 2 : i32
      %add3A_166 = arith.addi %mul3A_164, %add3A_165 : i32
      %dma_start3A_167 = arith.constant 0 : i32
      %dma_start3A_168 = tpu.memref_slice %arg7[%add3A_166, %dma_start3A_167] : memref<125x80xi32, #tpu.memory_space<vmem>> -> memref<1x80xi32, #tpu.memory_space<vmem>>
      %dma_start3A_169 = tpu.memref_squeeze %dma_start3A_168 : memref<1x80xi32, #tpu.memory_space<vmem>> -> memref<80xi32, #tpu.memory_space<vmem>>
      %dma_start3A_170 = arith.constant 0 : i32
      %dma_start3A_171 = arith.constant 0 : i32
      %dma_start3A_172 = tpu.memref_slice %arg2[%dma_start3A_170, %dma_start3A_171] : memref<10000x16xf32, #tpu.memory_space<hbm>> -> memref<10000x16xf32, #tpu.memory_space<hbm>>
      tpu.enqueue_indirect_dma source(%dma_start3A_172 : memref<10000x16xf32, #tpu.memory_space<hbm>>) target(%arg11 : memref<80x16xf32, #tpu.memory_space<vmem>>) offsets(%dma_start3A_169 : memref<80xi32, #tpu.memory_space<vmem>>) semaphore(%arg17 : memref<!tpu.dma_semaphore, #tpu.memory_space<semaphore_mem>>)
      %dma_wait3A_173 = arith.constant 0 : i32
      %dma_wait3A_174 = arith.constant 0 : i32
      %dma_wait3A_175 = tpu.memref_slice %arg7[%dma_wait3A_173, %dma_wait3A_174] : memref<125x80xi32, #tpu.memory_space<vmem>> -> memref<1x80xi32, #tpu.memory_space<vmem>>
      %dma_wait3A_176 = tpu.memref_squeeze %dma_wait3A_175 : memref<1x80xi32, #tpu.memory_space<vmem>> -> memref<80xi32, #tpu.memory_space<vmem>>
      %dma_wait3A_177 = arith.constant 0 : i32
      %dma_wait3A_178 = arith.constant 0 : i32
      %dma_wait3A_179 = tpu.memref_slice %arg2[%dma_wait3A_177, %dma_wait3A_178] : memref<10000x16xf32, #tpu.memory_space<hbm>> -> memref<10000x16xf32, #tpu.memory_space<hbm>>
      tpu.wait_indirect_dma semaphore(%arg18 : memref<!tpu.dma_semaphore, #tpu.memory_space<semaphore_mem>>) src(%dma_wait3A_179 : memref<10000x16xf32, #tpu.memory_space<hbm>>) dst(%arg12 : memref<80x16xf32, #tpu.memory_space<vmem>>)
      %mul3A_180 = arith.constant 4 : i32
      %mul3A_181 = arith.muli %mul3A_180, %scan3A_103 : i32
      %add3A_182 = arith.constant 3 : i32
      %add3A_183 = arith.addi %mul3A_181, %add3A_182 : i32
      "tpu.region"() ({
        %run_scoped3A_196 = tpu.sem_alloc : memref<!tpu.dma_semaphore, #tpu.memory_space<semaphore_mem>>
        %dma_start3A_197 = arith.constant 0 : i32
        %dma_start3A_198 = tpu.memref_slice %arg8[%add3A_183, %dma_start3A_197] : memref<125x80xi32, #tpu.memory_space<vmem>> -> memref<1x80xi32, #tpu.memory_space<vmem>>
        %dma_start3A_199 = tpu.memref_squeeze %dma_start3A_198 : memref<1x80xi32, #tpu.memory_space<vmem>> -> memref<80xi32, #tpu.memory_space<vmem>>
        %dma_start3A_200 = arith.constant 0 : i32
        %dma_start3A_201 = arith.constant 0 : i32
        %dma_start3A_202 = tpu.memref_slice %arg14[%dma_start3A_200, %dma_start3A_201] : memref<10240x16xf32, #tpu.memory_space<vmem_shared>> -> memref<10240x16xf32, #tpu.memory_space<vmem_shared>>
        tpu.enqueue_indirect_dma source(%arg12 : memref<80x16xf32, #tpu.memory_space<vmem>>) target(%dma_start3A_202 : memref<10240x16xf32, #tpu.memory_space<vmem_shared>>) offsets(%dma_start3A_199 : memref<80xi32, #tpu.memory_space<vmem>>) semaphore(%run_scoped3A_196 : memref<!tpu.dma_semaphore, #tpu.memory_space<semaphore_mem>>) {add = true}
        %dma_wait3A_203 = arith.constant 0 : i32
        %dma_wait3A_204 = tpu.memref_slice %arg8[%add3A_183, %dma_wait3A_203] : memref<125x80xi32, #tpu.memory_space<vmem>> -> memref<1x80xi32, #tpu.memory_space<vmem>>
        %dma_wait3A_205 = tpu.memref_squeeze %dma_wait3A_204 : memref<1x80xi32, #tpu.memory_space<vmem>> -> memref<80xi32, #tpu.memory_space<vmem>>
        %dma_wait3A_206 = arith.constant 0 : i32
        %dma_wait3A_207 = arith.constant 0 : i32
        %dma_wait3A_208 = tpu.memref_slice %arg14[%dma_wait3A_206, %dma_wait3A_207] : memref<10240x16xf32, #tpu.memory_space<vmem_shared>> -> memref<10240x16xf32, #tpu.memory_space<vmem_shared>>
        tpu.wait_indirect_dma semaphore(%run_scoped3A_196 : memref<!tpu.dma_semaphore, #tpu.memory_space<semaphore_mem>>) src(%arg12 : memref<80x16xf32, #tpu.memory_space<vmem>>) dst(%dma_wait3A_208 : memref<10240x16xf32, #tpu.memory_space<vmem_shared>>)
        tpu.yield
      }) : () -> ()
      %add3A_184 = arith.constant 1 : i32
      %add3A_185 = arith.addi %scan3A_103, %add3A_184 : i32
      %mul3A_186 = arith.constant 4 : i32
      %mul3A_187 = arith.muli %mul3A_186, %add3A_185 : i32
      %add3A_188 = arith.constant 3 : i32
      %add3A_189 = arith.addi %mul3A_187, %add3A_188 : i32
      %dma_start3A_190 = arith.constant 0 : i32
      %dma_start3A_191 = tpu.memref_slice %arg7[%add3A_189, %dma_start3A_190] : memref<125x80xi32, #tpu.memory_space<vmem>> -> memref<1x80xi32, #tpu.memory_space<vmem>>
      %dma_start3A_192 = tpu.memref_squeeze %dma_start3A_191 : memref<1x80xi32, #tpu.memory_space<vmem>> -> memref<80xi32, #tpu.memory_space<vmem>>
      %dma_start3A_193 = arith.constant 0 : i32
      %dma_start3A_194 = arith.constant 0 : i32
      %dma_start3A_195 = tpu.memref_slice %arg2[%dma_start3A_193, %dma_start3A_194] : memref<10000x16xf32, #tpu.memory_space<hbm>> -> memref<10000x16xf32, #tpu.memory_space<hbm>>
      tpu.enqueue_indirect_dma source(%dma_start3A_195 : memref<10000x16xf32, #tpu.memory_space<hbm>>) target(%arg12 : memref<80x16xf32, #tpu.memory_space<vmem>>) offsets(%dma_start3A_192 : memref<80xi32, #tpu.memory_space<vmem>>) semaphore(%arg18 : memref<!tpu.dma_semaphore, #tpu.memory_space<semaphore_mem>>)
    }
    %scan3A_52 = arith.constant 30 : i32
    %dma_wait3A = arith.constant 0 : i32
    %dma_wait3A_53 = arith.constant 0 : i32
    %dma_wait3A_54 = tpu.memref_slice %arg7[%dma_wait3A, %dma_wait3A_53] : memref<125x80xi32, #tpu.memory_space<vmem>> -> memref<1x80xi32, #tpu.memory_space<vmem>>
    %dma_wait3A_55 = tpu.memref_squeeze %dma_wait3A_54 : memref<1x80xi32, #tpu.memory_space<vmem>> -> memref<80xi32, #tpu.memory_space<vmem>>
    %dma_wait3A_56 = arith.constant 0 : i32
    %dma_wait3A_57 = arith.constant 0 : i32
    %dma_wait3A_58 = tpu.memref_slice %arg2[%dma_wait3A_56, %dma_wait3A_57] : memref<10000x16xf32, #tpu.memory_space<hbm>> -> memref<10000x16xf32, #tpu.memory_space<hbm>>
    tpu.wait_indirect_dma semaphore(%arg15 : memref<!tpu.dma_semaphore, #tpu.memory_space<semaphore_mem>>) src(%dma_wait3A_58 : memref<10000x16xf32, #tpu.memory_space<hbm>>) dst(%arg9 : memref<80x16xf32, #tpu.memory_space<vmem>>)
    %run_scoped3A = arith.constant 120 : i32
    "tpu.region"() ({
      %run_scoped3A_103 = tpu.sem_alloc : memref<!tpu.dma_semaphore, #tpu.memory_space<semaphore_mem>>
      %dma_start3A_104 = arith.constant 0 : i32
      %dma_start3A_105 = tpu.memref_slice %arg8[%run_scoped3A, %dma_start3A_104] : memref<125x80xi32, #tpu.memory_space<vmem>> -> memref<1x80xi32, #tpu.memory_space<vmem>>
      %dma_start3A_106 = tpu.memref_squeeze %dma_start3A_105 : memref<1x80xi32, #tpu.memory_space<vmem>> -> memref<80xi32, #tpu.memory_space<vmem>>
      %dma_start3A_107 = arith.constant 0 : i32
      %dma_start3A_108 = arith.constant 0 : i32
      %dma_start3A_109 = tpu.memref_slice %arg14[%dma_start3A_107, %dma_start3A_108] : memref<10240x16xf32, #tpu.memory_space<vmem_shared>> -> memref<10240x16xf32, #tpu.memory_space<vmem_shared>>
      tpu.enqueue_indirect_dma source(%arg9 : memref<80x16xf32, #tpu.memory_space<vmem>>) target(%dma_start3A_109 : memref<10240x16xf32, #tpu.memory_space<vmem_shared>>) offsets(%dma_start3A_106 : memref<80xi32, #tpu.memory_space<vmem>>) semaphore(%run_scoped3A_103 : memref<!tpu.dma_semaphore, #tpu.memory_space<semaphore_mem>>) {add = true}
      %dma_wait3A_110 = arith.constant 0 : i32
      %dma_wait3A_111 = tpu.memref_slice %arg8[%run_scoped3A, %dma_wait3A_110] : memref<125x80xi32, #tpu.memory_space<vmem>> -> memref<1x80xi32, #tpu.memory_space<vmem>>
      %dma_wait3A_112 = tpu.memref_squeeze %dma_wait3A_111 : memref<1x80xi32, #tpu.memory_space<vmem>> -> memref<80xi32, #tpu.memory_space<vmem>>
      %dma_wait3A_113 = arith.constant 0 : i32
      %dma_wait3A_114 = arith.constant 0 : i32
      %dma_wait3A_115 = tpu.memref_slice %arg14[%dma_wait3A_113, %dma_wait3A_114] : memref<10240x16xf32, #tpu.memory_space<vmem_shared>> -> memref<10240x16xf32, #tpu.memory_space<vmem_shared>>
      tpu.wait_indirect_dma semaphore(%run_scoped3A_103 : memref<!tpu.dma_semaphore, #tpu.memory_space<semaphore_mem>>) src(%arg9 : memref<80x16xf32, #tpu.memory_space<vmem>>) dst(%dma_wait3A_115 : memref<10240x16xf32, #tpu.memory_space<vmem_shared>>)
      tpu.yield
    }) : () -> ()
    %dma_wait3A_59 = arith.constant 0 : i32
    %dma_wait3A_60 = arith.constant 0 : i32
    %dma_wait3A_61 = tpu.memref_slice %arg7[%dma_wait3A_59, %dma_wait3A_60] : memref<125x80xi32, #tpu.memory_space<vmem>> -> memref<1x80xi32, #tpu.memory_space<vmem>>
    %dma_wait3A_62 = tpu.memref_squeeze %dma_wait3A_61 : memref<1x80xi32, #tpu.memory_space<vmem>> -> memref<80xi32, #tpu.memory_space<vmem>>
    %dma_wait3A_63 = arith.constant 0 : i32
    %dma_wait3A_64 = arith.constant 0 : i32
    %dma_wait3A_65 = tpu.memref_slice %arg2[%dma_wait3A_63, %dma_wait3A_64] : memref<10000x16xf32, #tpu.memory_space<hbm>> -> memref<10000x16xf32, #tpu.memory_space<hbm>>
    tpu.wait_indirect_dma semaphore(%arg16 : memref<!tpu.dma_semaphore, #tpu.memory_space<semaphore_mem>>) src(%dma_wait3A_65 : memref<10000x16xf32, #tpu.memory_space<hbm>>) dst(%arg10 : memref<80x16xf32, #tpu.memory_space<vmem>>)
    %run_scoped3A_66 = arith.constant 121 : i32
    "tpu.region"() ({
      %run_scoped3A_103 = tpu.sem_alloc : memref<!tpu.dma_semaphore, #tpu.memory_space<semaphore_mem>>
      %dma_start3A_104 = arith.constant 0 : i32
      %dma_start3A_105 = tpu.memref_slice %arg8[%run_scoped3A_66, %dma_start3A_104] : memref<125x80xi32, #tpu.memory_space<vmem>> -> memref<1x80xi32, #tpu.memory_space<vmem>>
      %dma_start3A_106 = tpu.memref_squeeze %dma_start3A_105 : memref<1x80xi32, #tpu.memory_space<vmem>> -> memref<80xi32, #tpu.memory_space<vmem>>
      %dma_start3A_107 = arith.constant 0 : i32
      %dma_start3A_108 = arith.constant 0 : i32
      %dma_start3A_109 = tpu.memref_slice %arg14[%dma_start3A_107, %dma_start3A_108] : memref<10240x16xf32, #tpu.memory_space<vmem_shared>> -> memref<10240x16xf32, #tpu.memory_space<vmem_shared>>
      tpu.enqueue_indirect_dma source(%arg10 : memref<80x16xf32, #tpu.memory_space<vmem>>) target(%dma_start3A_109 : memref<10240x16xf32, #tpu.memory_space<vmem_shared>>) offsets(%dma_start3A_106 : memref<80xi32, #tpu.memory_space<vmem>>) semaphore(%run_scoped3A_103 : memref<!tpu.dma_semaphore, #tpu.memory_space<semaphore_mem>>) {add = true}
      %dma_wait3A_110 = arith.constant 0 : i32
      %dma_wait3A_111 = tpu.memref_slice %arg8[%run_scoped3A_66, %dma_wait3A_110] : memref<125x80xi32, #tpu.memory_space<vmem>> -> memref<1x80xi32, #tpu.memory_space<vmem>>
      %dma_wait3A_112 = tpu.memref_squeeze %dma_wait3A_111 : memref<1x80xi32, #tpu.memory_space<vmem>> -> memref<80xi32, #tpu.memory_space<vmem>>
      %dma_wait3A_113 = arith.constant 0 : i32
      %dma_wait3A_114 = arith.constant 0 : i32
      %dma_wait3A_115 = tpu.memref_slice %arg14[%dma_wait3A_113, %dma_wait3A_114] : memref<10240x16xf32, #tpu.memory_space<vmem_shared>> -> memref<10240x16xf32, #tpu.memory_space<vmem_shared>>
      tpu.wait_indirect_dma semaphore(%run_scoped3A_103 : memref<!tpu.dma_semaphore, #tpu.memory_space<semaphore_mem>>) src(%arg10 : memref<80x16xf32, #tpu.memory_space<vmem>>) dst(%dma_wait3A_115 : memref<10240x16xf32, #tpu.memory_space<vmem_shared>>)
      tpu.yield
    }) : () -> ()
    %dma_wait3A_67 = arith.constant 0 : i32
    %dma_wait3A_68 = arith.constant 0 : i32
    %dma_wait3A_69 = tpu.memref_slice %arg7[%dma_wait3A_67, %dma_wait3A_68] : memref<125x80xi32, #tpu.memory_space<vmem>> -> memref<1x80xi32, #tpu.memory_space<vmem>>
    %dma_wait3A_70 = tpu.memref_squeeze %dma_wait3A_69 : memref<1x80xi32, #tpu.memory_space<vmem>> -> memref<80xi32, #tpu.memory_space<vmem>>
    %dma_wait3A_71 = arith.constant 0 : i32
    %dma_wait3A_72 = arith.constant 0 : i32
    %dma_wait3A_73 = tpu.memref_slice %arg2[%dma_wait3A_71, %dma_wait3A_72] : memref<10000x16xf32, #tpu.memory_space<hbm>> -> memref<10000x16xf32, #tpu.memory_space<hbm>>
    tpu.wait_indirect_dma semaphore(%arg17 : memref<!tpu.dma_semaphore, #tpu.memory_space<semaphore_mem>>) src(%dma_wait3A_73 : memref<10000x16xf32, #tpu.memory_space<hbm>>) dst(%arg11 : memref<80x16xf32, #tpu.memory_space<vmem>>)
    %run_scoped3A_74 = arith.constant 122 : i32
    "tpu.region"() ({
      %run_scoped3A_103 = tpu.sem_alloc : memref<!tpu.dma_semaphore, #tpu.memory_space<semaphore_mem>>
      %dma_start3A_104 = arith.constant 0 : i32
      %dma_start3A_105 = tpu.memref_slice %arg8[%run_scoped3A_74, %dma_start3A_104] : memref<125x80xi32, #tpu.memory_space<vmem>> -> memref<1x80xi32, #tpu.memory_space<vmem>>
      %dma_start3A_106 = tpu.memref_squeeze %dma_start3A_105 : memref<1x80xi32, #tpu.memory_space<vmem>> -> memref<80xi32, #tpu.memory_space<vmem>>
      %dma_start3A_107 = arith.constant 0 : i32
      %dma_start3A_108 = arith.constant 0 : i32
      %dma_start3A_109 = tpu.memref_slice %arg14[%dma_start3A_107, %dma_start3A_108] : memref<10240x16xf32, #tpu.memory_space<vmem_shared>> -> memref<10240x16xf32, #tpu.memory_space<vmem_shared>>
      tpu.enqueue_indirect_dma source(%arg11 : memref<80x16xf32, #tpu.memory_space<vmem>>) target(%dma_start3A_109 : memref<10240x16xf32, #tpu.memory_space<vmem_shared>>) offsets(%dma_start3A_106 : memref<80xi32, #tpu.memory_space<vmem>>) semaphore(%run_scoped3A_103 : memref<!tpu.dma_semaphore, #tpu.memory_space<semaphore_mem>>) {add = true}
      %dma_wait3A_110 = arith.constant 0 : i32
      %dma_wait3A_111 = tpu.memref_slice %arg8[%run_scoped3A_74, %dma_wait3A_110] : memref<125x80xi32, #tpu.memory_space<vmem>> -> memref<1x80xi32, #tpu.memory_space<vmem>>
      %dma_wait3A_112 = tpu.memref_squeeze %dma_wait3A_111 : memref<1x80xi32, #tpu.memory_space<vmem>> -> memref<80xi32, #tpu.memory_space<vmem>>
      %dma_wait3A_113 = arith.constant 0 : i32
      %dma_wait3A_114 = arith.constant 0 : i32
      %dma_wait3A_115 = tpu.memref_slice %arg14[%dma_wait3A_113, %dma_wait3A_114] : memref<10240x16xf32, #tpu.memory_space<vmem_shared>> -> memref<10240x16xf32, #tpu.memory_space<vmem_shared>>
      tpu.wait_indirect_dma semaphore(%run_scoped3A_103 : memref<!tpu.dma_semaphore, #tpu.memory_space<semaphore_mem>>) src(%arg11 : memref<80x16xf32, #tpu.memory_space<vmem>>) dst(%dma_wait3A_115 : memref<10240x16xf32, #tpu.memory_space<vmem_shared>>)
      tpu.yield
    }) : () -> ()
    %dma_wait3A_75 = arith.constant 0 : i32
    %dma_wait3A_76 = arith.constant 0 : i32
    %dma_wait3A_77 = tpu.memref_slice %arg7[%dma_wait3A_75, %dma_wait3A_76] : memref<125x80xi32, #tpu.memory_space<vmem>> -> memref<1x80xi32, #tpu.memory_space<vmem>>
    %dma_wait3A_78 = tpu.memref_squeeze %dma_wait3A_77 : memref<1x80xi32, #tpu.memory_space<vmem>> -> memref<80xi32, #tpu.memory_space<vmem>>
    %dma_wait3A_79 = arith.constant 0 : i32
    %dma_wait3A_80 = arith.constant 0 : i32
    %dma_wait3A_81 = tpu.memref_slice %arg2[%dma_wait3A_79, %dma_wait3A_80] : memref<10000x16xf32, #tpu.memory_space<hbm>> -> memref<10000x16xf32, #tpu.memory_space<hbm>>
    tpu.wait_indirect_dma semaphore(%arg18 : memref<!tpu.dma_semaphore, #tpu.memory_space<semaphore_mem>>) src(%dma_wait3A_81 : memref<10000x16xf32, #tpu.memory_space<hbm>>) dst(%arg12 : memref<80x16xf32, #tpu.memory_space<vmem>>)
    %run_scoped3A_82 = arith.constant 123 : i32
    "tpu.region"() ({
      %run_scoped3A_103 = tpu.sem_alloc : memref<!tpu.dma_semaphore, #tpu.memory_space<semaphore_mem>>
      %dma_start3A_104 = arith.constant 0 : i32
      %dma_start3A_105 = tpu.memref_slice %arg8[%run_scoped3A_82, %dma_start3A_104] : memref<125x80xi32, #tpu.memory_space<vmem>> -> memref<1x80xi32, #tpu.memory_space<vmem>>
      %dma_start3A_106 = tpu.memref_squeeze %dma_start3A_105 : memref<1x80xi32, #tpu.memory_space<vmem>> -> memref<80xi32, #tpu.memory_space<vmem>>
      %dma_start3A_107 = arith.constant 0 : i32
      %dma_start3A_108 = arith.constant 0 : i32
      %dma_start3A_109 = tpu.memref_slice %arg14[%dma_start3A_107, %dma_start3A_108] : memref<10240x16xf32, #tpu.memory_space<vmem_shared>> -> memref<10240x16xf32, #tpu.memory_space<vmem_shared>>
      tpu.enqueue_indirect_dma source(%arg12 : memref<80x16xf32, #tpu.memory_space<vmem>>) target(%dma_start3A_109 : memref<10240x16xf32, #tpu.memory_space<vmem_shared>>) offsets(%dma_start3A_106 : memref<80xi32, #tpu.memory_space<vmem>>) semaphore(%run_scoped3A_103 : memref<!tpu.dma_semaphore, #tpu.memory_space<semaphore_mem>>) {add = true}
      %dma_wait3A_110 = arith.constant 0 : i32
      %dma_wait3A_111 = tpu.memref_slice %arg8[%run_scoped3A_82, %dma_wait3A_110] : memref<125x80xi32, #tpu.memory_space<vmem>> -> memref<1x80xi32, #tpu.memory_space<vmem>>
      %dma_wait3A_112 = tpu.memref_squeeze %dma_wait3A_111 : memref<1x80xi32, #tpu.memory_space<vmem>> -> memref<80xi32, #tpu.memory_space<vmem>>
      %dma_wait3A_113 = arith.constant 0 : i32
      %dma_wait3A_114 = arith.constant 0 : i32
      %dma_wait3A_115 = tpu.memref_slice %arg14[%dma_wait3A_113, %dma_wait3A_114] : memref<10240x16xf32, #tpu.memory_space<vmem_shared>> -> memref<10240x16xf32, #tpu.memory_space<vmem_shared>>
      tpu.wait_indirect_dma semaphore(%run_scoped3A_103 : memref<!tpu.dma_semaphore, #tpu.memory_space<semaphore_mem>>) src(%arg12 : memref<80x16xf32, #tpu.memory_space<vmem>>) dst(%dma_wait3A_115 : memref<10240x16xf32, #tpu.memory_space<vmem_shared>>)
      tpu.yield
    }) : () -> ()
    %dma_start3A_83 = arith.constant 124 : i32
    %dma_start3A_84 = arith.constant 0 : i32
    %dma_start3A_85 = tpu.memref_slice %arg7[%dma_start3A_83, %dma_start3A_84] : memref<125x80xi32, #tpu.memory_space<vmem>> -> memref<1x80xi32, #tpu.memory_space<vmem>>
    %dma_start3A_86 = tpu.memref_squeeze %dma_start3A_85 : memref<1x80xi32, #tpu.memory_space<vmem>> -> memref<80xi32, #tpu.memory_space<vmem>>
    %dma_start3A_87 = arith.constant 0 : i32
    %dma_start3A_88 = arith.constant 0 : i32
    %dma_start3A_89 = tpu.memref_slice %arg2[%dma_start3A_87, %dma_start3A_88] : memref<10000x16xf32, #tpu.memory_space<hbm>> -> memref<10000x16xf32, #tpu.memory_space<hbm>>
    tpu.enqueue_indirect_dma source(%dma_start3A_89 : memref<10000x16xf32, #tpu.memory_space<hbm>>) target(%arg9 : memref<80x16xf32, #tpu.memory_space<vmem>>) offsets(%dma_start3A_86 : memref<80xi32, #tpu.memory_space<vmem>>) semaphore(%arg15 : memref<!tpu.dma_semaphore, #tpu.memory_space<semaphore_mem>>)
    %dma_wait3A_90 = arith.constant 0 : i32
    %dma_wait3A_91 = arith.constant 0 : i32
    %dma_wait3A_92 = tpu.memref_slice %arg7[%dma_wait3A_90, %dma_wait3A_91] : memref<125x80xi32, #tpu.memory_space<vmem>> -> memref<1x80xi32, #tpu.memory_space<vmem>>
    %dma_wait3A_93 = tpu.memref_squeeze %dma_wait3A_92 : memref<1x80xi32, #tpu.memory_space<vmem>> -> memref<80xi32, #tpu.memory_space<vmem>>
    %dma_wait3A_94 = arith.constant 0 : i32
    %dma_wait3A_95 = arith.constant 0 : i32
    %dma_wait3A_96 = tpu.memref_slice %arg2[%dma_wait3A_94, %dma_wait3A_95] : memref<10000x16xf32, #tpu.memory_space<hbm>> -> memref<10000x16xf32, #tpu.memory_space<hbm>>
    tpu.wait_indirect_dma semaphore(%arg15 : memref<!tpu.dma_semaphore, #tpu.memory_space<semaphore_mem>>) src(%dma_wait3A_96 : memref<10000x16xf32, #tpu.memory_space<hbm>>) dst(%arg9 : memref<80x16xf32, #tpu.memory_space<vmem>>)
    %run_scoped3A_97 = arith.constant 124 : i32
    "tpu.region"() ({
      %run_scoped3A_103 = tpu.sem_alloc : memref<!tpu.dma_semaphore, #tpu.memory_space<semaphore_mem>>
      %dma_start3A_104 = arith.constant 0 : i32
      %dma_start3A_105 = tpu.memref_slice %arg8[%run_scoped3A_97, %dma_start3A_104] : memref<125x80xi32, #tpu.memory_space<vmem>> -> memref<1x80xi32, #tpu.memory_space<vmem>>
      %dma_start3A_106 = tpu.memref_squeeze %dma_start3A_105 : memref<1x80xi32, #tpu.memory_space<vmem>> -> memref<80xi32, #tpu.memory_space<vmem>>
      %dma_start3A_107 = arith.constant 0 : i32
      %dma_start3A_108 = arith.constant 0 : i32
      %dma_start3A_109 = tpu.memref_slice %arg14[%dma_start3A_107, %dma_start3A_108] : memref<10240x16xf32, #tpu.memory_space<vmem_shared>> -> memref<10240x16xf32, #tpu.memory_space<vmem_shared>>
      tpu.enqueue_indirect_dma source(%arg9 : memref<80x16xf32, #tpu.memory_space<vmem>>) target(%dma_start3A_109 : memref<10240x16xf32, #tpu.memory_space<vmem_shared>>) offsets(%dma_start3A_106 : memref<80xi32, #tpu.memory_space<vmem>>) semaphore(%run_scoped3A_103 : memref<!tpu.dma_semaphore, #tpu.memory_space<semaphore_mem>>) {add = true}
      %dma_wait3A_110 = arith.constant 0 : i32
      %dma_wait3A_111 = tpu.memref_slice %arg8[%run_scoped3A_97, %dma_wait3A_110] : memref<125x80xi32, #tpu.memory_space<vmem>> -> memref<1x80xi32, #tpu.memory_space<vmem>>
      %dma_wait3A_112 = tpu.memref_squeeze %dma_wait3A_111 : memref<1x80xi32, #tpu.memory_space<vmem>> -> memref<80xi32, #tpu.memory_space<vmem>>
      %dma_wait3A_113 = arith.constant 0 : i32
      %dma_wait3A_114 = arith.constant 0 : i32
      %dma_wait3A_115 = tpu.memref_slice %arg14[%dma_wait3A_113, %dma_wait3A_114] : memref<10240x16xf32, #tpu.memory_space<vmem_shared>> -> memref<10240x16xf32, #tpu.memory_space<vmem_shared>>
      tpu.wait_indirect_dma semaphore(%run_scoped3A_103 : memref<!tpu.dma_semaphore, #tpu.memory_space<semaphore_mem>>) src(%arg9 : memref<80x16xf32, #tpu.memory_space<vmem>>) dst(%dma_wait3A_115 : memref<10240x16xf32, #tpu.memory_space<vmem_shared>>)
      tpu.yield
    }) : () -> ()
    %barrier3A_98 = arith.constant 0 : index
    tpu.barrier barrier_id(%barrier3A_98)
    %mul3A_99 = arith.constant 640 : i32
    %mul3A_100 = arith.muli %arg1, %mul3A_99 : i32
    %mul3A_101 = arith.constant 640 : i32
    %mul3A_102 = arith.muli %arg1, %mul3A_101 : i32
    "tpu.region"() ({
      %run_scoped3A_103 = tpu.sem_alloc : memref<!tpu.dma_semaphore, #tpu.memory_space<semaphore_mem>>
      %dma_start3A_104 = arith.constant 0 : i32
      %dma_start3A_105 = tpu.memref_slice %arg6[%arg0, %mul3A_102, %dma_start3A_104] : memref<2x10240x16xf32, #tpu.memory_space<hbm>> -> memref<1x640x16xf32, #tpu.memory_space<hbm>>
      %dma_start3A_106 = tpu.memref_squeeze %dma_start3A_105 : memref<1x640x16xf32, #tpu.memory_space<hbm>> -> memref<640x16xf32, #tpu.memory_space<hbm>>
      %dma_start3A_107 = arith.constant 0 : i32
      %dma_start3A_108 = tpu.memref_slice %arg14[%mul3A_100, %dma_start3A_107] : memref<10240x16xf32, #tpu.memory_space<vmem_shared>> -> memref<640x16xf32, #tpu.memory_space<vmem_shared>>
      tpu.enqueue_dma source(%dma_start3A_108 : memref<640x16xf32, #tpu.memory_space<vmem_shared>>) target(%dma_start3A_106 : memref<640x16xf32, #tpu.memory_space<hbm>>) target_semaphore(%run_scoped3A_103 : memref<!tpu.dma_semaphore, #tpu.memory_space<semaphore_mem>>)
      %dma_wait3A_109 = arith.constant 0 : i32
      %dma_wait3A_110 = tpu.memref_slice %arg6[%arg0, %mul3A_102, %dma_wait3A_109] : memref<2x10240x16xf32, #tpu.memory_space<hbm>> -> memref<1x640x16xf32, #tpu.memory_space<hbm>>
      %dma_wait3A_111 = tpu.memref_squeeze %dma_wait3A_110 : memref<1x640x16xf32, #tpu.memory_space<hbm>> -> memref<640x16xf32, #tpu.memory_space<hbm>>
      %dma_wait3A_112 = arith.constant 0 : i32
      %dma_wait3A_113 = tpu.memref_slice %arg14[%mul3A_100, %dma_wait3A_112] : memref<10240x16xf32, #tpu.memory_space<vmem_shared>> -> memref<640x16xf32, #tpu.memory_space<vmem_shared>>
      tpu.wait_dma2 semaphore(%run_scoped3A_103 : memref<!tpu.dma_semaphore, #tpu.memory_space<semaphore_mem>>) src(%dma_wait3A_113 : memref<640x16xf32, #tpu.memory_space<vmem_shared>>) dst(%dma_wait3A_111 : memref<640x16xf32, #tpu.memory_space<hbm>>)
      tpu.yield
    }) : () -> ()
    return
  }
}

#map = affine_map<(d0, d1) -> (0, 0)>
#map1 = affine_map<(d0, d1) -> (0, 0, 0)>
module attributes {stable_mosaic.version = 14 : i64} {
  func.func @prop(%arg0: i32, %arg1: i32, %arg2: memref<10000x64xf32, #tpu.memory_space<hbm>>, %arg3: memref<10000x64xf32, #tpu.memory_space<hbm>>, %arg4: memref<32x125x80xi32, #tpu.memory_space<hbm>>, %arg5: memref<32x125x80xi32, #tpu.memory_space<hbm>>, %arg6: memref<128x64xf32, #tpu.memory_space<hbm>>, %arg7: memref<2x10240x64xf32, #tpu.memory_space<hbm>>, %arg8: memref<2x10240x64xf32, #tpu.memory_space<hbm>>, %arg9: memref<125x80xi32, #tpu.memory_space<vmem>>, %arg10: memref<125x80xi32, #tpu.memory_space<vmem>>, %arg11: memref<80x64xf32, #tpu.memory_space<vmem>>, %arg12: memref<80x64xf32, #tpu.memory_space<vmem>>, %arg13: memref<80x64xf32, #tpu.memory_space<vmem>>, %arg14: memref<80x64xf32, #tpu.memory_space<vmem>>, %arg15: memref<128x64xf32, #tpu.memory_space<vmem>>, %arg16: memref<10240x64xf32, #tpu.memory_space<vmem_shared>>, %arg17: memref<!tpu.dma_semaphore, #tpu.memory_space<semaphore_mem>>, %arg18: memref<!tpu.dma_semaphore, #tpu.memory_space<semaphore_mem>>, %arg19: memref<!tpu.dma_semaphore, #tpu.memory_space<semaphore_mem>>, %arg20: memref<!tpu.dma_semaphore, #tpu.memory_space<semaphore_mem>>) attributes {dimension_semantics = [#tpu.dimension_semantics<core_parallel>, #tpu.dimension_semantics<subcore_parallel>], iteration_bounds = array<i64: 2, 16>, scalar_prefetch = 0 : i64, scratch_operands = 12 : i64, tpu.core_type = #tpu.core_type<sc_vector_subcore>, window_params = [{transform_indices = #map}, {transform_indices = #map}, {transform_indices = #map1}, {transform_indices = #map1}, {transform_indices = #map}, {transform_indices = #map1}, {transform_indices = #map1}]} {
    %mul3A = arith.constant 16 : i32
    %mul3A_0 = arith.muli %arg0, %mul3A : i32
    %add3A = arith.addi %mul3A_0, %arg1 : i32
    "tpu.region"() ({
      %run_scoped3A_210 = tpu.sem_alloc : memref<!tpu.dma_semaphore, #tpu.memory_space<semaphore_mem>>
      %dma_start3A_211 = arith.constant 0 : i32
      %dma_start3A_212 = arith.constant 0 : i32
      %dma_start3A_213 = tpu.memref_slice %arg4[%add3A, %dma_start3A_211, %dma_start3A_212] : memref<32x125x80xi32, #tpu.memory_space<hbm>> -> memref<1x125x80xi32, #tpu.memory_space<hbm>>
      %dma_start3A_214 = tpu.memref_squeeze %dma_start3A_213 : memref<1x125x80xi32, #tpu.memory_space<hbm>> -> memref<125x80xi32, #tpu.memory_space<hbm>>
      %dma_start3A_215 = arith.constant 0 : i32
      %dma_start3A_216 = arith.constant 0 : i32
      %dma_start3A_217 = tpu.memref_slice %arg4[%add3A, %dma_start3A_215, %dma_start3A_216] : memref<32x125x80xi32, #tpu.memory_space<hbm>> -> memref<1x125x80xi32, #tpu.memory_space<hbm>>
      %dma_start3A_218 = tpu.memref_squeeze %dma_start3A_217 : memref<1x125x80xi32, #tpu.memory_space<hbm>> -> memref<125x80xi32, #tpu.memory_space<hbm>>
      tpu.enqueue_dma source(%dma_start3A_218 : memref<125x80xi32, #tpu.memory_space<hbm>>) target(%arg9 : memref<125x80xi32, #tpu.memory_space<vmem>>) target_semaphore(%run_scoped3A_210 : memref<!tpu.dma_semaphore, #tpu.memory_space<semaphore_mem>>)
      %dma_wait3A_219 = arith.constant 0 : i32
      %dma_wait3A_220 = arith.constant 0 : i32
      %dma_wait3A_221 = tpu.memref_slice %arg4[%add3A, %dma_wait3A_219, %dma_wait3A_220] : memref<32x125x80xi32, #tpu.memory_space<hbm>> -> memref<1x125x80xi32, #tpu.memory_space<hbm>>
      %dma_wait3A_222 = tpu.memref_squeeze %dma_wait3A_221 : memref<1x125x80xi32, #tpu.memory_space<hbm>> -> memref<125x80xi32, #tpu.memory_space<hbm>>
      %dma_wait3A_223 = arith.constant 0 : i32
      %dma_wait3A_224 = arith.constant 0 : i32
      %dma_wait3A_225 = tpu.memref_slice %arg4[%add3A, %dma_wait3A_223, %dma_wait3A_224] : memref<32x125x80xi32, #tpu.memory_space<hbm>> -> memref<1x125x80xi32, #tpu.memory_space<hbm>>
      %dma_wait3A_226 = tpu.memref_squeeze %dma_wait3A_225 : memref<1x125x80xi32, #tpu.memory_space<hbm>> -> memref<125x80xi32, #tpu.memory_space<hbm>>
      tpu.wait_dma2 semaphore(%run_scoped3A_210 : memref<!tpu.dma_semaphore, #tpu.memory_space<semaphore_mem>>) src(%dma_wait3A_226 : memref<125x80xi32, #tpu.memory_space<hbm>>) dst(%arg9 : memref<125x80xi32, #tpu.memory_space<vmem>>)
      tpu.yield
    }) : () -> ()
    "tpu.region"() ({
      %run_scoped3A_210 = tpu.sem_alloc : memref<!tpu.dma_semaphore, #tpu.memory_space<semaphore_mem>>
      %dma_start3A_211 = arith.constant 0 : i32
      %dma_start3A_212 = arith.constant 0 : i32
      %dma_start3A_213 = tpu.memref_slice %arg5[%add3A, %dma_start3A_211, %dma_start3A_212] : memref<32x125x80xi32, #tpu.memory_space<hbm>> -> memref<1x125x80xi32, #tpu.memory_space<hbm>>
      %dma_start3A_214 = tpu.memref_squeeze %dma_start3A_213 : memref<1x125x80xi32, #tpu.memory_space<hbm>> -> memref<125x80xi32, #tpu.memory_space<hbm>>
      %dma_start3A_215 = arith.constant 0 : i32
      %dma_start3A_216 = arith.constant 0 : i32
      %dma_start3A_217 = tpu.memref_slice %arg5[%add3A, %dma_start3A_215, %dma_start3A_216] : memref<32x125x80xi32, #tpu.memory_space<hbm>> -> memref<1x125x80xi32, #tpu.memory_space<hbm>>
      %dma_start3A_218 = tpu.memref_squeeze %dma_start3A_217 : memref<1x125x80xi32, #tpu.memory_space<hbm>> -> memref<125x80xi32, #tpu.memory_space<hbm>>
      tpu.enqueue_dma source(%dma_start3A_218 : memref<125x80xi32, #tpu.memory_space<hbm>>) target(%arg10 : memref<125x80xi32, #tpu.memory_space<vmem>>) target_semaphore(%run_scoped3A_210 : memref<!tpu.dma_semaphore, #tpu.memory_space<semaphore_mem>>)
      %dma_wait3A_219 = arith.constant 0 : i32
      %dma_wait3A_220 = arith.constant 0 : i32
      %dma_wait3A_221 = tpu.memref_slice %arg5[%add3A, %dma_wait3A_219, %dma_wait3A_220] : memref<32x125x80xi32, #tpu.memory_space<hbm>> -> memref<1x125x80xi32, #tpu.memory_space<hbm>>
      %dma_wait3A_222 = tpu.memref_squeeze %dma_wait3A_221 : memref<1x125x80xi32, #tpu.memory_space<hbm>> -> memref<125x80xi32, #tpu.memory_space<hbm>>
      %dma_wait3A_223 = arith.constant 0 : i32
      %dma_wait3A_224 = arith.constant 0 : i32
      %dma_wait3A_225 = tpu.memref_slice %arg5[%add3A, %dma_wait3A_223, %dma_wait3A_224] : memref<32x125x80xi32, #tpu.memory_space<hbm>> -> memref<1x125x80xi32, #tpu.memory_space<hbm>>
      %dma_wait3A_226 = tpu.memref_squeeze %dma_wait3A_225 : memref<1x125x80xi32, #tpu.memory_space<hbm>> -> memref<125x80xi32, #tpu.memory_space<hbm>>
      tpu.wait_dma2 semaphore(%run_scoped3A_210 : memref<!tpu.dma_semaphore, #tpu.memory_space<semaphore_mem>>) src(%dma_wait3A_226 : memref<125x80xi32, #tpu.memory_space<hbm>>) dst(%arg10 : memref<125x80xi32, #tpu.memory_space<vmem>>)
      tpu.yield
    }) : () -> ()
    "tpu.region"() ({
      %run_scoped3A_210 = tpu.sem_alloc : memref<!tpu.dma_semaphore, #tpu.memory_space<semaphore_mem>>
      tpu.enqueue_dma source(%arg6 : memref<128x64xf32, #tpu.memory_space<hbm>>) target(%arg15 : memref<128x64xf32, #tpu.memory_space<vmem>>) target_semaphore(%run_scoped3A_210 : memref<!tpu.dma_semaphore, #tpu.memory_space<semaphore_mem>>)
      tpu.wait_dma2 semaphore(%run_scoped3A_210 : memref<!tpu.dma_semaphore, #tpu.memory_space<semaphore_mem>>) src(%arg6 : memref<128x64xf32, #tpu.memory_space<hbm>>) dst(%arg15 : memref<128x64xf32, #tpu.memory_space<vmem>>)
      tpu.yield
    }) : () -> ()
    %mul3A_1 = arith.constant 640 : i32
    %mul3A_2 = arith.muli %arg1, %mul3A_1 : i32
    %add3A_3 = arith.constant 0 : i32
    %add3A_4 = arith.addi %mul3A_2, %add3A_3 : i32
    "tpu.region"() ({
      %run_scoped3A_210 = tpu.sem_alloc : memref<!tpu.dma_semaphore, #tpu.memory_space<semaphore_mem>>
      %dma_start3A_211 = arith.constant 0 : i32
      %dma_start3A_212 = tpu.memref_slice %arg16[%add3A_4, %dma_start3A_211] : memref<10240x64xf32, #tpu.memory_space<vmem_shared>> -> memref<128x64xf32, #tpu.memory_space<vmem_shared>>
      %dma_start3A_213 = arith.constant 0 : i32
      %dma_start3A_214 = tpu.memref_slice %arg16[%add3A_4, %dma_start3A_213] : memref<10240x64xf32, #tpu.memory_space<vmem_shared>> -> memref<128x64xf32, #tpu.memory_space<vmem_shared>>
      tpu.enqueue_dma source(%arg15 : memref<128x64xf32, #tpu.memory_space<vmem>>) target(%dma_start3A_214 : memref<128x64xf32, #tpu.memory_space<vmem_shared>>) target_semaphore(%run_scoped3A_210 : memref<!tpu.dma_semaphore, #tpu.memory_space<semaphore_mem>>)
      %dma_wait3A_215 = arith.constant 0 : i32
      %dma_wait3A_216 = tpu.memref_slice %arg16[%add3A_4, %dma_wait3A_215] : memref<10240x64xf32, #tpu.memory_space<vmem_shared>> -> memref<128x64xf32, #tpu.memory_space<vmem_shared>>
      %dma_wait3A_217 = arith.constant 0 : i32
      %dma_wait3A_218 = tpu.memref_slice %arg16[%add3A_4, %dma_wait3A_217] : memref<10240x64xf32, #tpu.memory_space<vmem_shared>> -> memref<128x64xf32, #tpu.memory_space<vmem_shared>>
      tpu.wait_dma2 semaphore(%run_scoped3A_210 : memref<!tpu.dma_semaphore, #tpu.memory_space<semaphore_mem>>) src(%arg15 : memref<128x64xf32, #tpu.memory_space<vmem>>) dst(%dma_wait3A_218 : memref<128x64xf32, #tpu.memory_space<vmem_shared>>)
      tpu.yield
    }) : () -> ()
    %mul3A_5 = arith.constant 640 : i32
    %mul3A_6 = arith.muli %arg1, %mul3A_5 : i32
    %add3A_7 = arith.constant 128 : i32
    %add3A_8 = arith.addi %mul3A_6, %add3A_7 : i32
    "tpu.region"() ({
      %run_scoped3A_210 = tpu.sem_alloc : memref<!tpu.dma_semaphore, #tpu.memory_space<semaphore_mem>>
      %dma_start3A_211 = arith.constant 0 : i32
      %dma_start3A_212 = tpu.memref_slice %arg16[%add3A_8, %dma_start3A_211] : memref<10240x64xf32, #tpu.memory_space<vmem_shared>> -> memref<128x64xf32, #tpu.memory_space<vmem_shared>>
      %dma_start3A_213 = arith.constant 0 : i32
      %dma_start3A_214 = tpu.memref_slice %arg16[%add3A_8, %dma_start3A_213] : memref<10240x64xf32, #tpu.memory_space<vmem_shared>> -> memref<128x64xf32, #tpu.memory_space<vmem_shared>>
      tpu.enqueue_dma source(%arg15 : memref<128x64xf32, #tpu.memory_space<vmem>>) target(%dma_start3A_214 : memref<128x64xf32, #tpu.memory_space<vmem_shared>>) target_semaphore(%run_scoped3A_210 : memref<!tpu.dma_semaphore, #tpu.memory_space<semaphore_mem>>)
      %dma_wait3A_215 = arith.constant 0 : i32
      %dma_wait3A_216 = tpu.memref_slice %arg16[%add3A_8, %dma_wait3A_215] : memref<10240x64xf32, #tpu.memory_space<vmem_shared>> -> memref<128x64xf32, #tpu.memory_space<vmem_shared>>
      %dma_wait3A_217 = arith.constant 0 : i32
      %dma_wait3A_218 = tpu.memref_slice %arg16[%add3A_8, %dma_wait3A_217] : memref<10240x64xf32, #tpu.memory_space<vmem_shared>> -> memref<128x64xf32, #tpu.memory_space<vmem_shared>>
      tpu.wait_dma2 semaphore(%run_scoped3A_210 : memref<!tpu.dma_semaphore, #tpu.memory_space<semaphore_mem>>) src(%arg15 : memref<128x64xf32, #tpu.memory_space<vmem>>) dst(%dma_wait3A_218 : memref<128x64xf32, #tpu.memory_space<vmem_shared>>)
      tpu.yield
    }) : () -> ()
    %mul3A_9 = arith.constant 640 : i32
    %mul3A_10 = arith.muli %arg1, %mul3A_9 : i32
    %add3A_11 = arith.constant 256 : i32
    %add3A_12 = arith.addi %mul3A_10, %add3A_11 : i32
    "tpu.region"() ({
      %run_scoped3A_210 = tpu.sem_alloc : memref<!tpu.dma_semaphore, #tpu.memory_space<semaphore_mem>>
      %dma_start3A_211 = arith.constant 0 : i32
      %dma_start3A_212 = tpu.memref_slice %arg16[%add3A_12, %dma_start3A_211] : memref<10240x64xf32, #tpu.memory_space<vmem_shared>> -> memref<128x64xf32, #tpu.memory_space<vmem_shared>>
      %dma_start3A_213 = arith.constant 0 : i32
      %dma_start3A_214 = tpu.memref_slice %arg16[%add3A_12, %dma_start3A_213] : memref<10240x64xf32, #tpu.memory_space<vmem_shared>> -> memref<128x64xf32, #tpu.memory_space<vmem_shared>>
      tpu.enqueue_dma source(%arg15 : memref<128x64xf32, #tpu.memory_space<vmem>>) target(%dma_start3A_214 : memref<128x64xf32, #tpu.memory_space<vmem_shared>>) target_semaphore(%run_scoped3A_210 : memref<!tpu.dma_semaphore, #tpu.memory_space<semaphore_mem>>)
      %dma_wait3A_215 = arith.constant 0 : i32
      %dma_wait3A_216 = tpu.memref_slice %arg16[%add3A_12, %dma_wait3A_215] : memref<10240x64xf32, #tpu.memory_space<vmem_shared>> -> memref<128x64xf32, #tpu.memory_space<vmem_shared>>
      %dma_wait3A_217 = arith.constant 0 : i32
      %dma_wait3A_218 = tpu.memref_slice %arg16[%add3A_12, %dma_wait3A_217] : memref<10240x64xf32, #tpu.memory_space<vmem_shared>> -> memref<128x64xf32, #tpu.memory_space<vmem_shared>>
      tpu.wait_dma2 semaphore(%run_scoped3A_210 : memref<!tpu.dma_semaphore, #tpu.memory_space<semaphore_mem>>) src(%arg15 : memref<128x64xf32, #tpu.memory_space<vmem>>) dst(%dma_wait3A_218 : memref<128x64xf32, #tpu.memory_space<vmem_shared>>)
      tpu.yield
    }) : () -> ()
    %mul3A_13 = arith.constant 640 : i32
    %mul3A_14 = arith.muli %arg1, %mul3A_13 : i32
    %add3A_15 = arith.constant 384 : i32
    %add3A_16 = arith.addi %mul3A_14, %add3A_15 : i32
    "tpu.region"() ({
      %run_scoped3A_210 = tpu.sem_alloc : memref<!tpu.dma_semaphore, #tpu.memory_space<semaphore_mem>>
      %dma_start3A_211 = arith.constant 0 : i32
      %dma_start3A_212 = tpu.memref_slice %arg16[%add3A_16, %dma_start3A_211] : memref<10240x64xf32, #tpu.memory_space<vmem_shared>> -> memref<128x64xf32, #tpu.memory_space<vmem_shared>>
      %dma_start3A_213 = arith.constant 0 : i32
      %dma_start3A_214 = tpu.memref_slice %arg16[%add3A_16, %dma_start3A_213] : memref<10240x64xf32, #tpu.memory_space<vmem_shared>> -> memref<128x64xf32, #tpu.memory_space<vmem_shared>>
      tpu.enqueue_dma source(%arg15 : memref<128x64xf32, #tpu.memory_space<vmem>>) target(%dma_start3A_214 : memref<128x64xf32, #tpu.memory_space<vmem_shared>>) target_semaphore(%run_scoped3A_210 : memref<!tpu.dma_semaphore, #tpu.memory_space<semaphore_mem>>)
      %dma_wait3A_215 = arith.constant 0 : i32
      %dma_wait3A_216 = tpu.memref_slice %arg16[%add3A_16, %dma_wait3A_215] : memref<10240x64xf32, #tpu.memory_space<vmem_shared>> -> memref<128x64xf32, #tpu.memory_space<vmem_shared>>
      %dma_wait3A_217 = arith.constant 0 : i32
      %dma_wait3A_218 = tpu.memref_slice %arg16[%add3A_16, %dma_wait3A_217] : memref<10240x64xf32, #tpu.memory_space<vmem_shared>> -> memref<128x64xf32, #tpu.memory_space<vmem_shared>>
      tpu.wait_dma2 semaphore(%run_scoped3A_210 : memref<!tpu.dma_semaphore, #tpu.memory_space<semaphore_mem>>) src(%arg15 : memref<128x64xf32, #tpu.memory_space<vmem>>) dst(%dma_wait3A_218 : memref<128x64xf32, #tpu.memory_space<vmem_shared>>)
      tpu.yield
    }) : () -> ()
    %mul3A_17 = arith.constant 640 : i32
    %mul3A_18 = arith.muli %arg1, %mul3A_17 : i32
    %add3A_19 = arith.constant 512 : i32
    %add3A_20 = arith.addi %mul3A_18, %add3A_19 : i32
    "tpu.region"() ({
      %run_scoped3A_210 = tpu.sem_alloc : memref<!tpu.dma_semaphore, #tpu.memory_space<semaphore_mem>>
      %dma_start3A_211 = arith.constant 0 : i32
      %dma_start3A_212 = tpu.memref_slice %arg16[%add3A_20, %dma_start3A_211] : memref<10240x64xf32, #tpu.memory_space<vmem_shared>> -> memref<128x64xf32, #tpu.memory_space<vmem_shared>>
      %dma_start3A_213 = arith.constant 0 : i32
      %dma_start3A_214 = tpu.memref_slice %arg16[%add3A_20, %dma_start3A_213] : memref<10240x64xf32, #tpu.memory_space<vmem_shared>> -> memref<128x64xf32, #tpu.memory_space<vmem_shared>>
      tpu.enqueue_dma source(%arg15 : memref<128x64xf32, #tpu.memory_space<vmem>>) target(%dma_start3A_214 : memref<128x64xf32, #tpu.memory_space<vmem_shared>>) target_semaphore(%run_scoped3A_210 : memref<!tpu.dma_semaphore, #tpu.memory_space<semaphore_mem>>)
      %dma_wait3A_215 = arith.constant 0 : i32
      %dma_wait3A_216 = tpu.memref_slice %arg16[%add3A_20, %dma_wait3A_215] : memref<10240x64xf32, #tpu.memory_space<vmem_shared>> -> memref<128x64xf32, #tpu.memory_space<vmem_shared>>
      %dma_wait3A_217 = arith.constant 0 : i32
      %dma_wait3A_218 = tpu.memref_slice %arg16[%add3A_20, %dma_wait3A_217] : memref<10240x64xf32, #tpu.memory_space<vmem_shared>> -> memref<128x64xf32, #tpu.memory_space<vmem_shared>>
      tpu.wait_dma2 semaphore(%run_scoped3A_210 : memref<!tpu.dma_semaphore, #tpu.memory_space<semaphore_mem>>) src(%arg15 : memref<128x64xf32, #tpu.memory_space<vmem>>) dst(%dma_wait3A_218 : memref<128x64xf32, #tpu.memory_space<vmem_shared>>)
      tpu.yield
    }) : () -> ()
    %barrier3A = arith.constant 0 : index
    tpu.barrier barrier_id(%barrier3A)
    %dma_start3A = arith.constant 0 : i32
    %dma_start3A_21 = arith.constant 0 : i32
    %dma_start3A_22 = tpu.memref_slice %arg9[%dma_start3A, %dma_start3A_21] : memref<125x80xi32, #tpu.memory_space<vmem>> -> memref<1x80xi32, #tpu.memory_space<vmem>>
    %dma_start3A_23 = tpu.memref_squeeze %dma_start3A_22 : memref<1x80xi32, #tpu.memory_space<vmem>> -> memref<80xi32, #tpu.memory_space<vmem>>
    %dma_start3A_24 = arith.constant 0 : i32
    %dma_start3A_25 = arith.constant 0 : i32
    %dma_start3A_26 = tpu.memref_slice %arg2[%dma_start3A_24, %dma_start3A_25] : memref<10000x64xf32, #tpu.memory_space<hbm>> -> memref<10000x64xf32, #tpu.memory_space<hbm>>
    tpu.enqueue_indirect_dma source(%dma_start3A_26 : memref<10000x64xf32, #tpu.memory_space<hbm>>) target(%arg11 : memref<80x64xf32, #tpu.memory_space<vmem>>) offsets(%dma_start3A_23 : memref<80xi32, #tpu.memory_space<vmem>>) semaphore(%arg17 : memref<!tpu.dma_semaphore, #tpu.memory_space<semaphore_mem>>)
    %dma_start3A_27 = arith.constant 1 : i32
    %dma_start3A_28 = arith.constant 0 : i32
    %dma_start3A_29 = tpu.memref_slice %arg9[%dma_start3A_27, %dma_start3A_28] : memref<125x80xi32, #tpu.memory_space<vmem>> -> memref<1x80xi32, #tpu.memory_space<vmem>>
    %dma_start3A_30 = tpu.memref_squeeze %dma_start3A_29 : memref<1x80xi32, #tpu.memory_space<vmem>> -> memref<80xi32, #tpu.memory_space<vmem>>
    %dma_start3A_31 = arith.constant 0 : i32
    %dma_start3A_32 = arith.constant 0 : i32
    %dma_start3A_33 = tpu.memref_slice %arg2[%dma_start3A_31, %dma_start3A_32] : memref<10000x64xf32, #tpu.memory_space<hbm>> -> memref<10000x64xf32, #tpu.memory_space<hbm>>
    tpu.enqueue_indirect_dma source(%dma_start3A_33 : memref<10000x64xf32, #tpu.memory_space<hbm>>) target(%arg12 : memref<80x64xf32, #tpu.memory_space<vmem>>) offsets(%dma_start3A_30 : memref<80xi32, #tpu.memory_space<vmem>>) semaphore(%arg18 : memref<!tpu.dma_semaphore, #tpu.memory_space<semaphore_mem>>)
    %dma_start3A_34 = arith.constant 2 : i32
    %dma_start3A_35 = arith.constant 0 : i32
    %dma_start3A_36 = tpu.memref_slice %arg9[%dma_start3A_34, %dma_start3A_35] : memref<125x80xi32, #tpu.memory_space<vmem>> -> memref<1x80xi32, #tpu.memory_space<vmem>>
    %dma_start3A_37 = tpu.memref_squeeze %dma_start3A_36 : memref<1x80xi32, #tpu.memory_space<vmem>> -> memref<80xi32, #tpu.memory_space<vmem>>
    %dma_start3A_38 = arith.constant 0 : i32
    %dma_start3A_39 = arith.constant 0 : i32
    %dma_start3A_40 = tpu.memref_slice %arg2[%dma_start3A_38, %dma_start3A_39] : memref<10000x64xf32, #tpu.memory_space<hbm>> -> memref<10000x64xf32, #tpu.memory_space<hbm>>
    tpu.enqueue_indirect_dma source(%dma_start3A_40 : memref<10000x64xf32, #tpu.memory_space<hbm>>) target(%arg13 : memref<80x64xf32, #tpu.memory_space<vmem>>) offsets(%dma_start3A_37 : memref<80xi32, #tpu.memory_space<vmem>>) semaphore(%arg19 : memref<!tpu.dma_semaphore, #tpu.memory_space<semaphore_mem>>)
    %dma_start3A_41 = arith.constant 3 : i32
    %dma_start3A_42 = arith.constant 0 : i32
    %dma_start3A_43 = tpu.memref_slice %arg9[%dma_start3A_41, %dma_start3A_42] : memref<125x80xi32, #tpu.memory_space<vmem>> -> memref<1x80xi32, #tpu.memory_space<vmem>>
    %dma_start3A_44 = tpu.memref_squeeze %dma_start3A_43 : memref<1x80xi32, #tpu.memory_space<vmem>> -> memref<80xi32, #tpu.memory_space<vmem>>
    %dma_start3A_45 = arith.constant 0 : i32
    %dma_start3A_46 = arith.constant 0 : i32
    %dma_start3A_47 = tpu.memref_slice %arg2[%dma_start3A_45, %dma_start3A_46] : memref<10000x64xf32, #tpu.memory_space<hbm>> -> memref<10000x64xf32, #tpu.memory_space<hbm>>
    tpu.enqueue_indirect_dma source(%dma_start3A_47 : memref<10000x64xf32, #tpu.memory_space<hbm>>) target(%arg14 : memref<80x64xf32, #tpu.memory_space<vmem>>) offsets(%dma_start3A_44 : memref<80xi32, #tpu.memory_space<vmem>>) semaphore(%arg20 : memref<!tpu.dma_semaphore, #tpu.memory_space<semaphore_mem>>)
    %scan3A = arith.constant 0 : i32
    %scan3A_48 = arith.constant 0 : i32
    %scan3A_49 = arith.constant 30 : i32
    %scan3A_50 = arith.addi %scan3A_48, %scan3A_49 : i32
    %scan3A_51 = arith.constant 1 : i32
    scf.for %scan3A_210 = %scan3A_48 to %scan3A_50 step %scan3A_51  : i32 {
      %dma_wait3A_211 = arith.constant 0 : i32
      %dma_wait3A_212 = arith.constant 0 : i32
      %dma_wait3A_213 = tpu.memref_slice %arg9[%dma_wait3A_211, %dma_wait3A_212] : memref<125x80xi32, #tpu.memory_space<vmem>> -> memref<1x80xi32, #tpu.memory_space<vmem>>
      %dma_wait3A_214 = tpu.memref_squeeze %dma_wait3A_213 : memref<1x80xi32, #tpu.memory_space<vmem>> -> memref<80xi32, #tpu.memory_space<vmem>>
      %dma_wait3A_215 = arith.constant 0 : i32
      %dma_wait3A_216 = arith.constant 0 : i32
      %dma_wait3A_217 = tpu.memref_slice %arg2[%dma_wait3A_215, %dma_wait3A_216] : memref<10000x64xf32, #tpu.memory_space<hbm>> -> memref<10000x64xf32, #tpu.memory_space<hbm>>
      tpu.wait_indirect_dma semaphore(%arg17 : memref<!tpu.dma_semaphore, #tpu.memory_space<semaphore_mem>>) src(%dma_wait3A_217 : memref<10000x64xf32, #tpu.memory_space<hbm>>) dst(%arg11 : memref<80x64xf32, #tpu.memory_space<vmem>>)
      %mul3A_218 = arith.constant 4 : i32
      %mul3A_219 = arith.muli %mul3A_218, %scan3A_210 : i32
      %add3A_220 = arith.constant 0 : i32
      %add3A_221 = arith.addi %mul3A_219, %add3A_220 : i32
      "tpu.region"() ({
        %run_scoped3A_303 = tpu.sem_alloc : memref<!tpu.dma_semaphore, #tpu.memory_space<semaphore_mem>>
        %dma_start3A_304 = arith.constant 0 : i32
        %dma_start3A_305 = tpu.memref_slice %arg10[%add3A_221, %dma_start3A_304] : memref<125x80xi32, #tpu.memory_space<vmem>> -> memref<1x80xi32, #tpu.memory_space<vmem>>
        %dma_start3A_306 = tpu.memref_squeeze %dma_start3A_305 : memref<1x80xi32, #tpu.memory_space<vmem>> -> memref<80xi32, #tpu.memory_space<vmem>>
        %dma_start3A_307 = arith.constant 0 : i32
        %dma_start3A_308 = arith.constant 0 : i32
        %dma_start3A_309 = tpu.memref_slice %arg16[%dma_start3A_307, %dma_start3A_308] : memref<10240x64xf32, #tpu.memory_space<vmem_shared>> -> memref<10240x64xf32, #tpu.memory_space<vmem_shared>>
        tpu.enqueue_indirect_dma source(%arg11 : memref<80x64xf32, #tpu.memory_space<vmem>>) target(%dma_start3A_309 : memref<10240x64xf32, #tpu.memory_space<vmem_shared>>) offsets(%dma_start3A_306 : memref<80xi32, #tpu.memory_space<vmem>>) semaphore(%run_scoped3A_303 : memref<!tpu.dma_semaphore, #tpu.memory_space<semaphore_mem>>) {add = true}
        %dma_wait3A_310 = arith.constant 0 : i32
        %dma_wait3A_311 = tpu.memref_slice %arg10[%add3A_221, %dma_wait3A_310] : memref<125x80xi32, #tpu.memory_space<vmem>> -> memref<1x80xi32, #tpu.memory_space<vmem>>
        %dma_wait3A_312 = tpu.memref_squeeze %dma_wait3A_311 : memref<1x80xi32, #tpu.memory_space<vmem>> -> memref<80xi32, #tpu.memory_space<vmem>>
        %dma_wait3A_313 = arith.constant 0 : i32
        %dma_wait3A_314 = arith.constant 0 : i32
        %dma_wait3A_315 = tpu.memref_slice %arg16[%dma_wait3A_313, %dma_wait3A_314] : memref<10240x64xf32, #tpu.memory_space<vmem_shared>> -> memref<10240x64xf32, #tpu.memory_space<vmem_shared>>
        tpu.wait_indirect_dma semaphore(%run_scoped3A_303 : memref<!tpu.dma_semaphore, #tpu.memory_space<semaphore_mem>>) src(%arg11 : memref<80x64xf32, #tpu.memory_space<vmem>>) dst(%dma_wait3A_315 : memref<10240x64xf32, #tpu.memory_space<vmem_shared>>)
        tpu.yield
      }) : () -> ()
      %add3A_222 = arith.constant 1 : i32
      %add3A_223 = arith.addi %scan3A_210, %add3A_222 : i32
      %mul3A_224 = arith.constant 4 : i32
      %mul3A_225 = arith.muli %mul3A_224, %add3A_223 : i32
      %add3A_226 = arith.constant 0 : i32
      %add3A_227 = arith.addi %mul3A_225, %add3A_226 : i32
      %dma_start3A_228 = arith.constant 0 : i32
      %dma_start3A_229 = tpu.memref_slice %arg9[%add3A_227, %dma_start3A_228] : memref<125x80xi32, #tpu.memory_space<vmem>> -> memref<1x80xi32, #tpu.memory_space<vmem>>
      %dma_start3A_230 = tpu.memref_squeeze %dma_start3A_229 : memref<1x80xi32, #tpu.memory_space<vmem>> -> memref<80xi32, #tpu.memory_space<vmem>>
      %dma_start3A_231 = arith.constant 0 : i32
      %dma_start3A_232 = arith.constant 0 : i32
      %dma_start3A_233 = tpu.memref_slice %arg2[%dma_start3A_231, %dma_start3A_232] : memref<10000x64xf32, #tpu.memory_space<hbm>> -> memref<10000x64xf32, #tpu.memory_space<hbm>>
      tpu.enqueue_indirect_dma source(%dma_start3A_233 : memref<10000x64xf32, #tpu.memory_space<hbm>>) target(%arg11 : memref<80x64xf32, #tpu.memory_space<vmem>>) offsets(%dma_start3A_230 : memref<80xi32, #tpu.memory_space<vmem>>) semaphore(%arg17 : memref<!tpu.dma_semaphore, #tpu.memory_space<semaphore_mem>>)
      %dma_wait3A_234 = arith.constant 0 : i32
      %dma_wait3A_235 = arith.constant 0 : i32
      %dma_wait3A_236 = tpu.memref_slice %arg9[%dma_wait3A_234, %dma_wait3A_235] : memref<125x80xi32, #tpu.memory_space<vmem>> -> memref<1x80xi32, #tpu.memory_space<vmem>>
      %dma_wait3A_237 = tpu.memref_squeeze %dma_wait3A_236 : memref<1x80xi32, #tpu.memory_space<vmem>> -> memref<80xi32, #tpu.memory_space<vmem>>
      %dma_wait3A_238 = arith.constant 0 : i32
      %dma_wait3A_239 = arith.constant 0 : i32
      %dma_wait3A_240 = tpu.memref_slice %arg2[%dma_wait3A_238, %dma_wait3A_239] : memref<10000x64xf32, #tpu.memory_space<hbm>> -> memref<10000x64xf32, #tpu.memory_space<hbm>>
      tpu.wait_indirect_dma semaphore(%arg18 : memref<!tpu.dma_semaphore, #tpu.memory_space<semaphore_mem>>) src(%dma_wait3A_240 : memref<10000x64xf32, #tpu.memory_space<hbm>>) dst(%arg12 : memref<80x64xf32, #tpu.memory_space<vmem>>)
      %mul3A_241 = arith.constant 4 : i32
      %mul3A_242 = arith.muli %mul3A_241, %scan3A_210 : i32
      %add3A_243 = arith.constant 1 : i32
      %add3A_244 = arith.addi %mul3A_242, %add3A_243 : i32
      "tpu.region"() ({
        %run_scoped3A_303 = tpu.sem_alloc : memref<!tpu.dma_semaphore, #tpu.memory_space<semaphore_mem>>
        %dma_start3A_304 = arith.constant 0 : i32
        %dma_start3A_305 = tpu.memref_slice %arg10[%add3A_244, %dma_start3A_304] : memref<125x80xi32, #tpu.memory_space<vmem>> -> memref<1x80xi32, #tpu.memory_space<vmem>>
        %dma_start3A_306 = tpu.memref_squeeze %dma_start3A_305 : memref<1x80xi32, #tpu.memory_space<vmem>> -> memref<80xi32, #tpu.memory_space<vmem>>
        %dma_start3A_307 = arith.constant 0 : i32
        %dma_start3A_308 = arith.constant 0 : i32
        %dma_start3A_309 = tpu.memref_slice %arg16[%dma_start3A_307, %dma_start3A_308] : memref<10240x64xf32, #tpu.memory_space<vmem_shared>> -> memref<10240x64xf32, #tpu.memory_space<vmem_shared>>
        tpu.enqueue_indirect_dma source(%arg12 : memref<80x64xf32, #tpu.memory_space<vmem>>) target(%dma_start3A_309 : memref<10240x64xf32, #tpu.memory_space<vmem_shared>>) offsets(%dma_start3A_306 : memref<80xi32, #tpu.memory_space<vmem>>) semaphore(%run_scoped3A_303 : memref<!tpu.dma_semaphore, #tpu.memory_space<semaphore_mem>>) {add = true}
        %dma_wait3A_310 = arith.constant 0 : i32
        %dma_wait3A_311 = tpu.memref_slice %arg10[%add3A_244, %dma_wait3A_310] : memref<125x80xi32, #tpu.memory_space<vmem>> -> memref<1x80xi32, #tpu.memory_space<vmem>>
        %dma_wait3A_312 = tpu.memref_squeeze %dma_wait3A_311 : memref<1x80xi32, #tpu.memory_space<vmem>> -> memref<80xi32, #tpu.memory_space<vmem>>
        %dma_wait3A_313 = arith.constant 0 : i32
        %dma_wait3A_314 = arith.constant 0 : i32
        %dma_wait3A_315 = tpu.memref_slice %arg16[%dma_wait3A_313, %dma_wait3A_314] : memref<10240x64xf32, #tpu.memory_space<vmem_shared>> -> memref<10240x64xf32, #tpu.memory_space<vmem_shared>>
        tpu.wait_indirect_dma semaphore(%run_scoped3A_303 : memref<!tpu.dma_semaphore, #tpu.memory_space<semaphore_mem>>) src(%arg12 : memref<80x64xf32, #tpu.memory_space<vmem>>) dst(%dma_wait3A_315 : memref<10240x64xf32, #tpu.memory_space<vmem_shared>>)
        tpu.yield
      }) : () -> ()
      %add3A_245 = arith.constant 1 : i32
      %add3A_246 = arith.addi %scan3A_210, %add3A_245 : i32
      %mul3A_247 = arith.constant 4 : i32
      %mul3A_248 = arith.muli %mul3A_247, %add3A_246 : i32
      %add3A_249 = arith.constant 1 : i32
      %add3A_250 = arith.addi %mul3A_248, %add3A_249 : i32
      %dma_start3A_251 = arith.constant 0 : i32
      %dma_start3A_252 = tpu.memref_slice %arg9[%add3A_250, %dma_start3A_251] : memref<125x80xi32, #tpu.memory_space<vmem>> -> memref<1x80xi32, #tpu.memory_space<vmem>>
      %dma_start3A_253 = tpu.memref_squeeze %dma_start3A_252 : memref<1x80xi32, #tpu.memory_space<vmem>> -> memref<80xi32, #tpu.memory_space<vmem>>
      %dma_start3A_254 = arith.constant 0 : i32
      %dma_start3A_255 = arith.constant 0 : i32
      %dma_start3A_256 = tpu.memref_slice %arg2[%dma_start3A_254, %dma_start3A_255] : memref<10000x64xf32, #tpu.memory_space<hbm>> -> memref<10000x64xf32, #tpu.memory_space<hbm>>
      tpu.enqueue_indirect_dma source(%dma_start3A_256 : memref<10000x64xf32, #tpu.memory_space<hbm>>) target(%arg12 : memref<80x64xf32, #tpu.memory_space<vmem>>) offsets(%dma_start3A_253 : memref<80xi32, #tpu.memory_space<vmem>>) semaphore(%arg18 : memref<!tpu.dma_semaphore, #tpu.memory_space<semaphore_mem>>)
      %dma_wait3A_257 = arith.constant 0 : i32
      %dma_wait3A_258 = arith.constant 0 : i32
      %dma_wait3A_259 = tpu.memref_slice %arg9[%dma_wait3A_257, %dma_wait3A_258] : memref<125x80xi32, #tpu.memory_space<vmem>> -> memref<1x80xi32, #tpu.memory_space<vmem>>
      %dma_wait3A_260 = tpu.memref_squeeze %dma_wait3A_259 : memref<1x80xi32, #tpu.memory_space<vmem>> -> memref<80xi32, #tpu.memory_space<vmem>>
      %dma_wait3A_261 = arith.constant 0 : i32
      %dma_wait3A_262 = arith.constant 0 : i32
      %dma_wait3A_263 = tpu.memref_slice %arg2[%dma_wait3A_261, %dma_wait3A_262] : memref<10000x64xf32, #tpu.memory_space<hbm>> -> memref<10000x64xf32, #tpu.memory_space<hbm>>
      tpu.wait_indirect_dma semaphore(%arg19 : memref<!tpu.dma_semaphore, #tpu.memory_space<semaphore_mem>>) src(%dma_wait3A_263 : memref<10000x64xf32, #tpu.memory_space<hbm>>) dst(%arg13 : memref<80x64xf32, #tpu.memory_space<vmem>>)
      %mul3A_264 = arith.constant 4 : i32
      %mul3A_265 = arith.muli %mul3A_264, %scan3A_210 : i32
      %add3A_266 = arith.constant 2 : i32
      %add3A_267 = arith.addi %mul3A_265, %add3A_266 : i32
      "tpu.region"() ({
        %run_scoped3A_303 = tpu.sem_alloc : memref<!tpu.dma_semaphore, #tpu.memory_space<semaphore_mem>>
        %dma_start3A_304 = arith.constant 0 : i32
        %dma_start3A_305 = tpu.memref_slice %arg10[%add3A_267, %dma_start3A_304] : memref<125x80xi32, #tpu.memory_space<vmem>> -> memref<1x80xi32, #tpu.memory_space<vmem>>
        %dma_start3A_306 = tpu.memref_squeeze %dma_start3A_305 : memref<1x80xi32, #tpu.memory_space<vmem>> -> memref<80xi32, #tpu.memory_space<vmem>>
        %dma_start3A_307 = arith.constant 0 : i32
        %dma_start3A_308 = arith.constant 0 : i32
        %dma_start3A_309 = tpu.memref_slice %arg16[%dma_start3A_307, %dma_start3A_308] : memref<10240x64xf32, #tpu.memory_space<vmem_shared>> -> memref<10240x64xf32, #tpu.memory_space<vmem_shared>>
        tpu.enqueue_indirect_dma source(%arg13 : memref<80x64xf32, #tpu.memory_space<vmem>>) target(%dma_start3A_309 : memref<10240x64xf32, #tpu.memory_space<vmem_shared>>) offsets(%dma_start3A_306 : memref<80xi32, #tpu.memory_space<vmem>>) semaphore(%run_scoped3A_303 : memref<!tpu.dma_semaphore, #tpu.memory_space<semaphore_mem>>) {add = true}
        %dma_wait3A_310 = arith.constant 0 : i32
        %dma_wait3A_311 = tpu.memref_slice %arg10[%add3A_267, %dma_wait3A_310] : memref<125x80xi32, #tpu.memory_space<vmem>> -> memref<1x80xi32, #tpu.memory_space<vmem>>
        %dma_wait3A_312 = tpu.memref_squeeze %dma_wait3A_311 : memref<1x80xi32, #tpu.memory_space<vmem>> -> memref<80xi32, #tpu.memory_space<vmem>>
        %dma_wait3A_313 = arith.constant 0 : i32
        %dma_wait3A_314 = arith.constant 0 : i32
        %dma_wait3A_315 = tpu.memref_slice %arg16[%dma_wait3A_313, %dma_wait3A_314] : memref<10240x64xf32, #tpu.memory_space<vmem_shared>> -> memref<10240x64xf32, #tpu.memory_space<vmem_shared>>
        tpu.wait_indirect_dma semaphore(%run_scoped3A_303 : memref<!tpu.dma_semaphore, #tpu.memory_space<semaphore_mem>>) src(%arg13 : memref<80x64xf32, #tpu.memory_space<vmem>>) dst(%dma_wait3A_315 : memref<10240x64xf32, #tpu.memory_space<vmem_shared>>)
        tpu.yield
      }) : () -> ()
      %add3A_268 = arith.constant 1 : i32
      %add3A_269 = arith.addi %scan3A_210, %add3A_268 : i32
      %mul3A_270 = arith.constant 4 : i32
      %mul3A_271 = arith.muli %mul3A_270, %add3A_269 : i32
      %add3A_272 = arith.constant 2 : i32
      %add3A_273 = arith.addi %mul3A_271, %add3A_272 : i32
      %dma_start3A_274 = arith.constant 0 : i32
      %dma_start3A_275 = tpu.memref_slice %arg9[%add3A_273, %dma_start3A_274] : memref<125x80xi32, #tpu.memory_space<vmem>> -> memref<1x80xi32, #tpu.memory_space<vmem>>
      %dma_start3A_276 = tpu.memref_squeeze %dma_start3A_275 : memref<1x80xi32, #tpu.memory_space<vmem>> -> memref<80xi32, #tpu.memory_space<vmem>>
      %dma_start3A_277 = arith.constant 0 : i32
      %dma_start3A_278 = arith.constant 0 : i32
      %dma_start3A_279 = tpu.memref_slice %arg2[%dma_start3A_277, %dma_start3A_278] : memref<10000x64xf32, #tpu.memory_space<hbm>> -> memref<10000x64xf32, #tpu.memory_space<hbm>>
      tpu.enqueue_indirect_dma source(%dma_start3A_279 : memref<10000x64xf32, #tpu.memory_space<hbm>>) target(%arg13 : memref<80x64xf32, #tpu.memory_space<vmem>>) offsets(%dma_start3A_276 : memref<80xi32, #tpu.memory_space<vmem>>) semaphore(%arg19 : memref<!tpu.dma_semaphore, #tpu.memory_space<semaphore_mem>>)
      %dma_wait3A_280 = arith.constant 0 : i32
      %dma_wait3A_281 = arith.constant 0 : i32
      %dma_wait3A_282 = tpu.memref_slice %arg9[%dma_wait3A_280, %dma_wait3A_281] : memref<125x80xi32, #tpu.memory_space<vmem>> -> memref<1x80xi32, #tpu.memory_space<vmem>>
      %dma_wait3A_283 = tpu.memref_squeeze %dma_wait3A_282 : memref<1x80xi32, #tpu.memory_space<vmem>> -> memref<80xi32, #tpu.memory_space<vmem>>
      %dma_wait3A_284 = arith.constant 0 : i32
      %dma_wait3A_285 = arith.constant 0 : i32
      %dma_wait3A_286 = tpu.memref_slice %arg2[%dma_wait3A_284, %dma_wait3A_285] : memref<10000x64xf32, #tpu.memory_space<hbm>> -> memref<10000x64xf32, #tpu.memory_space<hbm>>
      tpu.wait_indirect_dma semaphore(%arg20 : memref<!tpu.dma_semaphore, #tpu.memory_space<semaphore_mem>>) src(%dma_wait3A_286 : memref<10000x64xf32, #tpu.memory_space<hbm>>) dst(%arg14 : memref<80x64xf32, #tpu.memory_space<vmem>>)
      %mul3A_287 = arith.constant 4 : i32
      %mul3A_288 = arith.muli %mul3A_287, %scan3A_210 : i32
      %add3A_289 = arith.constant 3 : i32
      %add3A_290 = arith.addi %mul3A_288, %add3A_289 : i32
      "tpu.region"() ({
        %run_scoped3A_303 = tpu.sem_alloc : memref<!tpu.dma_semaphore, #tpu.memory_space<semaphore_mem>>
        %dma_start3A_304 = arith.constant 0 : i32
        %dma_start3A_305 = tpu.memref_slice %arg10[%add3A_290, %dma_start3A_304] : memref<125x80xi32, #tpu.memory_space<vmem>> -> memref<1x80xi32, #tpu.memory_space<vmem>>
        %dma_start3A_306 = tpu.memref_squeeze %dma_start3A_305 : memref<1x80xi32, #tpu.memory_space<vmem>> -> memref<80xi32, #tpu.memory_space<vmem>>
        %dma_start3A_307 = arith.constant 0 : i32
        %dma_start3A_308 = arith.constant 0 : i32
        %dma_start3A_309 = tpu.memref_slice %arg16[%dma_start3A_307, %dma_start3A_308] : memref<10240x64xf32, #tpu.memory_space<vmem_shared>> -> memref<10240x64xf32, #tpu.memory_space<vmem_shared>>
        tpu.enqueue_indirect_dma source(%arg14 : memref<80x64xf32, #tpu.memory_space<vmem>>) target(%dma_start3A_309 : memref<10240x64xf32, #tpu.memory_space<vmem_shared>>) offsets(%dma_start3A_306 : memref<80xi32, #tpu.memory_space<vmem>>) semaphore(%run_scoped3A_303 : memref<!tpu.dma_semaphore, #tpu.memory_space<semaphore_mem>>) {add = true}
        %dma_wait3A_310 = arith.constant 0 : i32
        %dma_wait3A_311 = tpu.memref_slice %arg10[%add3A_290, %dma_wait3A_310] : memref<125x80xi32, #tpu.memory_space<vmem>> -> memref<1x80xi32, #tpu.memory_space<vmem>>
        %dma_wait3A_312 = tpu.memref_squeeze %dma_wait3A_311 : memref<1x80xi32, #tpu.memory_space<vmem>> -> memref<80xi32, #tpu.memory_space<vmem>>
        %dma_wait3A_313 = arith.constant 0 : i32
        %dma_wait3A_314 = arith.constant 0 : i32
        %dma_wait3A_315 = tpu.memref_slice %arg16[%dma_wait3A_313, %dma_wait3A_314] : memref<10240x64xf32, #tpu.memory_space<vmem_shared>> -> memref<10240x64xf32, #tpu.memory_space<vmem_shared>>
        tpu.wait_indirect_dma semaphore(%run_scoped3A_303 : memref<!tpu.dma_semaphore, #tpu.memory_space<semaphore_mem>>) src(%arg14 : memref<80x64xf32, #tpu.memory_space<vmem>>) dst(%dma_wait3A_315 : memref<10240x64xf32, #tpu.memory_space<vmem_shared>>)
        tpu.yield
      }) : () -> ()
      %add3A_291 = arith.constant 1 : i32
      %add3A_292 = arith.addi %scan3A_210, %add3A_291 : i32
      %mul3A_293 = arith.constant 4 : i32
      %mul3A_294 = arith.muli %mul3A_293, %add3A_292 : i32
      %add3A_295 = arith.constant 3 : i32
      %add3A_296 = arith.addi %mul3A_294, %add3A_295 : i32
      %dma_start3A_297 = arith.constant 0 : i32
      %dma_start3A_298 = tpu.memref_slice %arg9[%add3A_296, %dma_start3A_297] : memref<125x80xi32, #tpu.memory_space<vmem>> -> memref<1x80xi32, #tpu.memory_space<vmem>>
      %dma_start3A_299 = tpu.memref_squeeze %dma_start3A_298 : memref<1x80xi32, #tpu.memory_space<vmem>> -> memref<80xi32, #tpu.memory_space<vmem>>
      %dma_start3A_300 = arith.constant 0 : i32
      %dma_start3A_301 = arith.constant 0 : i32
      %dma_start3A_302 = tpu.memref_slice %arg2[%dma_start3A_300, %dma_start3A_301] : memref<10000x64xf32, #tpu.memory_space<hbm>> -> memref<10000x64xf32, #tpu.memory_space<hbm>>
      tpu.enqueue_indirect_dma source(%dma_start3A_302 : memref<10000x64xf32, #tpu.memory_space<hbm>>) target(%arg14 : memref<80x64xf32, #tpu.memory_space<vmem>>) offsets(%dma_start3A_299 : memref<80xi32, #tpu.memory_space<vmem>>) semaphore(%arg20 : memref<!tpu.dma_semaphore, #tpu.memory_space<semaphore_mem>>)
    }
    %scan3A_52 = arith.constant 30 : i32
    %dma_wait3A = arith.constant 0 : i32
    %dma_wait3A_53 = arith.constant 0 : i32
    %dma_wait3A_54 = tpu.memref_slice %arg9[%dma_wait3A, %dma_wait3A_53] : memref<125x80xi32, #tpu.memory_space<vmem>> -> memref<1x80xi32, #tpu.memory_space<vmem>>
    %dma_wait3A_55 = tpu.memref_squeeze %dma_wait3A_54 : memref<1x80xi32, #tpu.memory_space<vmem>> -> memref<80xi32, #tpu.memory_space<vmem>>
    %dma_wait3A_56 = arith.constant 0 : i32
    %dma_wait3A_57 = arith.constant 0 : i32
    %dma_wait3A_58 = tpu.memref_slice %arg2[%dma_wait3A_56, %dma_wait3A_57] : memref<10000x64xf32, #tpu.memory_space<hbm>> -> memref<10000x64xf32, #tpu.memory_space<hbm>>
    tpu.wait_indirect_dma semaphore(%arg17 : memref<!tpu.dma_semaphore, #tpu.memory_space<semaphore_mem>>) src(%dma_wait3A_58 : memref<10000x64xf32, #tpu.memory_space<hbm>>) dst(%arg11 : memref<80x64xf32, #tpu.memory_space<vmem>>)
    %run_scoped3A = arith.constant 120 : i32
    "tpu.region"() ({
      %run_scoped3A_210 = tpu.sem_alloc : memref<!tpu.dma_semaphore, #tpu.memory_space<semaphore_mem>>
      %dma_start3A_211 = arith.constant 0 : i32
      %dma_start3A_212 = tpu.memref_slice %arg10[%run_scoped3A, %dma_start3A_211] : memref<125x80xi32, #tpu.memory_space<vmem>> -> memref<1x80xi32, #tpu.memory_space<vmem>>
      %dma_start3A_213 = tpu.memref_squeeze %dma_start3A_212 : memref<1x80xi32, #tpu.memory_space<vmem>> -> memref<80xi32, #tpu.memory_space<vmem>>
      %dma_start3A_214 = arith.constant 0 : i32
      %dma_start3A_215 = arith.constant 0 : i32
      %dma_start3A_216 = tpu.memref_slice %arg16[%dma_start3A_214, %dma_start3A_215] : memref<10240x64xf32, #tpu.memory_space<vmem_shared>> -> memref<10240x64xf32, #tpu.memory_space<vmem_shared>>
      tpu.enqueue_indirect_dma source(%arg11 : memref<80x64xf32, #tpu.memory_space<vmem>>) target(%dma_start3A_216 : memref<10240x64xf32, #tpu.memory_space<vmem_shared>>) offsets(%dma_start3A_213 : memref<80xi32, #tpu.memory_space<vmem>>) semaphore(%run_scoped3A_210 : memref<!tpu.dma_semaphore, #tpu.memory_space<semaphore_mem>>) {add = true}
      %dma_wait3A_217 = arith.constant 0 : i32
      %dma_wait3A_218 = tpu.memref_slice %arg10[%run_scoped3A, %dma_wait3A_217] : memref<125x80xi32, #tpu.memory_space<vmem>> -> memref<1x80xi32, #tpu.memory_space<vmem>>
      %dma_wait3A_219 = tpu.memref_squeeze %dma_wait3A_218 : memref<1x80xi32, #tpu.memory_space<vmem>> -> memref<80xi32, #tpu.memory_space<vmem>>
      %dma_wait3A_220 = arith.constant 0 : i32
      %dma_wait3A_221 = arith.constant 0 : i32
      %dma_wait3A_222 = tpu.memref_slice %arg16[%dma_wait3A_220, %dma_wait3A_221] : memref<10240x64xf32, #tpu.memory_space<vmem_shared>> -> memref<10240x64xf32, #tpu.memory_space<vmem_shared>>
      tpu.wait_indirect_dma semaphore(%run_scoped3A_210 : memref<!tpu.dma_semaphore, #tpu.memory_space<semaphore_mem>>) src(%arg11 : memref<80x64xf32, #tpu.memory_space<vmem>>) dst(%dma_wait3A_222 : memref<10240x64xf32, #tpu.memory_space<vmem_shared>>)
      tpu.yield
    }) : () -> ()
    %dma_wait3A_59 = arith.constant 0 : i32
    %dma_wait3A_60 = arith.constant 0 : i32
    %dma_wait3A_61 = tpu.memref_slice %arg9[%dma_wait3A_59, %dma_wait3A_60] : memref<125x80xi32, #tpu.memory_space<vmem>> -> memref<1x80xi32, #tpu.memory_space<vmem>>
    %dma_wait3A_62 = tpu.memref_squeeze %dma_wait3A_61 : memref<1x80xi32, #tpu.memory_space<vmem>> -> memref<80xi32, #tpu.memory_space<vmem>>
    %dma_wait3A_63 = arith.constant 0 : i32
    %dma_wait3A_64 = arith.constant 0 : i32
    %dma_wait3A_65 = tpu.memref_slice %arg2[%dma_wait3A_63, %dma_wait3A_64] : memref<10000x64xf32, #tpu.memory_space<hbm>> -> memref<10000x64xf32, #tpu.memory_space<hbm>>
    tpu.wait_indirect_dma semaphore(%arg18 : memref<!tpu.dma_semaphore, #tpu.memory_space<semaphore_mem>>) src(%dma_wait3A_65 : memref<10000x64xf32, #tpu.memory_space<hbm>>) dst(%arg12 : memref<80x64xf32, #tpu.memory_space<vmem>>)
    %run_scoped3A_66 = arith.constant 121 : i32
    "tpu.region"() ({
      %run_scoped3A_210 = tpu.sem_alloc : memref<!tpu.dma_semaphore, #tpu.memory_space<semaphore_mem>>
      %dma_start3A_211 = arith.constant 0 : i32
      %dma_start3A_212 = tpu.memref_slice %arg10[%run_scoped3A_66, %dma_start3A_211] : memref<125x80xi32, #tpu.memory_space<vmem>> -> memref<1x80xi32, #tpu.memory_space<vmem>>
      %dma_start3A_213 = tpu.memref_squeeze %dma_start3A_212 : memref<1x80xi32, #tpu.memory_space<vmem>> -> memref<80xi32, #tpu.memory_space<vmem>>
      %dma_start3A_214 = arith.constant 0 : i32
      %dma_start3A_215 = arith.constant 0 : i32
      %dma_start3A_216 = tpu.memref_slice %arg16[%dma_start3A_214, %dma_start3A_215] : memref<10240x64xf32, #tpu.memory_space<vmem_shared>> -> memref<10240x64xf32, #tpu.memory_space<vmem_shared>>
      tpu.enqueue_indirect_dma source(%arg12 : memref<80x64xf32, #tpu.memory_space<vmem>>) target(%dma_start3A_216 : memref<10240x64xf32, #tpu.memory_space<vmem_shared>>) offsets(%dma_start3A_213 : memref<80xi32, #tpu.memory_space<vmem>>) semaphore(%run_scoped3A_210 : memref<!tpu.dma_semaphore, #tpu.memory_space<semaphore_mem>>) {add = true}
      %dma_wait3A_217 = arith.constant 0 : i32
      %dma_wait3A_218 = tpu.memref_slice %arg10[%run_scoped3A_66, %dma_wait3A_217] : memref<125x80xi32, #tpu.memory_space<vmem>> -> memref<1x80xi32, #tpu.memory_space<vmem>>
      %dma_wait3A_219 = tpu.memref_squeeze %dma_wait3A_218 : memref<1x80xi32, #tpu.memory_space<vmem>> -> memref<80xi32, #tpu.memory_space<vmem>>
      %dma_wait3A_220 = arith.constant 0 : i32
      %dma_wait3A_221 = arith.constant 0 : i32
      %dma_wait3A_222 = tpu.memref_slice %arg16[%dma_wait3A_220, %dma_wait3A_221] : memref<10240x64xf32, #tpu.memory_space<vmem_shared>> -> memref<10240x64xf32, #tpu.memory_space<vmem_shared>>
      tpu.wait_indirect_dma semaphore(%run_scoped3A_210 : memref<!tpu.dma_semaphore, #tpu.memory_space<semaphore_mem>>) src(%arg12 : memref<80x64xf32, #tpu.memory_space<vmem>>) dst(%dma_wait3A_222 : memref<10240x64xf32, #tpu.memory_space<vmem_shared>>)
      tpu.yield
    }) : () -> ()
    %dma_wait3A_67 = arith.constant 0 : i32
    %dma_wait3A_68 = arith.constant 0 : i32
    %dma_wait3A_69 = tpu.memref_slice %arg9[%dma_wait3A_67, %dma_wait3A_68] : memref<125x80xi32, #tpu.memory_space<vmem>> -> memref<1x80xi32, #tpu.memory_space<vmem>>
    %dma_wait3A_70 = tpu.memref_squeeze %dma_wait3A_69 : memref<1x80xi32, #tpu.memory_space<vmem>> -> memref<80xi32, #tpu.memory_space<vmem>>
    %dma_wait3A_71 = arith.constant 0 : i32
    %dma_wait3A_72 = arith.constant 0 : i32
    %dma_wait3A_73 = tpu.memref_slice %arg2[%dma_wait3A_71, %dma_wait3A_72] : memref<10000x64xf32, #tpu.memory_space<hbm>> -> memref<10000x64xf32, #tpu.memory_space<hbm>>
    tpu.wait_indirect_dma semaphore(%arg19 : memref<!tpu.dma_semaphore, #tpu.memory_space<semaphore_mem>>) src(%dma_wait3A_73 : memref<10000x64xf32, #tpu.memory_space<hbm>>) dst(%arg13 : memref<80x64xf32, #tpu.memory_space<vmem>>)
    %run_scoped3A_74 = arith.constant 122 : i32
    "tpu.region"() ({
      %run_scoped3A_210 = tpu.sem_alloc : memref<!tpu.dma_semaphore, #tpu.memory_space<semaphore_mem>>
      %dma_start3A_211 = arith.constant 0 : i32
      %dma_start3A_212 = tpu.memref_slice %arg10[%run_scoped3A_74, %dma_start3A_211] : memref<125x80xi32, #tpu.memory_space<vmem>> -> memref<1x80xi32, #tpu.memory_space<vmem>>
      %dma_start3A_213 = tpu.memref_squeeze %dma_start3A_212 : memref<1x80xi32, #tpu.memory_space<vmem>> -> memref<80xi32, #tpu.memory_space<vmem>>
      %dma_start3A_214 = arith.constant 0 : i32
      %dma_start3A_215 = arith.constant 0 : i32
      %dma_start3A_216 = tpu.memref_slice %arg16[%dma_start3A_214, %dma_start3A_215] : memref<10240x64xf32, #tpu.memory_space<vmem_shared>> -> memref<10240x64xf32, #tpu.memory_space<vmem_shared>>
      tpu.enqueue_indirect_dma source(%arg13 : memref<80x64xf32, #tpu.memory_space<vmem>>) target(%dma_start3A_216 : memref<10240x64xf32, #tpu.memory_space<vmem_shared>>) offsets(%dma_start3A_213 : memref<80xi32, #tpu.memory_space<vmem>>) semaphore(%run_scoped3A_210 : memref<!tpu.dma_semaphore, #tpu.memory_space<semaphore_mem>>) {add = true}
      %dma_wait3A_217 = arith.constant 0 : i32
      %dma_wait3A_218 = tpu.memref_slice %arg10[%run_scoped3A_74, %dma_wait3A_217] : memref<125x80xi32, #tpu.memory_space<vmem>> -> memref<1x80xi32, #tpu.memory_space<vmem>>
      %dma_wait3A_219 = tpu.memref_squeeze %dma_wait3A_218 : memref<1x80xi32, #tpu.memory_space<vmem>> -> memref<80xi32, #tpu.memory_space<vmem>>
      %dma_wait3A_220 = arith.constant 0 : i32
      %dma_wait3A_221 = arith.constant 0 : i32
      %dma_wait3A_222 = tpu.memref_slice %arg16[%dma_wait3A_220, %dma_wait3A_221] : memref<10240x64xf32, #tpu.memory_space<vmem_shared>> -> memref<10240x64xf32, #tpu.memory_space<vmem_shared>>
      tpu.wait_indirect_dma semaphore(%run_scoped3A_210 : memref<!tpu.dma_semaphore, #tpu.memory_space<semaphore_mem>>) src(%arg13 : memref<80x64xf32, #tpu.memory_space<vmem>>) dst(%dma_wait3A_222 : memref<10240x64xf32, #tpu.memory_space<vmem_shared>>)
      tpu.yield
    }) : () -> ()
    %dma_wait3A_75 = arith.constant 0 : i32
    %dma_wait3A_76 = arith.constant 0 : i32
    %dma_wait3A_77 = tpu.memref_slice %arg9[%dma_wait3A_75, %dma_wait3A_76] : memref<125x80xi32, #tpu.memory_space<vmem>> -> memref<1x80xi32, #tpu.memory_space<vmem>>
    %dma_wait3A_78 = tpu.memref_squeeze %dma_wait3A_77 : memref<1x80xi32, #tpu.memory_space<vmem>> -> memref<80xi32, #tpu.memory_space<vmem>>
    %dma_wait3A_79 = arith.constant 0 : i32
    %dma_wait3A_80 = arith.constant 0 : i32
    %dma_wait3A_81 = tpu.memref_slice %arg2[%dma_wait3A_79, %dma_wait3A_80] : memref<10000x64xf32, #tpu.memory_space<hbm>> -> memref<10000x64xf32, #tpu.memory_space<hbm>>
    tpu.wait_indirect_dma semaphore(%arg20 : memref<!tpu.dma_semaphore, #tpu.memory_space<semaphore_mem>>) src(%dma_wait3A_81 : memref<10000x64xf32, #tpu.memory_space<hbm>>) dst(%arg14 : memref<80x64xf32, #tpu.memory_space<vmem>>)
    %run_scoped3A_82 = arith.constant 123 : i32
    "tpu.region"() ({
      %run_scoped3A_210 = tpu.sem_alloc : memref<!tpu.dma_semaphore, #tpu.memory_space<semaphore_mem>>
      %dma_start3A_211 = arith.constant 0 : i32
      %dma_start3A_212 = tpu.memref_slice %arg10[%run_scoped3A_82, %dma_start3A_211] : memref<125x80xi32, #tpu.memory_space<vmem>> -> memref<1x80xi32, #tpu.memory_space<vmem>>
      %dma_start3A_213 = tpu.memref_squeeze %dma_start3A_212 : memref<1x80xi32, #tpu.memory_space<vmem>> -> memref<80xi32, #tpu.memory_space<vmem>>
      %dma_start3A_214 = arith.constant 0 : i32
      %dma_start3A_215 = arith.constant 0 : i32
      %dma_start3A_216 = tpu.memref_slice %arg16[%dma_start3A_214, %dma_start3A_215] : memref<10240x64xf32, #tpu.memory_space<vmem_shared>> -> memref<10240x64xf32, #tpu.memory_space<vmem_shared>>
      tpu.enqueue_indirect_dma source(%arg14 : memref<80x64xf32, #tpu.memory_space<vmem>>) target(%dma_start3A_216 : memref<10240x64xf32, #tpu.memory_space<vmem_shared>>) offsets(%dma_start3A_213 : memref<80xi32, #tpu.memory_space<vmem>>) semaphore(%run_scoped3A_210 : memref<!tpu.dma_semaphore, #tpu.memory_space<semaphore_mem>>) {add = true}
      %dma_wait3A_217 = arith.constant 0 : i32
      %dma_wait3A_218 = tpu.memref_slice %arg10[%run_scoped3A_82, %dma_wait3A_217] : memref<125x80xi32, #tpu.memory_space<vmem>> -> memref<1x80xi32, #tpu.memory_space<vmem>>
      %dma_wait3A_219 = tpu.memref_squeeze %dma_wait3A_218 : memref<1x80xi32, #tpu.memory_space<vmem>> -> memref<80xi32, #tpu.memory_space<vmem>>
      %dma_wait3A_220 = arith.constant 0 : i32
      %dma_wait3A_221 = arith.constant 0 : i32
      %dma_wait3A_222 = tpu.memref_slice %arg16[%dma_wait3A_220, %dma_wait3A_221] : memref<10240x64xf32, #tpu.memory_space<vmem_shared>> -> memref<10240x64xf32, #tpu.memory_space<vmem_shared>>
      tpu.wait_indirect_dma semaphore(%run_scoped3A_210 : memref<!tpu.dma_semaphore, #tpu.memory_space<semaphore_mem>>) src(%arg14 : memref<80x64xf32, #tpu.memory_space<vmem>>) dst(%dma_wait3A_222 : memref<10240x64xf32, #tpu.memory_space<vmem_shared>>)
      tpu.yield
    }) : () -> ()
    %dma_start3A_83 = arith.constant 124 : i32
    %dma_start3A_84 = arith.constant 0 : i32
    %dma_start3A_85 = tpu.memref_slice %arg9[%dma_start3A_83, %dma_start3A_84] : memref<125x80xi32, #tpu.memory_space<vmem>> -> memref<1x80xi32, #tpu.memory_space<vmem>>
    %dma_start3A_86 = tpu.memref_squeeze %dma_start3A_85 : memref<1x80xi32, #tpu.memory_space<vmem>> -> memref<80xi32, #tpu.memory_space<vmem>>
    %dma_start3A_87 = arith.constant 0 : i32
    %dma_start3A_88 = arith.constant 0 : i32
    %dma_start3A_89 = tpu.memref_slice %arg2[%dma_start3A_87, %dma_start3A_88] : memref<10000x64xf32, #tpu.memory_space<hbm>> -> memref<10000x64xf32, #tpu.memory_space<hbm>>
    tpu.enqueue_indirect_dma source(%dma_start3A_89 : memref<10000x64xf32, #tpu.memory_space<hbm>>) target(%arg11 : memref<80x64xf32, #tpu.memory_space<vmem>>) offsets(%dma_start3A_86 : memref<80xi32, #tpu.memory_space<vmem>>) semaphore(%arg17 : memref<!tpu.dma_semaphore, #tpu.memory_space<semaphore_mem>>)
    %dma_wait3A_90 = arith.constant 0 : i32
    %dma_wait3A_91 = arith.constant 0 : i32
    %dma_wait3A_92 = tpu.memref_slice %arg9[%dma_wait3A_90, %dma_wait3A_91] : memref<125x80xi32, #tpu.memory_space<vmem>> -> memref<1x80xi32, #tpu.memory_space<vmem>>
    %dma_wait3A_93 = tpu.memref_squeeze %dma_wait3A_92 : memref<1x80xi32, #tpu.memory_space<vmem>> -> memref<80xi32, #tpu.memory_space<vmem>>
    %dma_wait3A_94 = arith.constant 0 : i32
    %dma_wait3A_95 = arith.constant 0 : i32
    %dma_wait3A_96 = tpu.memref_slice %arg2[%dma_wait3A_94, %dma_wait3A_95] : memref<10000x64xf32, #tpu.memory_space<hbm>> -> memref<10000x64xf32, #tpu.memory_space<hbm>>
    tpu.wait_indirect_dma semaphore(%arg17 : memref<!tpu.dma_semaphore, #tpu.memory_space<semaphore_mem>>) src(%dma_wait3A_96 : memref<10000x64xf32, #tpu.memory_space<hbm>>) dst(%arg11 : memref<80x64xf32, #tpu.memory_space<vmem>>)
    %run_scoped3A_97 = arith.constant 124 : i32
    "tpu.region"() ({
      %run_scoped3A_210 = tpu.sem_alloc : memref<!tpu.dma_semaphore, #tpu.memory_space<semaphore_mem>>
      %dma_start3A_211 = arith.constant 0 : i32
      %dma_start3A_212 = tpu.memref_slice %arg10[%run_scoped3A_97, %dma_start3A_211] : memref<125x80xi32, #tpu.memory_space<vmem>> -> memref<1x80xi32, #tpu.memory_space<vmem>>
      %dma_start3A_213 = tpu.memref_squeeze %dma_start3A_212 : memref<1x80xi32, #tpu.memory_space<vmem>> -> memref<80xi32, #tpu.memory_space<vmem>>
      %dma_start3A_214 = arith.constant 0 : i32
      %dma_start3A_215 = arith.constant 0 : i32
      %dma_start3A_216 = tpu.memref_slice %arg16[%dma_start3A_214, %dma_start3A_215] : memref<10240x64xf32, #tpu.memory_space<vmem_shared>> -> memref<10240x64xf32, #tpu.memory_space<vmem_shared>>
      tpu.enqueue_indirect_dma source(%arg11 : memref<80x64xf32, #tpu.memory_space<vmem>>) target(%dma_start3A_216 : memref<10240x64xf32, #tpu.memory_space<vmem_shared>>) offsets(%dma_start3A_213 : memref<80xi32, #tpu.memory_space<vmem>>) semaphore(%run_scoped3A_210 : memref<!tpu.dma_semaphore, #tpu.memory_space<semaphore_mem>>) {add = true}
      %dma_wait3A_217 = arith.constant 0 : i32
      %dma_wait3A_218 = tpu.memref_slice %arg10[%run_scoped3A_97, %dma_wait3A_217] : memref<125x80xi32, #tpu.memory_space<vmem>> -> memref<1x80xi32, #tpu.memory_space<vmem>>
      %dma_wait3A_219 = tpu.memref_squeeze %dma_wait3A_218 : memref<1x80xi32, #tpu.memory_space<vmem>> -> memref<80xi32, #tpu.memory_space<vmem>>
      %dma_wait3A_220 = arith.constant 0 : i32
      %dma_wait3A_221 = arith.constant 0 : i32
      %dma_wait3A_222 = tpu.memref_slice %arg16[%dma_wait3A_220, %dma_wait3A_221] : memref<10240x64xf32, #tpu.memory_space<vmem_shared>> -> memref<10240x64xf32, #tpu.memory_space<vmem_shared>>
      tpu.wait_indirect_dma semaphore(%run_scoped3A_210 : memref<!tpu.dma_semaphore, #tpu.memory_space<semaphore_mem>>) src(%arg11 : memref<80x64xf32, #tpu.memory_space<vmem>>) dst(%dma_wait3A_222 : memref<10240x64xf32, #tpu.memory_space<vmem_shared>>)
      tpu.yield
    }) : () -> ()
    %barrier3A_98 = arith.constant 0 : index
    tpu.barrier barrier_id(%barrier3A_98)
    %mul3A_99 = arith.constant 640 : i32
    %mul3A_100 = arith.muli %arg1, %mul3A_99 : i32
    %mul3A_101 = arith.constant 640 : i32
    %mul3A_102 = arith.muli %arg1, %mul3A_101 : i32
    "tpu.region"() ({
      %run_scoped3A_210 = tpu.sem_alloc : memref<!tpu.dma_semaphore, #tpu.memory_space<semaphore_mem>>
      %dma_start3A_211 = arith.constant 0 : i32
      %dma_start3A_212 = tpu.memref_slice %arg7[%arg0, %mul3A_102, %dma_start3A_211] : memref<2x10240x64xf32, #tpu.memory_space<hbm>> -> memref<1x640x64xf32, #tpu.memory_space<hbm>>
      %dma_start3A_213 = tpu.memref_squeeze %dma_start3A_212 : memref<1x640x64xf32, #tpu.memory_space<hbm>> -> memref<640x64xf32, #tpu.memory_space<hbm>>
      %dma_start3A_214 = arith.constant 0 : i32
      %dma_start3A_215 = tpu.memref_slice %arg16[%mul3A_100, %dma_start3A_214] : memref<10240x64xf32, #tpu.memory_space<vmem_shared>> -> memref<640x64xf32, #tpu.memory_space<vmem_shared>>
      tpu.enqueue_dma source(%dma_start3A_215 : memref<640x64xf32, #tpu.memory_space<vmem_shared>>) target(%dma_start3A_213 : memref<640x64xf32, #tpu.memory_space<hbm>>) target_semaphore(%run_scoped3A_210 : memref<!tpu.dma_semaphore, #tpu.memory_space<semaphore_mem>>)
      %dma_wait3A_216 = arith.constant 0 : i32
      %dma_wait3A_217 = tpu.memref_slice %arg7[%arg0, %mul3A_102, %dma_wait3A_216] : memref<2x10240x64xf32, #tpu.memory_space<hbm>> -> memref<1x640x64xf32, #tpu.memory_space<hbm>>
      %dma_wait3A_218 = tpu.memref_squeeze %dma_wait3A_217 : memref<1x640x64xf32, #tpu.memory_space<hbm>> -> memref<640x64xf32, #tpu.memory_space<hbm>>
      %dma_wait3A_219 = arith.constant 0 : i32
      %dma_wait3A_220 = tpu.memref_slice %arg16[%mul3A_100, %dma_wait3A_219] : memref<10240x64xf32, #tpu.memory_space<vmem_shared>> -> memref<640x64xf32, #tpu.memory_space<vmem_shared>>
      tpu.wait_dma2 semaphore(%run_scoped3A_210 : memref<!tpu.dma_semaphore, #tpu.memory_space<semaphore_mem>>) src(%dma_wait3A_220 : memref<640x64xf32, #tpu.memory_space<vmem_shared>>) dst(%dma_wait3A_218 : memref<640x64xf32, #tpu.memory_space<hbm>>)
      tpu.yield
    }) : () -> ()
    %mul3A_103 = arith.constant 640 : i32
    %mul3A_104 = arith.muli %arg1, %mul3A_103 : i32
    %add3A_105 = arith.constant 0 : i32
    %add3A_106 = arith.addi %mul3A_104, %add3A_105 : i32
    "tpu.region"() ({
      %run_scoped3A_210 = tpu.sem_alloc : memref<!tpu.dma_semaphore, #tpu.memory_space<semaphore_mem>>
      %dma_start3A_211 = arith.constant 0 : i32
      %dma_start3A_212 = tpu.memref_slice %arg16[%add3A_106, %dma_start3A_211] : memref<10240x64xf32, #tpu.memory_space<vmem_shared>> -> memref<128x64xf32, #tpu.memory_space<vmem_shared>>
      %dma_start3A_213 = arith.constant 0 : i32
      %dma_start3A_214 = tpu.memref_slice %arg16[%add3A_106, %dma_start3A_213] : memref<10240x64xf32, #tpu.memory_space<vmem_shared>> -> memref<128x64xf32, #tpu.memory_space<vmem_shared>>
      tpu.enqueue_dma source(%arg15 : memref<128x64xf32, #tpu.memory_space<vmem>>) target(%dma_start3A_214 : memref<128x64xf32, #tpu.memory_space<vmem_shared>>) target_semaphore(%run_scoped3A_210 : memref<!tpu.dma_semaphore, #tpu.memory_space<semaphore_mem>>)
      %dma_wait3A_215 = arith.constant 0 : i32
      %dma_wait3A_216 = tpu.memref_slice %arg16[%add3A_106, %dma_wait3A_215] : memref<10240x64xf32, #tpu.memory_space<vmem_shared>> -> memref<128x64xf32, #tpu.memory_space<vmem_shared>>
      %dma_wait3A_217 = arith.constant 0 : i32
      %dma_wait3A_218 = tpu.memref_slice %arg16[%add3A_106, %dma_wait3A_217] : memref<10240x64xf32, #tpu.memory_space<vmem_shared>> -> memref<128x64xf32, #tpu.memory_space<vmem_shared>>
      tpu.wait_dma2 semaphore(%run_scoped3A_210 : memref<!tpu.dma_semaphore, #tpu.memory_space<semaphore_mem>>) src(%arg15 : memref<128x64xf32, #tpu.memory_space<vmem>>) dst(%dma_wait3A_218 : memref<128x64xf32, #tpu.memory_space<vmem_shared>>)
      tpu.yield
    }) : () -> ()
    %mul3A_107 = arith.constant 640 : i32
    %mul3A_108 = arith.muli %arg1, %mul3A_107 : i32
    %add3A_109 = arith.constant 128 : i32
    %add3A_110 = arith.addi %mul3A_108, %add3A_109 : i32
    "tpu.region"() ({
      %run_scoped3A_210 = tpu.sem_alloc : memref<!tpu.dma_semaphore, #tpu.memory_space<semaphore_mem>>
      %dma_start3A_211 = arith.constant 0 : i32
      %dma_start3A_212 = tpu.memref_slice %arg16[%add3A_110, %dma_start3A_211] : memref<10240x64xf32, #tpu.memory_space<vmem_shared>> -> memref<128x64xf32, #tpu.memory_space<vmem_shared>>
      %dma_start3A_213 = arith.constant 0 : i32
      %dma_start3A_214 = tpu.memref_slice %arg16[%add3A_110, %dma_start3A_213] : memref<10240x64xf32, #tpu.memory_space<vmem_shared>> -> memref<128x64xf32, #tpu.memory_space<vmem_shared>>
      tpu.enqueue_dma source(%arg15 : memref<128x64xf32, #tpu.memory_space<vmem>>) target(%dma_start3A_214 : memref<128x64xf32, #tpu.memory_space<vmem_shared>>) target_semaphore(%run_scoped3A_210 : memref<!tpu.dma_semaphore, #tpu.memory_space<semaphore_mem>>)
      %dma_wait3A_215 = arith.constant 0 : i32
      %dma_wait3A_216 = tpu.memref_slice %arg16[%add3A_110, %dma_wait3A_215] : memref<10240x64xf32, #tpu.memory_space<vmem_shared>> -> memref<128x64xf32, #tpu.memory_space<vmem_shared>>
      %dma_wait3A_217 = arith.constant 0 : i32
      %dma_wait3A_218 = tpu.memref_slice %arg16[%add3A_110, %dma_wait3A_217] : memref<10240x64xf32, #tpu.memory_space<vmem_shared>> -> memref<128x64xf32, #tpu.memory_space<vmem_shared>>
      tpu.wait_dma2 semaphore(%run_scoped3A_210 : memref<!tpu.dma_semaphore, #tpu.memory_space<semaphore_mem>>) src(%arg15 : memref<128x64xf32, #tpu.memory_space<vmem>>) dst(%dma_wait3A_218 : memref<128x64xf32, #tpu.memory_space<vmem_shared>>)
      tpu.yield
    }) : () -> ()
    %mul3A_111 = arith.constant 640 : i32
    %mul3A_112 = arith.muli %arg1, %mul3A_111 : i32
    %add3A_113 = arith.constant 256 : i32
    %add3A_114 = arith.addi %mul3A_112, %add3A_113 : i32
    "tpu.region"() ({
      %run_scoped3A_210 = tpu.sem_alloc : memref<!tpu.dma_semaphore, #tpu.memory_space<semaphore_mem>>
      %dma_start3A_211 = arith.constant 0 : i32
      %dma_start3A_212 = tpu.memref_slice %arg16[%add3A_114, %dma_start3A_211] : memref<10240x64xf32, #tpu.memory_space<vmem_shared>> -> memref<128x64xf32, #tpu.memory_space<vmem_shared>>
      %dma_start3A_213 = arith.constant 0 : i32
      %dma_start3A_214 = tpu.memref_slice %arg16[%add3A_114, %dma_start3A_213] : memref<10240x64xf32, #tpu.memory_space<vmem_shared>> -> memref<128x64xf32, #tpu.memory_space<vmem_shared>>
      tpu.enqueue_dma source(%arg15 : memref<128x64xf32, #tpu.memory_space<vmem>>) target(%dma_start3A_214 : memref<128x64xf32, #tpu.memory_space<vmem_shared>>) target_semaphore(%run_scoped3A_210 : memref<!tpu.dma_semaphore, #tpu.memory_space<semaphore_mem>>)
      %dma_wait3A_215 = arith.constant 0 : i32
      %dma_wait3A_216 = tpu.memref_slice %arg16[%add3A_114, %dma_wait3A_215] : memref<10240x64xf32, #tpu.memory_space<vmem_shared>> -> memref<128x64xf32, #tpu.memory_space<vmem_shared>>
      %dma_wait3A_217 = arith.constant 0 : i32
      %dma_wait3A_218 = tpu.memref_slice %arg16[%add3A_114, %dma_wait3A_217] : memref<10240x64xf32, #tpu.memory_space<vmem_shared>> -> memref<128x64xf32, #tpu.memory_space<vmem_shared>>
      tpu.wait_dma2 semaphore(%run_scoped3A_210 : memref<!tpu.dma_semaphore, #tpu.memory_space<semaphore_mem>>) src(%arg15 : memref<128x64xf32, #tpu.memory_space<vmem>>) dst(%dma_wait3A_218 : memref<128x64xf32, #tpu.memory_space<vmem_shared>>)
      tpu.yield
    }) : () -> ()
    %mul3A_115 = arith.constant 640 : i32
    %mul3A_116 = arith.muli %arg1, %mul3A_115 : i32
    %add3A_117 = arith.constant 384 : i32
    %add3A_118 = arith.addi %mul3A_116, %add3A_117 : i32
    "tpu.region"() ({
      %run_scoped3A_210 = tpu.sem_alloc : memref<!tpu.dma_semaphore, #tpu.memory_space<semaphore_mem>>
      %dma_start3A_211 = arith.constant 0 : i32
      %dma_start3A_212 = tpu.memref_slice %arg16[%add3A_118, %dma_start3A_211] : memref<10240x64xf32, #tpu.memory_space<vmem_shared>> -> memref<128x64xf32, #tpu.memory_space<vmem_shared>>
      %dma_start3A_213 = arith.constant 0 : i32
      %dma_start3A_214 = tpu.memref_slice %arg16[%add3A_118, %dma_start3A_213] : memref<10240x64xf32, #tpu.memory_space<vmem_shared>> -> memref<128x64xf32, #tpu.memory_space<vmem_shared>>
      tpu.enqueue_dma source(%arg15 : memref<128x64xf32, #tpu.memory_space<vmem>>) target(%dma_start3A_214 : memref<128x64xf32, #tpu.memory_space<vmem_shared>>) target_semaphore(%run_scoped3A_210 : memref<!tpu.dma_semaphore, #tpu.memory_space<semaphore_mem>>)
      %dma_wait3A_215 = arith.constant 0 : i32
      %dma_wait3A_216 = tpu.memref_slice %arg16[%add3A_118, %dma_wait3A_215] : memref<10240x64xf32, #tpu.memory_space<vmem_shared>> -> memref<128x64xf32, #tpu.memory_space<vmem_shared>>
      %dma_wait3A_217 = arith.constant 0 : i32
      %dma_wait3A_218 = tpu.memref_slice %arg16[%add3A_118, %dma_wait3A_217] : memref<10240x64xf32, #tpu.memory_space<vmem_shared>> -> memref<128x64xf32, #tpu.memory_space<vmem_shared>>
      tpu.wait_dma2 semaphore(%run_scoped3A_210 : memref<!tpu.dma_semaphore, #tpu.memory_space<semaphore_mem>>) src(%arg15 : memref<128x64xf32, #tpu.memory_space<vmem>>) dst(%dma_wait3A_218 : memref<128x64xf32, #tpu.memory_space<vmem_shared>>)
      tpu.yield
    }) : () -> ()
    %mul3A_119 = arith.constant 640 : i32
    %mul3A_120 = arith.muli %arg1, %mul3A_119 : i32
    %add3A_121 = arith.constant 512 : i32
    %add3A_122 = arith.addi %mul3A_120, %add3A_121 : i32
    "tpu.region"() ({
      %run_scoped3A_210 = tpu.sem_alloc : memref<!tpu.dma_semaphore, #tpu.memory_space<semaphore_mem>>
      %dma_start3A_211 = arith.constant 0 : i32
      %dma_start3A_212 = tpu.memref_slice %arg16[%add3A_122, %dma_start3A_211] : memref<10240x64xf32, #tpu.memory_space<vmem_shared>> -> memref<128x64xf32, #tpu.memory_space<vmem_shared>>
      %dma_start3A_213 = arith.constant 0 : i32
      %dma_start3A_214 = tpu.memref_slice %arg16[%add3A_122, %dma_start3A_213] : memref<10240x64xf32, #tpu.memory_space<vmem_shared>> -> memref<128x64xf32, #tpu.memory_space<vmem_shared>>
      tpu.enqueue_dma source(%arg15 : memref<128x64xf32, #tpu.memory_space<vmem>>) target(%dma_start3A_214 : memref<128x64xf32, #tpu.memory_space<vmem_shared>>) target_semaphore(%run_scoped3A_210 : memref<!tpu.dma_semaphore, #tpu.memory_space<semaphore_mem>>)
      %dma_wait3A_215 = arith.constant 0 : i32
      %dma_wait3A_216 = tpu.memref_slice %arg16[%add3A_122, %dma_wait3A_215] : memref<10240x64xf32, #tpu.memory_space<vmem_shared>> -> memref<128x64xf32, #tpu.memory_space<vmem_shared>>
      %dma_wait3A_217 = arith.constant 0 : i32
      %dma_wait3A_218 = tpu.memref_slice %arg16[%add3A_122, %dma_wait3A_217] : memref<10240x64xf32, #tpu.memory_space<vmem_shared>> -> memref<128x64xf32, #tpu.memory_space<vmem_shared>>
      tpu.wait_dma2 semaphore(%run_scoped3A_210 : memref<!tpu.dma_semaphore, #tpu.memory_space<semaphore_mem>>) src(%arg15 : memref<128x64xf32, #tpu.memory_space<vmem>>) dst(%dma_wait3A_218 : memref<128x64xf32, #tpu.memory_space<vmem_shared>>)
      tpu.yield
    }) : () -> ()
    %barrier3A_123 = arith.constant 0 : index
    tpu.barrier barrier_id(%barrier3A_123)
    %dma_start3A_124 = arith.constant 0 : i32
    %dma_start3A_125 = arith.constant 0 : i32
    %dma_start3A_126 = tpu.memref_slice %arg9[%dma_start3A_124, %dma_start3A_125] : memref<125x80xi32, #tpu.memory_space<vmem>> -> memref<1x80xi32, #tpu.memory_space<vmem>>
    %dma_start3A_127 = tpu.memref_squeeze %dma_start3A_126 : memref<1x80xi32, #tpu.memory_space<vmem>> -> memref<80xi32, #tpu.memory_space<vmem>>
    %dma_start3A_128 = arith.constant 0 : i32
    %dma_start3A_129 = arith.constant 0 : i32
    %dma_start3A_130 = tpu.memref_slice %arg3[%dma_start3A_128, %dma_start3A_129] : memref<10000x64xf32, #tpu.memory_space<hbm>> -> memref<10000x64xf32, #tpu.memory_space<hbm>>
    tpu.enqueue_indirect_dma source(%dma_start3A_130 : memref<10000x64xf32, #tpu.memory_space<hbm>>) target(%arg11 : memref<80x64xf32, #tpu.memory_space<vmem>>) offsets(%dma_start3A_127 : memref<80xi32, #tpu.memory_space<vmem>>) semaphore(%arg17 : memref<!tpu.dma_semaphore, #tpu.memory_space<semaphore_mem>>)
    %dma_start3A_131 = arith.constant 1 : i32
    %dma_start3A_132 = arith.constant 0 : i32
    %dma_start3A_133 = tpu.memref_slice %arg9[%dma_start3A_131, %dma_start3A_132] : memref<125x80xi32, #tpu.memory_space<vmem>> -> memref<1x80xi32, #tpu.memory_space<vmem>>
    %dma_start3A_134 = tpu.memref_squeeze %dma_start3A_133 : memref<1x80xi32, #tpu.memory_space<vmem>> -> memref<80xi32, #tpu.memory_space<vmem>>
    %dma_start3A_135 = arith.constant 0 : i32
    %dma_start3A_136 = arith.constant 0 : i32
    %dma_start3A_137 = tpu.memref_slice %arg3[%dma_start3A_135, %dma_start3A_136] : memref<10000x64xf32, #tpu.memory_space<hbm>> -> memref<10000x64xf32, #tpu.memory_space<hbm>>
    tpu.enqueue_indirect_dma source(%dma_start3A_137 : memref<10000x64xf32, #tpu.memory_space<hbm>>) target(%arg12 : memref<80x64xf32, #tpu.memory_space<vmem>>) offsets(%dma_start3A_134 : memref<80xi32, #tpu.memory_space<vmem>>) semaphore(%arg18 : memref<!tpu.dma_semaphore, #tpu.memory_space<semaphore_mem>>)
    %dma_start3A_138 = arith.constant 2 : i32
    %dma_start3A_139 = arith.constant 0 : i32
    %dma_start3A_140 = tpu.memref_slice %arg9[%dma_start3A_138, %dma_start3A_139] : memref<125x80xi32, #tpu.memory_space<vmem>> -> memref<1x80xi32, #tpu.memory_space<vmem>>
    %dma_start3A_141 = tpu.memref_squeeze %dma_start3A_140 : memref<1x80xi32, #tpu.memory_space<vmem>> -> memref<80xi32, #tpu.memory_space<vmem>>
    %dma_start3A_142 = arith.constant 0 : i32
    %dma_start3A_143 = arith.constant 0 : i32
    %dma_start3A_144 = tpu.memref_slice %arg3[%dma_start3A_142, %dma_start3A_143] : memref<10000x64xf32, #tpu.memory_space<hbm>> -> memref<10000x64xf32, #tpu.memory_space<hbm>>
    tpu.enqueue_indirect_dma source(%dma_start3A_144 : memref<10000x64xf32, #tpu.memory_space<hbm>>) target(%arg13 : memref<80x64xf32, #tpu.memory_space<vmem>>) offsets(%dma_start3A_141 : memref<80xi32, #tpu.memory_space<vmem>>) semaphore(%arg19 : memref<!tpu.dma_semaphore, #tpu.memory_space<semaphore_mem>>)
    %dma_start3A_145 = arith.constant 3 : i32
    %dma_start3A_146 = arith.constant 0 : i32
    %dma_start3A_147 = tpu.memref_slice %arg9[%dma_start3A_145, %dma_start3A_146] : memref<125x80xi32, #tpu.memory_space<vmem>> -> memref<1x80xi32, #tpu.memory_space<vmem>>
    %dma_start3A_148 = tpu.memref_squeeze %dma_start3A_147 : memref<1x80xi32, #tpu.memory_space<vmem>> -> memref<80xi32, #tpu.memory_space<vmem>>
    %dma_start3A_149 = arith.constant 0 : i32
    %dma_start3A_150 = arith.constant 0 : i32
    %dma_start3A_151 = tpu.memref_slice %arg3[%dma_start3A_149, %dma_start3A_150] : memref<10000x64xf32, #tpu.memory_space<hbm>> -> memref<10000x64xf32, #tpu.memory_space<hbm>>
    tpu.enqueue_indirect_dma source(%dma_start3A_151 : memref<10000x64xf32, #tpu.memory_space<hbm>>) target(%arg14 : memref<80x64xf32, #tpu.memory_space<vmem>>) offsets(%dma_start3A_148 : memref<80xi32, #tpu.memory_space<vmem>>) semaphore(%arg20 : memref<!tpu.dma_semaphore, #tpu.memory_space<semaphore_mem>>)
    %scan3A_152 = arith.constant 0 : i32
    %scan3A_153 = arith.constant 0 : i32
    %scan3A_154 = arith.constant 30 : i32
    %scan3A_155 = arith.addi %scan3A_153, %scan3A_154 : i32
    %scan3A_156 = arith.constant 1 : i32
    scf.for %scan3A_210 = %scan3A_153 to %scan3A_155 step %scan3A_156  : i32 {
      %dma_wait3A_211 = arith.constant 0 : i32
      %dma_wait3A_212 = arith.constant 0 : i32
      %dma_wait3A_213 = tpu.memref_slice %arg9[%dma_wait3A_211, %dma_wait3A_212] : memref<125x80xi32, #tpu.memory_space<vmem>> -> memref<1x80xi32, #tpu.memory_space<vmem>>
      %dma_wait3A_214 = tpu.memref_squeeze %dma_wait3A_213 : memref<1x80xi32, #tpu.memory_space<vmem>> -> memref<80xi32, #tpu.memory_space<vmem>>
      %dma_wait3A_215 = arith.constant 0 : i32
      %dma_wait3A_216 = arith.constant 0 : i32
      %dma_wait3A_217 = tpu.memref_slice %arg3[%dma_wait3A_215, %dma_wait3A_216] : memref<10000x64xf32, #tpu.memory_space<hbm>> -> memref<10000x64xf32, #tpu.memory_space<hbm>>
      tpu.wait_indirect_dma semaphore(%arg17 : memref<!tpu.dma_semaphore, #tpu.memory_space<semaphore_mem>>) src(%dma_wait3A_217 : memref<10000x64xf32, #tpu.memory_space<hbm>>) dst(%arg11 : memref<80x64xf32, #tpu.memory_space<vmem>>)
      %mul3A_218 = arith.constant 4 : i32
      %mul3A_219 = arith.muli %mul3A_218, %scan3A_210 : i32
      %add3A_220 = arith.constant 0 : i32
      %add3A_221 = arith.addi %mul3A_219, %add3A_220 : i32
      "tpu.region"() ({
        %run_scoped3A_303 = tpu.sem_alloc : memref<!tpu.dma_semaphore, #tpu.memory_space<semaphore_mem>>
        %dma_start3A_304 = arith.constant 0 : i32
        %dma_start3A_305 = tpu.memref_slice %arg10[%add3A_221, %dma_start3A_304] : memref<125x80xi32, #tpu.memory_space<vmem>> -> memref<1x80xi32, #tpu.memory_space<vmem>>
        %dma_start3A_306 = tpu.memref_squeeze %dma_start3A_305 : memref<1x80xi32, #tpu.memory_space<vmem>> -> memref<80xi32, #tpu.memory_space<vmem>>
        %dma_start3A_307 = arith.constant 0 : i32
        %dma_start3A_308 = arith.constant 0 : i32
        %dma_start3A_309 = tpu.memref_slice %arg16[%dma_start3A_307, %dma_start3A_308] : memref<10240x64xf32, #tpu.memory_space<vmem_shared>> -> memref<10240x64xf32, #tpu.memory_space<vmem_shared>>
        tpu.enqueue_indirect_dma source(%arg11 : memref<80x64xf32, #tpu.memory_space<vmem>>) target(%dma_start3A_309 : memref<10240x64xf32, #tpu.memory_space<vmem_shared>>) offsets(%dma_start3A_306 : memref<80xi32, #tpu.memory_space<vmem>>) semaphore(%run_scoped3A_303 : memref<!tpu.dma_semaphore, #tpu.memory_space<semaphore_mem>>) {add = true}
        %dma_wait3A_310 = arith.constant 0 : i32
        %dma_wait3A_311 = tpu.memref_slice %arg10[%add3A_221, %dma_wait3A_310] : memref<125x80xi32, #tpu.memory_space<vmem>> -> memref<1x80xi32, #tpu.memory_space<vmem>>
        %dma_wait3A_312 = tpu.memref_squeeze %dma_wait3A_311 : memref<1x80xi32, #tpu.memory_space<vmem>> -> memref<80xi32, #tpu.memory_space<vmem>>
        %dma_wait3A_313 = arith.constant 0 : i32
        %dma_wait3A_314 = arith.constant 0 : i32
        %dma_wait3A_315 = tpu.memref_slice %arg16[%dma_wait3A_313, %dma_wait3A_314] : memref<10240x64xf32, #tpu.memory_space<vmem_shared>> -> memref<10240x64xf32, #tpu.memory_space<vmem_shared>>
        tpu.wait_indirect_dma semaphore(%run_scoped3A_303 : memref<!tpu.dma_semaphore, #tpu.memory_space<semaphore_mem>>) src(%arg11 : memref<80x64xf32, #tpu.memory_space<vmem>>) dst(%dma_wait3A_315 : memref<10240x64xf32, #tpu.memory_space<vmem_shared>>)
        tpu.yield
      }) : () -> ()
      %add3A_222 = arith.constant 1 : i32
      %add3A_223 = arith.addi %scan3A_210, %add3A_222 : i32
      %mul3A_224 = arith.constant 4 : i32
      %mul3A_225 = arith.muli %mul3A_224, %add3A_223 : i32
      %add3A_226 = arith.constant 0 : i32
      %add3A_227 = arith.addi %mul3A_225, %add3A_226 : i32
      %dma_start3A_228 = arith.constant 0 : i32
      %dma_start3A_229 = tpu.memref_slice %arg9[%add3A_227, %dma_start3A_228] : memref<125x80xi32, #tpu.memory_space<vmem>> -> memref<1x80xi32, #tpu.memory_space<vmem>>
      %dma_start3A_230 = tpu.memref_squeeze %dma_start3A_229 : memref<1x80xi32, #tpu.memory_space<vmem>> -> memref<80xi32, #tpu.memory_space<vmem>>
      %dma_start3A_231 = arith.constant 0 : i32
      %dma_start3A_232 = arith.constant 0 : i32
      %dma_start3A_233 = tpu.memref_slice %arg3[%dma_start3A_231, %dma_start3A_232] : memref<10000x64xf32, #tpu.memory_space<hbm>> -> memref<10000x64xf32, #tpu.memory_space<hbm>>
      tpu.enqueue_indirect_dma source(%dma_start3A_233 : memref<10000x64xf32, #tpu.memory_space<hbm>>) target(%arg11 : memref<80x64xf32, #tpu.memory_space<vmem>>) offsets(%dma_start3A_230 : memref<80xi32, #tpu.memory_space<vmem>>) semaphore(%arg17 : memref<!tpu.dma_semaphore, #tpu.memory_space<semaphore_mem>>)
      %dma_wait3A_234 = arith.constant 0 : i32
      %dma_wait3A_235 = arith.constant 0 : i32
      %dma_wait3A_236 = tpu.memref_slice %arg9[%dma_wait3A_234, %dma_wait3A_235] : memref<125x80xi32, #tpu.memory_space<vmem>> -> memref<1x80xi32, #tpu.memory_space<vmem>>
      %dma_wait3A_237 = tpu.memref_squeeze %dma_wait3A_236 : memref<1x80xi32, #tpu.memory_space<vmem>> -> memref<80xi32, #tpu.memory_space<vmem>>
      %dma_wait3A_238 = arith.constant 0 : i32
      %dma_wait3A_239 = arith.constant 0 : i32
      %dma_wait3A_240 = tpu.memref_slice %arg3[%dma_wait3A_238, %dma_wait3A_239] : memref<10000x64xf32, #tpu.memory_space<hbm>> -> memref<10000x64xf32, #tpu.memory_space<hbm>>
      tpu.wait_indirect_dma semaphore(%arg18 : memref<!tpu.dma_semaphore, #tpu.memory_space<semaphore_mem>>) src(%dma_wait3A_240 : memref<10000x64xf32, #tpu.memory_space<hbm>>) dst(%arg12 : memref<80x64xf32, #tpu.memory_space<vmem>>)
      %mul3A_241 = arith.constant 4 : i32
      %mul3A_242 = arith.muli %mul3A_241, %scan3A_210 : i32
      %add3A_243 = arith.constant 1 : i32
      %add3A_244 = arith.addi %mul3A_242, %add3A_243 : i32
      "tpu.region"() ({
        %run_scoped3A_303 = tpu.sem_alloc : memref<!tpu.dma_semaphore, #tpu.memory_space<semaphore_mem>>
        %dma_start3A_304 = arith.constant 0 : i32
        %dma_start3A_305 = tpu.memref_slice %arg10[%add3A_244, %dma_start3A_304] : memref<125x80xi32, #tpu.memory_space<vmem>> -> memref<1x80xi32, #tpu.memory_space<vmem>>
        %dma_start3A_306 = tpu.memref_squeeze %dma_start3A_305 : memref<1x80xi32, #tpu.memory_space<vmem>> -> memref<80xi32, #tpu.memory_space<vmem>>
        %dma_start3A_307 = arith.constant 0 : i32
        %dma_start3A_308 = arith.constant 0 : i32
        %dma_start3A_309 = tpu.memref_slice %arg16[%dma_start3A_307, %dma_start3A_308] : memref<10240x64xf32, #tpu.memory_space<vmem_shared>> -> memref<10240x64xf32, #tpu.memory_space<vmem_shared>>
        tpu.enqueue_indirect_dma source(%arg12 : memref<80x64xf32, #tpu.memory_space<vmem>>) target(%dma_start3A_309 : memref<10240x64xf32, #tpu.memory_space<vmem_shared>>) offsets(%dma_start3A_306 : memref<80xi32, #tpu.memory_space<vmem>>) semaphore(%run_scoped3A_303 : memref<!tpu.dma_semaphore, #tpu.memory_space<semaphore_mem>>) {add = true}
        %dma_wait3A_310 = arith.constant 0 : i32
        %dma_wait3A_311 = tpu.memref_slice %arg10[%add3A_244, %dma_wait3A_310] : memref<125x80xi32, #tpu.memory_space<vmem>> -> memref<1x80xi32, #tpu.memory_space<vmem>>
        %dma_wait3A_312 = tpu.memref_squeeze %dma_wait3A_311 : memref<1x80xi32, #tpu.memory_space<vmem>> -> memref<80xi32, #tpu.memory_space<vmem>>
        %dma_wait3A_313 = arith.constant 0 : i32
        %dma_wait3A_314 = arith.constant 0 : i32
        %dma_wait3A_315 = tpu.memref_slice %arg16[%dma_wait3A_313, %dma_wait3A_314] : memref<10240x64xf32, #tpu.memory_space<vmem_shared>> -> memref<10240x64xf32, #tpu.memory_space<vmem_shared>>
        tpu.wait_indirect_dma semaphore(%run_scoped3A_303 : memref<!tpu.dma_semaphore, #tpu.memory_space<semaphore_mem>>) src(%arg12 : memref<80x64xf32, #tpu.memory_space<vmem>>) dst(%dma_wait3A_315 : memref<10240x64xf32, #tpu.memory_space<vmem_shared>>)
        tpu.yield
      }) : () -> ()
      %add3A_245 = arith.constant 1 : i32
      %add3A_246 = arith.addi %scan3A_210, %add3A_245 : i32
      %mul3A_247 = arith.constant 4 : i32
      %mul3A_248 = arith.muli %mul3A_247, %add3A_246 : i32
      %add3A_249 = arith.constant 1 : i32
      %add3A_250 = arith.addi %mul3A_248, %add3A_249 : i32
      %dma_start3A_251 = arith.constant 0 : i32
      %dma_start3A_252 = tpu.memref_slice %arg9[%add3A_250, %dma_start3A_251] : memref<125x80xi32, #tpu.memory_space<vmem>> -> memref<1x80xi32, #tpu.memory_space<vmem>>
      %dma_start3A_253 = tpu.memref_squeeze %dma_start3A_252 : memref<1x80xi32, #tpu.memory_space<vmem>> -> memref<80xi32, #tpu.memory_space<vmem>>
      %dma_start3A_254 = arith.constant 0 : i32
      %dma_start3A_255 = arith.constant 0 : i32
      %dma_start3A_256 = tpu.memref_slice %arg3[%dma_start3A_254, %dma_start3A_255] : memref<10000x64xf32, #tpu.memory_space<hbm>> -> memref<10000x64xf32, #tpu.memory_space<hbm>>
      tpu.enqueue_indirect_dma source(%dma_start3A_256 : memref<10000x64xf32, #tpu.memory_space<hbm>>) target(%arg12 : memref<80x64xf32, #tpu.memory_space<vmem>>) offsets(%dma_start3A_253 : memref<80xi32, #tpu.memory_space<vmem>>) semaphore(%arg18 : memref<!tpu.dma_semaphore, #tpu.memory_space<semaphore_mem>>)
      %dma_wait3A_257 = arith.constant 0 : i32
      %dma_wait3A_258 = arith.constant 0 : i32
      %dma_wait3A_259 = tpu.memref_slice %arg9[%dma_wait3A_257, %dma_wait3A_258] : memref<125x80xi32, #tpu.memory_space<vmem>> -> memref<1x80xi32, #tpu.memory_space<vmem>>
      %dma_wait3A_260 = tpu.memref_squeeze %dma_wait3A_259 : memref<1x80xi32, #tpu.memory_space<vmem>> -> memref<80xi32, #tpu.memory_space<vmem>>
      %dma_wait3A_261 = arith.constant 0 : i32
      %dma_wait3A_262 = arith.constant 0 : i32
      %dma_wait3A_263 = tpu.memref_slice %arg3[%dma_wait3A_261, %dma_wait3A_262] : memref<10000x64xf32, #tpu.memory_space<hbm>> -> memref<10000x64xf32, #tpu.memory_space<hbm>>
      tpu.wait_indirect_dma semaphore(%arg19 : memref<!tpu.dma_semaphore, #tpu.memory_space<semaphore_mem>>) src(%dma_wait3A_263 : memref<10000x64xf32, #tpu.memory_space<hbm>>) dst(%arg13 : memref<80x64xf32, #tpu.memory_space<vmem>>)
      %mul3A_264 = arith.constant 4 : i32
      %mul3A_265 = arith.muli %mul3A_264, %scan3A_210 : i32
      %add3A_266 = arith.constant 2 : i32
      %add3A_267 = arith.addi %mul3A_265, %add3A_266 : i32
      "tpu.region"() ({
        %run_scoped3A_303 = tpu.sem_alloc : memref<!tpu.dma_semaphore, #tpu.memory_space<semaphore_mem>>
        %dma_start3A_304 = arith.constant 0 : i32
        %dma_start3A_305 = tpu.memref_slice %arg10[%add3A_267, %dma_start3A_304] : memref<125x80xi32, #tpu.memory_space<vmem>> -> memref<1x80xi32, #tpu.memory_space<vmem>>
        %dma_start3A_306 = tpu.memref_squeeze %dma_start3A_305 : memref<1x80xi32, #tpu.memory_space<vmem>> -> memref<80xi32, #tpu.memory_space<vmem>>
        %dma_start3A_307 = arith.constant 0 : i32
        %dma_start3A_308 = arith.constant 0 : i32
        %dma_start3A_309 = tpu.memref_slice %arg16[%dma_start3A_307, %dma_start3A_308] : memref<10240x64xf32, #tpu.memory_space<vmem_shared>> -> memref<10240x64xf32, #tpu.memory_space<vmem_shared>>
        tpu.enqueue_indirect_dma source(%arg13 : memref<80x64xf32, #tpu.memory_space<vmem>>) target(%dma_start3A_309 : memref<10240x64xf32, #tpu.memory_space<vmem_shared>>) offsets(%dma_start3A_306 : memref<80xi32, #tpu.memory_space<vmem>>) semaphore(%run_scoped3A_303 : memref<!tpu.dma_semaphore, #tpu.memory_space<semaphore_mem>>) {add = true}
        %dma_wait3A_310 = arith.constant 0 : i32
        %dma_wait3A_311 = tpu.memref_slice %arg10[%add3A_267, %dma_wait3A_310] : memref<125x80xi32, #tpu.memory_space<vmem>> -> memref<1x80xi32, #tpu.memory_space<vmem>>
        %dma_wait3A_312 = tpu.memref_squeeze %dma_wait3A_311 : memref<1x80xi32, #tpu.memory_space<vmem>> -> memref<80xi32, #tpu.memory_space<vmem>>
        %dma_wait3A_313 = arith.constant 0 : i32
        %dma_wait3A_314 = arith.constant 0 : i32
        %dma_wait3A_315 = tpu.memref_slice %arg16[%dma_wait3A_313, %dma_wait3A_314] : memref<10240x64xf32, #tpu.memory_space<vmem_shared>> -> memref<10240x64xf32, #tpu.memory_space<vmem_shared>>
        tpu.wait_indirect_dma semaphore(%run_scoped3A_303 : memref<!tpu.dma_semaphore, #tpu.memory_space<semaphore_mem>>) src(%arg13 : memref<80x64xf32, #tpu.memory_space<vmem>>) dst(%dma_wait3A_315 : memref<10240x64xf32, #tpu.memory_space<vmem_shared>>)
        tpu.yield
      }) : () -> ()
      %add3A_268 = arith.constant 1 : i32
      %add3A_269 = arith.addi %scan3A_210, %add3A_268 : i32
      %mul3A_270 = arith.constant 4 : i32
      %mul3A_271 = arith.muli %mul3A_270, %add3A_269 : i32
      %add3A_272 = arith.constant 2 : i32
      %add3A_273 = arith.addi %mul3A_271, %add3A_272 : i32
      %dma_start3A_274 = arith.constant 0 : i32
      %dma_start3A_275 = tpu.memref_slice %arg9[%add3A_273, %dma_start3A_274] : memref<125x80xi32, #tpu.memory_space<vmem>> -> memref<1x80xi32, #tpu.memory_space<vmem>>
      %dma_start3A_276 = tpu.memref_squeeze %dma_start3A_275 : memref<1x80xi32, #tpu.memory_space<vmem>> -> memref<80xi32, #tpu.memory_space<vmem>>
      %dma_start3A_277 = arith.constant 0 : i32
      %dma_start3A_278 = arith.constant 0 : i32
      %dma_start3A_279 = tpu.memref_slice %arg3[%dma_start3A_277, %dma_start3A_278] : memref<10000x64xf32, #tpu.memory_space<hbm>> -> memref<10000x64xf32, #tpu.memory_space<hbm>>
      tpu.enqueue_indirect_dma source(%dma_start3A_279 : memref<10000x64xf32, #tpu.memory_space<hbm>>) target(%arg13 : memref<80x64xf32, #tpu.memory_space<vmem>>) offsets(%dma_start3A_276 : memref<80xi32, #tpu.memory_space<vmem>>) semaphore(%arg19 : memref<!tpu.dma_semaphore, #tpu.memory_space<semaphore_mem>>)
      %dma_wait3A_280 = arith.constant 0 : i32
      %dma_wait3A_281 = arith.constant 0 : i32
      %dma_wait3A_282 = tpu.memref_slice %arg9[%dma_wait3A_280, %dma_wait3A_281] : memref<125x80xi32, #tpu.memory_space<vmem>> -> memref<1x80xi32, #tpu.memory_space<vmem>>
      %dma_wait3A_283 = tpu.memref_squeeze %dma_wait3A_282 : memref<1x80xi32, #tpu.memory_space<vmem>> -> memref<80xi32, #tpu.memory_space<vmem>>
      %dma_wait3A_284 = arith.constant 0 : i32
      %dma_wait3A_285 = arith.constant 0 : i32
      %dma_wait3A_286 = tpu.memref_slice %arg3[%dma_wait3A_284, %dma_wait3A_285] : memref<10000x64xf32, #tpu.memory_space<hbm>> -> memref<10000x64xf32, #tpu.memory_space<hbm>>
      tpu.wait_indirect_dma semaphore(%arg20 : memref<!tpu.dma_semaphore, #tpu.memory_space<semaphore_mem>>) src(%dma_wait3A_286 : memref<10000x64xf32, #tpu.memory_space<hbm>>) dst(%arg14 : memref<80x64xf32, #tpu.memory_space<vmem>>)
      %mul3A_287 = arith.constant 4 : i32
      %mul3A_288 = arith.muli %mul3A_287, %scan3A_210 : i32
      %add3A_289 = arith.constant 3 : i32
      %add3A_290 = arith.addi %mul3A_288, %add3A_289 : i32
      "tpu.region"() ({
        %run_scoped3A_303 = tpu.sem_alloc : memref<!tpu.dma_semaphore, #tpu.memory_space<semaphore_mem>>
        %dma_start3A_304 = arith.constant 0 : i32
        %dma_start3A_305 = tpu.memref_slice %arg10[%add3A_290, %dma_start3A_304] : memref<125x80xi32, #tpu.memory_space<vmem>> -> memref<1x80xi32, #tpu.memory_space<vmem>>
        %dma_start3A_306 = tpu.memref_squeeze %dma_start3A_305 : memref<1x80xi32, #tpu.memory_space<vmem>> -> memref<80xi32, #tpu.memory_space<vmem>>
        %dma_start3A_307 = arith.constant 0 : i32
        %dma_start3A_308 = arith.constant 0 : i32
        %dma_start3A_309 = tpu.memref_slice %arg16[%dma_start3A_307, %dma_start3A_308] : memref<10240x64xf32, #tpu.memory_space<vmem_shared>> -> memref<10240x64xf32, #tpu.memory_space<vmem_shared>>
        tpu.enqueue_indirect_dma source(%arg14 : memref<80x64xf32, #tpu.memory_space<vmem>>) target(%dma_start3A_309 : memref<10240x64xf32, #tpu.memory_space<vmem_shared>>) offsets(%dma_start3A_306 : memref<80xi32, #tpu.memory_space<vmem>>) semaphore(%run_scoped3A_303 : memref<!tpu.dma_semaphore, #tpu.memory_space<semaphore_mem>>) {add = true}
        %dma_wait3A_310 = arith.constant 0 : i32
        %dma_wait3A_311 = tpu.memref_slice %arg10[%add3A_290, %dma_wait3A_310] : memref<125x80xi32, #tpu.memory_space<vmem>> -> memref<1x80xi32, #tpu.memory_space<vmem>>
        %dma_wait3A_312 = tpu.memref_squeeze %dma_wait3A_311 : memref<1x80xi32, #tpu.memory_space<vmem>> -> memref<80xi32, #tpu.memory_space<vmem>>
        %dma_wait3A_313 = arith.constant 0 : i32
        %dma_wait3A_314 = arith.constant 0 : i32
        %dma_wait3A_315 = tpu.memref_slice %arg16[%dma_wait3A_313, %dma_wait3A_314] : memref<10240x64xf32, #tpu.memory_space<vmem_shared>> -> memref<10240x64xf32, #tpu.memory_space<vmem_shared>>
        tpu.wait_indirect_dma semaphore(%run_scoped3A_303 : memref<!tpu.dma_semaphore, #tpu.memory_space<semaphore_mem>>) src(%arg14 : memref<80x64xf32, #tpu.memory_space<vmem>>) dst(%dma_wait3A_315 : memref<10240x64xf32, #tpu.memory_space<vmem_shared>>)
        tpu.yield
      }) : () -> ()
      %add3A_291 = arith.constant 1 : i32
      %add3A_292 = arith.addi %scan3A_210, %add3A_291 : i32
      %mul3A_293 = arith.constant 4 : i32
      %mul3A_294 = arith.muli %mul3A_293, %add3A_292 : i32
      %add3A_295 = arith.constant 3 : i32
      %add3A_296 = arith.addi %mul3A_294, %add3A_295 : i32
      %dma_start3A_297 = arith.constant 0 : i32
      %dma_start3A_298 = tpu.memref_slice %arg9[%add3A_296, %dma_start3A_297] : memref<125x80xi32, #tpu.memory_space<vmem>> -> memref<1x80xi32, #tpu.memory_space<vmem>>
      %dma_start3A_299 = tpu.memref_squeeze %dma_start3A_298 : memref<1x80xi32, #tpu.memory_space<vmem>> -> memref<80xi32, #tpu.memory_space<vmem>>
      %dma_start3A_300 = arith.constant 0 : i32
      %dma_start3A_301 = arith.constant 0 : i32
      %dma_start3A_302 = tpu.memref_slice %arg3[%dma_start3A_300, %dma_start3A_301] : memref<10000x64xf32, #tpu.memory_space<hbm>> -> memref<10000x64xf32, #tpu.memory_space<hbm>>
      tpu.enqueue_indirect_dma source(%dma_start3A_302 : memref<10000x64xf32, #tpu.memory_space<hbm>>) target(%arg14 : memref<80x64xf32, #tpu.memory_space<vmem>>) offsets(%dma_start3A_299 : memref<80xi32, #tpu.memory_space<vmem>>) semaphore(%arg20 : memref<!tpu.dma_semaphore, #tpu.memory_space<semaphore_mem>>)
    }
    %scan3A_157 = arith.constant 30 : i32
    %dma_wait3A_158 = arith.constant 0 : i32
    %dma_wait3A_159 = arith.constant 0 : i32
    %dma_wait3A_160 = tpu.memref_slice %arg9[%dma_wait3A_158, %dma_wait3A_159] : memref<125x80xi32, #tpu.memory_space<vmem>> -> memref<1x80xi32, #tpu.memory_space<vmem>>
    %dma_wait3A_161 = tpu.memref_squeeze %dma_wait3A_160 : memref<1x80xi32, #tpu.memory_space<vmem>> -> memref<80xi32, #tpu.memory_space<vmem>>
    %dma_wait3A_162 = arith.constant 0 : i32
    %dma_wait3A_163 = arith.constant 0 : i32
    %dma_wait3A_164 = tpu.memref_slice %arg3[%dma_wait3A_162, %dma_wait3A_163] : memref<10000x64xf32, #tpu.memory_space<hbm>> -> memref<10000x64xf32, #tpu.memory_space<hbm>>
    tpu.wait_indirect_dma semaphore(%arg17 : memref<!tpu.dma_semaphore, #tpu.memory_space<semaphore_mem>>) src(%dma_wait3A_164 : memref<10000x64xf32, #tpu.memory_space<hbm>>) dst(%arg11 : memref<80x64xf32, #tpu.memory_space<vmem>>)
    %run_scoped3A_165 = arith.constant 120 : i32
    "tpu.region"() ({
      %run_scoped3A_210 = tpu.sem_alloc : memref<!tpu.dma_semaphore, #tpu.memory_space<semaphore_mem>>
      %dma_start3A_211 = arith.constant 0 : i32
      %dma_start3A_212 = tpu.memref_slice %arg10[%run_scoped3A_165, %dma_start3A_211] : memref<125x80xi32, #tpu.memory_space<vmem>> -> memref<1x80xi32, #tpu.memory_space<vmem>>
      %dma_start3A_213 = tpu.memref_squeeze %dma_start3A_212 : memref<1x80xi32, #tpu.memory_space<vmem>> -> memref<80xi32, #tpu.memory_space<vmem>>
      %dma_start3A_214 = arith.constant 0 : i32
      %dma_start3A_215 = arith.constant 0 : i32
      %dma_start3A_216 = tpu.memref_slice %arg16[%dma_start3A_214, %dma_start3A_215] : memref<10240x64xf32, #tpu.memory_space<vmem_shared>> -> memref<10240x64xf32, #tpu.memory_space<vmem_shared>>
      tpu.enqueue_indirect_dma source(%arg11 : memref<80x64xf32, #tpu.memory_space<vmem>>) target(%dma_start3A_216 : memref<10240x64xf32, #tpu.memory_space<vmem_shared>>) offsets(%dma_start3A_213 : memref<80xi32, #tpu.memory_space<vmem>>) semaphore(%run_scoped3A_210 : memref<!tpu.dma_semaphore, #tpu.memory_space<semaphore_mem>>) {add = true}
      %dma_wait3A_217 = arith.constant 0 : i32
      %dma_wait3A_218 = tpu.memref_slice %arg10[%run_scoped3A_165, %dma_wait3A_217] : memref<125x80xi32, #tpu.memory_space<vmem>> -> memref<1x80xi32, #tpu.memory_space<vmem>>
      %dma_wait3A_219 = tpu.memref_squeeze %dma_wait3A_218 : memref<1x80xi32, #tpu.memory_space<vmem>> -> memref<80xi32, #tpu.memory_space<vmem>>
      %dma_wait3A_220 = arith.constant 0 : i32
      %dma_wait3A_221 = arith.constant 0 : i32
      %dma_wait3A_222 = tpu.memref_slice %arg16[%dma_wait3A_220, %dma_wait3A_221] : memref<10240x64xf32, #tpu.memory_space<vmem_shared>> -> memref<10240x64xf32, #tpu.memory_space<vmem_shared>>
      tpu.wait_indirect_dma semaphore(%run_scoped3A_210 : memref<!tpu.dma_semaphore, #tpu.memory_space<semaphore_mem>>) src(%arg11 : memref<80x64xf32, #tpu.memory_space<vmem>>) dst(%dma_wait3A_222 : memref<10240x64xf32, #tpu.memory_space<vmem_shared>>)
      tpu.yield
    }) : () -> ()
    %dma_wait3A_166 = arith.constant 0 : i32
    %dma_wait3A_167 = arith.constant 0 : i32
    %dma_wait3A_168 = tpu.memref_slice %arg9[%dma_wait3A_166, %dma_wait3A_167] : memref<125x80xi32, #tpu.memory_space<vmem>> -> memref<1x80xi32, #tpu.memory_space<vmem>>
    %dma_wait3A_169 = tpu.memref_squeeze %dma_wait3A_168 : memref<1x80xi32, #tpu.memory_space<vmem>> -> memref<80xi32, #tpu.memory_space<vmem>>
    %dma_wait3A_170 = arith.constant 0 : i32
    %dma_wait3A_171 = arith.constant 0 : i32
    %dma_wait3A_172 = tpu.memref_slice %arg3[%dma_wait3A_170, %dma_wait3A_171] : memref<10000x64xf32, #tpu.memory_space<hbm>> -> memref<10000x64xf32, #tpu.memory_space<hbm>>
    tpu.wait_indirect_dma semaphore(%arg18 : memref<!tpu.dma_semaphore, #tpu.memory_space<semaphore_mem>>) src(%dma_wait3A_172 : memref<10000x64xf32, #tpu.memory_space<hbm>>) dst(%arg12 : memref<80x64xf32, #tpu.memory_space<vmem>>)
    %run_scoped3A_173 = arith.constant 121 : i32
    "tpu.region"() ({
      %run_scoped3A_210 = tpu.sem_alloc : memref<!tpu.dma_semaphore, #tpu.memory_space<semaphore_mem>>
      %dma_start3A_211 = arith.constant 0 : i32
      %dma_start3A_212 = tpu.memref_slice %arg10[%run_scoped3A_173, %dma_start3A_211] : memref<125x80xi32, #tpu.memory_space<vmem>> -> memref<1x80xi32, #tpu.memory_space<vmem>>
      %dma_start3A_213 = tpu.memref_squeeze %dma_start3A_212 : memref<1x80xi32, #tpu.memory_space<vmem>> -> memref<80xi32, #tpu.memory_space<vmem>>
      %dma_start3A_214 = arith.constant 0 : i32
      %dma_start3A_215 = arith.constant 0 : i32
      %dma_start3A_216 = tpu.memref_slice %arg16[%dma_start3A_214, %dma_start3A_215] : memref<10240x64xf32, #tpu.memory_space<vmem_shared>> -> memref<10240x64xf32, #tpu.memory_space<vmem_shared>>
      tpu.enqueue_indirect_dma source(%arg12 : memref<80x64xf32, #tpu.memory_space<vmem>>) target(%dma_start3A_216 : memref<10240x64xf32, #tpu.memory_space<vmem_shared>>) offsets(%dma_start3A_213 : memref<80xi32, #tpu.memory_space<vmem>>) semaphore(%run_scoped3A_210 : memref<!tpu.dma_semaphore, #tpu.memory_space<semaphore_mem>>) {add = true}
      %dma_wait3A_217 = arith.constant 0 : i32
      %dma_wait3A_218 = tpu.memref_slice %arg10[%run_scoped3A_173, %dma_wait3A_217] : memref<125x80xi32, #tpu.memory_space<vmem>> -> memref<1x80xi32, #tpu.memory_space<vmem>>
      %dma_wait3A_219 = tpu.memref_squeeze %dma_wait3A_218 : memref<1x80xi32, #tpu.memory_space<vmem>> -> memref<80xi32, #tpu.memory_space<vmem>>
      %dma_wait3A_220 = arith.constant 0 : i32
      %dma_wait3A_221 = arith.constant 0 : i32
      %dma_wait3A_222 = tpu.memref_slice %arg16[%dma_wait3A_220, %dma_wait3A_221] : memref<10240x64xf32, #tpu.memory_space<vmem_shared>> -> memref<10240x64xf32, #tpu.memory_space<vmem_shared>>
      tpu.wait_indirect_dma semaphore(%run_scoped3A_210 : memref<!tpu.dma_semaphore, #tpu.memory_space<semaphore_mem>>) src(%arg12 : memref<80x64xf32, #tpu.memory_space<vmem>>) dst(%dma_wait3A_222 : memref<10240x64xf32, #tpu.memory_space<vmem_shared>>)
      tpu.yield
    }) : () -> ()
    %dma_wait3A_174 = arith.constant 0 : i32
    %dma_wait3A_175 = arith.constant 0 : i32
    %dma_wait3A_176 = tpu.memref_slice %arg9[%dma_wait3A_174, %dma_wait3A_175] : memref<125x80xi32, #tpu.memory_space<vmem>> -> memref<1x80xi32, #tpu.memory_space<vmem>>
    %dma_wait3A_177 = tpu.memref_squeeze %dma_wait3A_176 : memref<1x80xi32, #tpu.memory_space<vmem>> -> memref<80xi32, #tpu.memory_space<vmem>>
    %dma_wait3A_178 = arith.constant 0 : i32
    %dma_wait3A_179 = arith.constant 0 : i32
    %dma_wait3A_180 = tpu.memref_slice %arg3[%dma_wait3A_178, %dma_wait3A_179] : memref<10000x64xf32, #tpu.memory_space<hbm>> -> memref<10000x64xf32, #tpu.memory_space<hbm>>
    tpu.wait_indirect_dma semaphore(%arg19 : memref<!tpu.dma_semaphore, #tpu.memory_space<semaphore_mem>>) src(%dma_wait3A_180 : memref<10000x64xf32, #tpu.memory_space<hbm>>) dst(%arg13 : memref<80x64xf32, #tpu.memory_space<vmem>>)
    %run_scoped3A_181 = arith.constant 122 : i32
    "tpu.region"() ({
      %run_scoped3A_210 = tpu.sem_alloc : memref<!tpu.dma_semaphore, #tpu.memory_space<semaphore_mem>>
      %dma_start3A_211 = arith.constant 0 : i32
      %dma_start3A_212 = tpu.memref_slice %arg10[%run_scoped3A_181, %dma_start3A_211] : memref<125x80xi32, #tpu.memory_space<vmem>> -> memref<1x80xi32, #tpu.memory_space<vmem>>
      %dma_start3A_213 = tpu.memref_squeeze %dma_start3A_212 : memref<1x80xi32, #tpu.memory_space<vmem>> -> memref<80xi32, #tpu.memory_space<vmem>>
      %dma_start3A_214 = arith.constant 0 : i32
      %dma_start3A_215 = arith.constant 0 : i32
      %dma_start3A_216 = tpu.memref_slice %arg16[%dma_start3A_214, %dma_start3A_215] : memref<10240x64xf32, #tpu.memory_space<vmem_shared>> -> memref<10240x64xf32, #tpu.memory_space<vmem_shared>>
      tpu.enqueue_indirect_dma source(%arg13 : memref<80x64xf32, #tpu.memory_space<vmem>>) target(%dma_start3A_216 : memref<10240x64xf32, #tpu.memory_space<vmem_shared>>) offsets(%dma_start3A_213 : memref<80xi32, #tpu.memory_space<vmem>>) semaphore(%run_scoped3A_210 : memref<!tpu.dma_semaphore, #tpu.memory_space<semaphore_mem>>) {add = true}
      %dma_wait3A_217 = arith.constant 0 : i32
      %dma_wait3A_218 = tpu.memref_slice %arg10[%run_scoped3A_181, %dma_wait3A_217] : memref<125x80xi32, #tpu.memory_space<vmem>> -> memref<1x80xi32, #tpu.memory_space<vmem>>
      %dma_wait3A_219 = tpu.memref_squeeze %dma_wait3A_218 : memref<1x80xi32, #tpu.memory_space<vmem>> -> memref<80xi32, #tpu.memory_space<vmem>>
      %dma_wait3A_220 = arith.constant 0 : i32
      %dma_wait3A_221 = arith.constant 0 : i32
      %dma_wait3A_222 = tpu.memref_slice %arg16[%dma_wait3A_220, %dma_wait3A_221] : memref<10240x64xf32, #tpu.memory_space<vmem_shared>> -> memref<10240x64xf32, #tpu.memory_space<vmem_shared>>
      tpu.wait_indirect_dma semaphore(%run_scoped3A_210 : memref<!tpu.dma_semaphore, #tpu.memory_space<semaphore_mem>>) src(%arg13 : memref<80x64xf32, #tpu.memory_space<vmem>>) dst(%dma_wait3A_222 : memref<10240x64xf32, #tpu.memory_space<vmem_shared>>)
      tpu.yield
    }) : () -> ()
    %dma_wait3A_182 = arith.constant 0 : i32
    %dma_wait3A_183 = arith.constant 0 : i32
    %dma_wait3A_184 = tpu.memref_slice %arg9[%dma_wait3A_182, %dma_wait3A_183] : memref<125x80xi32, #tpu.memory_space<vmem>> -> memref<1x80xi32, #tpu.memory_space<vmem>>
    %dma_wait3A_185 = tpu.memref_squeeze %dma_wait3A_184 : memref<1x80xi32, #tpu.memory_space<vmem>> -> memref<80xi32, #tpu.memory_space<vmem>>
    %dma_wait3A_186 = arith.constant 0 : i32
    %dma_wait3A_187 = arith.constant 0 : i32
    %dma_wait3A_188 = tpu.memref_slice %arg3[%dma_wait3A_186, %dma_wait3A_187] : memref<10000x64xf32, #tpu.memory_space<hbm>> -> memref<10000x64xf32, #tpu.memory_space<hbm>>
    tpu.wait_indirect_dma semaphore(%arg20 : memref<!tpu.dma_semaphore, #tpu.memory_space<semaphore_mem>>) src(%dma_wait3A_188 : memref<10000x64xf32, #tpu.memory_space<hbm>>) dst(%arg14 : memref<80x64xf32, #tpu.memory_space<vmem>>)
    %run_scoped3A_189 = arith.constant 123 : i32
    "tpu.region"() ({
      %run_scoped3A_210 = tpu.sem_alloc : memref<!tpu.dma_semaphore, #tpu.memory_space<semaphore_mem>>
      %dma_start3A_211 = arith.constant 0 : i32
      %dma_start3A_212 = tpu.memref_slice %arg10[%run_scoped3A_189, %dma_start3A_211] : memref<125x80xi32, #tpu.memory_space<vmem>> -> memref<1x80xi32, #tpu.memory_space<vmem>>
      %dma_start3A_213 = tpu.memref_squeeze %dma_start3A_212 : memref<1x80xi32, #tpu.memory_space<vmem>> -> memref<80xi32, #tpu.memory_space<vmem>>
      %dma_start3A_214 = arith.constant 0 : i32
      %dma_start3A_215 = arith.constant 0 : i32
      %dma_start3A_216 = tpu.memref_slice %arg16[%dma_start3A_214, %dma_start3A_215] : memref<10240x64xf32, #tpu.memory_space<vmem_shared>> -> memref<10240x64xf32, #tpu.memory_space<vmem_shared>>
      tpu.enqueue_indirect_dma source(%arg14 : memref<80x64xf32, #tpu.memory_space<vmem>>) target(%dma_start3A_216 : memref<10240x64xf32, #tpu.memory_space<vmem_shared>>) offsets(%dma_start3A_213 : memref<80xi32, #tpu.memory_space<vmem>>) semaphore(%run_scoped3A_210 : memref<!tpu.dma_semaphore, #tpu.memory_space<semaphore_mem>>) {add = true}
      %dma_wait3A_217 = arith.constant 0 : i32
      %dma_wait3A_218 = tpu.memref_slice %arg10[%run_scoped3A_189, %dma_wait3A_217] : memref<125x80xi32, #tpu.memory_space<vmem>> -> memref<1x80xi32, #tpu.memory_space<vmem>>
      %dma_wait3A_219 = tpu.memref_squeeze %dma_wait3A_218 : memref<1x80xi32, #tpu.memory_space<vmem>> -> memref<80xi32, #tpu.memory_space<vmem>>
      %dma_wait3A_220 = arith.constant 0 : i32
      %dma_wait3A_221 = arith.constant 0 : i32
      %dma_wait3A_222 = tpu.memref_slice %arg16[%dma_wait3A_220, %dma_wait3A_221] : memref<10240x64xf32, #tpu.memory_space<vmem_shared>> -> memref<10240x64xf32, #tpu.memory_space<vmem_shared>>
      tpu.wait_indirect_dma semaphore(%run_scoped3A_210 : memref<!tpu.dma_semaphore, #tpu.memory_space<semaphore_mem>>) src(%arg14 : memref<80x64xf32, #tpu.memory_space<vmem>>) dst(%dma_wait3A_222 : memref<10240x64xf32, #tpu.memory_space<vmem_shared>>)
      tpu.yield
    }) : () -> ()
    %dma_start3A_190 = arith.constant 124 : i32
    %dma_start3A_191 = arith.constant 0 : i32
    %dma_start3A_192 = tpu.memref_slice %arg9[%dma_start3A_190, %dma_start3A_191] : memref<125x80xi32, #tpu.memory_space<vmem>> -> memref<1x80xi32, #tpu.memory_space<vmem>>
    %dma_start3A_193 = tpu.memref_squeeze %dma_start3A_192 : memref<1x80xi32, #tpu.memory_space<vmem>> -> memref<80xi32, #tpu.memory_space<vmem>>
    %dma_start3A_194 = arith.constant 0 : i32
    %dma_start3A_195 = arith.constant 0 : i32
    %dma_start3A_196 = tpu.memref_slice %arg3[%dma_start3A_194, %dma_start3A_195] : memref<10000x64xf32, #tpu.memory_space<hbm>> -> memref<10000x64xf32, #tpu.memory_space<hbm>>
    tpu.enqueue_indirect_dma source(%dma_start3A_196 : memref<10000x64xf32, #tpu.memory_space<hbm>>) target(%arg11 : memref<80x64xf32, #tpu.memory_space<vmem>>) offsets(%dma_start3A_193 : memref<80xi32, #tpu.memory_space<vmem>>) semaphore(%arg17 : memref<!tpu.dma_semaphore, #tpu.memory_space<semaphore_mem>>)
    %dma_wait3A_197 = arith.constant 0 : i32
    %dma_wait3A_198 = arith.constant 0 : i32
    %dma_wait3A_199 = tpu.memref_slice %arg9[%dma_wait3A_197, %dma_wait3A_198] : memref<125x80xi32, #tpu.memory_space<vmem>> -> memref<1x80xi32, #tpu.memory_space<vmem>>
    %dma_wait3A_200 = tpu.memref_squeeze %dma_wait3A_199 : memref<1x80xi32, #tpu.memory_space<vmem>> -> memref<80xi32, #tpu.memory_space<vmem>>
    %dma_wait3A_201 = arith.constant 0 : i32
    %dma_wait3A_202 = arith.constant 0 : i32
    %dma_wait3A_203 = tpu.memref_slice %arg3[%dma_wait3A_201, %dma_wait3A_202] : memref<10000x64xf32, #tpu.memory_space<hbm>> -> memref<10000x64xf32, #tpu.memory_space<hbm>>
    tpu.wait_indirect_dma semaphore(%arg17 : memref<!tpu.dma_semaphore, #tpu.memory_space<semaphore_mem>>) src(%dma_wait3A_203 : memref<10000x64xf32, #tpu.memory_space<hbm>>) dst(%arg11 : memref<80x64xf32, #tpu.memory_space<vmem>>)
    %run_scoped3A_204 = arith.constant 124 : i32
    "tpu.region"() ({
      %run_scoped3A_210 = tpu.sem_alloc : memref<!tpu.dma_semaphore, #tpu.memory_space<semaphore_mem>>
      %dma_start3A_211 = arith.constant 0 : i32
      %dma_start3A_212 = tpu.memref_slice %arg10[%run_scoped3A_204, %dma_start3A_211] : memref<125x80xi32, #tpu.memory_space<vmem>> -> memref<1x80xi32, #tpu.memory_space<vmem>>
      %dma_start3A_213 = tpu.memref_squeeze %dma_start3A_212 : memref<1x80xi32, #tpu.memory_space<vmem>> -> memref<80xi32, #tpu.memory_space<vmem>>
      %dma_start3A_214 = arith.constant 0 : i32
      %dma_start3A_215 = arith.constant 0 : i32
      %dma_start3A_216 = tpu.memref_slice %arg16[%dma_start3A_214, %dma_start3A_215] : memref<10240x64xf32, #tpu.memory_space<vmem_shared>> -> memref<10240x64xf32, #tpu.memory_space<vmem_shared>>
      tpu.enqueue_indirect_dma source(%arg11 : memref<80x64xf32, #tpu.memory_space<vmem>>) target(%dma_start3A_216 : memref<10240x64xf32, #tpu.memory_space<vmem_shared>>) offsets(%dma_start3A_213 : memref<80xi32, #tpu.memory_space<vmem>>) semaphore(%run_scoped3A_210 : memref<!tpu.dma_semaphore, #tpu.memory_space<semaphore_mem>>) {add = true}
      %dma_wait3A_217 = arith.constant 0 : i32
      %dma_wait3A_218 = tpu.memref_slice %arg10[%run_scoped3A_204, %dma_wait3A_217] : memref<125x80xi32, #tpu.memory_space<vmem>> -> memref<1x80xi32, #tpu.memory_space<vmem>>
      %dma_wait3A_219 = tpu.memref_squeeze %dma_wait3A_218 : memref<1x80xi32, #tpu.memory_space<vmem>> -> memref<80xi32, #tpu.memory_space<vmem>>
      %dma_wait3A_220 = arith.constant 0 : i32
      %dma_wait3A_221 = arith.constant 0 : i32
      %dma_wait3A_222 = tpu.memref_slice %arg16[%dma_wait3A_220, %dma_wait3A_221] : memref<10240x64xf32, #tpu.memory_space<vmem_shared>> -> memref<10240x64xf32, #tpu.memory_space<vmem_shared>>
      tpu.wait_indirect_dma semaphore(%run_scoped3A_210 : memref<!tpu.dma_semaphore, #tpu.memory_space<semaphore_mem>>) src(%arg11 : memref<80x64xf32, #tpu.memory_space<vmem>>) dst(%dma_wait3A_222 : memref<10240x64xf32, #tpu.memory_space<vmem_shared>>)
      tpu.yield
    }) : () -> ()
    %barrier3A_205 = arith.constant 0 : index
    tpu.barrier barrier_id(%barrier3A_205)
    %mul3A_206 = arith.constant 640 : i32
    %mul3A_207 = arith.muli %arg1, %mul3A_206 : i32
    %mul3A_208 = arith.constant 640 : i32
    %mul3A_209 = arith.muli %arg1, %mul3A_208 : i32
    "tpu.region"() ({
      %run_scoped3A_210 = tpu.sem_alloc : memref<!tpu.dma_semaphore, #tpu.memory_space<semaphore_mem>>
      %dma_start3A_211 = arith.constant 0 : i32
      %dma_start3A_212 = tpu.memref_slice %arg8[%arg0, %mul3A_209, %dma_start3A_211] : memref<2x10240x64xf32, #tpu.memory_space<hbm>> -> memref<1x640x64xf32, #tpu.memory_space<hbm>>
      %dma_start3A_213 = tpu.memref_squeeze %dma_start3A_212 : memref<1x640x64xf32, #tpu.memory_space<hbm>> -> memref<640x64xf32, #tpu.memory_space<hbm>>
      %dma_start3A_214 = arith.constant 0 : i32
      %dma_start3A_215 = tpu.memref_slice %arg16[%mul3A_207, %dma_start3A_214] : memref<10240x64xf32, #tpu.memory_space<vmem_shared>> -> memref<640x64xf32, #tpu.memory_space<vmem_shared>>
      tpu.enqueue_dma source(%dma_start3A_215 : memref<640x64xf32, #tpu.memory_space<vmem_shared>>) target(%dma_start3A_213 : memref<640x64xf32, #tpu.memory_space<hbm>>) target_semaphore(%run_scoped3A_210 : memref<!tpu.dma_semaphore, #tpu.memory_space<semaphore_mem>>)
      %dma_wait3A_216 = arith.constant 0 : i32
      %dma_wait3A_217 = tpu.memref_slice %arg8[%arg0, %mul3A_209, %dma_wait3A_216] : memref<2x10240x64xf32, #tpu.memory_space<hbm>> -> memref<1x640x64xf32, #tpu.memory_space<hbm>>
      %dma_wait3A_218 = tpu.memref_squeeze %dma_wait3A_217 : memref<1x640x64xf32, #tpu.memory_space<hbm>> -> memref<640x64xf32, #tpu.memory_space<hbm>>
      %dma_wait3A_219 = arith.constant 0 : i32
      %dma_wait3A_220 = tpu.memref_slice %arg16[%mul3A_207, %dma_wait3A_219] : memref<10240x64xf32, #tpu.memory_space<vmem_shared>> -> memref<640x64xf32, #tpu.memory_space<vmem_shared>>
      tpu.wait_dma2 semaphore(%run_scoped3A_210 : memref<!tpu.dma_semaphore, #tpu.memory_space<semaphore_mem>>) src(%dma_wait3A_220 : memref<640x64xf32, #tpu.memory_space<vmem_shared>>) dst(%dma_wait3A_218 : memref<640x64xf32, #tpu.memory_space<hbm>>)
      tpu.yield
    }) : () -> ()
    return
  }
}

module attributes {stable_mosaic.version = 14 : i64} {
  func.func @_m1_body(%arg0: i32, %arg1: memref<1000x128xf32, #tpu.memory_space<vmem>>, %arg2: memref<128x128xf32, #tpu.memory_space<vmem>>, %arg3: memref<128x128xf32, #tpu.memory_space<vmem>>, %arg4: memref<1x128xf32, #tpu.memory_space<vmem>>, %arg5: memref<1000x128xf32, #tpu.memory_space<vmem>>, %arg6: memref<1000x128xf32, #tpu.memory_space<vmem>>) attributes {dimension_semantics = [#tpu.dimension_semantics<arbitrary>], iteration_bounds = array<i64: 10>, scalar_prefetch = 0 : i64, scratch_operands = 0 : i64, tpu.core_type = #tpu.core_type<tc>, window_params = [{transform_indices = @transform_0, window_bounds = array<i64: 1000, 128>}, {pipeline_mode = #tpu.pipeline_mode<synchronous>, transform_indices = @transform_1, window_bounds = array<i64: 128, 128>}, {pipeline_mode = #tpu.pipeline_mode<synchronous>, transform_indices = @transform_2, window_bounds = array<i64: 128, 128>}, {pipeline_mode = #tpu.pipeline_mode<synchronous>, transform_indices = @transform_3, window_bounds = array<i64: 1, 128>}, {transform_indices = @transform_4, window_bounds = array<i64: 1000, 128>}, {transform_indices = @transform_5, window_bounds = array<i64: 1000, 128>}]} {
    %get3A = arith.constant 0 : index
    %get3A_0 = arith.constant 0 : index
    %get3A_1 = vector.load %arg1[%get3A, %get3A_0] : memref<1000x128xf32, #tpu.memory_space<vmem>>, vector<1000x128xf32>
    %get3A_2 = arith.constant 0 : index
    %get3A_3 = arith.constant 0 : index
    %get3A_4 = vector.load %arg2[%get3A_2, %get3A_3] : memref<128x128xf32, #tpu.memory_space<vmem>>, vector<128x128xf32>
    %dot_general3A = arith.constant dense<0.000000e+00> : vector<1000x128xf32>
    %dot_general3A_5 = tpu.matmul %get3A_1, %get3A_4, %dot_general3A {dimension_numbers = #tpu.dot_dimension_numbers<[1], [0], [0], [1], [0, 0, 1, 1], [], []>, transpose_lhs_hint = false} : vector<1000x128xf32>, vector<128x128xf32>, vector<1000x128xf32> -> vector<1000x128xf32>
    %swap3A = arith.constant 0 : index
    %swap3A_6 = arith.constant 0 : index
    %swap3A_7 = vector.load %arg5[%swap3A, %swap3A_6] : memref<1000x128xf32, #tpu.memory_space<vmem>>, vector<1000x128xf32>
    tpu.vector_store %arg5[%swap3A, %swap3A_6], %dot_general3A_5 {strides = array<i32>} : memref<1000x128xf32, #tpu.memory_space<vmem>>, vector<1000x128xf32>,
    %get3A_8 = arith.constant 0 : index
    %get3A_9 = arith.constant 0 : index
    %get3A_10 = vector.load %arg3[%get3A_8, %get3A_9] : memref<128x128xf32, #tpu.memory_space<vmem>>, vector<128x128xf32>
    %dot_general3A_11 = arith.constant dense<0.000000e+00> : vector<1000x128xf32>
    %dot_general3A_12 = tpu.matmul %get3A_1, %get3A_10, %dot_general3A_11 {dimension_numbers = #tpu.dot_dimension_numbers<[1], [0], [0], [1], [0, 0, 1, 1], [], []>, transpose_lhs_hint = false} : vector<1000x128xf32>, vector<128x128xf32>, vector<1000x128xf32> -> vector<1000x128xf32>
    %get3A_13 = arith.constant 0 : index
    %get3A_14 = arith.constant 0 : index
    %get3A_15 = vector.load %arg4[%get3A_13, %get3A_14] : memref<1x128xf32, #tpu.memory_space<vmem>>, vector<1x128xf32>
    %add3A = vector.broadcast %get3A_15 : vector<1x128xf32> to vector<1000x128xf32>
    %add3A_16 = arith.addf %dot_general3A_12, %add3A : vector<1000x128xf32>
    %swap3A_17 = arith.constant 0 : index
    %swap3A_18 = arith.constant 0 : index
    %swap3A_19 = vector.load %arg6[%swap3A_17, %swap3A_18] : memref<1000x128xf32, #tpu.memory_space<vmem>>, vector<1000x128xf32>
    tpu.vector_store %arg6[%swap3A_17, %swap3A_18], %add3A_16 {strides = array<i32>} : memref<1000x128xf32, #tpu.memory_space<vmem>>, vector<1000x128xf32>,
    return
  }
  func.func @transform_0(%arg0: i32) -> (i32, i32) {
    %c0_i32 = arith.constant 0 : i32
    %c0_i32_0 = arith.constant 0 : i32
    return %arg0, %c0_i32 : i32, i32
  }
  func.func @transform_1(%arg0: i32) -> (i32, i32) {
    %c0_i32 = arith.constant 0 : i32
    %c0_i32_0 = arith.constant 0 : i32
    %c0_i32_1 = arith.constant 0 : i32
    return %c0_i32, %c0_i32_0 : i32, i32
  }
  func.func @transform_2(%arg0: i32) -> (i32, i32) {
    %c0_i32 = arith.constant 0 : i32
    %c0_i32_0 = arith.constant 0 : i32
    %c0_i32_1 = arith.constant 0 : i32
    return %c0_i32, %c0_i32_0 : i32, i32
  }
  func.func @transform_3(%arg0: i32) -> (i32, i32) {
    %c0_i32 = arith.constant 0 : i32
    %c0_i32_0 = arith.constant 0 : i32
    %c0_i32_1 = arith.constant 0 : i32
    return %c0_i32, %c0_i32_0 : i32, i32
  }
  func.func @transform_4(%arg0: i32) -> (i32, i32) {
    %c0_i32 = arith.constant 0 : i32
    %c0_i32_0 = arith.constant 0 : i32
    return %arg0, %c0_i32 : i32, i32
  }
  func.func @transform_5(%arg0: i32) -> (i32, i32) {
    %c0_i32 = arith.constant 0 : i32
    %c0_i32_0 = arith.constant 0 : i32
    return %arg0, %c0_i32 : i32, i32
  }
}

module attributes {stable_mosaic.version = 14 : i64} {
  func.func @_s1_body(%arg0: i32, %arg1: memref<1000x16xf32, #tpu.memory_space<vmem>>, %arg2: memref<1000x16xf32, #tpu.memory_space<vmem>>, %arg3: memref<1000x128xf32, #tpu.memory_space<vmem>>, %arg4: memref<1000x64xf32, #tpu.memory_space<vmem>>, %arg5: memref<1000x64xf32, #tpu.memory_space<vmem>>, %arg6: memref<1000x1xf32, #tpu.memory_space<vmem>>, %arg7: memref<1000x1xf32, #tpu.memory_space<vmem>>) attributes {dimension_semantics = [#tpu.dimension_semantics<arbitrary>], iteration_bounds = array<i64: 10>, scalar_prefetch = 0 : i64, scratch_operands = 0 : i64, tpu.core_type = #tpu.core_type<tc>, window_params = [{transform_indices = @transform_0, window_bounds = array<i64: 1000, 16>}, {transform_indices = @transform_1, window_bounds = array<i64: 1000, 16>}, {transform_indices = @transform_2, window_bounds = array<i64: 1000, 128>}, {transform_indices = @transform_3, window_bounds = array<i64: 1000, 64>}, {transform_indices = @transform_4, window_bounds = array<i64: 1000, 64>}, {transform_indices = @transform_5, window_bounds = array<i64: 1000, 1>}, {transform_indices = @transform_6, window_bounds = array<i64: 1000, 1>}]} {
    %get3A = arith.constant 0 : index
    %get3A_0 = arith.constant 0 : index
    %get3A_1 = vector.load %arg1[%get3A, %get3A_0] : memref<1000x16xf32, #tpu.memory_space<vmem>>, vector<1000x16xf32>
    %slice3A = vector.extract_strided_slice %get3A_1 {offsets = [0, 0], sizes = [1000, 1], strides = [1, 1]} : vector<1000x16xf32> to vector<1000x1xf32>
    %get3A_2 = arith.constant 0 : index
    %get3A_3 = arith.constant 0 : index
    %get3A_4 = vector.load %arg2[%get3A_2, %get3A_3] : memref<1000x16xf32, #tpu.memory_space<vmem>>, vector<1000x16xf32>
    %slice3A_5 = vector.extract_strided_slice %get3A_4 {offsets = [0, 0], sizes = [1000, 1], strides = [1, 1]} : vector<1000x16xf32> to vector<1000x1xf32>
    %add3A = arith.addf %slice3A, %slice3A_5 : vector<1000x1xf32>
    %add3A_6 = arith.constant 1.000000e+00 : f32
    %add3A_7 = vector.broadcast %add3A_6 : f32 to vector<1000x1xf32>
    %add3A_8 = arith.addf %add3A, %add3A_7 : vector<1000x1xf32>
    %rsqrt3A = math.rsqrt %add3A_8 : vector<1000x1xf32>
    %div3A = arith.constant 1.000000e+00 : f32
    %div3A_9 = vector.broadcast %div3A : f32 to vector<1000x1xf32>
    %div3A_10 = arith.divf %div3A_9, %add3A_8 : vector<1000x1xf32>
    %get3A_11 = arith.constant 0 : index
    %get3A_12 = arith.constant 0 : index
    %get3A_13 = vector.load %arg3[%get3A_11, %get3A_12] : memref<1000x128xf32, #tpu.memory_space<vmem>>, vector<1000x128xf32>
    %mul3A = vector.broadcast %rsqrt3A : vector<1000x1xf32> to vector<1000x128xf32>
    %mul3A_14 = arith.mulf %mul3A, %get3A_13 : vector<1000x128xf32>
    %slice3A_15 = vector.extract_strided_slice %mul3A_14 {offsets = [0, 0], sizes = [1000, 64], strides = [1, 1]} : vector<1000x128xf32> to vector<1000x64xf32>
    %swap3A = arith.constant 0 : index
    %swap3A_16 = arith.constant 0 : index
    %swap3A_17 = vector.load %arg4[%swap3A, %swap3A_16] : memref<1000x64xf32, #tpu.memory_space<vmem>>, vector<1000x64xf32>
    tpu.vector_store %arg4[%swap3A, %swap3A_16], %slice3A_15 {strides = array<i32>} : memref<1000x64xf32, #tpu.memory_space<vmem>>, vector<1000x64xf32>,
    %slice3A_18 = vector.extract_strided_slice %mul3A_14 {offsets = [0, 64], sizes = [1000, 64], strides = [1, 1]} : vector<1000x128xf32> to vector<1000x64xf32>
    %swap3A_19 = arith.constant 0 : index
    %swap3A_20 = arith.constant 0 : index
    %swap3A_21 = vector.load %arg5[%swap3A_19, %swap3A_20] : memref<1000x64xf32, #tpu.memory_space<vmem>>, vector<1000x64xf32>
    tpu.vector_store %arg5[%swap3A_19, %swap3A_20], %slice3A_18 {strides = array<i32>} : memref<1000x64xf32, #tpu.memory_space<vmem>>, vector<1000x64xf32>,
    %swap3A_22 = arith.constant 0 : index
    %swap3A_23 = arith.constant 0 : index
    %swap3A_24 = vector.load %arg6[%swap3A_22, %swap3A_23] : memref<1000x1xf32, #tpu.memory_space<vmem>>, vector<1000x1xf32>
    tpu.vector_store %arg6[%swap3A_22, %swap3A_23], %rsqrt3A {strides = array<i32>} : memref<1000x1xf32, #tpu.memory_space<vmem>>, vector<1000x1xf32>,
    %swap3A_25 = arith.constant 0 : index
    %swap3A_26 = arith.constant 0 : index
    %swap3A_27 = vector.load %arg7[%swap3A_25, %swap3A_26] : memref<1000x1xf32, #tpu.memory_space<vmem>>, vector<1000x1xf32>
    tpu.vector_store %arg7[%swap3A_25, %swap3A_26], %div3A_10 {strides = array<i32>} : memref<1000x1xf32, #tpu.memory_space<vmem>>, vector<1000x1xf32>,
    return
  }
  func.func @transform_0(%arg0: i32) -> (i32, i32) {
    %c0_i32 = arith.constant 0 : i32
    %c0_i32_0 = arith.constant 0 : i32
    return %arg0, %c0_i32 : i32, i32
  }
  func.func @transform_1(%arg0: i32) -> (i32, i32) {
    %c0_i32 = arith.constant 0 : i32
    %c0_i32_0 = arith.constant 0 : i32
    return %arg0, %c0_i32 : i32, i32
  }
  func.func @transform_2(%arg0: i32) -> (i32, i32) {
    %c0_i32 = arith.constant 0 : i32
    %c0_i32_0 = arith.constant 0 : i32
    return %arg0, %c0_i32 : i32, i32
  }
  func.func @transform_3(%arg0: i32) -> (i32, i32) {
    %c0_i32 = arith.constant 0 : i32
    %c0_i32_0 = arith.constant 0 : i32
    return %arg0, %c0_i32 : i32, i32
  }
  func.func @transform_4(%arg0: i32) -> (i32, i32) {
    %c0_i32 = arith.constant 0 : i32
    %c0_i32_0 = arith.constant 0 : i32
    return %arg0, %c0_i32 : i32, i32
  }
  func.func @transform_5(%arg0: i32) -> (i32, i32) {
    %c0_i32 = arith.constant 0 : i32
    %c0_i32_0 = arith.constant 0 : i32
    return %arg0, %c0_i32 : i32, i32
  }
  func.func @transform_6(%arg0: i32) -> (i32, i32) {
    %c0_i32 = arith.constant 0 : i32
    %c0_i32_0 = arith.constant 0 : i32
    return %arg0, %c0_i32 : i32, i32
  }
}

module attributes {stable_mosaic.version = 14 : i64} {
  func.func @_t1_body(%arg0: i32, %arg1: memref<1000x64xf32, #tpu.memory_space<vmem>>, %arg2: memref<1000x64xf32, #tpu.memory_space<vmem>>, %arg3: memref<1000x64xf32, #tpu.memory_space<vmem>>, %arg4: memref<1000x64xf32, #tpu.memory_space<vmem>>, %arg5: memref<1000x128xf32, #tpu.memory_space<vmem>>, %arg6: memref<1000x1xf32, #tpu.memory_space<vmem>>, %arg7: memref<1000x1xf32, #tpu.memory_space<vmem>>, %arg8: memref<1x128xf32, #tpu.memory_space<vmem>>, %arg9: memref<128x128xf32, #tpu.memory_space<vmem>>, %arg10: memref<1000x128xf32, #tpu.memory_space<vmem>>, %arg11: memref<1000x64xf32, #tpu.memory_space<vmem>>, %arg12: memref<1000x64xf32, #tpu.memory_space<vmem>>) attributes {dimension_semantics = [#tpu.dimension_semantics<arbitrary>], iteration_bounds = array<i64: 10>, scalar_prefetch = 0 : i64, scratch_operands = 0 : i64, tpu.core_type = #tpu.core_type<tc>, window_params = [{transform_indices = @transform_0, window_bounds = array<i64: 1000, 64>}, {transform_indices = @transform_1, window_bounds = array<i64: 1000, 64>}, {transform_indices = @transform_2, window_bounds = array<i64: 1000, 64>}, {transform_indices = @transform_3, window_bounds = array<i64: 1000, 64>}, {transform_indices = @transform_4, window_bounds = array<i64: 1000, 128>}, {transform_indices = @transform_5, window_bounds = array<i64: 1000, 1>}, {transform_indices = @transform_6, window_bounds = array<i64: 1000, 1>}, {pipeline_mode = #tpu.pipeline_mode<synchronous>, transform_indices = @transform_7, window_bounds = array<i64: 1, 128>}, {pipeline_mode = #tpu.pipeline_mode<synchronous>, transform_indices = @transform_8, window_bounds = array<i64: 128, 128>}, {transform_indices = @transform_9, window_bounds = array<i64: 1000, 128>}, {transform_indices = @transform_10, window_bounds = array<i64: 1000, 64>}, {transform_indices = @transform_11, window_bounds = array<i64: 1000, 64>}]} {
    %get3A = arith.constant 0 : index
    %get3A_0 = arith.constant 0 : index
    %get3A_1 = vector.load %arg6[%get3A, %get3A_0] : memref<1000x1xf32, #tpu.memory_space<vmem>>, vector<1000x1xf32>
    %get3A_2 = arith.constant 0 : index
    %get3A_3 = arith.constant 0 : index
    %get3A_4 = vector.load %arg1[%get3A_2, %get3A_3] : memref<1000x64xf32, #tpu.memory_space<vmem>>, vector<1000x64xf32>
    %get3A_5 = arith.constant 0 : index
    %get3A_6 = arith.constant 0 : index
    %get3A_7 = vector.load %arg3[%get3A_5, %get3A_6] : memref<1000x64xf32, #tpu.memory_space<vmem>>, vector<1000x64xf32>
    %add3A = arith.addf %get3A_4, %get3A_7 : vector<1000x64xf32>
    %get3A_8 = arith.constant 0 : index
    %get3A_9 = arith.constant 0 : index
    %get3A_10 = vector.load %arg2[%get3A_8, %get3A_9] : memref<1000x64xf32, #tpu.memory_space<vmem>>, vector<1000x64xf32>
    %get3A_11 = arith.constant 0 : index
    %get3A_12 = arith.constant 0 : index
    %get3A_13 = vector.load %arg4[%get3A_11, %get3A_12] : memref<1000x64xf32, #tpu.memory_space<vmem>>, vector<1000x64xf32>
    %add3A_14 = arith.addf %get3A_10, %get3A_13 : vector<1000x64xf32>
    %concatenate3A = tpu.concatenate %add3A, %add3A_14 in 1 : vector<1000x64xf32>, vector<1000x64xf32> -> vector<1000x128xf32>
    %mul3A = vector.broadcast %get3A_1 : vector<1000x1xf32> to vector<1000x128xf32>
    %mul3A_15 = arith.mulf %mul3A, %concatenate3A : vector<1000x128xf32>
    %get3A_16 = arith.constant 0 : index
    %get3A_17 = arith.constant 0 : index
    %get3A_18 = vector.load %arg7[%get3A_16, %get3A_17] : memref<1000x1xf32, #tpu.memory_space<vmem>>, vector<1000x1xf32>
    %get3A_19 = arith.constant 0 : index
    %get3A_20 = arith.constant 0 : index
    %get3A_21 = vector.load %arg5[%get3A_19, %get3A_20] : memref<1000x128xf32, #tpu.memory_space<vmem>>, vector<1000x128xf32>
    %mul3A_22 = vector.broadcast %get3A_18 : vector<1000x1xf32> to vector<1000x128xf32>
    %mul3A_23 = arith.mulf %mul3A_22, %get3A_21 : vector<1000x128xf32>
    %add3A_24 = arith.addf %mul3A_15, %mul3A_23 : vector<1000x128xf32>
    %get3A_25 = arith.constant 0 : index
    %get3A_26 = arith.constant 0 : index
    %get3A_27 = vector.load %arg8[%get3A_25, %get3A_26] : memref<1x128xf32, #tpu.memory_space<vmem>>, vector<1x128xf32>
    %add3A_28 = vector.broadcast %get3A_27 : vector<1x128xf32> to vector<1000x128xf32>
    %add3A_29 = arith.addf %add3A_24, %add3A_28 : vector<1000x128xf32>
    %reduce_sum3A = arith.constant dense<0.000000e+00> : vector<1000xf32>
    %reduce_sum3A_30 = vector.multi_reduction <add>, %add3A_29, %reduce_sum3A [1] : vector<1000x128xf32> to vector<1000xf32>
    %broadcast_in_dim3A = vector.shape_cast %reduce_sum3A_30 : vector<1000xf32> to vector<1000x1xf32>
    %div3A = arith.constant 1.280000e+02 : f32
    %div3A_31 = vector.broadcast %div3A : f32 to vector<1000x1xf32>
    %div3A_32 = arith.divf %broadcast_in_dim3A, %div3A_31 : vector<1000x1xf32>
    %sub3A = vector.broadcast %div3A_32 : vector<1000x1xf32> to vector<1000x128xf32>
    %sub3A_33 = arith.subf %add3A_29, %sub3A : vector<1000x128xf32>
    %mul3A_34 = arith.mulf %sub3A_33, %sub3A_33 : vector<1000x128xf32>
    %reduce_sum3A_35 = arith.constant dense<0.000000e+00> : vector<1000xf32>
    %reduce_sum3A_36 = vector.multi_reduction <add>, %mul3A_34, %reduce_sum3A_35 [1] : vector<1000x128xf32> to vector<1000xf32>
    %broadcast_in_dim3A_37 = vector.shape_cast %reduce_sum3A_36 : vector<1000xf32> to vector<1000x1xf32>
    %div3A_38 = arith.constant 1.280000e+02 : f32
    %div3A_39 = vector.broadcast %div3A_38 : f32 to vector<1000x1xf32>
    %div3A_40 = arith.divf %broadcast_in_dim3A_37, %div3A_39 : vector<1000x1xf32>
    %add3A_41 = arith.constant 9.99999974E-6 : f32
    %add3A_42 = vector.broadcast %add3A_41 : f32 to vector<1000x1xf32>
    %add3A_43 = arith.addf %div3A_40, %add3A_42 : vector<1000x1xf32>
    %rsqrt3A = math.rsqrt %add3A_43 : vector<1000x1xf32>
    %mul3A_44 = vector.broadcast %rsqrt3A : vector<1000x1xf32> to vector<1000x128xf32>
    %mul3A_45 = arith.mulf %sub3A_33, %mul3A_44 : vector<1000x128xf32>
    %max3A = arith.constant 0.000000e+00 : f32
    %max3A_46 = vector.broadcast %max3A : f32 to vector<1000x128xf32>
    %max3A_47 = arith.maximumf %mul3A_45, %max3A_46 : vector<1000x128xf32>
    %get3A_48 = arith.constant 0 : index
    %get3A_49 = arith.constant 0 : index
    %get3A_50 = vector.load %arg9[%get3A_48, %get3A_49] : memref<128x128xf32, #tpu.memory_space<vmem>>, vector<128x128xf32>
    %dot_general3A = arith.constant dense<0.000000e+00> : vector<1000x128xf32>
    %dot_general3A_51 = tpu.matmul %max3A_47, %get3A_50, %dot_general3A {dimension_numbers = #tpu.dot_dimension_numbers<[1], [0], [0], [1], [0, 0, 1, 1], [], []>, transpose_lhs_hint = false} : vector<1000x128xf32>, vector<128x128xf32>, vector<1000x128xf32> -> vector<1000x128xf32>
    %mul3A_52 = vector.broadcast %get3A_1 : vector<1000x1xf32> to vector<1000x128xf32>
    %mul3A_53 = arith.mulf %mul3A_52, %dot_general3A_51 : vector<1000x128xf32>
    %swap3A = arith.constant 0 : index
    %swap3A_54 = arith.constant 0 : index
    %swap3A_55 = vector.load %arg10[%swap3A, %swap3A_54] : memref<1000x128xf32, #tpu.memory_space<vmem>>, vector<1000x128xf32>
    tpu.vector_store %arg10[%swap3A, %swap3A_54], %dot_general3A_51 {strides = array<i32>} : memref<1000x128xf32, #tpu.memory_space<vmem>>, vector<1000x128xf32>,
    %slice3A = vector.extract_strided_slice %mul3A_53 {offsets = [0, 0], sizes = [1000, 64], strides = [1, 1]} : vector<1000x128xf32> to vector<1000x64xf32>
    %swap3A_56 = arith.constant 0 : index
    %swap3A_57 = arith.constant 0 : index
    %swap3A_58 = vector.load %arg11[%swap3A_56, %swap3A_57] : memref<1000x64xf32, #tpu.memory_space<vmem>>, vector<1000x64xf32>
    tpu.vector_store %arg11[%swap3A_56, %swap3A_57], %slice3A {strides = array<i32>} : memref<1000x64xf32, #tpu.memory_space<vmem>>, vector<1000x64xf32>,
    %slice3A_59 = vector.extract_strided_slice %mul3A_53 {offsets = [0, 64], sizes = [1000, 64], strides = [1, 1]} : vector<1000x128xf32> to vector<1000x64xf32>
    %swap3A_60 = arith.constant 0 : index
    %swap3A_61 = arith.constant 0 : index
    %swap3A_62 = vector.load %arg12[%swap3A_60, %swap3A_61] : memref<1000x64xf32, #tpu.memory_space<vmem>>, vector<1000x64xf32>
    tpu.vector_store %arg12[%swap3A_60, %swap3A_61], %slice3A_59 {strides = array<i32>} : memref<1000x64xf32, #tpu.memory_space<vmem>>, vector<1000x64xf32>,
    return
  }
  func.func @transform_0(%arg0: i32) -> (i32, i32) {
    %c0_i32 = arith.constant 0 : i32
    %c0_i32_0 = arith.constant 0 : i32
    return %arg0, %c0_i32 : i32, i32
  }
  func.func @transform_1(%arg0: i32) -> (i32, i32) {
    %c0_i32 = arith.constant 0 : i32
    %c0_i32_0 = arith.constant 0 : i32
    return %arg0, %c0_i32 : i32, i32
  }
  func.func @transform_2(%arg0: i32) -> (i32, i32) {
    %c0_i32 = arith.constant 0 : i32
    %c0_i32_0 = arith.constant 0 : i32
    return %arg0, %c0_i32 : i32, i32
  }
  func.func @transform_3(%arg0: i32) -> (i32, i32) {
    %c0_i32 = arith.constant 0 : i32
    %c0_i32_0 = arith.constant 0 : i32
    return %arg0, %c0_i32 : i32, i32
  }
  func.func @transform_4(%arg0: i32) -> (i32, i32) {
    %c0_i32 = arith.constant 0 : i32
    %c0_i32_0 = arith.constant 0 : i32
    return %arg0, %c0_i32 : i32, i32
  }
  func.func @transform_5(%arg0: i32) -> (i32, i32) {
    %c0_i32 = arith.constant 0 : i32
    %c0_i32_0 = arith.constant 0 : i32
    return %arg0, %c0_i32 : i32, i32
  }
  func.func @transform_6(%arg0: i32) -> (i32, i32) {
    %c0_i32 = arith.constant 0 : i32
    %c0_i32_0 = arith.constant 0 : i32
    return %arg0, %c0_i32 : i32, i32
  }
  func.func @transform_7(%arg0: i32) -> (i32, i32) {
    %c0_i32 = arith.constant 0 : i32
    %c0_i32_0 = arith.constant 0 : i32
    %c0_i32_1 = arith.constant 0 : i32
    return %c0_i32, %c0_i32_0 : i32, i32
  }
  func.func @transform_8(%arg0: i32) -> (i32, i32) {
    %c0_i32 = arith.constant 0 : i32
    %c0_i32_0 = arith.constant 0 : i32
    %c0_i32_1 = arith.constant 0 : i32
    return %c0_i32, %c0_i32_0 : i32, i32
  }
  func.func @transform_9(%arg0: i32) -> (i32, i32) {
    %c0_i32 = arith.constant 0 : i32
    %c0_i32_0 = arith.constant 0 : i32
    return %arg0, %c0_i32 : i32, i32
  }
  func.func @transform_10(%arg0: i32) -> (i32, i32) {
    %c0_i32 = arith.constant 0 : i32
    %c0_i32_0 = arith.constant 0 : i32
    return %arg0, %c0_i32 : i32, i32
  }
  func.func @transform_11(%arg0: i32) -> (i32, i32) {
    %c0_i32 = arith.constant 0 : i32
    %c0_i32_0 = arith.constant 0 : i32
    return %arg0, %c0_i32 : i32, i32
  }
}

module attributes {stable_mosaic.version = 14 : i64} {
  func.func @_t2_body(%arg0: i32, %arg1: memref<1000x64xf32, #tpu.memory_space<vmem>>, %arg2: memref<1000x64xf32, #tpu.memory_space<vmem>>, %arg3: memref<1000x64xf32, #tpu.memory_space<vmem>>, %arg4: memref<1000x64xf32, #tpu.memory_space<vmem>>, %arg5: memref<1000x128xf32, #tpu.memory_space<vmem>>, %arg6: memref<1000x1xf32, #tpu.memory_space<vmem>>, %arg7: memref<1000x1xf32, #tpu.memory_space<vmem>>, %arg8: memref<1x128xf32, #tpu.memory_space<vmem>>, %arg9: memref<1000x128xf32, #tpu.memory_space<vmem>>, %arg10: memref<128x16xf32, #tpu.memory_space<vmem>>, %arg11: memref<1000x128xf32, #tpu.memory_space<vmem>>, %arg12: memref<1000x16xf32, #tpu.memory_space<vmem>>, %arg13: memref<1000x16xf32, #tpu.memory_space<vmem>>) attributes {dimension_semantics = [#tpu.dimension_semantics<arbitrary>], iteration_bounds = array<i64: 10>, scalar_prefetch = 0 : i64, scratch_operands = 0 : i64, tpu.core_type = #tpu.core_type<tc>, window_params = [{transform_indices = @transform_0, window_bounds = array<i64: 1000, 64>}, {transform_indices = @transform_1, window_bounds = array<i64: 1000, 64>}, {transform_indices = @transform_2, window_bounds = array<i64: 1000, 64>}, {transform_indices = @transform_3, window_bounds = array<i64: 1000, 64>}, {transform_indices = @transform_4, window_bounds = array<i64: 1000, 128>}, {transform_indices = @transform_5, window_bounds = array<i64: 1000, 1>}, {transform_indices = @transform_6, window_bounds = array<i64: 1000, 1>}, {pipeline_mode = #tpu.pipeline_mode<synchronous>, transform_indices = @transform_7, window_bounds = array<i64: 1, 128>}, {transform_indices = @transform_8, window_bounds = array<i64: 1000, 128>}, {pipeline_mode = #tpu.pipeline_mode<synchronous>, transform_indices = @transform_9, window_bounds = array<i64: 128, 16>}, {transform_indices = @transform_10, window_bounds = array<i64: 1000, 128>}, {transform_indices = @transform_11, window_bounds = array<i64: 1000, 16>}, {transform_indices = @transform_12, window_bounds = array<i64: 1000, 16>}]} {
    %get3A = arith.constant 0 : index
    %get3A_0 = arith.constant 0 : index
    %get3A_1 = vector.load %arg6[%get3A, %get3A_0] : memref<1000x1xf32, #tpu.memory_space<vmem>>, vector<1000x1xf32>
    %get3A_2 = arith.constant 0 : index
    %get3A_3 = arith.constant 0 : index
    %get3A_4 = vector.load %arg1[%get3A_2, %get3A_3] : memref<1000x64xf32, #tpu.memory_space<vmem>>, vector<1000x64xf32>
    %get3A_5 = arith.constant 0 : index
    %get3A_6 = arith.constant 0 : index
    %get3A_7 = vector.load %arg3[%get3A_5, %get3A_6] : memref<1000x64xf32, #tpu.memory_space<vmem>>, vector<1000x64xf32>
    %add3A = arith.addf %get3A_4, %get3A_7 : vector<1000x64xf32>
    %get3A_8 = arith.constant 0 : index
    %get3A_9 = arith.constant 0 : index
    %get3A_10 = vector.load %arg2[%get3A_8, %get3A_9] : memref<1000x64xf32, #tpu.memory_space<vmem>>, vector<1000x64xf32>
    %get3A_11 = arith.constant 0 : index
    %get3A_12 = arith.constant 0 : index
    %get3A_13 = vector.load %arg4[%get3A_11, %get3A_12] : memref<1000x64xf32, #tpu.memory_space<vmem>>, vector<1000x64xf32>
    %add3A_14 = arith.addf %get3A_10, %get3A_13 : vector<1000x64xf32>
    %concatenate3A = tpu.concatenate %add3A, %add3A_14 in 1 : vector<1000x64xf32>, vector<1000x64xf32> -> vector<1000x128xf32>
    %mul3A = vector.broadcast %get3A_1 : vector<1000x1xf32> to vector<1000x128xf32>
    %mul3A_15 = arith.mulf %mul3A, %concatenate3A : vector<1000x128xf32>
    %get3A_16 = arith.constant 0 : index
    %get3A_17 = arith.constant 0 : index
    %get3A_18 = vector.load %arg7[%get3A_16, %get3A_17] : memref<1000x1xf32, #tpu.memory_space<vmem>>, vector<1000x1xf32>
    %get3A_19 = arith.constant 0 : index
    %get3A_20 = arith.constant 0 : index
    %get3A_21 = vector.load %arg5[%get3A_19, %get3A_20] : memref<1000x128xf32, #tpu.memory_space<vmem>>, vector<1000x128xf32>
    %mul3A_22 = vector.broadcast %get3A_18 : vector<1000x1xf32> to vector<1000x128xf32>
    %mul3A_23 = arith.mulf %mul3A_22, %get3A_21 : vector<1000x128xf32>
    %add3A_24 = arith.addf %mul3A_15, %mul3A_23 : vector<1000x128xf32>
    %get3A_25 = arith.constant 0 : index
    %get3A_26 = arith.constant 0 : index
    %get3A_27 = vector.load %arg8[%get3A_25, %get3A_26] : memref<1x128xf32, #tpu.memory_space<vmem>>, vector<1x128xf32>
    %add3A_28 = vector.broadcast %get3A_27 : vector<1x128xf32> to vector<1000x128xf32>
    %add3A_29 = arith.addf %add3A_24, %add3A_28 : vector<1000x128xf32>
    %reduce_sum3A = arith.constant dense<0.000000e+00> : vector<1000xf32>
    %reduce_sum3A_30 = vector.multi_reduction <add>, %add3A_29, %reduce_sum3A [1] : vector<1000x128xf32> to vector<1000xf32>
    %broadcast_in_dim3A = vector.shape_cast %reduce_sum3A_30 : vector<1000xf32> to vector<1000x1xf32>
    %div3A = arith.constant 1.280000e+02 : f32
    %div3A_31 = vector.broadcast %div3A : f32 to vector<1000x1xf32>
    %div3A_32 = arith.divf %broadcast_in_dim3A, %div3A_31 : vector<1000x1xf32>
    %sub3A = vector.broadcast %div3A_32 : vector<1000x1xf32> to vector<1000x128xf32>
    %sub3A_33 = arith.subf %add3A_29, %sub3A : vector<1000x128xf32>
    %mul3A_34 = arith.mulf %sub3A_33, %sub3A_33 : vector<1000x128xf32>
    %reduce_sum3A_35 = arith.constant dense<0.000000e+00> : vector<1000xf32>
    %reduce_sum3A_36 = vector.multi_reduction <add>, %mul3A_34, %reduce_sum3A_35 [1] : vector<1000x128xf32> to vector<1000xf32>
    %broadcast_in_dim3A_37 = vector.shape_cast %reduce_sum3A_36 : vector<1000xf32> to vector<1000x1xf32>
    %div3A_38 = arith.constant 1.280000e+02 : f32
    %div3A_39 = vector.broadcast %div3A_38 : f32 to vector<1000x1xf32>
    %div3A_40 = arith.divf %broadcast_in_dim3A_37, %div3A_39 : vector<1000x1xf32>
    %add3A_41 = arith.constant 9.99999974E-6 : f32
    %add3A_42 = vector.broadcast %add3A_41 : f32 to vector<1000x1xf32>
    %add3A_43 = arith.addf %div3A_40, %add3A_42 : vector<1000x1xf32>
    %rsqrt3A = math.rsqrt %add3A_43 : vector<1000x1xf32>
    %mul3A_44 = vector.broadcast %rsqrt3A : vector<1000x1xf32> to vector<1000x128xf32>
    %mul3A_45 = arith.mulf %sub3A_33, %mul3A_44 : vector<1000x128xf32>
    %max3A = arith.constant 0.000000e+00 : f32
    %max3A_46 = vector.broadcast %max3A : f32 to vector<1000x128xf32>
    %max3A_47 = arith.maximumf %mul3A_45, %max3A_46 : vector<1000x128xf32>
    %get3A_48 = arith.constant 0 : index
    %get3A_49 = arith.constant 0 : index
    %get3A_50 = vector.load %arg9[%get3A_48, %get3A_49] : memref<1000x128xf32, #tpu.memory_space<vmem>>, vector<1000x128xf32>
    %add3A_51 = arith.addf %max3A_47, %get3A_50 : vector<1000x128xf32>
    %get3A_52 = arith.constant 0 : index
    %get3A_53 = arith.constant 0 : index
    %get3A_54 = vector.load %arg10[%get3A_52, %get3A_53] : memref<128x16xf32, #tpu.memory_space<vmem>>, vector<128x16xf32>
    %dot_general3A = arith.constant dense<0.000000e+00> : vector<1000x16xf32>
    %dot_general3A_55 = tpu.matmul %add3A_51, %get3A_54, %dot_general3A {dimension_numbers = #tpu.dot_dimension_numbers<[1], [0], [0], [1], [0, 0, 1, 1], [], []>, transpose_lhs_hint = false} : vector<1000x128xf32>, vector<128x16xf32>, vector<1000x16xf32> -> vector<1000x16xf32>
    %swap3A = arith.constant 0 : index
    %swap3A_56 = arith.constant 0 : index
    %swap3A_57 = vector.load %arg11[%swap3A, %swap3A_56] : memref<1000x128xf32, #tpu.memory_space<vmem>>, vector<1000x128xf32>
    tpu.vector_store %arg11[%swap3A, %swap3A_56], %add3A_51 {strides = array<i32>} : memref<1000x128xf32, #tpu.memory_space<vmem>>, vector<1000x128xf32>,
    %swap3A_58 = arith.constant 0 : index
    %swap3A_59 = arith.constant 0 : index
    %swap3A_60 = vector.load %arg12[%swap3A_58, %swap3A_59] : memref<1000x16xf32, #tpu.memory_space<vmem>>, vector<1000x16xf32>
    tpu.vector_store %arg12[%swap3A_58, %swap3A_59], %dot_general3A_55 {strides = array<i32>} : memref<1000x16xf32, #tpu.memory_space<vmem>>, vector<1000x16xf32>,
    %mul3A_61 = vector.broadcast %get3A_1 : vector<1000x1xf32> to vector<1000x16xf32>
    %mul3A_62 = arith.mulf %mul3A_61, %dot_general3A_55 : vector<1000x16xf32>
    %swap3A_63 = arith.constant 0 : index
    %swap3A_64 = arith.constant 0 : index
    %swap3A_65 = vector.load %arg13[%swap3A_63, %swap3A_64] : memref<1000x16xf32, #tpu.memory_space<vmem>>, vector<1000x16xf32>
    tpu.vector_store %arg13[%swap3A_63, %swap3A_64], %mul3A_62 {strides = array<i32>} : memref<1000x16xf32, #tpu.memory_space<vmem>>, vector<1000x16xf32>,
    return
  }
  func.func @transform_0(%arg0: i32) -> (i32, i32) {
    %c0_i32 = arith.constant 0 : i32
    %c0_i32_0 = arith.constant 0 : i32
    return %arg0, %c0_i32 : i32, i32
  }
  func.func @transform_1(%arg0: i32) -> (i32, i32) {
    %c0_i32 = arith.constant 0 : i32
    %c0_i32_0 = arith.constant 0 : i32
    return %arg0, %c0_i32 : i32, i32
  }
  func.func @transform_2(%arg0: i32) -> (i32, i32) {
    %c0_i32 = arith.constant 0 : i32
    %c0_i32_0 = arith.constant 0 : i32
    return %arg0, %c0_i32 : i32, i32
  }
  func.func @transform_3(%arg0: i32) -> (i32, i32) {
    %c0_i32 = arith.constant 0 : i32
    %c0_i32_0 = arith.constant 0 : i32
    return %arg0, %c0_i32 : i32, i32
  }
  func.func @transform_4(%arg0: i32) -> (i32, i32) {
    %c0_i32 = arith.constant 0 : i32
    %c0_i32_0 = arith.constant 0 : i32
    return %arg0, %c0_i32 : i32, i32
  }
  func.func @transform_5(%arg0: i32) -> (i32, i32) {
    %c0_i32 = arith.constant 0 : i32
    %c0_i32_0 = arith.constant 0 : i32
    return %arg0, %c0_i32 : i32, i32
  }
  func.func @transform_6(%arg0: i32) -> (i32, i32) {
    %c0_i32 = arith.constant 0 : i32
    %c0_i32_0 = arith.constant 0 : i32
    return %arg0, %c0_i32 : i32, i32
  }
  func.func @transform_7(%arg0: i32) -> (i32, i32) {
    %c0_i32 = arith.constant 0 : i32
    %c0_i32_0 = arith.constant 0 : i32
    %c0_i32_1 = arith.constant 0 : i32
    return %c0_i32, %c0_i32_0 : i32, i32
  }
  func.func @transform_8(%arg0: i32) -> (i32, i32) {
    %c0_i32 = arith.constant 0 : i32
    %c0_i32_0 = arith.constant 0 : i32
    return %arg0, %c0_i32 : i32, i32
  }
  func.func @transform_9(%arg0: i32) -> (i32, i32) {
    %c0_i32 = arith.constant 0 : i32
    %c0_i32_0 = arith.constant 0 : i32
    %c0_i32_1 = arith.constant 0 : i32
    return %c0_i32, %c0_i32_0 : i32, i32
  }
  func.func @transform_10(%arg0: i32) -> (i32, i32) {
    %c0_i32 = arith.constant 0 : i32
    %c0_i32_0 = arith.constant 0 : i32
    return %arg0, %c0_i32 : i32, i32
  }
  func.func @transform_11(%arg0: i32) -> (i32, i32) {
    %c0_i32 = arith.constant 0 : i32
    %c0_i32_0 = arith.constant 0 : i32
    return %arg0, %c0_i32 : i32, i32
  }
  func.func @transform_12(%arg0: i32) -> (i32, i32) {
    %c0_i32 = arith.constant 0 : i32
    %c0_i32_0 = arith.constant 0 : i32
    return %arg0, %c0_i32 : i32, i32
  }
}

module attributes {stable_mosaic.version = 14 : i64} {
  func.func @_t3_body(%arg0: i32, %arg1: memref<1000x16xf32, #tpu.memory_space<vmem>>, %arg2: memref<1000x16xf32, #tpu.memory_space<vmem>>, %arg3: memref<1000x16xf32, #tpu.memory_space<vmem>>, %arg4: memref<1000x1xf32, #tpu.memory_space<vmem>>, %arg5: memref<1000x1xf32, #tpu.memory_space<vmem>>, %arg6: memref<1x16xf32, #tpu.memory_space<vmem>>, %arg7: memref<1000x16xf32, #tpu.memory_space<vmem>>) attributes {dimension_semantics = [#tpu.dimension_semantics<arbitrary>], iteration_bounds = array<i64: 10>, scalar_prefetch = 0 : i64, scratch_operands = 0 : i64, tpu.core_type = #tpu.core_type<tc>, window_params = [{transform_indices = @transform_0, window_bounds = array<i64: 1000, 16>}, {transform_indices = @transform_1, window_bounds = array<i64: 1000, 16>}, {transform_indices = @transform_2, window_bounds = array<i64: 1000, 16>}, {transform_indices = @transform_3, window_bounds = array<i64: 1000, 1>}, {transform_indices = @transform_4, window_bounds = array<i64: 1000, 1>}, {pipeline_mode = #tpu.pipeline_mode<synchronous>, transform_indices = @transform_5, window_bounds = array<i64: 1, 16>}, {transform_indices = @transform_6, window_bounds = array<i64: 1000, 16>}]} {
    %get3A = arith.constant 0 : index
    %get3A_0 = arith.constant 0 : index
    %get3A_1 = vector.load %arg4[%get3A, %get3A_0] : memref<1000x1xf32, #tpu.memory_space<vmem>>, vector<1000x1xf32>
    %get3A_2 = arith.constant 0 : index
    %get3A_3 = arith.constant 0 : index
    %get3A_4 = vector.load %arg1[%get3A_2, %get3A_3] : memref<1000x16xf32, #tpu.memory_space<vmem>>, vector<1000x16xf32>
    %get3A_5 = arith.constant 0 : index
    %get3A_6 = arith.constant 0 : index
    %get3A_7 = vector.load %arg2[%get3A_5, %get3A_6] : memref<1000x16xf32, #tpu.memory_space<vmem>>, vector<1000x16xf32>
    %add3A = arith.addf %get3A_4, %get3A_7 : vector<1000x16xf32>
    %mul3A = vector.broadcast %get3A_1 : vector<1000x1xf32> to vector<1000x16xf32>
    %mul3A_8 = arith.mulf %mul3A, %add3A : vector<1000x16xf32>
    %get3A_9 = arith.constant 0 : index
    %get3A_10 = arith.constant 0 : index
    %get3A_11 = vector.load %arg5[%get3A_9, %get3A_10] : memref<1000x1xf32, #tpu.memory_space<vmem>>, vector<1000x1xf32>
    %get3A_12 = arith.constant 0 : index
    %get3A_13 = arith.constant 0 : index
    %get3A_14 = vector.load %arg3[%get3A_12, %get3A_13] : memref<1000x16xf32, #tpu.memory_space<vmem>>, vector<1000x16xf32>
    %mul3A_15 = vector.broadcast %get3A_11 : vector<1000x1xf32> to vector<1000x16xf32>
    %mul3A_16 = arith.mulf %mul3A_15, %get3A_14 : vector<1000x16xf32>
    %add3A_17 = arith.addf %mul3A_8, %mul3A_16 : vector<1000x16xf32>
    %get3A_18 = arith.constant 0 : index
    %get3A_19 = arith.constant 0 : index
    %get3A_20 = vector.load %arg6[%get3A_18, %get3A_19] : memref<1x16xf32, #tpu.memory_space<vmem>>, vector<1x16xf32>
    %add3A_21 = vector.broadcast %get3A_20 : vector<1x16xf32> to vector<1000x16xf32>
    %add3A_22 = arith.addf %add3A_17, %add3A_21 : vector<1000x16xf32>
    %logistic3A = arith.negf %add3A_22 : vector<1000x16xf32>
    %logistic3A_23 = math.exp %logistic3A : vector<1000x16xf32>
    %logistic3A_24 = arith.constant 1.000000e+00 : f32
    %logistic3A_25 = vector.broadcast %logistic3A_24 : f32 to vector<1000x16xf32>
    %logistic3A_26 = arith.addf %logistic3A_25, %logistic3A_23 : vector<1000x16xf32>
    %logistic3A_27 = arith.divf %logistic3A_25, %logistic3A_26 : vector<1000x16xf32>
    %sub3A = arith.constant 5.000000e-01 : f32
    %sub3A_28 = vector.broadcast %sub3A : f32 to vector<1000x16xf32>
    %sub3A_29 = arith.subf %logistic3A_27, %sub3A_28 : vector<1000x16xf32>
    %swap3A = arith.constant 0 : index
    %swap3A_30 = arith.constant 0 : index
    %swap3A_31 = vector.load %arg7[%swap3A, %swap3A_30] : memref<1000x16xf32, #tpu.memory_space<vmem>>, vector<1000x16xf32>
    tpu.vector_store %arg7[%swap3A, %swap3A_30], %sub3A_29 {strides = array<i32>} : memref<1000x16xf32, #tpu.memory_space<vmem>>, vector<1000x16xf32>,
    return
  }
  func.func @transform_0(%arg0: i32) -> (i32, i32) {
    %c0_i32 = arith.constant 0 : i32
    %c0_i32_0 = arith.constant 0 : i32
    return %arg0, %c0_i32 : i32, i32
  }
  func.func @transform_1(%arg0: i32) -> (i32, i32) {
    %c0_i32 = arith.constant 0 : i32
    %c0_i32_0 = arith.constant 0 : i32
    return %arg0, %c0_i32 : i32, i32
  }
  func.func @transform_2(%arg0: i32) -> (i32, i32) {
    %c0_i32 = arith.constant 0 : i32
    %c0_i32_0 = arith.constant 0 : i32
    return %arg0, %c0_i32 : i32, i32
  }
  func.func @transform_3(%arg0: i32) -> (i32, i32) {
    %c0_i32 = arith.constant 0 : i32
    %c0_i32_0 = arith.constant 0 : i32
    return %arg0, %c0_i32 : i32, i32
  }
  func.func @transform_4(%arg0: i32) -> (i32, i32) {
    %c0_i32 = arith.constant 0 : i32
    %c0_i32_0 = arith.constant 0 : i32
    return %arg0, %c0_i32 : i32, i32
  }
  func.func @transform_5(%arg0: i32) -> (i32, i32) {
    %c0_i32 = arith.constant 0 : i32
    %c0_i32_0 = arith.constant 0 : i32
    %c0_i32_1 = arith.constant 0 : i32
    return %c0_i32, %c0_i32_0 : i32, i32
  }
  func.func @transform_6(%arg0: i32) -> (i32, i32) {
    %c0_i32 = arith.constant 0 : i32
    %c0_i32_0 = arith.constant 0 : i32
    return %arg0, %c0_i32 : i32, i32
  }
}

</mosaic_0001>

<sc_bundles>
// kernel: kernel.11.cloned.1.call-start
scs
__scs_entry_jumppad:
0x0: {  	(pc) =	sbr.rel $0x88, $3  }
0x1: {  	(tag) =	ssettag $0x0;
	lr =	simm.s32 $0x1  }
0x2: {  	[smem:$0x3F97] =	sst lr;
	_ =	strace $0xD0000000  }
0x3: {  	_ = 	snop  }
0x4: {  	_ = 	snop  }
0x5: {  	_ = 	snop  }
0x6: {  	_ = 	snop  }
0x7: {  	_ = 	snop  }
__scs_overlays_trampoline_lowered:
0x8: {  	[smem:$0x3FA6] =	sst s0  }
0x9: {  	[smem:$0x3FA7] =	sst s1  }
0xa: {  	[smem:$0x3FA8] =	sst s2  }
0xb: {  	[smem:$0x3FA9] =	sst s3  }
0xc: {  	[smem:$0x3FAA] =	sst s4  }
0xd: {  	[smem:$0x3FAB] =	sst s5  }
0xe: {  	[smem:$0x3FAC] =	sst s6  }
0xf: {  	[smem:$0x3FAD] =	sst s7  }
0x10: {  	[smem:$0x3FAE] =	sst s8  }
0x11: {  	[smem:$0x3FAF] =	sst s9;
	s0 =	simm.s32 @!p0 $0x0  }
0x12: {  	s1 =	sld [smem:$0x3F95];
	s0 =	simm.s32 @p0 $0x1  }
0x13: {  	[smem:$0x3FB0] =	sst s0;
	s0 =	simm.s32 @!p1 $0x0  }
0x14: {  	s2 =	sld [smem:$0x3F94];
	s0 =	simm.s32 @p1 $0x1  }
0x15: {  	[smem:$0x3FB1] =	sst s0;
	s0 =	simm.s32 @!p2 $0x0  }
0x16: {  	s3 =	sld [smem:$0x3FDB];
	s0 =	simm.s32 @p2 $0x1  }
0x17: {  	s4 =	simm.s32 $0x1BF5;
	[smem:$0x3FB3] =	sst s0  }
0x18: {  	s0 =	sld [smem:$0x3F96];
	_ =	swait.ge [sflag:s4], $0x0  }
0x19: {  	s7 =	sld [smem:$0x3F97]  }
0x1a: {  	s8 =	sadd.s32 $0xFFFFE003, lr  }
0x1b: {  	s9 =	sadd.s32 $0xFFFFFEF7, lr;
	s5 =	simm.s32 $0xFFFFFFFF;
	p2 =	slt.u32 s8, $0xFFFFF086  }
0x1c: {  	p1 =	slt.u32 s9, $0xF7A;
	s5 =	simm.s32 @!p2 $0x0  }
0x1d: {  	s5 =	simm.s32 @p1 $0x1;
	p0 =	seq.s32 s7, s2  }
0x1e: {  	s7 =	smul.u32 @!p0 $0xF7A, s2;
	p2 =	seq.s32 @!p0 s5, $0x0  }
0x1f: {  	s9 =	smul.u32 $0xF7A, s1;
	s8 =	simm.s32 @!p0 $0x1BF5;
	p2 =	por !p2, p0  }
0x20: {  	[sflag:s8] =	ssyncset.s32 @!p0 $0xFFFFF086;
	s6 =	sadd.s32 @!p0 s3, s7;
	s7 =	simm.s32 @!p0 $0x108  }
0x21: {  	s3 =	sadd.s32 s3, s9;
	s6 =	sadd.s32 @!p0 $0x88, s6;
	s7 =	simm.s32 @p2 $0x1082  }
0x22: {  	[simem:s7], [sflag:s8] =	dma.local @!p0 [hbm:s6], $0xF7A  }
0x23: {  	s9 =	sor.u32 $0xD0000000, s2;
	s6 =	simm.s32 $0x108;
	_ =	swait.ge @!p0 [sflag:s8], $0x0  }
0x24: {  	s3 =	sadd.s32 $0x88, s3;
	s6 =	simm.s32 @!p1 $0x1082;
	[sflag:s4] =	ssyncset.s32 $0xFFFFF086  }
0x25: {  	[simem:s6], [sflag:s4] =	dma.local [hbm:s3], $0xF7A  }
0x26: {  	[smem:$0x3F97] =	sst s1;
	(tag) =	ssettag s2;
	_ =	strace s9  }
0x27: {  	s1 =	sld [smem:$0x3FA7]  }
0x28: {  	s2 =	sld [smem:$0x3FA8]  }
0x29: {  	s4 =	sld [smem:$0x3FAA]  }
0x2a: {  	p0 =	seq.s32 s5, $0x0;
	s5 =	sld [smem:$0x3FAB]  }
0x2b: {  	s6 =	sld [smem:$0x3FAC]  }
0x2c: {  	s7 =	sld [smem:$0x3FAD]  }
0x2d: {  	s3 =	simm.s32 $0x108;
	s8 =	sld [smem:$0x3FAE]  }
0x2e: {  	s3 =	simm.s32 @!p0 $0x1082;
	s9 =	sld [smem:$0x3FAF]  }
0x2f: {  	lr =	sadd.s32 s0, s3;
	s0 =	sld [smem:$0x3FA6]  }
0x30: {  	s3 =	sld [smem:$0x3FA9]  }
0x31: {  	[smem:$0x3FB2] =	sst s10  }
0x32: {  	s10 =	sld [smem:$0x3FB0];
	_ =	sdelay $0x3  }
0x33: {  	p0 =	seq.s32 s10, $0x1;
	s10 =	sld [smem:$0x3FB2];
	_ =	sdelay $0x3  }
0x34: {  	[smem:$0x3FB2] =	sst s10  }
0x35: {  	s10 =	sld [smem:$0x3FB1];
	_ =	sdelay $0x3  }
0x36: {  	p1 =	seq.s32 s10, $0x1;
	s10 =	sld [smem:$0x3FB2];
	_ =	sdelay $0x3  }
0x37: {  	[smem:$0x3FB2] =	sst s10  }
0x38: {  	s10 =	sld [smem:$0x3FB3]  }
0x39: {  	_ = 	snop;
	(pc) =	sbr.ind lr, $3  }
0x3a: {  	_ = 	snop  }
0x3b: {  	_ = 	snop  }
0x3c: {  	p2 =	seq.s32 s10, $0x1;
	s10 =	sld [smem:$0x3FB2]  }
0x3d: {  	_ =	shalt  }
0x3e: {  	_ =	shalt  }
0x3f: {  	_ =	shalt  }
0x40: {  	_ =	shalt  }
0x41: {  	_ =	shalt  }
0x42: {  	_ =	shalt  }
0x43: {  	_ =	shalt  }
0x44: {  	_ =	shalt  }
0x45: {  	_ =	shalt  }
0x46: {  	_ =	shalt  }
0x47: {  	_ =	shalt  }
0x48: {  	_ =	shalt  }
0x49: {  	_ =	shalt  }
0x4a: {  	_ =	shalt  }
0x4b: {  	_ =	shalt  }
0x4c: {  	_ =	shalt  }
0x4d: {  	_ =	shalt  }
0x4e: {  	_ =	shalt  }
0x4f: {  	_ =	shalt  }
0x50: {  	_ =	shalt  }
0x51: {  	_ =	shalt  }
0x52: {  	_ =	shalt  }
0x53: {  	_ =	shalt  }
0x54: {  	_ =	shalt  }
0x55: {  	_ =	shalt  }
0x56: {  	_ =	shalt  }
0x57: {  	_ =	shalt  }
0x58: {  	_ =	shalt  }
0x59: {  	_ =	shalt  }
0x5a: {  	_ =	shalt  }
0x5b: {  	_ =	shalt  }
0x5c: {  	_ =	shalt  }
0x5d: {  	_ =	shalt  }
0x5e: {  	_ =	shalt  }
0x5f: {  	_ =	shalt  }
0x60: {  	_ =	shalt  }
0x61: {  	_ =	shalt  }
0x62: {  	_ =	shalt  }
0x63: {  	_ =	shalt  }
0x64: {  	_ =	shalt  }
0x65: {  	_ =	shalt  }
0x66: {  	_ =	shalt  }
0x67: {  	_ =	shalt  }
0x68: {  	_ =	shalt  }
0x69: {  	_ =	shalt  }
0x6a: {  	_ =	shalt  }
0x6b: {  	_ =	shalt  }
0x6c: {  	_ =	shalt  }
0x6d: {  	_ =	shalt  }
0x6e: {  	_ =	shalt  }
0x6f: {  	_ =	shalt  }
0x70: {  	_ =	shalt  }
0x71: {  	_ =	shalt  }
0x72: {  	_ =	shalt  }
0x73: {  	_ =	shalt  }
0x74: {  	_ =	shalt  }
0x75: {  	_ =	shalt  }
0x76: {  	_ =	shalt  }
0x77: {  	_ =	shalt  }
0x78: {  	_ =	shalt  }
0x79: {  	_ =	shalt  }
0x7a: {  	_ =	shalt  }
0x7b: {  	_ =	shalt  }
0x7c: {  	_ =	shalt  }
0x7d: {  	_ =	shalt  }
0x7e: {  	_ =	shalt  }
0x7f: {  	_ =	shalt  }
0x80: {  	_ =	shalt  }
0x81: {  	_ =	shalt  }
0x82: {  	_ =	shalt  }
0x83: {  	_ =	shalt  }
0x84: {  	_ =	shalt  }
0x85: {  	_ =	shalt  }
0x86: {  	_ =	shalt  }
0x87: {  	_ =	shalt  }
.Lfunc_end0:
.L_simem_size_0:
called_computation_lowered:
.L_overlay_start_0:
0x88: {  	s2 =	sld [smem:$0x3FD9]  }
0x89: {  	s3 =	sld [smem:$0x3FFE];
	_ =	sdelay $0x1  }
0x8a: {  	s1 =	srdreg.scid  }
0x8b: {  	s0 =	sand.u32 $0x1, s1  }
0x8c: {  	s14 =	sshll.u32 s0, $0xA;
	s2 =	sadd.s32 s3, s2  }
0x8d: {  	s2 =	sadd.s32 s2, s14  }
0x8e: {  	[smem:$0x3FBE] =	sst s2  }
0x8f: {  	_ = 	snop  }
0x90: {  	s2 =	sld [smem:$0x3FD0];
	_ =	sdelay $0x2  }
0x91: {  	s15 =	simm.s32 $0xA;
	s4 =	simm.s32 $0x10  }
0x92: {  	[smem:s4], [sflag:s15] =	dma.local [hbm:s2], $0x1  }
0x93: {  	_ =	swait.eq [sflag:s15], $0x1  }
0x94: {  	[sflag:s15] =	ssyncset.done $0x0  }
0x95: {  	[sflag:s15] =	ssyncadd.s32 $0xFFFFFFFF  }
0x96: {  	s16 =	sld [smem:$0x11];
	(tm) =	ssettm $0x1  }
0x97: {  	s17 =	sld [smem:$0x3FFB];
	_ =	sdelay $0x3  }
0x98: {  	_ =	strace s17  }
0x99: {  	s3 =	sld [smem:$0x3FFC];
	_ =	sdelay $0x3  }
0x9a: {  	_ =	strace s3  }
0x9b: {  	s3 =	sld [smem:$0x3FFD];
	_ =	sdelay $0x3  }
0x9c: {  	_ =	strace s3  }
0x9d: {  	_ =	strace $0x8FFFFFFF  }
0x9e: {  	s18 =	sld [smem:$0x3FDB];
	_ =	sdelay $0x1  }
0x9f: {  	s19 =	simm.s32 $_scs_section_size  }
0xa0: {  	s5 =	simm.s32 $_size__tile_overlayer_lowered;
	s6 =	simm.s32 $_tile_overlayer_lowered  }
0xa1: {  	s22 =	simm.s32 $0x1BFF;
	s21 =	sshll.u32 s6, $0x1;
	s3 =	sadd.s32 s19, s18  }
0xa2: {  	s7 =	simm.s32 $0x0;
	s20 =	sshll.u32 s5, $0x1;
	s5 =	sadd.s32 s21, s3  }
0xa3: {  	[timem:s7], [sflag:s22] =	dma.local [hbm:s5], s20  }
0xa4: {  	_ =	swait.ge [sflag:s22], s20  }
0xa5: {  	s4 =	ssub.s32 $0x0, s20;
	[sflag:s22] =	ssyncset.done $0x0  }
0xa6: {  	[sflag:s22] =	ssyncadd.s32 s4;
	_ =	sdelay $0x1  }
0xa7: {  	s23 =	simm.s32 $0x1B8B  }
0xa8: {  	_ =	swait.ge [sflag:s23], $0x1  }
0xa9: {  	[sflag:s23] =	ssyncset.done $0x0  }
0xaa: {  	s25 =	simm.s32 $0x1B8E;
	s24 =	sld [smem:$0x3FFE];
	[sflag:s23] =	ssyncadd.s32 $0xFFFFFFFF  }
0xab: {  	s26 =	simm.s32 $execute0_lowered;
	[smem:$0x3FD2] =	sst s25  }
0xac: {  	s5 =	sshll.u32 s26, $0x1;
	_ =	strace $0x80000046;
	[dreg:$0x1] =	wrdreg $0xFFFFFFFF  }
0xad: {  	s28 =	simm.s32 $_size_execute0_lowered;
	s3 =	sadd.s32 s3, s5;
	[dreg:$0x0] =	wrdreg $0x0  }
0xae: {  	s5 =	sshll.u32 s28, $0x1;
	[dreg:$0x2] =	wrdreg s3  }
0xaf: {  	[dreg:$0x3] =	wrdreg s5  }
0xb0: {  	[dreg:$0x4] =	wrdreg $0xC0  }
0xb1: {  	_ =	task [dreg:s7], $0x5FFFF  }
0xb2: {  	[dreg:$0x1] =	wrdreg $0xFFFFFFFF  }
0xb3: {  	[dreg:$0x0] =	wrdreg $0x60  }
0xb4: {  	[dreg:$0x2] =	wrdreg s16  }
0xb5: {  	[dreg:$0x3] =	wrdreg s24  }
0xb6: {  	[dreg:$0x4] =	wrdreg $0x34100  }
0xb7: {  	[dreg:$0x5] =	wrdreg $0x9  }
0xb8: {  	_ =	task.clear_ibuf [dreg:s7], $0x6FFFF;
	_ =	strace $0x90000046  }
0xb9: {  	s29 =	simm.s32 $0x9;
	_ =	strace $0x80000048  }
0xba: {  	_ =	swait.ge [sflag:s29], $0x1  }
0xbb: {  	[sflag:s29] =	ssyncadd.s32 $0xFFFFFFFF  }
0xbc: {  	_ =	strace $0x90000048  }
0xbd: {  	_ =	sfence  }
0xbe: {  	s30 =	sld [smem:$0x0];
	_ =	sdelay $0x2  }
0xbf: {  	s31 =	sshll.u32 s1, $0xD;
	s1 =	sshrl.u32 s1, $0x2  }
0xc0: {  	s3 =	sand.u32 $0x4000, s31;
	s1 =	sadd.s32 s1, s30  }
0xc1: {  	s0 =	sor.u32 s3, s0;
	s1 =	sshll.u32 s1, $0x11  }
0xc2: {  	s0 =	sor.u32 s1, s0  }
0xc3: {  	s0 =	sadd.s32 $0x8F2B, s0  }
0xc4: {  	[sflag:s0] =	ssyncadd.remote.s32 $0x1  }
0xc5: {  	_ =	sfence.sel $0xFFFF  }
0xc6: {  	[dreg:$0x0] =	wrdreg $0xFFFFFFFF;
	(pc) =	sbr.abs _section_cstart, $3  }
0xc7: {  	[dreg:$0x1] =	wrdreg $0xFFFFFFFF  }
0xc8: {  	_ =	task.clear_ibuf [dreg:s7], $0x2FFFF;
	_ =	strace $0x9FFFFFFF  }
0xc9: {  	(tm) =	ssettm $0x7FFFFFFF  }
tec
execute0_lowered:
.L_overlay_start_1:
0x0: {  	(tag) =	ssettag $0x1  }
0x1: {  	s1 =	rddreg [dreg:$0x0]  }
0x2: {  	s0 =	srdreg.scid;
	s7 =	rddreg [dreg:$0x1]  }
0x3: {  	s3 =	rddreg [dreg:$0x2];
	s4 =	simm.s32 $0x0;
	s14 =	simm.s32 $0x1  }
0x4: {  	s15 =	simm.s32 $0x2710;
	s6 =	sand.u32 $0x1, s0;
	s0 =	stileid.u32  }
0x5: {  	s16 =	simm.s32 $0x2C10;
	s17 =	simm.s32 $0x50;
	s8 =	smul.u32 $0x2800, s0  }
0x6: {  	s20 =	simm.s32 $0x0;
	[smem:$0x7FF] =	sst s4;
	s9 =	smul.u32 $0x28000, s6  }
0x7: {  	s2 =	sshll.u32 s6, $0x4;
	s11 =	smul.u32 $0xA000, s0;
	s6 =	ssub.s32 $0x2, s6  }
0x8: {  	s18 =	sshll.u32 s0, $0x6;
	s2 =	sor.u32 s0, s2;
	s30 =	sshrl.u32 s6, $0x1  }
0x9: {  	s18 =	sor.u32 $0x1C01, s18;
	s5 =	smul.u32 $0x4E2, s2;
	s2 =	rddreg [dreg:$0x3]  }
0xa: {  	_ =	strace $0x80000047;
	s9 =	sadd.s32 s8, s9;
	s31 =	sshrl.u32 s11, $0x2  }
0xb: {  	s13 =	ssub.s32 s6, s30;
	s9 =	sshrl.u32 s9, $0x3;
	s11 =	sadd.s32 s31, s3  }
0xc: {  	s13 =	smax.u32 s13, $0x1;
	s10 =	sadd.s32 s5, s7;
	s5 =	sadd.s32 $0x19C00, s7  }
0xd: {  	s12 =	sadd.s32 s9, s7;
	s7 =	sadd.s32 s8, s3;
	s8 =	sadd.s32 $0x800, s11  }
0xe: {  	s9 =	sadd.s32 $0x1000, s11;
	s6 =	sadd.s32 $0xFE00, s10;
	s10 =	sadd.s32 $0x1800, s11  }
0xf: {  	s11 =	sadd.s32 $0x2000, s11;
	s12 =	sadd.s32 $0x19E00, s12;
	s19 =	sshrl.u32 s7, $0x3  }
.LBB2_1:
0x10: {  	[tilespmem:s4], [sflag:$0x1] =	stream.linear.gather [hbm4b:s6+s4], $0x2710, $0x38;
	[tilespmem:$0x5C10] =	vst v63  }
0x11: {  	_ =	swait.ge [sflag:s14], $0x2710  }
0x12: {  	[sflag:s14] =	ssyncset.done $0x0  }
0x13: {  	[sflag:s14] =	ssyncadd.s32 $0xFFFFD8F0  }
0x14: {  	[tilespmem:s15], [sflag:$0x1] =	stream.linear.gather [hbm4b:s1+s4], $0x500, $0x38;
	[tilespmem:$0x5C10] =	vst v63  }
0x15: {  	_ =	swait.ge [sflag:s14], $0x500  }
0x16: {  	[sflag:s14] =	ssyncset.done $0x0  }
0x17: {  	[sflag:s14] =	ssyncadd.s32 $0xFFFFFB00  }
0x18: {  	[tilespmem:s16], [sflag:$0x1] =	stream.linear.gather [hbm4b:s5+s4], $0x800, $0x38;
	[tilespmem:$0x5C10] =	vst v63  }
0x19: {  	_ =	swait.ge [sflag:s14], $0x800  }
0x1a: {  	[sflag:s14] =	ssyncset.done $0x0  }
0x1b: {  	[sflag:s14] =	ssyncadd.s32 $0xFFFFF800  }
0x1c: {  	[spmem:s7] =	stream.linear.scatter [tilespmem:s16], [sflag:$0x1], $0x800, $0x38;
	[tilespmem:$0x5C10] =	vst v63  }
0x1d: {  	_ =	swait.ge [sflag:s14], $0x800  }
0x1e: {  	[sflag:s14] =	ssyncset.done $0x0  }
0x1f: {  	[sflag:s14] =	ssyncadd.s32 $0xFFFFF800  }
0x20: {  	[spmem:s8] =	stream.linear.scatter [tilespmem:s16], [sflag:$0x1], $0x800, $0x38;
	[tilespmem:$0x5C10] =	vst v63  }
0x21: {  	_ =	swait.ge [sflag:s14], $0x800  }
0x22: {  	[sflag:s14] =	ssyncset.done $0x0  }
0x23: {  	[sflag:s14] =	ssyncadd.s32 $0xFFFFF800  }
0x24: {  	[spmem:s9] =	stream.linear.scatter [tilespmem:s16], [sflag:$0x1], $0x800, $0x38;
	[tilespmem:$0x5C10] =	vst v63  }
0x25: {  	_ =	swait.ge [sflag:s14], $0x800  }
0x26: {  	[sflag:s14] =	ssyncset.done $0x0  }
0x27: {  	[sflag:s14] =	ssyncadd.s32 $0xFFFFF800  }
0x28: {  	[spmem:s10] =	stream.linear.scatter [tilespmem:s16], [sflag:$0x1], $0x800, $0x38;
	[tilespmem:$0x5C10] =	vst v63  }
0x29: {  	_ =	swait.ge [sflag:s14], $0x800  }
0x2a: {  	[sflag:s14] =	ssyncset.done $0x0  }
0x2b: {  	[sflag:s14] =	ssyncadd.s32 $0xFFFFF800  }
0x2c: {  	[spmem:s11] =	stream.linear.scatter [tilespmem:s16], [sflag:$0x1], $0x800, $0x38;
	[tilespmem:$0x5C10] =	vst v63  }
0x2d: {  	_ =	swait.ge [sflag:s14], $0x800  }
0x2e: {  	[sflag:s14] =	ssyncset.done $0x0  }
0x2f: {  	[sflag:s14] =	ssyncadd.s32 $0xFFFFF800  }
0x30: {  	s21 =	simm.s32 $0x0;
	[bflag:$0x0] =	sbarrier.arrive $0xFFFF  }
0x31: {  	[spmem:s3] =	stream.indirect.scatter.add.f32 [tilespmem:s15], [sflag:$0x1], $0x10, s21, s17, $0xb8;
	[tilespmem:$0x5C10] =	vst v63  }
0x32: {  	_ =	swait.ge [sflag:s14], $0x500  }
0x33: {  	s21 =	simm.s32 $0x140;
	[sflag:s14] =	ssyncset.done $0x0  }
.LBB2_2:
0x34: {  	s22 =	sshra.s32 s21, $0x2;
	[sflag:s14] =	ssyncadd.s32 $0xFFFFFB00;
	p0 =	sne.s32 s21, $0x9B00  }
0x35: {  	[spmem:s3] =	stream.indirect.scatter.add.f32 [tilespmem:s15], [sflag:$0x1], $0x10, s22, s17, $0xb8;
	[tilespmem:$0x5C10] =	vst v63  }
.Ltmp0:
0x36: {  	_ = 	snop;
	(pc) =	sbr.rel @p0 .LBB2_2-.Ltmp0, $4  }
0x37: {  	_ = 	snop  }
0x38: {  	s21 =	sadd.s32 $0x140, s21  }
0x39: {  	_ =	swait.ge [sflag:s14], $0x500  }
0x3a: {  	[sflag:s14] =	ssyncset.done $0x0  }
0x3b: {  	s20 =	sadd.s32 $0x1, s20  }
0x3c: {  	[sflag:s14] =	ssyncadd.s32 $0xFFFFFB00;
	p0 =	sne.s32 s20, s13  }
.Ltmp1:
0x3d: {  	[bflag:$0x0] =	sbarrier.arrive $0xFFFF;
	(pc) =	sbr.rel @p0 .LBB2_1-.Ltmp1, $4  }
0x3e: {  	[hbm:s12], [sflag:s18] =	dma.local [spmem:s19], $0x500  }
0x3f: {  	_ =	swait.ge [sflag:s14], $0x500  }
0x40: {  	[sflag:s14] =	ssyncset.done $0x0  }
0x41: {  	[sflag:s14] =	ssyncadd.s32 $0xFFFFFB00  }
0x42: {  	_ =	sfence.sel $0x180000  }
0x43: {  	[bflag:$0x0] =	sbarrier.arrive $0xFFFF  }
0x44: {  	p0 =	sne.s32 s0, $0x0;
	_ =	strace $0x90000047  }
0x45: {  	s0 =	sadd.s32 @!p0 $0x100000, s2;
	[bflag:$0x2] =	sbarrier.arrive $0xFFFF  }
0x46: {  	[sflag:s0] =	ssyncadd.tile.s32 @!p0 $0x1;
	_ =	shalt  }
.Lfunc_end2:
_tile_overlayer_lowered:
.L_overlay_start_2:
0x47: {  	(tag) =	ssettag $0x2  }
0x48: {  	s0 =	rddreg [dreg:$0x0];
	s2 =	stileid.u32  }
0x49: {  	s1 =	rddreg [dreg:$0x1];
	p0 =	sne.s32 s2, $0x0  }
0x4a: {  	s3 =	rddreg [dreg:$0x2];
	[bflag:$0x3] =	sbarrier.arrive $0xFFFF;
	s2 =	simm.s32 @!p0 $0x1C01  }
0x4b: {  	[timem:s3], [sflag:s2] =	dma.local @!p0 [hbm:s0], s1  }
0x4c: {  	s0 =	simm.s32 @!p0 $0x1  }
0x4d: {  	_ =	swait.ge @!p0 [sflag:s0], s1  }
0x4e: {  	s1 =	ssub.s32 @!p0 $0x0, s1;
	[sflag:s0] =	ssyncset.done @!p0 $0x0  }
0x4f: {  	[sflag:s0] =	ssyncadd.s32 @!p0 s1  }
0x50: {  	[bflag:$0x3] =	sbarrier.arrive $0xFFFF  }
0x51: {  	_ =	shalt  }

// kernel: kernel.14.cloned.1.call-start
scs
__scs_entry_jumppad:
0x0: {  	(pc) =	sbr.rel $0x88, $3  }
0x1: {  	(tag) =	ssettag $0x0;
	lr =	simm.s32 $0x1  }
0x2: {  	[smem:$0x3F97] =	sst lr;
	_ =	strace $0xD0000000  }
0x3: {  	_ = 	snop  }
0x4: {  	_ = 	snop  }
0x5: {  	_ = 	snop  }
0x6: {  	_ = 	snop  }
0x7: {  	_ = 	snop  }
__scs_overlays_trampoline_lowered:
0x8: {  	[smem:$0x3FA6] =	sst s0  }
0x9: {  	[smem:$0x3FA7] =	sst s1  }
0xa: {  	[smem:$0x3FA8] =	sst s2  }
0xb: {  	[smem:$0x3FA9] =	sst s3  }
0xc: {  	[smem:$0x3FAA] =	sst s4  }
0xd: {  	[smem:$0x3FAB] =	sst s5  }
0xe: {  	[smem:$0x3FAC] =	sst s6  }
0xf: {  	[smem:$0x3FAD] =	sst s7  }
0x10: {  	[smem:$0x3FAE] =	sst s8  }
0x11: {  	[smem:$0x3FAF] =	sst s9;
	s0 =	simm.s32 @!p0 $0x0  }
0x12: {  	s1 =	sld [smem:$0x3F95];
	s0 =	simm.s32 @p0 $0x1  }
0x13: {  	[smem:$0x3FB0] =	sst s0;
	s0 =	simm.s32 @!p1 $0x0  }
0x14: {  	s2 =	sld [smem:$0x3F94];
	s0 =	simm.s32 @p1 $0x1  }
0x15: {  	[smem:$0x3FB1] =	sst s0;
	s0 =	simm.s32 @!p2 $0x0  }
0x16: {  	s3 =	sld [smem:$0x3FDB];
	s0 =	simm.s32 @p2 $0x1  }
0x17: {  	s4 =	simm.s32 $0x1BF5;
	[smem:$0x3FB3] =	sst s0  }
0x18: {  	s0 =	sld [smem:$0x3F96];
	_ =	swait.ge [sflag:s4], $0x0  }
0x19: {  	s7 =	sld [smem:$0x3F97]  }
0x1a: {  	s8 =	sadd.s32 $0xFFFFE003, lr  }
0x1b: {  	s9 =	sadd.s32 $0xFFFFFEF7, lr;
	s5 =	simm.s32 $0xFFFFFFFF;
	p2 =	slt.u32 s8, $0xFFFFF086  }
0x1c: {  	p1 =	slt.u32 s9, $0xF7A;
	s5 =	simm.s32 @!p2 $0x0  }
0x1d: {  	s5 =	simm.s32 @p1 $0x1;
	p0 =	seq.s32 s7, s2  }
0x1e: {  	s7 =	smul.u32 @!p0 $0xF7A, s2;
	p2 =	seq.s32 @!p0 s5, $0x0  }
0x1f: {  	s9 =	smul.u32 $0xF7A, s1;
	s8 =	simm.s32 @!p0 $0x1BF5;
	p2 =	por !p2, p0  }
0x20: {  	[sflag:s8] =	ssyncset.s32 @!p0 $0xFFFFF086;
	s6 =	sadd.s32 @!p0 s3, s7;
	s7 =	simm.s32 @!p0 $0x108  }
0x21: {  	s3 =	sadd.s32 s3, s9;
	s6 =	sadd.s32 @!p0 $0x88, s6;
	s7 =	simm.s32 @p2 $0x1082  }
0x22: {  	[simem:s7], [sflag:s8] =	dma.local @!p0 [hbm:s6], $0xF7A  }
0x23: {  	s9 =	sor.u32 $0xD0000000, s2;
	s6 =	simm.s32 $0x108;
	_ =	swait.ge @!p0 [sflag:s8], $0x0  }
0x24: {  	s3 =	sadd.s32 $0x88, s3;
	s6 =	simm.s32 @!p1 $0x1082;
	[sflag:s4] =	ssyncset.s32 $0xFFFFF086  }
0x25: {  	[simem:s6], [sflag:s4] =	dma.local [hbm:s3], $0xF7A  }
0x26: {  	[smem:$0x3F97] =	sst s1;
	(tag) =	ssettag s2;
	_ =	strace s9  }
0x27: {  	s1 =	sld [smem:$0x3FA7]  }
0x28: {  	s2 =	sld [smem:$0x3FA8]  }
0x29: {  	s4 =	sld [smem:$0x3FAA]  }
0x2a: {  	p0 =	seq.s32 s5, $0x0;
	s5 =	sld [smem:$0x3FAB]  }
0x2b: {  	s6 =	sld [smem:$0x3FAC]  }
0x2c: {  	s7 =	sld [smem:$0x3FAD]  }
0x2d: {  	s3 =	simm.s32 $0x108;
	s8 =	sld [smem:$0x3FAE]  }
0x2e: {  	s3 =	simm.s32 @!p0 $0x1082;
	s9 =	sld [smem:$0x3FAF]  }
0x2f: {  	lr =	sadd.s32 s0, s3;
	s0 =	sld [smem:$0x3FA6]  }
0x30: {  	s3 =	sld [smem:$0x3FA9]  }
0x31: {  	[smem:$0x3FB2] =	sst s10  }
0x32: {  	s10 =	sld [smem:$0x3FB0];
	_ =	sdelay $0x3  }
0x33: {  	p0 =	seq.s32 s10, $0x1;
	s10 =	sld [smem:$0x3FB2];
	_ =	sdelay $0x3  }
0x34: {  	[smem:$0x3FB2] =	sst s10  }
0x35: {  	s10 =	sld [smem:$0x3FB1];
	_ =	sdelay $0x3  }
0x36: {  	p1 =	seq.s32 s10, $0x1;
	s10 =	sld [smem:$0x3FB2];
	_ =	sdelay $0x3  }
0x37: {  	[smem:$0x3FB2] =	sst s10  }
0x38: {  	s10 =	sld [smem:$0x3FB3]  }
0x39: {  	_ = 	snop;
	(pc) =	sbr.ind lr, $3  }
0x3a: {  	_ = 	snop  }
0x3b: {  	_ = 	snop  }
0x3c: {  	p2 =	seq.s32 s10, $0x1;
	s10 =	sld [smem:$0x3FB2]  }
0x3d: {  	_ =	shalt  }
0x3e: {  	_ =	shalt  }
0x3f: {  	_ =	shalt  }
0x40: {  	_ =	shalt  }
0x41: {  	_ =	shalt  }
0x42: {  	_ =	shalt  }
0x43: {  	_ =	shalt  }
0x44: {  	_ =	shalt  }
0x45: {  	_ =	shalt  }
0x46: {  	_ =	shalt  }
0x47: {  	_ =	shalt  }
0x48: {  	_ =	shalt  }
0x49: {  	_ =	shalt  }
0x4a: {  	_ =	shalt  }
0x4b: {  	_ =	shalt  }
0x4c: {  	_ =	shalt  }
0x4d: {  	_ =	shalt  }
0x4e: {  	_ =	shalt  }
0x4f: {  	_ =	shalt  }
0x50: {  	_ =	shalt  }
0x51: {  	_ =	shalt  }
0x52: {  	_ =	shalt  }
0x53: {  	_ =	shalt  }
0x54: {  	_ =	shalt  }
0x55: {  	_ =	shalt  }
0x56: {  	_ =	shalt  }
0x57: {  	_ =	shalt  }
0x58: {  	_ =	shalt  }
0x59: {  	_ =	shalt  }
0x5a: {  	_ =	shalt  }
0x5b: {  	_ =	shalt  }
0x5c: {  	_ =	shalt  }
0x5d: {  	_ =	shalt  }
0x5e: {  	_ =	shalt  }
0x5f: {  	_ =	shalt  }
0x60: {  	_ =	shalt  }
0x61: {  	_ =	shalt  }
0x62: {  	_ =	shalt  }
0x63: {  	_ =	shalt  }
0x64: {  	_ =	shalt  }
0x65: {  	_ =	shalt  }
0x66: {  	_ =	shalt  }
0x67: {  	_ =	shalt  }
0x68: {  	_ =	shalt  }
0x69: {  	_ =	shalt  }
0x6a: {  	_ =	shalt  }
0x6b: {  	_ =	shalt  }
0x6c: {  	_ =	shalt  }
0x6d: {  	_ =	shalt  }
0x6e: {  	_ =	shalt  }
0x6f: {  	_ =	shalt  }
0x70: {  	_ =	shalt  }
0x71: {  	_ =	shalt  }
0x72: {  	_ =	shalt  }
0x73: {  	_ =	shalt  }
0x74: {  	_ =	shalt  }
0x75: {  	_ =	shalt  }
0x76: {  	_ =	shalt  }
0x77: {  	_ =	shalt  }
0x78: {  	_ =	shalt  }
0x79: {  	_ =	shalt  }
0x7a: {  	_ =	shalt  }
0x7b: {  	_ =	shalt  }
0x7c: {  	_ =	shalt  }
0x7d: {  	_ =	shalt  }
0x7e: {  	_ =	shalt  }
0x7f: {  	_ =	shalt  }
0x80: {  	_ =	shalt  }
0x81: {  	_ =	shalt  }
0x82: {  	_ =	shalt  }
0x83: {  	_ =	shalt  }
0x84: {  	_ =	shalt  }
0x85: {  	_ =	shalt  }
0x86: {  	_ =	shalt  }
0x87: {  	_ =	shalt  }
.Lfunc_end0:
.L_simem_size_0:
called_computation.1_lowered:
.L_overlay_start_0:
0x88: {  	s2 =	sld [smem:$0x3FD9]  }
0x89: {  	s3 =	sld [smem:$0x3FFE];
	_ =	sdelay $0x1  }
0x8a: {  	s1 =	srdreg.scid  }
0x8b: {  	s0 =	sand.u32 $0x1, s1  }
0x8c: {  	s14 =	sshll.u32 s0, $0xA;
	s2 =	sadd.s32 s3, s2  }
0x8d: {  	s2 =	sadd.s32 s2, s14  }
0x8e: {  	[smem:$0x3FBE] =	sst s2  }
0x8f: {  	_ = 	snop  }
0x90: {  	s2 =	sld [smem:$0x3FD0];
	_ =	sdelay $0x2  }
0x91: {  	s15 =	simm.s32 $0xA;
	s4 =	simm.s32 $0x10  }
0x92: {  	[smem:s4], [sflag:s15] =	dma.local [hbm:s2], $0x1  }
0x93: {  	_ =	swait.eq [sflag:s15], $0x1  }
0x94: {  	[sflag:s15] =	ssyncset.done $0x0  }
0x95: {  	[sflag:s15] =	ssyncadd.s32 $0xFFFFFFFF  }
0x96: {  	s16 =	sld [smem:$0x11];
	(tm) =	ssettm $0x1  }
0x97: {  	s17 =	sld [smem:$0x3FFB];
	_ =	sdelay $0x3  }
0x98: {  	_ =	strace s17  }
0x99: {  	s3 =	sld [smem:$0x3FFC];
	_ =	sdelay $0x3  }
0x9a: {  	_ =	strace s3  }
0x9b: {  	s3 =	sld [smem:$0x3FFD];
	_ =	sdelay $0x3  }
0x9c: {  	_ =	strace s3  }
0x9d: {  	_ =	strace $0x8FFFFFFF  }
0x9e: {  	s18 =	sld [smem:$0x3FDB];
	_ =	sdelay $0x1  }
0x9f: {  	s19 =	simm.s32 $_scs_section_size  }
0xa0: {  	s5 =	simm.s32 $_size__tile_overlayer_lowered;
	s6 =	simm.s32 $_tile_overlayer_lowered  }
0xa1: {  	s22 =	simm.s32 $0x1BFF;
	s21 =	sshll.u32 s6, $0x1;
	s3 =	sadd.s32 s19, s18  }
0xa2: {  	s7 =	simm.s32 $0x0;
	s20 =	sshll.u32 s5, $0x1;
	s5 =	sadd.s32 s21, s3  }
0xa3: {  	[timem:s7], [sflag:s22] =	dma.local [hbm:s5], s20  }
0xa4: {  	_ =	swait.ge [sflag:s22], s20  }
0xa5: {  	s4 =	ssub.s32 $0x0, s20;
	[sflag:s22] =	ssyncset.done $0x0  }
0xa6: {  	[sflag:s22] =	ssyncadd.s32 s4;
	_ =	sdelay $0x1  }
0xa7: {  	s23 =	simm.s32 $0x1B8B  }
0xa8: {  	_ =	swait.ge [sflag:s23], $0x1  }
0xa9: {  	[sflag:s23] =	ssyncset.done $0x0  }
0xaa: {  	s25 =	simm.s32 $0x1B8E;
	s24 =	sld [smem:$0x3FFE];
	[sflag:s23] =	ssyncadd.s32 $0xFFFFFFFF  }
0xab: {  	s26 =	simm.s32 $execute0_lowered;
	[smem:$0x3FD2] =	sst s25  }
0xac: {  	s5 =	sshll.u32 s26, $0x1;
	_ =	strace $0x80000049;
	[dreg:$0x1] =	wrdreg $0xFFFFFFFF  }
0xad: {  	s28 =	simm.s32 $_size_execute0_lowered;
	s3 =	sadd.s32 s3, s5;
	[dreg:$0x0] =	wrdreg $0x0  }
0xae: {  	s5 =	sshll.u32 s28, $0x1;
	[dreg:$0x2] =	wrdreg s3  }
0xaf: {  	[dreg:$0x3] =	wrdreg s5  }
0xb0: {  	[dreg:$0x4] =	wrdreg $0xC0  }
0xb1: {  	_ =	task [dreg:s7], $0x5FFFF  }
0xb2: {  	[dreg:$0x1] =	wrdreg $0xFFFFFFFF  }
0xb3: {  	[dreg:$0x0] =	wrdreg $0x60  }
0xb4: {  	[dreg:$0x2] =	wrdreg s24  }
0xb5: {  	[dreg:$0x3] =	wrdreg s16  }
0xb6: {  	[dreg:$0x4] =	wrdreg $0xBE200  }
0xb7: {  	[dreg:$0x5] =	wrdreg $0x9  }
0xb8: {  	_ =	task.clear_ibuf [dreg:s7], $0x6FFFF;
	_ =	strace $0x90000049  }
0xb9: {  	s29 =	simm.s32 $0x9;
	_ =	strace $0x8000004B  }
0xba: {  	_ =	swait.ge [sflag:s29], $0x1  }
0xbb: {  	[sflag:s29] =	ssyncadd.s32 $0xFFFFFFFF  }
0xbc: {  	_ =	strace $0x9000004B  }
0xbd: {  	_ =	sfence  }
0xbe: {  	s30 =	sld [smem:$0x0];
	_ =	sdelay $0x2  }
0xbf: {  	s31 =	sshll.u32 s1, $0xD;
	s1 =	sshrl.u32 s1, $0x2  }
0xc0: {  	s3 =	sand.u32 $0x4000, s31;
	s1 =	sadd.s32 s1, s30  }
0xc1: {  	s0 =	sor.u32 s3, s0;
	s1 =	sshll.u32 s1, $0x11  }
0xc2: {  	s0 =	sor.u32 s1, s0  }
0xc3: {  	s0 =	sadd.s32 $0x8F2B, s0  }
0xc4: {  	[sflag:s0] =	ssyncadd.remote.s32 $0x1  }
0xc5: {  	_ =	sfence.sel $0xFFFF  }
0xc6: {  	[dreg:$0x0] =	wrdreg $0xFFFFFFFF;
	(pc) =	sbr.abs _section_cstart, $3  }
0xc7: {  	[dreg:$0x1] =	wrdreg $0xFFFFFFFF  }
0xc8: {  	_ =	task.clear_ibuf [dreg:s7], $0x2FFFF;
	_ =	strace $0x9FFFFFFF  }
0xc9: {  	(tm) =	ssettm $0x7FFFFFFF  }
tec
execute0_lowered:
.L_overlay_start_1:
0x0: {  	(tag) =	ssettag $0x1  }
0x1: {  	s0 =	rddreg [dreg:$0x0]  }
0x2: {  	s3 =	rddreg [dreg:$0x2]  }
0x3: {  	s1 =	srdreg.scid;
	s9 =	stileid.u32  }
0x4: {  	s4 =	simm.s32 $0x0;
	s17 =	simm.s32 $0x5;
	s19 =	simm.s32 $0x9E20  }
0x5: {  	s20 =	simm.s32 $0x50;
	s21 =	simm.s32 $0x4E20;
	s28 =	simm.s32 $0x1  }
0x6: {  	s29 =	simm.s32 $0x2;
	s30 =	simm.s32 $0x3;
	s31 =	simm.s32 $0x4  }
0x7: {  	s18 =	simm.s32 $0x4D30;
	s14 =	simm.s32 $0x0;
	s1 =	sand.u32 $0x1, s1  }
0x8: {  	s7 =	smul.u32 $0xA000, s9;
	[smem:$0x7FF] =	sst s4;
	s5 =	sadd.s32 $0xACE00, s0  }
0x9: {  	s6 =	sadd.s32 $0x99400, s0;
	s2 =	sshll.u32 s1, $0x4;
	s8 =	smul.u32 $0xA0000, s1  }
0xa: {  	s1 =	ssub.s32 $0x2, s1;
	s2 =	sor.u32 s9, s2;
	s9 =	smul.u32 $0x28000, s9  }
0xb: {  	_ =	strace $0x8000004A;
	s22 =	sshrl.u32 s1, $0x1;
	s2 =	smul.u32 $0x4E2, s2  }
0xc: {  	s8 =	sadd.s32 s7, s8;
	s1 =	ssub.s32 s1, s22;
	s22 =	simm.s32 $0x6220  }
0xd: {  	s8 =	sshrl.u32 s8, $0x3;
	s9 =	sshrl.u32 s9, $0x2;
	s26 =	smax.u32 s1, $0x1  }
0xe: {  	s1 =	simm.s32 $0x4D80;
	s2 =	sadd.s32 s2, s0;
	s0 =	sadd.s32 s8, s0  }
0xf: {  	s24 =	sadd.s32 s9, s3;
	s9 =	sadd.s32 s7, s3;
	[dreg:$0x8] =	wrdreg s26  }
0x10: {  	s26 =	simm.s32 $0x8A20;
	s7 =	simm.s32 $0x26C0;
	s8 =	simm.s32 $0x4DD0  }
0x11: {  	s23 =	sadd.s32 $0x6000, s2;
	s2 =	sadd.s32 $0xFE00, s2;
	s10 =	sadd.s32 $0x2000, s24  }
0x12: {  	s11 =	sadd.s32 $0x4000, s24;
	s12 =	sadd.s32 $0x6000, s24;
	[dreg:$0x4] =	wrdreg s23  }
0x13: {  	s13 =	sadd.s32 $0x8000, s24;
	s25 =	sadd.s32 $0xE8800, s0;
	[dreg:$0x5] =	wrdreg s2  }
0x14: {  	s0 =	sadd.s32 $0xC0800, s0;
	s24 =	simm.s32 $0x7620;
	[dreg:$0x6] =	wrdreg s25  }
0x15: {  	[dreg:$0x7] =	wrdreg s0;
	s25 =	simm.s32 $0xA0;
	s2 =	simm.s32 $0x4CE0  }
.LBB2_1:
0x16: {  	s0 =	rddreg [dreg:$0x4]  }
0x17: {  	[tilespmem:s4], [sflag:$0x5] =	stream.linear.gather [hbm4b:s0+s4], $0x2710, $0x38;
	[tilespmem:$0x15E20] =	vst v63  }
0x18: {  	_ =	swait.ge [sflag:s17], $0x2710  }
0x19: {  	[sflag:s17] =	ssyncset.done $0x0  }
0x1a: {  	s15 =	simm.s32 $0x2710;
	s23 =	rddreg [dreg:$0x5];
	[sflag:s17] =	ssyncadd.s32 $0xFFFFD8F0  }
0x1b: {  	[tilespmem:s15], [sflag:$0x5] =	stream.linear.gather [hbm4b:s23+s4], $0x2710, $0x38;
	[tilespmem:$0x15E20] =	vst v63  }
0x1c: {  	_ =	swait.ge [sflag:s17], $0x2710  }
0x1d: {  	[sflag:s17] =	ssyncset.done $0x0  }
0x1e: {  	[sflag:s17] =	ssyncadd.s32 $0xFFFFD8F0  }
0x1f: {  	s15 =	rddreg [dreg:$0x1]  }
0x20: {  	[tilespmem:s19], [sflag:$0x5] =	stream.linear.gather [hbm4b:s15+s4], $0x2000, $0x38;
	[tilespmem:$0x15E20] =	vst v63  }
0x21: {  	_ =	swait.ge [sflag:s17], $0x2000  }
0x22: {  	[sflag:s17] =	ssyncset.done $0x0  }
0x23: {  	[sflag:s17] =	ssyncadd.s32 $0xFFFFE000  }
0x24: {  	[spmem:s9] =	stream.linear.scatter [tilespmem:s19], [sflag:$0x5], $0x2000, $0x38;
	[tilespmem:$0x15E20] =	vst v63  }
0x25: {  	_ =	swait.ge [sflag:s17], $0x2000  }
0x26: {  	[sflag:s17] =	ssyncset.done $0x0  }
0x27: {  	[sflag:s17] =	ssyncadd.s32 $0xFFFFE000  }
0x28: {  	[spmem:s10] =	stream.linear.scatter [tilespmem:s19], [sflag:$0x5], $0x2000, $0x38;
	[tilespmem:$0x15E20] =	vst v63  }
0x29: {  	_ =	swait.ge [sflag:s17], $0x2000  }
0x2a: {  	[sflag:s17] =	ssyncset.done $0x0  }
0x2b: {  	[sflag:s17] =	ssyncadd.s32 $0xFFFFE000  }
0x2c: {  	[spmem:s11] =	stream.linear.scatter [tilespmem:s19], [sflag:$0x5], $0x2000, $0x38;
	[tilespmem:$0x15E20] =	vst v63  }
0x2d: {  	_ =	swait.ge [sflag:s17], $0x2000  }
0x2e: {  	[sflag:s17] =	ssyncset.done $0x0  }
0x2f: {  	[sflag:s17] =	ssyncadd.s32 $0xFFFFE000  }
0x30: {  	[spmem:s12] =	stream.linear.scatter [tilespmem:s19], [sflag:$0x5], $0x2000, $0x38;
	[tilespmem:$0x15E20] =	vst v63  }
0x31: {  	_ =	swait.ge [sflag:s17], $0x2000  }
0x32: {  	[sflag:s17] =	ssyncset.done $0x0  }
0x33: {  	[sflag:s17] =	ssyncadd.s32 $0xFFFFE000  }
0x34: {  	[spmem:s13] =	stream.linear.scatter [tilespmem:s19], [sflag:$0x5], $0x2000, $0x38;
	[tilespmem:$0x15E20] =	vst v63  }
0x35: {  	_ =	swait.ge [sflag:s17], $0x2000  }
0x36: {  	[sflag:s17] =	ssyncset.done $0x0  }
0x37: {  	[sflag:s17] =	ssyncadd.s32 $0xFFFFE000  }
0x38: {  	[bflag:$0x0] =	sbarrier.arrive $0xFFFF  }
0x39: {  	[tilespmem:s21], [sflag:$0x1] =	stream.indirect.gather [hbm4b:s5+s20], $0x40, s4, s20, $0xb8;
	[tilespmem:$0x15E20] =	vst v63  }
0x3a: {  	_ = 	snop  }
0x3b: {  	[tilespmem:s22], [sflag:$0x2] =	stream.indirect.gather [hbm4b:s5+s20], $0x40, s20, s20, $0xb8;
	[tilespmem:$0x15E20] =	vst v63  }
0x3c: {  	_ = 	snop  }
0x3d: {  	[tilespmem:s24], [sflag:$0x3] =	stream.indirect.gather [hbm4b:s5+s20], $0x40, s25, s20, $0xb8;
	[tilespmem:$0x15E20] =	vst v63  }
0x3e: {  	s16 =	simm.s32 $0xF0  }
0x3f: {  	[tilespmem:s26], [sflag:$0x4] =	stream.indirect.gather [hbm4b:s5+s20], $0x40, s16, s20, $0xb8;
	[tilespmem:$0x15E20] =	vst v63  }
0x40: {  	_ =	swait.ge [sflag:s28], $0x1400  }
0x41: {  	[sflag:s28] =	ssyncset.done $0x0  }
0x42: {  	s23 =	simm.s32 $0x2710;
	[sflag:s28] =	ssyncadd.s32 $0xFFFFEC00  }
0x43: {  	[spmem:s3] =	stream.indirect.scatter.add.f32 [tilespmem:s21], [sflag:$0x5], $0x40, s23, s20, $0xb8;
	[tilespmem:$0x15E20] =	vst v63  }
0x44: {  	_ =	swait.ge [sflag:s17], $0x1400  }
0x45: {  	[sflag:s17] =	ssyncset.done $0x0  }
0x46: {  	s0 =	simm.s32 $0x140;
	[sflag:s17] =	ssyncadd.s32 $0xFFFFEC00  }
0x47: {  	[tilespmem:s21], [sflag:$0x1] =	stream.indirect.gather [hbm4b:s5+s20], $0x40, s0, s20, $0xb8;
	[tilespmem:$0x15E20] =	vst v63  }
0x48: {  	_ =	swait.ge [sflag:s29], $0x1400  }
0x49: {  	[sflag:s29] =	ssyncset.done $0x0  }
0x4a: {  	s16 =	simm.s32 $0x2760;
	[sflag:s29] =	ssyncadd.s32 $0xFFFFEC00  }
0x4b: {  	[spmem:s3] =	stream.indirect.scatter.add.f32 [tilespmem:s22], [sflag:$0x5], $0x40, s16, s20, $0xb8;
	[tilespmem:$0x15E20] =	vst v63  }
0x4c: {  	_ =	swait.ge [sflag:s17], $0x1400  }
0x4d: {  	[sflag:s17] =	ssyncset.done $0x0  }
0x4e: {  	s23 =	simm.s32 $0x190;
	[sflag:s17] =	ssyncadd.s32 $0xFFFFEC00  }
0x4f: {  	[tilespmem:s22], [sflag:$0x2] =	stream.indirect.gather [hbm4b:s5+s20], $0x40, s23, s20, $0xb8;
	[tilespmem:$0x15E20] =	vst v63  }
0x50: {  	_ =	swait.ge [sflag:s30], $0x1400  }
0x51: {  	[sflag:s30] =	ssyncset.done $0x0  }
0x52: {  	s0 =	simm.s32 $0x27B0;
	[sflag:s30] =	ssyncadd.s32 $0xFFFFEC00  }
0x53: {  	[spmem:s3] =	stream.indirect.scatter.add.f32 [tilespmem:s24], [sflag:$0x5], $0x40, s0, s20, $0xb8;
	[tilespmem:$0x15E20] =	vst v63  }
0x54: {  	_ =	swait.ge [sflag:s17], $0x1400  }
0x55: {  	[sflag:s17] =	ssyncset.done $0x0  }
0x56: {  	s16 =	simm.s32 $0x1E0;
	[sflag:s17] =	ssyncadd.s32 $0xFFFFEC00  }
0x57: {  	[tilespmem:s24], [sflag:$0x3] =	stream.indirect.gather [hbm4b:s5+s20], $0x40, s16, s20, $0xb8;
	[tilespmem:$0x15E20] =	vst v63  }
0x58: {  	_ =	swait.ge [sflag:s31], $0x1400  }
0x59: {  	[sflag:s31] =	ssyncset.done $0x0  }
0x5a: {  	s23 =	simm.s32 $0x2800;
	[sflag:s31] =	ssyncadd.s32 $0xFFFFEC00  }
0x5b: {  	[spmem:s3] =	stream.indirect.scatter.add.f32 [tilespmem:s26], [sflag:$0x5], $0x40, s23, s20, $0xb8;
	[tilespmem:$0x15E20] =	vst v63  }
0x5c: {  	_ =	swait.ge [sflag:s17], $0x1400  }
0x5d: {  	[sflag:s17] =	ssyncset.done $0x0  }
0x5e: {  	s15 =	simm.s32 $0x500;
	s16 =	simm.s32 $0x230;
	[sflag:s17] =	ssyncadd.s32 $0xFFFFEC00  }
.LBB2_2:
0x5f: {  	[tilespmem:s26], [sflag:$0x4] =	stream.indirect.gather [hbm4b:s5+s20], $0x40, s16, s20, $0xb8;
	[tilespmem:$0x15E20] =	vst v63  }
0x60: {  	s16 =	smov.u32 s15  }
0x61: {  	p0 =	sne.s32 s15, $0x9100;
	s15 =	sadd.s32 $0x500, s15;
	_ =	swait.ge [sflag:s28], $0x1400  }
0x62: {  	s16 =	sshra.s32 s16, $0x2;
	[sflag:s28] =	ssyncset.done $0x0  }
0x63: {  	s23 =	sadd.s32 $0x2710, s16;
	[sflag:s28] =	ssyncadd.s32 $0xFFFFEC00  }
0x64: {  	[spmem:s3] =	stream.indirect.scatter.add.f32 [tilespmem:s21], [sflag:$0x5], $0x40, s23, s20, $0xb8;
	[tilespmem:$0x15E20] =	vst v63  }
0x65: {  	_ =	swait.ge [sflag:s17], $0x1400  }
0x66: {  	[sflag:s17] =	ssyncset.done $0x0  }
0x67: {  	s23 =	sadd.s32 $0x140, s16;
	[sflag:s17] =	ssyncadd.s32 $0xFFFFEC00  }
0x68: {  	[tilespmem:s21], [sflag:$0x1] =	stream.indirect.gather [hbm4b:s5+s20], $0x40, s23, s20, $0xb8;
	[tilespmem:$0x15E20] =	vst v63  }
0x69: {  	_ =	swait.ge [sflag:s29], $0x1400  }
0x6a: {  	[sflag:s29] =	ssyncset.done $0x0  }
0x6b: {  	s23 =	sadd.s32 $0x2760, s16;
	[sflag:s29] =	ssyncadd.s32 $0xFFFFEC00  }
0x6c: {  	[spmem:s3] =	stream.indirect.scatter.add.f32 [tilespmem:s22], [sflag:$0x5], $0x40, s23, s20, $0xb8;
	[tilespmem:$0x15E20] =	vst v63  }
0x6d: {  	_ =	swait.ge [sflag:s17], $0x1400  }
0x6e: {  	[sflag:s17] =	ssyncset.done $0x0  }
0x6f: {  	s23 =	sadd.s32 $0x190, s16;
	[sflag:s17] =	ssyncadd.s32 $0xFFFFEC00  }
0x70: {  	[tilespmem:s22], [sflag:$0x2] =	stream.indirect.gather [hbm4b:s5+s20], $0x40, s23, s20, $0xb8;
	[tilespmem:$0x15E20] =	vst v63  }
0x71: {  	_ =	swait.ge [sflag:s30], $0x1400  }
0x72: {  	[sflag:s30] =	ssyncset.done $0x0  }
0x73: {  	s23 =	sadd.s32 $0x27B0, s16;
	[sflag:s30] =	ssyncadd.s32 $0xFFFFEC00  }
0x74: {  	[spmem:s3] =	stream.indirect.scatter.add.f32 [tilespmem:s24], [sflag:$0x5], $0x40, s23, s20, $0xb8;
	[tilespmem:$0x15E20] =	vst v63  }
0x75: {  	_ =	swait.ge [sflag:s17], $0x1400  }
0x76: {  	[sflag:s17] =	ssyncset.done $0x0  }
0x77: {  	s23 =	sadd.s32 $0x1E0, s16;
	[sflag:s17] =	ssyncadd.s32 $0xFFFFEC00  }
0x78: {  	[tilespmem:s24], [sflag:$0x3] =	stream.indirect.gather [hbm4b:s5+s20], $0x40, s23, s20, $0xb8;
	[tilespmem:$0x15E20] =	vst v63  }
0x79: {  	_ =	swait.ge [sflag:s31], $0x1400  }
0x7a: {  	[sflag:s31] =	ssyncset.done $0x0  }
.Ltmp0:
0x7b: {  	s23 =	sadd.s32 $0x2800, s16;
	[sflag:s31] =	ssyncadd.s32 $0xFFFFEC00;
	(pc) =	sbr.rel @p0 .LBB2_2-.Ltmp0, $4  }
0x7c: {  	[spmem:s3] =	stream.indirect.scatter.add.f32 [tilespmem:s26], [sflag:$0x5], $0x40, s23, s20, $0xb8;
	[tilespmem:$0x15E20] =	vst v63  }
0x7d: {  	_ =	swait.ge [sflag:s17], $0x1400  }
0x7e: {  	[sflag:s17] =	ssyncset.done $0x0  }
0x7f: {  	s16 =	sadd.s32 $0x230, s16;
	[sflag:s17] =	ssyncadd.s32 $0xFFFFEC00  }
0x80: {  	[tilespmem:s26], [sflag:$0x4] =	stream.indirect.gather [hbm4b:s5+s20], $0x40, s16, s20, $0xb8;
	[tilespmem:$0x15E20] =	vst v63  }
0x81: {  	_ =	swait.ge [sflag:s28], $0x1400  }
0x82: {  	[sflag:s28] =	ssyncset.done $0x0  }
0x83: {  	s0 =	simm.s32 $0x4C90;
	[sflag:s28] =	ssyncadd.s32 $0xFFFFEC00  }
0x84: {  	[spmem:s3] =	stream.indirect.scatter.add.f32 [tilespmem:s21], [sflag:$0x5], $0x40, s0, s20, $0xb8;
	[tilespmem:$0x15E20] =	vst v63  }
0x85: {  	_ =	swait.ge [sflag:s17], $0x1400  }
0x86: {  	[sflag:s17] =	ssyncset.done $0x0  }
0x87: {  	[sflag:s17] =	ssyncadd.s32 $0xFFFFEC00  }
0x88: {  	_ =	swait.ge [sflag:s29], $0x1400  }
0x89: {  	[sflag:s29] =	ssyncset.done $0x0  }
0x8a: {  	[sflag:s29] =	ssyncadd.s32 $0xFFFFEC00  }
0x8b: {  	[spmem:s3] =	stream.indirect.scatter.add.f32 [tilespmem:s22], [sflag:$0x5], $0x40, s2, s20, $0xb8;
	[tilespmem:$0x15E20] =	vst v63  }
0x8c: {  	_ =	swait.ge [sflag:s17], $0x1400  }
0x8d: {  	[sflag:s17] =	ssyncset.done $0x0  }
0x8e: {  	[sflag:s17] =	ssyncadd.s32 $0xFFFFEC00  }
0x8f: {  	_ =	swait.ge [sflag:s30], $0x1400  }
0x90: {  	[sflag:s30] =	ssyncset.done $0x0  }
0x91: {  	[sflag:s30] =	ssyncadd.s32 $0xFFFFEC00  }
0x92: {  	[spmem:s3] =	stream.indirect.scatter.add.f32 [tilespmem:s24], [sflag:$0x5], $0x40, s18, s20, $0xb8;
	[tilespmem:$0x15E20] =	vst v63  }
0x93: {  	_ =	swait.ge [sflag:s17], $0x1400  }
0x94: {  	[sflag:s17] =	ssyncset.done $0x0  }
0x95: {  	[sflag:s17] =	ssyncadd.s32 $0xFFFFEC00  }
0x96: {  	_ =	swait.ge [sflag:s31], $0x1400  }
0x97: {  	[sflag:s31] =	ssyncset.done $0x0  }
0x98: {  	[sflag:s31] =	ssyncadd.s32 $0xFFFFEC00  }
0x99: {  	[spmem:s3] =	stream.indirect.scatter.add.f32 [tilespmem:s26], [sflag:$0x5], $0x40, s1, s20, $0xb8;
	[tilespmem:$0x15E20] =	vst v63  }
0x9a: {  	_ =	swait.ge [sflag:s17], $0x1400  }
0x9b: {  	[sflag:s17] =	ssyncset.done $0x0  }
0x9c: {  	[sflag:s17] =	ssyncadd.s32 $0xFFFFEC00  }
0x9d: {  	[tilespmem:s21], [sflag:$0x1] =	stream.indirect.gather [hbm4b:s5+s20], $0x40, s7, s20, $0xb8;
	[tilespmem:$0x15E20] =	vst v63  }
0x9e: {  	_ =	swait.ge [sflag:s28], $0x1400  }
0x9f: {  	[sflag:s28] =	ssyncset.done $0x0  }
0xa0: {  	[sflag:s28] =	ssyncadd.s32 $0xFFFFEC00  }
0xa1: {  	[spmem:s3] =	stream.indirect.scatter.add.f32 [tilespmem:s21], [sflag:$0x5], $0x40, s8, s20, $0xb8;
	[tilespmem:$0x15E20] =	vst v63  }
0xa2: {  	_ =	swait.ge [sflag:s17], $0x1400  }
0xa3: {  	[sflag:s17] =	ssyncset.done $0x0  }
0xa4: {  	s16 =	stileid.u32;
	[sflag:s17] =	ssyncadd.s32 $0xFFFFEC00  }
0xa5: {  	s15 =	sshll.u32 s16, $0x6;
	[bflag:$0x0] =	sbarrier.arrive $0xFFFF  }
0xa6: {  	s16 =	sshrl.u32 s9, $0x3;
	s15 =	sor.u32 $0x1C05, s15;
	s23 =	rddreg [dreg:$0x6]  }
0xa7: {  	[hbm:s23], [sflag:s15] =	dma.local [spmem:s16], $0x1400  }
0xa8: {  	_ =	swait.ge [sflag:s17], $0x1400  }
0xa9: {  	[sflag:s17] =	ssyncset.done $0x0  }
0xaa: {  	[sflag:s17] =	ssyncadd.s32 $0xFFFFEC00  }
0xab: {  	[spmem:s9] =	stream.linear.scatter [tilespmem:s19], [sflag:$0x5], $0x2000, $0x38;
	[tilespmem:$0x15E20] =	vst v63  }
0xac: {  	_ =	swait.ge [sflag:s17], $0x2000  }
0xad: {  	[sflag:s17] =	ssyncset.done $0x0  }
0xae: {  	[sflag:s17] =	ssyncadd.s32 $0xFFFFE000  }
0xaf: {  	[spmem:s10] =	stream.linear.scatter [tilespmem:s19], [sflag:$0x5], $0x2000, $0x38;
	[tilespmem:$0x15E20] =	vst v63  }
0xb0: {  	_ =	swait.ge [sflag:s17], $0x2000  }
0xb1: {  	[sflag:s17] =	ssyncset.done $0x0  }
0xb2: {  	[sflag:s17] =	ssyncadd.s32 $0xFFFFE000  }
0xb3: {  	[spmem:s11] =	stream.linear.scatter [tilespmem:s19], [sflag:$0x5], $0x2000, $0x38;
	[tilespmem:$0x15E20] =	vst v63  }
0xb4: {  	_ =	swait.ge [sflag:s17], $0x2000  }
0xb5: {  	[sflag:s17] =	ssyncset.done $0x0  }
0xb6: {  	[sflag:s17] =	ssyncadd.s32 $0xFFFFE000  }
0xb7: {  	[spmem:s12] =	stream.linear.scatter [tilespmem:s19], [sflag:$0x5], $0x2000, $0x38;
	[tilespmem:$0x15E20] =	vst v63  }
0xb8: {  	_ =	swait.ge [sflag:s17], $0x2000  }
0xb9: {  	[sflag:s17] =	ssyncset.done $0x0  }
0xba: {  	[sflag:s17] =	ssyncadd.s32 $0xFFFFE000  }
0xbb: {  	[spmem:s13] =	stream.linear.scatter [tilespmem:s19], [sflag:$0x5], $0x2000, $0x38;
	[tilespmem:$0x15E20] =	vst v63  }
0xbc: {  	_ =	swait.ge [sflag:s17], $0x2000  }
0xbd: {  	[sflag:s17] =	ssyncset.done $0x0  }
0xbe: {  	[sflag:s17] =	ssyncadd.s32 $0xFFFFE000  }
0xbf: {  	s23 =	simm.s32 $0x0;
	[bflag:$0x0] =	sbarrier.arrive $0xFFFF  }
0xc0: {  	[tilespmem:s21], [sflag:$0x1] =	stream.indirect.gather [hbm4b:s6+s20], $0x40, s23, s20, $0xb8;
	[tilespmem:$0x15E20] =	vst v63  }
0xc1: {  	_ = 	snop  }
0xc2: {  	[tilespmem:s22], [sflag:$0x2] =	stream.indirect.gather [hbm4b:s6+s20], $0x40, s20, s20, $0xb8;
	[tilespmem:$0x15E20] =	vst v63  }
0xc3: {  	_ = 	snop  }
0xc4: {  	[tilespmem:s24], [sflag:$0x3] =	stream.indirect.gather [hbm4b:s6+s20], $0x40, s25, s20, $0xb8;
	[tilespmem:$0x15E20] =	vst v63  }
0xc5: {  	s23 =	simm.s32 $0xF0  }
0xc6: {  	[tilespmem:s26], [sflag:$0x4] =	stream.indirect.gather [hbm4b:s6+s20], $0x40, s23, s20, $0xb8;
	[tilespmem:$0x15E20] =	vst v63  }
0xc7: {  	_ =	swait.ge [sflag:s28], $0x1400  }
0xc8: {  	[sflag:s28] =	ssyncset.done $0x0  }
0xc9: {  	s25 =	simm.s32 $0x2710;
	[sflag:s28] =	ssyncadd.s32 $0xFFFFEC00  }
0xca: {  	[spmem:s3] =	stream.indirect.scatter.add.f32 [tilespmem:s21], [sflag:$0x5], $0x40, s25, s20, $0xb8;
	[tilespmem:$0x15E20] =	vst v63  }
0xcb: {  	_ =	swait.ge [sflag:s17], $0x1400  }
0xcc: {  	[sflag:s17] =	ssyncset.done $0x0  }
0xcd: {  	s0 =	simm.s32 $0x140;
	[sflag:s17] =	ssyncadd.s32 $0xFFFFEC00  }
0xce: {  	[tilespmem:s21], [sflag:$0x1] =	stream.indirect.gather [hbm4b:s6+s20], $0x40, s0, s20, $0xb8;
	[tilespmem:$0x15E20] =	vst v63  }
0xcf: {  	_ =	swait.ge [sflag:s29], $0x1400  }
0xd0: {  	[sflag:s29] =	ssyncset.done $0x0  }
0xd1: {  	s25 =	simm.s32 $0x2760;
	[sflag:s29] =	ssyncadd.s32 $0xFFFFEC00  }
0xd2: {  	[spmem:s3] =	stream.indirect.scatter.add.f32 [tilespmem:s22], [sflag:$0x5], $0x40, s25, s20, $0xb8;
	[tilespmem:$0x15E20] =	vst v63  }
0xd3: {  	_ =	swait.ge [sflag:s17], $0x1400  }
0xd4: {  	[sflag:s17] =	ssyncset.done $0x0  }
0xd5: {  	s0 =	simm.s32 $0x190;
	[sflag:s17] =	ssyncadd.s32 $0xFFFFEC00  }
0xd6: {  	[tilespmem:s22], [sflag:$0x2] =	stream.indirect.gather [hbm4b:s6+s20], $0x40, s0, s20, $0xb8;
	[tilespmem:$0x15E20] =	vst v63  }
0xd7: {  	_ =	swait.ge [sflag:s30], $0x1400  }
0xd8: {  	[sflag:s30] =	ssyncset.done $0x0  }
0xd9: {  	s25 =	simm.s32 $0x27B0;
	[sflag:s30] =	ssyncadd.s32 $0xFFFFEC00  }
0xda: {  	[spmem:s3] =	stream.indirect.scatter.add.f32 [tilespmem:s24], [sflag:$0x5], $0x40, s25, s20, $0xb8;
	[tilespmem:$0x15E20] =	vst v63  }
0xdb: {  	_ =	swait.ge [sflag:s17], $0x1400  }
0xdc: {  	[sflag:s17] =	ssyncset.done $0x0  }
0xdd: {  	s0 =	simm.s32 $0x1E0;
	[sflag:s17] =	ssyncadd.s32 $0xFFFFEC00  }
0xde: {  	[tilespmem:s24], [sflag:$0x3] =	stream.indirect.gather [hbm4b:s6+s20], $0x40, s0, s20, $0xb8;
	[tilespmem:$0x15E20] =	vst v63  }
0xdf: {  	_ =	swait.ge [sflag:s31], $0x1400  }
0xe0: {  	[sflag:s31] =	ssyncset.done $0x0  }
0xe1: {  	s25 =	simm.s32 $0x2800;
	[sflag:s31] =	ssyncadd.s32 $0xFFFFEC00  }
0xe2: {  	[spmem:s3] =	stream.indirect.scatter.add.f32 [tilespmem:s26], [sflag:$0x5], $0x40, s25, s20, $0xb8;
	[tilespmem:$0x15E20] =	vst v63  }
0xe3: {  	_ =	swait.ge [sflag:s17], $0x1400  }
0xe4: {  	[sflag:s17] =	ssyncset.done $0x0  }
0xe5: {  	s23 =	simm.s32 $0x500;
	s25 =	simm.s32 $0x230;
	[sflag:s17] =	ssyncadd.s32 $0xFFFFEC00  }
.LBB2_4:
0xe6: {  	[tilespmem:s26], [sflag:$0x4] =	stream.indirect.gather [hbm4b:s6+s20], $0x40, s25, s20, $0xb8;
	[tilespmem:$0x15E20] =	vst v63  }
0xe7: {  	s25 =	smov.u32 s23  }
0xe8: {  	p0 =	sne.s32 s23, $0x9100;
	s23 =	sadd.s32 $0x500, s23;
	_ =	swait.ge [sflag:s28], $0x1400  }
0xe9: {  	s25 =	sshra.s32 s25, $0x2;
	[sflag:s28] =	ssyncset.done $0x0  }
0xea: {  	s0 =	sadd.s32 $0x2710, s25;
	[sflag:s28] =	ssyncadd.s32 $0xFFFFEC00  }
0xeb: {  	[spmem:s3] =	stream.indirect.scatter.add.f32 [tilespmem:s21], [sflag:$0x5], $0x40, s0, s20, $0xb8;
	[tilespmem:$0x15E20] =	vst v63  }
0xec: {  	_ =	swait.ge [sflag:s17], $0x1400  }
0xed: {  	[sflag:s17] =	ssyncset.done $0x0  }
0xee: {  	s0 =	sadd.s32 $0x140, s25;
	[sflag:s17] =	ssyncadd.s32 $0xFFFFEC00  }
0xef: {  	[tilespmem:s21], [sflag:$0x1] =	stream.indirect.gather [hbm4b:s6+s20], $0x40, s0, s20, $0xb8;
	[tilespmem:$0x15E20] =	vst v63  }
0xf0: {  	_ =	swait.ge [sflag:s29], $0x1400  }
0xf1: {  	[sflag:s29] =	ssyncset.done $0x0  }
0xf2: {  	s0 =	sadd.s32 $0x2760, s25;
	[sflag:s29] =	ssyncadd.s32 $0xFFFFEC00  }
0xf3: {  	[spmem:s3] =	stream.indirect.scatter.add.f32 [tilespmem:s22], [sflag:$0x5], $0x40, s0, s20, $0xb8;
	[tilespmem:$0x15E20] =	vst v63  }
0xf4: {  	_ =	swait.ge [sflag:s17], $0x1400  }
0xf5: {  	[sflag:s17] =	ssyncset.done $0x0  }
0xf6: {  	s0 =	sadd.s32 $0x190, s25;
	[sflag:s17] =	ssyncadd.s32 $0xFFFFEC00  }
0xf7: {  	[tilespmem:s22], [sflag:$0x2] =	stream.indirect.gather [hbm4b:s6+s20], $0x40, s0, s20, $0xb8;
	[tilespmem:$0x15E20] =	vst v63  }
0xf8: {  	_ =	swait.ge [sflag:s30], $0x1400  }
0xf9: {  	[sflag:s30] =	ssyncset.done $0x0  }
0xfa: {  	s0 =	sadd.s32 $0x27B0, s25;
	[sflag:s30] =	ssyncadd.s32 $0xFFFFEC00  }
0xfb: {  	[spmem:s3] =	stream.indirect.scatter.add.f32 [tilespmem:s24], [sflag:$0x5], $0x40, s0, s20, $0xb8;
	[tilespmem:$0x15E20] =	vst v63  }
0xfc: {  	_ =	swait.ge [sflag:s17], $0x1400  }
0xfd: {  	[sflag:s17] =	ssyncset.done $0x0  }
0xfe: {  	s0 =	sadd.s32 $0x1E0, s25;
	[sflag:s17] =	ssyncadd.s32 $0xFFFFEC00  }
0xff: {  	[tilespmem:s24], [sflag:$0x3] =	stream.indirect.gather [hbm4b:s6+s20], $0x40, s0, s20, $0xb8;
	[tilespmem:$0x15E20] =	vst v63  }
0x100: {  	_ =	swait.ge [sflag:s31], $0x1400  }
0x101: {  	[sflag:s31] =	ssyncset.done $0x0  }
.Ltmp1:
0x102: {  	s0 =	sadd.s32 $0x2800, s25;
	[sflag:s31] =	ssyncadd.s32 $0xFFFFEC00;
	(pc) =	sbr.rel @p0 .LBB2_4-.Ltmp1, $4  }
0x103: {  	[spmem:s3] =	stream.indirect.scatter.add.f32 [tilespmem:s26], [sflag:$0x5], $0x40, s0, s20, $0xb8;
	[tilespmem:$0x15E20] =	vst v63  }
0x104: {  	_ =	swait.ge [sflag:s17], $0x1400  }
0x105: {  	[sflag:s17] =	ssyncset.done $0x0  }
0x106: {  	s25 =	sadd.s32 $0x230, s25;
	[sflag:s17] =	ssyncadd.s32 $0xFFFFEC00  }
0x107: {  	[tilespmem:s26], [sflag:$0x4] =	stream.indirect.gather [hbm4b:s6+s20], $0x40, s25, s20, $0xb8;
	[tilespmem:$0x15E20] =	vst v63  }
0x108: {  	_ =	swait.ge [sflag:s28], $0x1400  }
0x109: {  	[sflag:s28] =	ssyncset.done $0x0  }
0x10a: {  	s0 =	simm.s32 $0x4C90;
	[sflag:s28] =	ssyncadd.s32 $0xFFFFEC00  }
0x10b: {  	[spmem:s3] =	stream.indirect.scatter.add.f32 [tilespmem:s21], [sflag:$0x5], $0x40, s0, s20, $0xb8;
	[tilespmem:$0x15E20] =	vst v63  }
0x10c: {  	_ =	swait.ge [sflag:s17], $0x1400  }
0x10d: {  	[sflag:s17] =	ssyncset.done $0x0  }
0x10e: {  	[sflag:s17] =	ssyncadd.s32 $0xFFFFEC00  }
0x10f: {  	_ =	swait.ge [sflag:s29], $0x1400  }
0x110: {  	[sflag:s29] =	ssyncset.done $0x0  }
0x111: {  	[sflag:s29] =	ssyncadd.s32 $0xFFFFEC00  }
0x112: {  	[spmem:s3] =	stream.indirect.scatter.add.f32 [tilespmem:s22], [sflag:$0x5], $0x40, s2, s20, $0xb8;
	[tilespmem:$0x15E20] =	vst v63  }
0x113: {  	_ =	swait.ge [sflag:s17], $0x1400  }
0x114: {  	[sflag:s17] =	ssyncset.done $0x0  }
0x115: {  	[sflag:s17] =	ssyncadd.s32 $0xFFFFEC00  }
0x116: {  	_ =	swait.ge [sflag:s30], $0x1400  }
0x117: {  	[sflag:s30] =	ssyncset.done $0x0  }
0x118: {  	[sflag:s30] =	ssyncadd.s32 $0xFFFFEC00  }
0x119: {  	[spmem:s3] =	stream.indirect.scatter.add.f32 [tilespmem:s24], [sflag:$0x5], $0x40, s18, s20, $0xb8;
	[tilespmem:$0x15E20] =	vst v63  }
0x11a: {  	_ =	swait.ge [sflag:s17], $0x1400  }
0x11b: {  	[sflag:s17] =	ssyncset.done $0x0  }
0x11c: {  	[sflag:s17] =	ssyncadd.s32 $0xFFFFEC00  }
0x11d: {  	_ =	swait.ge [sflag:s31], $0x1400  }
0x11e: {  	[sflag:s31] =	ssyncset.done $0x0  }
0x11f: {  	[sflag:s31] =	ssyncadd.s32 $0xFFFFEC00  }
0x120: {  	[spmem:s3] =	stream.indirect.scatter.add.f32 [tilespmem:s26], [sflag:$0x5], $0x40, s1, s20, $0xb8;
	[tilespmem:$0x15E20] =	vst v63  }
0x121: {  	_ =	swait.ge [sflag:s17], $0x1400  }
0x122: {  	[sflag:s17] =	ssyncset.done $0x0  }
0x123: {  	[sflag:s17] =	ssyncadd.s32 $0xFFFFEC00  }
0x124: {  	[tilespmem:s21], [sflag:$0x1] =	stream.indirect.gather [hbm4b:s6+s20], $0x40, s7, s20, $0xb8;
	[tilespmem:$0x15E20] =	vst v63  }
0x125: {  	_ =	swait.ge [sflag:s28], $0x1400  }
0x126: {  	[sflag:s28] =	ssyncset.done $0x0  }
0x127: {  	[sflag:s28] =	ssyncadd.s32 $0xFFFFEC00  }
0x128: {  	[spmem:s3] =	stream.indirect.scatter.add.f32 [tilespmem:s21], [sflag:$0x5], $0x40, s8, s20, $0xb8;
	[tilespmem:$0x15E20] =	vst v63  }
0x129: {  	_ =	swait.ge [sflag:s17], $0x1400  }
0x12a: {  	[sflag:s17] =	ssyncset.done $0x0  }
0x12b: {  	[sflag:s17] =	ssyncadd.s32 $0xFFFFEC00  }
0x12c: {  	[bflag:$0x0] =	sbarrier.arrive $0xFFFF  }
0x12d: {  	s23 =	rddreg [dreg:$0x7]  }
0x12e: {  	[hbm:s23], [sflag:s15] =	dma.local [spmem:s16], $0x1400  }
0x12f: {  	_ =	swait.ge [sflag:s17], $0x1400  }
0x130: {  	s14 =	sadd.s32 $0x1, s14;
	s25 =	rddreg [dreg:$0x8]  }
0x131: {  	p0 =	sne.s32 s14, s25  }
.Ltmp2:
0x132: {  	_ = 	snop;
	(pc) =	sbr.rel @p0 .LBB2_1-.Ltmp2, $3  }
0x133: {  	_ =	sdelay $0x1  }
0x134: {  	[sflag:s17] =	ssyncset.done $0x0  }
0x135: {  	[sflag:s17] =	ssyncadd.s32 $0xFFFFEC00;
	s25 =	simm.s32 $0xA0  }
0x136: {  	_ =	sfence.sel $0x180000  }
0x137: {  	[bflag:$0x0] =	sbarrier.arrive $0xFFFF  }
0x138: {  	_ =	strace $0x9000004A  }
0x139: {  	s0 =	stileid.u32;
	[bflag:$0x2] =	sbarrier.arrive $0xFFFF  }
0x13a: {  	p0 =	sne.s32 s0, $0x0;
	s0 =	rddreg [dreg:$0x3]  }
0x13b: {  	s0 =	sadd.s32 @!p0 $0x100000, s0  }
0x13c: {  	[sflag:s0] =	ssyncadd.tile.s32 @!p0 $0x1;
	_ =	shalt  }
.Lfunc_end2:
_tile_overlayer_lowered:
.L_overlay_start_2:
0x13d: {  	(tag) =	ssettag $0x2  }
0x13e: {  	s0 =	rddreg [dreg:$0x0];
	s2 =	stileid.u32  }
0x13f: {  	s1 =	rddreg [dreg:$0x1];
	p0 =	sne.s32 s2, $0x0  }
0x140: {  	s3 =	rddreg [dreg:$0x2];
	[bflag:$0x3] =	sbarrier.arrive $0xFFFF;
	s2 =	simm.s32 @!p0 $0x1C05  }
0x141: {  	[timem:s3], [sflag:s2] =	dma.local @!p0 [hbm:s0], s1  }
0x142: {  	s0 =	simm.s32 @!p0 $0x5  }
0x143: {  	_ =	swait.ge @!p0 [sflag:s0], s1  }
0x144: {  	s1 =	ssub.s32 @!p0 $0x0, s1;
	[sflag:s0] =	ssyncset.done @!p0 $0x0  }
0x145: {  	[sflag:s0] =	ssyncadd.s32 @!p0 s1  }
0x146: {  	[bflag:$0x3] =	sbarrier.arrive $0xFFFF  }
0x147: {  	_ =	shalt  }

// kernel: kernel.17.cloned.1.call-start
scs
__scs_entry_jumppad:
0x0: {  	(pc) =	sbr.rel $0x88, $3  }
0x1: {  	(tag) =	ssettag $0x0;
	lr =	simm.s32 $0x1  }
0x2: {  	[smem:$0x3F97] =	sst lr;
	_ =	strace $0xD0000000  }
0x3: {  	_ = 	snop  }
0x4: {  	_ = 	snop  }
0x5: {  	_ = 	snop  }
0x6: {  	_ = 	snop  }
0x7: {  	_ = 	snop  }
__scs_overlays_trampoline_lowered:
0x8: {  	[smem:$0x3FA6] =	sst s0  }
0x9: {  	[smem:$0x3FA7] =	sst s1  }
0xa: {  	[smem:$0x3FA8] =	sst s2  }
0xb: {  	[smem:$0x3FA9] =	sst s3  }
0xc: {  	[smem:$0x3FAA] =	sst s4  }
0xd: {  	[smem:$0x3FAB] =	sst s5  }
0xe: {  	[smem:$0x3FAC] =	sst s6  }
0xf: {  	[smem:$0x3FAD] =	sst s7  }
0x10: {  	[smem:$0x3FAE] =	sst s8  }
0x11: {  	[smem:$0x3FAF] =	sst s9;
	s0 =	simm.s32 @!p0 $0x0  }
0x12: {  	s1 =	sld [smem:$0x3F95];
	s0 =	simm.s32 @p0 $0x1  }
0x13: {  	[smem:$0x3FB0] =	sst s0;
	s0 =	simm.s32 @!p1 $0x0  }
0x14: {  	s2 =	sld [smem:$0x3F94];
	s0 =	simm.s32 @p1 $0x1  }
0x15: {  	[smem:$0x3FB1] =	sst s0;
	s0 =	simm.s32 @!p2 $0x0  }
0x16: {  	s3 =	sld [smem:$0x3FDB];
	s0 =	simm.s32 @p2 $0x1  }
0x17: {  	s4 =	simm.s32 $0x1BF5;
	[smem:$0x3FB3] =	sst s0  }
0x18: {  	s0 =	sld [smem:$0x3F96];
	_ =	swait.ge [sflag:s4], $0x0  }
0x19: {  	s7 =	sld [smem:$0x3F97]  }
0x1a: {  	s8 =	sadd.s32 $0xFFFFE003, lr  }
0x1b: {  	s9 =	sadd.s32 $0xFFFFFEF7, lr;
	s5 =	simm.s32 $0xFFFFFFFF;
	p2 =	slt.u32 s8, $0xFFFFF086  }
0x1c: {  	p1 =	slt.u32 s9, $0xF7A;
	s5 =	simm.s32 @!p2 $0x0  }
0x1d: {  	s5 =	simm.s32 @p1 $0x1;
	p0 =	seq.s32 s7, s2  }
0x1e: {  	s7 =	smul.u32 @!p0 $0xF7A, s2;
	p2 =	seq.s32 @!p0 s5, $0x0  }
0x1f: {  	s9 =	smul.u32 $0xF7A, s1;
	s8 =	simm.s32 @!p0 $0x1BF5;
	p2 =	por !p2, p0  }
0x20: {  	[sflag:s8] =	ssyncset.s32 @!p0 $0xFFFFF086;
	s6 =	sadd.s32 @!p0 s3, s7;
	s7 =	simm.s32 @!p0 $0x108  }
0x21: {  	s3 =	sadd.s32 s3, s9;
	s6 =	sadd.s32 @!p0 $0x88, s6;
	s7 =	simm.s32 @p2 $0x1082  }
0x22: {  	[simem:s7], [sflag:s8] =	dma.local @!p0 [hbm:s6], $0xF7A  }
0x23: {  	s9 =	sor.u32 $0xD0000000, s2;
	s6 =	simm.s32 $0x108;
	_ =	swait.ge @!p0 [sflag:s8], $0x0  }
0x24: {  	s3 =	sadd.s32 $0x88, s3;
	s6 =	simm.s32 @!p1 $0x1082;
	[sflag:s4] =	ssyncset.s32 $0xFFFFF086  }
0x25: {  	[simem:s6], [sflag:s4] =	dma.local [hbm:s3], $0xF7A  }
0x26: {  	[smem:$0x3F97] =	sst s1;
	(tag) =	ssettag s2;
	_ =	strace s9  }
0x27: {  	s1 =	sld [smem:$0x3FA7]  }
0x28: {  	s2 =	sld [smem:$0x3FA8]  }
0x29: {  	s4 =	sld [smem:$0x3FAA]  }
0x2a: {  	p0 =	seq.s32 s5, $0x0;
	s5 =	sld [smem:$0x3FAB]  }
0x2b: {  	s6 =	sld [smem:$0x3FAC]  }
0x2c: {  	s7 =	sld [smem:$0x3FAD]  }
0x2d: {  	s3 =	simm.s32 $0x108;
	s8 =	sld [smem:$0x3FAE]  }
0x2e: {  	s3 =	simm.s32 @!p0 $0x1082;
	s9 =	sld [smem:$0x3FAF]  }
0x2f: {  	lr =	sadd.s32 s0, s3;
	s0 =	sld [smem:$0x3FA6]  }
0x30: {  	s3 =	sld [smem:$0x3FA9]  }
0x31: {  	[smem:$0x3FB2] =	sst s10  }
0x32: {  	s10 =	sld [smem:$0x3FB0];
	_ =	sdelay $0x3  }
0x33: {  	p0 =	seq.s32 s10, $0x1;
	s10 =	sld [smem:$0x3FB2];
	_ =	sdelay $0x3  }
0x34: {  	[smem:$0x3FB2] =	sst s10  }
0x35: {  	s10 =	sld [smem:$0x3FB1];
	_ =	sdelay $0x3  }
0x36: {  	p1 =	seq.s32 s10, $0x1;
	s10 =	sld [smem:$0x3FB2];
	_ =	sdelay $0x3  }
0x37: {  	[smem:$0x3FB2] =	sst s10  }
0x38: {  	s10 =	sld [smem:$0x3FB3]  }
0x39: {  	_ = 	snop;
	(pc) =	sbr.ind lr, $3  }
0x3a: {  	_ = 	snop  }
0x3b: {  	_ = 	snop  }
0x3c: {  	p2 =	seq.s32 s10, $0x1;
	s10 =	sld [smem:$0x3FB2]  }
0x3d: {  	_ =	shalt  }
0x3e: {  	_ =	shalt  }
0x3f: {  	_ =	shalt  }
0x40: {  	_ =	shalt  }
0x41: {  	_ =	shalt  }
0x42: {  	_ =	shalt  }
0x43: {  	_ =	shalt  }
0x44: {  	_ =	shalt  }
0x45: {  	_ =	shalt  }
0x46: {  	_ =	shalt  }
0x47: {  	_ =	shalt  }
0x48: {  	_ =	shalt  }
0x49: {  	_ =	shalt  }
0x4a: {  	_ =	shalt  }
0x4b: {  	_ =	shalt  }
0x4c: {  	_ =	shalt  }
0x4d: {  	_ =	shalt  }
0x4e: {  	_ =	shalt  }
0x4f: {  	_ =	shalt  }
0x50: {  	_ =	shalt  }
0x51: {  	_ =	shalt  }
0x52: {  	_ =	shalt  }
0x53: {  	_ =	shalt  }
0x54: {  	_ =	shalt  }
0x55: {  	_ =	shalt  }
0x56: {  	_ =	shalt  }
0x57: {  	_ =	shalt  }
0x58: {  	_ =	shalt  }
0x59: {  	_ =	shalt  }
0x5a: {  	_ =	shalt  }
0x5b: {  	_ =	shalt  }
0x5c: {  	_ =	shalt  }
0x5d: {  	_ =	shalt  }
0x5e: {  	_ =	shalt  }
0x5f: {  	_ =	shalt  }
0x60: {  	_ =	shalt  }
0x61: {  	_ =	shalt  }
0x62: {  	_ =	shalt  }
0x63: {  	_ =	shalt  }
0x64: {  	_ =	shalt  }
0x65: {  	_ =	shalt  }
0x66: {  	_ =	shalt  }
0x67: {  	_ =	shalt  }
0x68: {  	_ =	shalt  }
0x69: {  	_ =	shalt  }
0x6a: {  	_ =	shalt  }
0x6b: {  	_ =	shalt  }
0x6c: {  	_ =	shalt  }
0x6d: {  	_ =	shalt  }
0x6e: {  	_ =	shalt  }
0x6f: {  	_ =	shalt  }
0x70: {  	_ =	shalt  }
0x71: {  	_ =	shalt  }
0x72: {  	_ =	shalt  }
0x73: {  	_ =	shalt  }
0x74: {  	_ =	shalt  }
0x75: {  	_ =	shalt  }
0x76: {  	_ =	shalt  }
0x77: {  	_ =	shalt  }
0x78: {  	_ =	shalt  }
0x79: {  	_ =	shalt  }
0x7a: {  	_ =	shalt  }
0x7b: {  	_ =	shalt  }
0x7c: {  	_ =	shalt  }
0x7d: {  	_ =	shalt  }
0x7e: {  	_ =	shalt  }
0x7f: {  	_ =	shalt  }
0x80: {  	_ =	shalt  }
0x81: {  	_ =	shalt  }
0x82: {  	_ =	shalt  }
0x83: {  	_ =	shalt  }
0x84: {  	_ =	shalt  }
0x85: {  	_ =	shalt  }
0x86: {  	_ =	shalt  }
0x87: {  	_ =	shalt  }
.Lfunc_end0:
.L_simem_size_0:
called_computation.2_lowered:
.L_overlay_start_0:
0x88: {  	s2 =	sld [smem:$0x3FD9]  }
0x89: {  	s3 =	sld [smem:$0x3FFE];
	_ =	sdelay $0x1  }
0x8a: {  	s1 =	srdreg.scid  }
0x8b: {  	s0 =	sand.u32 $0x1, s1  }
0x8c: {  	s14 =	sshll.u32 s0, $0xA;
	s2 =	sadd.s32 s3, s2  }
0x8d: {  	s2 =	sadd.s32 s2, s14  }
0x8e: {  	[smem:$0x3FBE] =	sst s2  }
0x8f: {  	_ = 	snop  }
0x90: {  	s2 =	sld [smem:$0x3FD0];
	_ =	sdelay $0x2  }
0x91: {  	s15 =	simm.s32 $0xA;
	s4 =	simm.s32 $0x10  }
0x92: {  	[smem:s4], [sflag:s15] =	dma.local [hbm:s2], $0x1  }
0x93: {  	_ =	swait.eq [sflag:s15], $0x1  }
0x94: {  	[sflag:s15] =	ssyncset.done $0x0  }
0x95: {  	s16 =	sld [smem:$0x10];
	[sflag:s15] =	ssyncadd.s32 $0xFFFFFFFF  }
0x96: {  	s17 =	sld [smem:$0x11];
	(tm) =	ssettm $0x1  }
0x97: {  	s18 =	sld [smem:$0x3FFB];
	_ =	sdelay $0x3  }
0x98: {  	_ =	strace s18  }
0x99: {  	s4 =	sld [smem:$0x3FFC];
	_ =	sdelay $0x3  }
0x9a: {  	_ =	strace s4  }
0x9b: {  	s4 =	sld [smem:$0x3FFD];
	_ =	sdelay $0x3  }
0x9c: {  	_ =	strace s4  }
0x9d: {  	_ =	strace $0x8FFFFFFF  }
0x9e: {  	s19 =	sld [smem:$0x3FDB];
	_ =	sdelay $0x1  }
0x9f: {  	s5 =	simm.s32 $_scs_section_size  }
0xa0: {  	s6 =	simm.s32 $_size__tile_overlayer_lowered;
	s7 =	simm.s32 $_tile_overlayer_lowered  }
0xa1: {  	s22 =	simm.s32 $0x1BFF;
	s21 =	sshll.u32 s7, $0x1;
	s4 =	sadd.s32 s5, s19  }
0xa2: {  	s8 =	simm.s32 $0x0;
	s20 =	sshll.u32 s6, $0x1;
	s6 =	sadd.s32 s21, s4  }
0xa3: {  	[timem:s8], [sflag:s22] =	dma.local [hbm:s6], s20  }
0xa4: {  	_ =	swait.ge [sflag:s22], s20  }
0xa5: {  	s5 =	ssub.s32 $0x0, s20;
	[sflag:s22] =	ssyncset.done $0x0  }
0xa6: {  	[sflag:s22] =	ssyncadd.s32 s5;
	_ =	sdelay $0x1  }
0xa7: {  	s23 =	simm.s32 $0x1B8B  }
0xa8: {  	_ =	swait.ge [sflag:s23], $0x1  }
0xa9: {  	[sflag:s23] =	ssyncset.done $0x0  }
0xaa: {  	s25 =	simm.s32 $0x1B8E;
	s24 =	sld [smem:$0x3FFE];
	[sflag:s23] =	ssyncadd.s32 $0xFFFFFFFF  }
0xab: {  	s26 =	simm.s32 $execute0_lowered;
	[smem:$0x3FD2] =	sst s25  }
0xac: {  	s6 =	sshll.u32 s26, $0x1;
	_ =	strace $0x8000004C;
	[dreg:$0x1] =	wrdreg $0xFFFFFFFF  }
0xad: {  	s28 =	simm.s32 $_size_execute0_lowered;
	s4 =	sadd.s32 s4, s6;
	[dreg:$0x0] =	wrdreg $0x0  }
0xae: {  	s6 =	sshll.u32 s28, $0x1;
	[dreg:$0x2] =	wrdreg s4  }
0xaf: {  	[dreg:$0x3] =	wrdreg s6  }
0xb0: {  	[dreg:$0x4] =	wrdreg $0xC0  }
0xb1: {  	_ =	task [dreg:s8], $0x5FFFF  }
0xb2: {  	[dreg:$0x1] =	wrdreg $0xFFFFFFFF  }
0xb3: {  	[dreg:$0x0] =	wrdreg $0x60  }
0xb4: {  	[dreg:$0x2] =	wrdreg s16  }
0xb5: {  	[dreg:$0x3] =	wrdreg s24  }
0xb6: {  	[dreg:$0x4] =	wrdreg s17  }
0xb7: {  	[dreg:$0x5] =	wrdreg $0xBE200  }
0xb8: {  	[dreg:$0x6] =	wrdreg $0x9  }
0xb9: {  	_ =	task.clear_ibuf [dreg:s8], $0x7FFFF;
	_ =	strace $0x9000004C  }
0xba: {  	s29 =	simm.s32 $0x9;
	_ =	strace $0x8000004E  }
0xbb: {  	_ =	swait.ge [sflag:s29], $0x1  }
0xbc: {  	[sflag:s29] =	ssyncadd.s32 $0xFFFFFFFF  }
0xbd: {  	_ =	strace $0x9000004E  }
0xbe: {  	_ =	sfence  }
0xbf: {  	s30 =	sld [smem:$0x0];
	_ =	sdelay $0x2  }
0xc0: {  	s31 =	sshll.u32 s1, $0xD;
	s1 =	sshrl.u32 s1, $0x2  }
0xc1: {  	s3 =	sand.u32 $0x4000, s31;
	s1 =	sadd.s32 s1, s30  }
0xc2: {  	s0 =	sor.u32 s3, s0;
	s1 =	sshll.u32 s1, $0x11  }
0xc3: {  	s0 =	sor.u32 s1, s0  }
0xc4: {  	s0 =	sadd.s32 $0x8F2B, s0  }
0xc5: {  	[sflag:s0] =	ssyncadd.remote.s32 $0x1  }
0xc6: {  	_ =	sfence.sel $0xFFFF  }
0xc7: {  	[dreg:$0x0] =	wrdreg $0xFFFFFFFF;
	(pc) =	sbr.abs _section_cstart, $3  }
0xc8: {  	[dreg:$0x1] =	wrdreg $0xFFFFFFFF  }
0xc9: {  	_ =	task.clear_ibuf [dreg:s8], $0x2FFFF;
	_ =	strace $0x9FFFFFFF  }
0xca: {  	(tm) =	ssettm $0x7FFFFFFF  }
0xcb: {  	_ =	shalt  }
tec
execute0_lowered:
.L_overlay_start_1:
0x0: {  	(tag) =	ssettag $0x1  }
0x1: {  	s1 =	rddreg [dreg:$0x0]  }
0x2: {  	s0 =	rddreg [dreg:$0x1]  }
0x3: {  	s4 =	rddreg [dreg:$0x3];
	s2 =	srdreg.scid  }
0x4: {  	s9 =	stileid.u32;
	s5 =	simm.s32 $0x0;
	s17 =	simm.s32 $0x5  }
0x5: {  	s19 =	simm.s32 $0x9E20;
	s20 =	simm.s32 $0x50;
	s21 =	simm.s32 $0x4E20  }
0x6: {  	s28 =	simm.s32 $0x1;
	s29 =	simm.s32 $0x2;
	s30 =	simm.s32 $0x3  }
0x7: {  	s31 =	simm.s32 $0x4;
	s18 =	simm.s32 $0x4D30;
	s14 =	simm.s32 $0x0  }
0x8: {  	s2 =	sand.u32 $0x1, s2;
	s7 =	smul.u32 $0xA000, s9;
	[smem:$0x7FF] =	sst s5  }
0x9: {  	s6 =	sadd.s32 $0x99400, s0;
	s3 =	sshll.u32 s2, $0x4;
	s8 =	smul.u32 $0xA0000, s2  }
0xa: {  	s2 =	ssub.s32 $0x2, s2;
	s3 =	sor.u32 s9, s3;
	s9 =	smul.u32 $0x28000, s9  }
0xb: {  	_ =	strace $0x8000004D;
	s22 =	sshrl.u32 s2, $0x1;
	s3 =	smul.u32 $0x4E2, s3  }
0xc: {  	s8 =	sadd.s32 s7, s8;
	s2 =	ssub.s32 s2, s22;
	s22 =	simm.s32 $0x6220  }
0xd: {  	s8 =	sshrl.u32 s8, $0x3;
	s9 =	sshrl.u32 s9, $0x2;
	s26 =	smax.u32 s2, $0x1  }
0xe: {  	s2 =	simm.s32 $0x4D80;
	s3 =	sadd.s32 s3, s0;
	s0 =	sadd.s32 s8, s0  }
0xf: {  	s24 =	sadd.s32 s9, s4;
	s9 =	sadd.s32 s7, s4;
	[dreg:$0x9] =	wrdreg s26  }
0x10: {  	s26 =	simm.s32 $0x8A20;
	s7 =	simm.s32 $0x26C0;
	s8 =	simm.s32 $0x4DD0  }
0x11: {  	s23 =	sadd.s32 $0x6000, s3;
	s3 =	sadd.s32 $0xFE00, s3;
	s10 =	sadd.s32 $0x2000, s24  }
0x12: {  	s11 =	sadd.s32 $0x4000, s24;
	s12 =	sadd.s32 $0x6000, s24;
	[dreg:$0x5] =	wrdreg s23  }
0x13: {  	s13 =	sadd.s32 $0x8000, s24;
	s25 =	sadd.s32 $0xD4E00, s0;
	[dreg:$0x6] =	wrdreg s3  }
0x14: {  	s0 =	sadd.s32 $0xACE00, s0;
	s24 =	simm.s32 $0x7620;
	[dreg:$0x7] =	wrdreg s25  }
0x15: {  	[dreg:$0x8] =	wrdreg s0;
	s25 =	simm.s32 $0xA0;
	s3 =	simm.s32 $0x4CE0  }
.LBB2_1:
0x16: {  	s0 =	rddreg [dreg:$0x5]  }
0x17: {  	[tilespmem:s5], [sflag:$0x5] =	stream.linear.gather [hbm4b:s0+s5], $0x2710, $0x38;
	[tilespmem:$0x15E20] =	vst v63  }
0x18: {  	_ =	swait.ge [sflag:s17], $0x2710  }
0x19: {  	[sflag:s17] =	ssyncset.done $0x0  }
0x1a: {  	s15 =	simm.s32 $0x2710;
	s23 =	rddreg [dreg:$0x6];
	[sflag:s17] =	ssyncadd.s32 $0xFFFFD8F0  }
0x1b: {  	[tilespmem:s15], [sflag:$0x5] =	stream.linear.gather [hbm4b:s23+s5], $0x2710, $0x38;
	[tilespmem:$0x15E20] =	vst v63  }
0x1c: {  	_ =	swait.ge [sflag:s17], $0x2710  }
0x1d: {  	[sflag:s17] =	ssyncset.done $0x0  }
0x1e: {  	[sflag:s17] =	ssyncadd.s32 $0xFFFFD8F0  }
0x1f: {  	s15 =	rddreg [dreg:$0x2]  }
0x20: {  	[tilespmem:s19], [sflag:$0x5] =	stream.linear.gather [hbm4b:s15+s5], $0x2000, $0x38;
	[tilespmem:$0x15E20] =	vst v63  }
0x21: {  	_ =	swait.ge [sflag:s17], $0x2000  }
0x22: {  	[sflag:s17] =	ssyncset.done $0x0  }
0x23: {  	[sflag:s17] =	ssyncadd.s32 $0xFFFFE000  }
0x24: {  	[spmem:s9] =	stream.linear.scatter [tilespmem:s19], [sflag:$0x5], $0x2000, $0x38;
	[tilespmem:$0x15E20] =	vst v63  }
0x25: {  	_ =	swait.ge [sflag:s17], $0x2000  }
0x26: {  	[sflag:s17] =	ssyncset.done $0x0  }
0x27: {  	[sflag:s17] =	ssyncadd.s32 $0xFFFFE000  }
0x28: {  	[spmem:s10] =	stream.linear.scatter [tilespmem:s19], [sflag:$0x5], $0x2000, $0x38;
	[tilespmem:$0x15E20] =	vst v63  }
0x29: {  	_ =	swait.ge [sflag:s17], $0x2000  }
0x2a: {  	[sflag:s17] =	ssyncset.done $0x0  }
0x2b: {  	[sflag:s17] =	ssyncadd.s32 $0xFFFFE000  }
0x2c: {  	[spmem:s11] =	stream.linear.scatter [tilespmem:s19], [sflag:$0x5], $0x2000, $0x38;
	[tilespmem:$0x15E20] =	vst v63  }
0x2d: {  	_ =	swait.ge [sflag:s17], $0x2000  }
0x2e: {  	[sflag:s17] =	ssyncset.done $0x0  }
0x2f: {  	[sflag:s17] =	ssyncadd.s32 $0xFFFFE000  }
0x30: {  	[spmem:s12] =	stream.linear.scatter [tilespmem:s19], [sflag:$0x5], $0x2000, $0x38;
	[tilespmem:$0x15E20] =	vst v63  }
0x31: {  	_ =	swait.ge [sflag:s17], $0x2000  }
0x32: {  	[sflag:s17] =	ssyncset.done $0x0  }
0x33: {  	[sflag:s17] =	ssyncadd.s32 $0xFFFFE000  }
0x34: {  	[spmem:s13] =	stream.linear.scatter [tilespmem:s19], [sflag:$0x5], $0x2000, $0x38;
	[tilespmem:$0x15E20] =	vst v63  }
0x35: {  	_ =	swait.ge [sflag:s17], $0x2000  }
0x36: {  	[sflag:s17] =	ssyncset.done $0x0  }
0x37: {  	[sflag:s17] =	ssyncadd.s32 $0xFFFFE000  }
0x38: {  	[bflag:$0x0] =	sbarrier.arrive $0xFFFF  }
0x39: {  	[tilespmem:s21], [sflag:$0x1] =	stream.indirect.gather [hbm4b:s1+s20], $0x40, s5, s20, $0xb8;
	[tilespmem:$0x15E20] =	vst v63  }
0x3a: {  	_ = 	snop  }
0x3b: {  	[tilespmem:s22], [sflag:$0x2] =	stream.indirect.gather [hbm4b:s1+s20], $0x40, s20, s20, $0xb8;
	[tilespmem:$0x15E20] =	vst v63  }
0x3c: {  	_ = 	snop  }
0x3d: {  	[tilespmem:s24], [sflag:$0x3] =	stream.indirect.gather [hbm4b:s1+s20], $0x40, s25, s20, $0xb8;
	[tilespmem:$0x15E20] =	vst v63  }
0x3e: {  	s16 =	simm.s32 $0xF0  }
0x3f: {  	[tilespmem:s26], [sflag:$0x4] =	stream.indirect.gather [hbm4b:s1+s20], $0x40, s16, s20, $0xb8;
	[tilespmem:$0x15E20] =	vst v63  }
0x40: {  	_ =	swait.ge [sflag:s28], $0x1400  }
0x41: {  	[sflag:s28] =	ssyncset.done $0x0  }
0x42: {  	s23 =	simm.s32 $0x2710;
	[sflag:s28] =	ssyncadd.s32 $0xFFFFEC00  }
0x43: {  	[spmem:s4] =	stream.indirect.scatter.add.f32 [tilespmem:s21], [sflag:$0x5], $0x40, s23, s20, $0xb8;
	[tilespmem:$0x15E20] =	vst v63  }
0x44: {  	_ =	swait.ge [sflag:s17], $0x1400  }
0x45: {  	[sflag:s17] =	ssyncset.done $0x0  }
0x46: {  	s0 =	simm.s32 $0x140;
	[sflag:s17] =	ssyncadd.s32 $0xFFFFEC00  }
0x47: {  	[tilespmem:s21], [sflag:$0x1] =	stream.indirect.gather [hbm4b:s1+s20], $0x40, s0, s20, $0xb8;
	[tilespmem:$0x15E20] =	vst v63  }
0x48: {  	_ =	swait.ge [sflag:s29], $0x1400  }
0x49: {  	[sflag:s29] =	ssyncset.done $0x0  }
0x4a: {  	s16 =	simm.s32 $0x2760;
	[sflag:s29] =	ssyncadd.s32 $0xFFFFEC00  }
0x4b: {  	[spmem:s4] =	stream.indirect.scatter.add.f32 [tilespmem:s22], [sflag:$0x5], $0x40, s16, s20, $0xb8;
	[tilespmem:$0x15E20] =	vst v63  }
0x4c: {  	_ =	swait.ge [sflag:s17], $0x1400  }
0x4d: {  	[sflag:s17] =	ssyncset.done $0x0  }
0x4e: {  	s23 =	simm.s32 $0x190;
	[sflag:s17] =	ssyncadd.s32 $0xFFFFEC00  }
0x4f: {  	[tilespmem:s22], [sflag:$0x2] =	stream.indirect.gather [hbm4b:s1+s20], $0x40, s23, s20, $0xb8;
	[tilespmem:$0x15E20] =	vst v63  }
0x50: {  	_ =	swait.ge [sflag:s30], $0x1400  }
0x51: {  	[sflag:s30] =	ssyncset.done $0x0  }
0x52: {  	s0 =	simm.s32 $0x27B0;
	[sflag:s30] =	ssyncadd.s32 $0xFFFFEC00  }
0x53: {  	[spmem:s4] =	stream.indirect.scatter.add.f32 [tilespmem:s24], [sflag:$0x5], $0x40, s0, s20, $0xb8;
	[tilespmem:$0x15E20] =	vst v63  }
0x54: {  	_ =	swait.ge [sflag:s17], $0x1400  }
0x55: {  	[sflag:s17] =	ssyncset.done $0x0  }
0x56: {  	s16 =	simm.s32 $0x1E0;
	[sflag:s17] =	ssyncadd.s32 $0xFFFFEC00  }
0x57: {  	[tilespmem:s24], [sflag:$0x3] =	stream.indirect.gather [hbm4b:s1+s20], $0x40, s16, s20, $0xb8;
	[tilespmem:$0x15E20] =	vst v63  }
0x58: {  	_ =	swait.ge [sflag:s31], $0x1400  }
0x59: {  	[sflag:s31] =	ssyncset.done $0x0  }
0x5a: {  	s23 =	simm.s32 $0x2800;
	[sflag:s31] =	ssyncadd.s32 $0xFFFFEC00  }
0x5b: {  	[spmem:s4] =	stream.indirect.scatter.add.f32 [tilespmem:s26], [sflag:$0x5], $0x40, s23, s20, $0xb8;
	[tilespmem:$0x15E20] =	vst v63  }
0x5c: {  	_ =	swait.ge [sflag:s17], $0x1400  }
0x5d: {  	[sflag:s17] =	ssyncset.done $0x0  }
0x5e: {  	s15 =	simm.s32 $0x500;
	s16 =	simm.s32 $0x230;
	[sflag:s17] =	ssyncadd.s32 $0xFFFFEC00  }
.LBB2_2:
0x5f: {  	[tilespmem:s26], [sflag:$0x4] =	stream.indirect.gather [hbm4b:s1+s20], $0x40, s16, s20, $0xb8;
	[tilespmem:$0x15E20] =	vst v63  }
0x60: {  	s16 =	smov.u32 s15  }
0x61: {  	p0 =	sne.s32 s15, $0x9100;
	s15 =	sadd.s32 $0x500, s15;
	_ =	swait.ge [sflag:s28], $0x1400  }
0x62: {  	s16 =	sshra.s32 s16, $0x2;
	[sflag:s28] =	ssyncset.done $0x0  }
0x63: {  	s23 =	sadd.s32 $0x2710, s16;
	[sflag:s28] =	ssyncadd.s32 $0xFFFFEC00  }
0x64: {  	[spmem:s4] =	stream.indirect.scatter.add.f32 [tilespmem:s21], [sflag:$0x5], $0x40, s23, s20, $0xb8;
	[tilespmem:$0x15E20] =	vst v63  }
0x65: {  	_ =	swait.ge [sflag:s17], $0x1400  }
0x66: {  	[sflag:s17] =	ssyncset.done $0x0  }
0x67: {  	s23 =	sadd.s32 $0x140, s16;
	[sflag:s17] =	ssyncadd.s32 $0xFFFFEC00  }
0x68: {  	[tilespmem:s21], [sflag:$0x1] =	stream.indirect.gather [hbm4b:s1+s20], $0x40, s23, s20, $0xb8;
	[tilespmem:$0x15E20] =	vst v63  }
0x69: {  	_ =	swait.ge [sflag:s29], $0x1400  }
0x6a: {  	[sflag:s29] =	ssyncset.done $0x0  }
0x6b: {  	s23 =	sadd.s32 $0x2760, s16;
	[sflag:s29] =	ssyncadd.s32 $0xFFFFEC00  }
0x6c: {  	[spmem:s4] =	stream.indirect.scatter.add.f32 [tilespmem:s22], [sflag:$0x5], $0x40, s23, s20, $0xb8;
	[tilespmem:$0x15E20] =	vst v63  }
0x6d: {  	_ =	swait.ge [sflag:s17], $0x1400  }
0x6e: {  	[sflag:s17] =	ssyncset.done $0x0  }
0x6f: {  	s23 =	sadd.s32 $0x190, s16;
	[sflag:s17] =	ssyncadd.s32 $0xFFFFEC00  }
0x70: {  	[tilespmem:s22], [sflag:$0x2] =	stream.indirect.gather [hbm4b:s1+s20], $0x40, s23, s20, $0xb8;
	[tilespmem:$0x15E20] =	vst v63  }
0x71: {  	_ =	swait.ge [sflag:s30], $0x1400  }
0x72: {  	[sflag:s30] =	ssyncset.done $0x0  }
0x73: {  	s23 =	sadd.s32 $0x27B0, s16;
	[sflag:s30] =	ssyncadd.s32 $0xFFFFEC00  }
0x74: {  	[spmem:s4] =	stream.indirect.scatter.add.f32 [tilespmem:s24], [sflag:$0x5], $0x40, s23, s20, $0xb8;
	[tilespmem:$0x15E20] =	vst v63  }
0x75: {  	_ =	swait.ge [sflag:s17], $0x1400  }
0x76: {  	[sflag:s17] =	ssyncset.done $0x0  }
0x77: {  	s23 =	sadd.s32 $0x1E0, s16;
	[sflag:s17] =	ssyncadd.s32 $0xFFFFEC00  }
0x78: {  	[tilespmem:s24], [sflag:$0x3] =	stream.indirect.gather [hbm4b:s1+s20], $0x40, s23, s20, $0xb8;
	[tilespmem:$0x15E20] =	vst v63  }
0x79: {  	_ =	swait.ge [sflag:s31], $0x1400  }
0x7a: {  	[sflag:s31] =	ssyncset.done $0x0  }
.Ltmp0:
0x7b: {  	s23 =	sadd.s32 $0x2800, s16;
	[sflag:s31] =	ssyncadd.s32 $0xFFFFEC00;
	(pc) =	sbr.rel @p0 .LBB2_2-.Ltmp0, $4  }
0x7c: {  	[spmem:s4] =	stream.indirect.scatter.add.f32 [tilespmem:s26], [sflag:$0x5], $0x40, s23, s20, $0xb8;
	[tilespmem:$0x15E20] =	vst v63  }
0x7d: {  	_ =	swait.ge [sflag:s17], $0x1400  }
0x7e: {  	[sflag:s17] =	ssyncset.done $0x0  }
0x7f: {  	s16 =	sadd.s32 $0x230, s16;
	[sflag:s17] =	ssyncadd.s32 $0xFFFFEC00  }
0x80: {  	[tilespmem:s26], [sflag:$0x4] =	stream.indirect.gather [hbm4b:s1+s20], $0x40, s16, s20, $0xb8;
	[tilespmem:$0x15E20] =	vst v63  }
0x81: {  	_ =	swait.ge [sflag:s28], $0x1400  }
0x82: {  	[sflag:s28] =	ssyncset.done $0x0  }
0x83: {  	s0 =	simm.s32 $0x4C90;
	[sflag:s28] =	ssyncadd.s32 $0xFFFFEC00  }
0x84: {  	[spmem:s4] =	stream.indirect.scatter.add.f32 [tilespmem:s21], [sflag:$0x5], $0x40, s0, s20, $0xb8;
	[tilespmem:$0x15E20] =	vst v63  }
0x85: {  	_ =	swait.ge [sflag:s17], $0x1400  }
0x86: {  	[sflag:s17] =	ssyncset.done $0x0  }
0x87: {  	[sflag:s17] =	ssyncadd.s32 $0xFFFFEC00  }
0x88: {  	_ =	swait.ge [sflag:s29], $0x1400  }
0x89: {  	[sflag:s29] =	ssyncset.done $0x0  }
0x8a: {  	[sflag:s29] =	ssyncadd.s32 $0xFFFFEC00  }
0x8b: {  	[spmem:s4] =	stream.indirect.scatter.add.f32 [tilespmem:s22], [sflag:$0x5], $0x40, s3, s20, $0xb8;
	[tilespmem:$0x15E20] =	vst v63  }
0x8c: {  	_ =	swait.ge [sflag:s17], $0x1400  }
0x8d: {  	[sflag:s17] =	ssyncset.done $0x0  }
0x8e: {  	[sflag:s17] =	ssyncadd.s32 $0xFFFFEC00  }
0x8f: {  	_ =	swait.ge [sflag:s30], $0x1400  }
0x90: {  	[sflag:s30] =	ssyncset.done $0x0  }
0x91: {  	[sflag:s30] =	ssyncadd.s32 $0xFFFFEC00  }
0x92: {  	[spmem:s4] =	stream.indirect.scatter.add.f32 [tilespmem:s24], [sflag:$0x5], $0x40, s18, s20, $0xb8;
	[tilespmem:$0x15E20] =	vst v63  }
0x93: {  	_ =	swait.ge [sflag:s17], $0x1400  }
0x94: {  	[sflag:s17] =	ssyncset.done $0x0  }
0x95: {  	[sflag:s17] =	ssyncadd.s32 $0xFFFFEC00  }
0x96: {  	_ =	swait.ge [sflag:s31], $0x1400  }
0x97: {  	[sflag:s31] =	ssyncset.done $0x0  }
0x98: {  	[sflag:s31] =	ssyncadd.s32 $0xFFFFEC00  }
0x99: {  	[spmem:s4] =	stream.indirect.scatter.add.f32 [tilespmem:s26], [sflag:$0x5], $0x40, s2, s20, $0xb8;
	[tilespmem:$0x15E20] =	vst v63  }
0x9a: {  	_ =	swait.ge [sflag:s17], $0x1400  }
0x9b: {  	[sflag:s17] =	ssyncset.done $0x0  }
0x9c: {  	[sflag:s17] =	ssyncadd.s32 $0xFFFFEC00  }
0x9d: {  	[tilespmem:s21], [sflag:$0x1] =	stream.indirect.gather [hbm4b:s1+s20], $0x40, s7, s20, $0xb8;
	[tilespmem:$0x15E20] =	vst v63  }
0x9e: {  	_ =	swait.ge [sflag:s28], $0x1400  }
0x9f: {  	[sflag:s28] =	ssyncset.done $0x0  }
0xa0: {  	[sflag:s28] =	ssyncadd.s32 $0xFFFFEC00  }
0xa1: {  	[spmem:s4] =	stream.indirect.scatter.add.f32 [tilespmem:s21], [sflag:$0x5], $0x40, s8, s20, $0xb8;
	[tilespmem:$0x15E20] =	vst v63  }
0xa2: {  	_ =	swait.ge [sflag:s17], $0x1400  }
0xa3: {  	[sflag:s17] =	ssyncset.done $0x0  }
0xa4: {  	s16 =	stileid.u32;
	[sflag:s17] =	ssyncadd.s32 $0xFFFFEC00  }
0xa5: {  	s15 =	sshll.u32 s16, $0x6;
	[bflag:$0x0] =	sbarrier.arrive $0xFFFF  }
0xa6: {  	s16 =	sshrl.u32 s9, $0x3;
	s15 =	sor.u32 $0x1C05, s15;
	s23 =	rddreg [dreg:$0x7]  }
0xa7: {  	[hbm:s23], [sflag:s15] =	dma.local [spmem:s16], $0x1400  }
0xa8: {  	_ =	swait.ge [sflag:s17], $0x1400  }
0xa9: {  	[sflag:s17] =	ssyncset.done $0x0  }
0xaa: {  	[sflag:s17] =	ssyncadd.s32 $0xFFFFEC00  }
0xab: {  	[spmem:s9] =	stream.linear.scatter [tilespmem:s19], [sflag:$0x5], $0x2000, $0x38;
	[tilespmem:$0x15E20] =	vst v63  }
0xac: {  	_ =	swait.ge [sflag:s17], $0x2000  }
0xad: {  	[sflag:s17] =	ssyncset.done $0x0  }
0xae: {  	[sflag:s17] =	ssyncadd.s32 $0xFFFFE000  }
0xaf: {  	[spmem:s10] =	stream.linear.scatter [tilespmem:s19], [sflag:$0x5], $0x2000, $0x38;
	[tilespmem:$0x15E20] =	vst v63  }
0xb0: {  	_ =	swait.ge [sflag:s17], $0x2000  }
0xb1: {  	[sflag:s17] =	ssyncset.done $0x0  }
0xb2: {  	[sflag:s17] =	ssyncadd.s32 $0xFFFFE000  }
0xb3: {  	[spmem:s11] =	stream.linear.scatter [tilespmem:s19], [sflag:$0x5], $0x2000, $0x38;
	[tilespmem:$0x15E20] =	vst v63  }
0xb4: {  	_ =	swait.ge [sflag:s17], $0x2000  }
0xb5: {  	[sflag:s17] =	ssyncset.done $0x0  }
0xb6: {  	[sflag:s17] =	ssyncadd.s32 $0xFFFFE000  }
0xb7: {  	[spmem:s12] =	stream.linear.scatter [tilespmem:s19], [sflag:$0x5], $0x2000, $0x38;
	[tilespmem:$0x15E20] =	vst v63  }
0xb8: {  	_ =	swait.ge [sflag:s17], $0x2000  }
0xb9: {  	[sflag:s17] =	ssyncset.done $0x0  }
0xba: {  	[sflag:s17] =	ssyncadd.s32 $0xFFFFE000  }
0xbb: {  	[spmem:s13] =	stream.linear.scatter [tilespmem:s19], [sflag:$0x5], $0x2000, $0x38;
	[tilespmem:$0x15E20] =	vst v63  }
0xbc: {  	_ =	swait.ge [sflag:s17], $0x2000  }
0xbd: {  	[sflag:s17] =	ssyncset.done $0x0  }
0xbe: {  	[sflag:s17] =	ssyncadd.s32 $0xFFFFE000  }
0xbf: {  	s23 =	simm.s32 $0x0;
	[bflag:$0x0] =	sbarrier.arrive $0xFFFF  }
0xc0: {  	[tilespmem:s21], [sflag:$0x1] =	stream.indirect.gather [hbm4b:s6+s20], $0x40, s23, s20, $0xb8;
	[tilespmem:$0x15E20] =	vst v63  }
0xc1: {  	_ = 	snop  }
0xc2: {  	[tilespmem:s22], [sflag:$0x2] =	stream.indirect.gather [hbm4b:s6+s20], $0x40, s20, s20, $0xb8;
	[tilespmem:$0x15E20] =	vst v63  }
0xc3: {  	_ = 	snop  }
0xc4: {  	[tilespmem:s24], [sflag:$0x3] =	stream.indirect.gather [hbm4b:s6+s20], $0x40, s25, s20, $0xb8;
	[tilespmem:$0x15E20] =	vst v63  }
0xc5: {  	s23 =	simm.s32 $0xF0  }
0xc6: {  	[tilespmem:s26], [sflag:$0x4] =	stream.indirect.gather [hbm4b:s6+s20], $0x40, s23, s20, $0xb8;
	[tilespmem:$0x15E20] =	vst v63  }
0xc7: {  	_ =	swait.ge [sflag:s28], $0x1400  }
0xc8: {  	[sflag:s28] =	ssyncset.done $0x0  }
0xc9: {  	s25 =	simm.s32 $0x2710;
	[sflag:s28] =	ssyncadd.s32 $0xFFFFEC00  }
0xca: {  	[spmem:s4] =	stream.indirect.scatter.add.f32 [tilespmem:s21], [sflag:$0x5], $0x40, s25, s20, $0xb8;
	[tilespmem:$0x15E20] =	vst v63  }
0xcb: {  	_ =	swait.ge [sflag:s17], $0x1400  }
0xcc: {  	[sflag:s17] =	ssyncset.done $0x0  }
0xcd: {  	s0 =	simm.s32 $0x140;
	[sflag:s17] =	ssyncadd.s32 $0xFFFFEC00  }
0xce: {  	[tilespmem:s21], [sflag:$0x1] =	stream.indirect.gather [hbm4b:s6+s20], $0x40, s0, s20, $0xb8;
	[tilespmem:$0x15E20] =	vst v63  }
0xcf: {  	_ =	swait.ge [sflag:s29], $0x1400  }
0xd0: {  	[sflag:s29] =	ssyncset.done $0x0  }
0xd1: {  	s25 =	simm.s32 $0x2760;
	[sflag:s29] =	ssyncadd.s32 $0xFFFFEC00  }
0xd2: {  	[spmem:s4] =	stream.indirect.scatter.add.f32 [tilespmem:s22], [sflag:$0x5], $0x40, s25, s20, $0xb8;
	[tilespmem:$0x15E20] =	vst v63  }
0xd3: {  	_ =	swait.ge [sflag:s17], $0x1400  }
0xd4: {  	[sflag:s17] =	ssyncset.done $0x0  }
0xd5: {  	s0 =	simm.s32 $0x190;
	[sflag:s17] =	ssyncadd.s32 $0xFFFFEC00  }
0xd6: {  	[tilespmem:s22], [sflag:$0x2] =	stream.indirect.gather [hbm4b:s6+s20], $0x40, s0, s20, $0xb8;
	[tilespmem:$0x15E20] =	vst v63  }
0xd7: {  	_ =	swait.ge [sflag:s30], $0x1400  }
0xd8: {  	[sflag:s30] =	ssyncset.done $0x0  }
0xd9: {  	s25 =	simm.s32 $0x27B0;
	[sflag:s30] =	ssyncadd.s32 $0xFFFFEC00  }
0xda: {  	[spmem:s4] =	stream.indirect.scatter.add.f32 [tilespmem:s24], [sflag:$0x5], $0x40, s25, s20, $0xb8;
	[tilespmem:$0x15E20] =	vst v63  }
0xdb: {  	_ =	swait.ge [sflag:s17], $0x1400  }
0xdc: {  	[sflag:s17] =	ssyncset.done $0x0  }
0xdd: {  	s0 =	simm.s32 $0x1E0;
	[sflag:s17] =	ssyncadd.s32 $0xFFFFEC00  }
0xde: {  	[tilespmem:s24], [sflag:$0x3] =	stream.indirect.gather [hbm4b:s6+s20], $0x40, s0, s20, $0xb8;
	[tilespmem:$0x15E20] =	vst v63  }
0xdf: {  	_ =	swait.ge [sflag:s31], $0x1400  }
0xe0: {  	[sflag:s31] =	ssyncset.done $0x0  }
0xe1: {  	s25 =	simm.s32 $0x2800;
	[sflag:s31] =	ssyncadd.s32 $0xFFFFEC00  }
0xe2: {  	[spmem:s4] =	stream.indirect.scatter.add.f32 [tilespmem:s26], [sflag:$0x5], $0x40, s25, s20, $0xb8;
	[tilespmem:$0x15E20] =	vst v63  }
0xe3: {  	_ =	swait.ge [sflag:s17], $0x1400  }
0xe4: {  	[sflag:s17] =	ssyncset.done $0x0  }
0xe5: {  	s23 =	simm.s32 $0x500;
	s25 =	simm.s32 $0x230;
	[sflag:s17] =	ssyncadd.s32 $0xFFFFEC00  }
.LBB2_4:
0xe6: {  	[tilespmem:s26], [sflag:$0x4] =	stream.indirect.gather [hbm4b:s6+s20], $0x40, s25, s20, $0xb8;
	[tilespmem:$0x15E20] =	vst v63  }
0xe7: {  	s25 =	smov.u32 s23  }
0xe8: {  	p0 =	sne.s32 s23, $0x9100;
	s23 =	sadd.s32 $0x500, s23;
	_ =	swait.ge [sflag:s28], $0x1400  }
0xe9: {  	s25 =	sshra.s32 s25, $0x2;
	[sflag:s28] =	ssyncset.done $0x0  }
0xea: {  	s0 =	sadd.s32 $0x2710, s25;
	[sflag:s28] =	ssyncadd.s32 $0xFFFFEC00  }
0xeb: {  	[spmem:s4] =	stream.indirect.scatter.add.f32 [tilespmem:s21], [sflag:$0x5], $0x40, s0, s20, $0xb8;
	[tilespmem:$0x15E20] =	vst v63  }
0xec: {  	_ =	swait.ge [sflag:s17], $0x1400  }
0xed: {  	[sflag:s17] =	ssyncset.done $0x0  }
0xee: {  	s0 =	sadd.s32 $0x140, s25;
	[sflag:s17] =	ssyncadd.s32 $0xFFFFEC00  }
0xef: {  	[tilespmem:s21], [sflag:$0x1] =	stream.indirect.gather [hbm4b:s6+s20], $0x40, s0, s20, $0xb8;
	[tilespmem:$0x15E20] =	vst v63  }
0xf0: {  	_ =	swait.ge [sflag:s29], $0x1400  }
0xf1: {  	[sflag:s29] =	ssyncset.done $0x0  }
0xf2: {  	s0 =	sadd.s32 $0x2760, s25;
	[sflag:s29] =	ssyncadd.s32 $0xFFFFEC00  }
0xf3: {  	[spmem:s4] =	stream.indirect.scatter.add.f32 [tilespmem:s22], [sflag:$0x5], $0x40, s0, s20, $0xb8;
	[tilespmem:$0x15E20] =	vst v63  }
0xf4: {  	_ =	swait.ge [sflag:s17], $0x1400  }
0xf5: {  	[sflag:s17] =	ssyncset.done $0x0  }
0xf6: {  	s0 =	sadd.s32 $0x190, s25;
	[sflag:s17] =	ssyncadd.s32 $0xFFFFEC00  }
0xf7: {  	[tilespmem:s22], [sflag:$0x2] =	stream.indirect.gather [hbm4b:s6+s20], $0x40, s0, s20, $0xb8;
	[tilespmem:$0x15E20] =	vst v63  }
0xf8: {  	_ =	swait.ge [sflag:s30], $0x1400  }
0xf9: {  	[sflag:s30] =	ssyncset.done $0x0  }
0xfa: {  	s0 =	sadd.s32 $0x27B0, s25;
	[sflag:s30] =	ssyncadd.s32 $0xFFFFEC00  }
0xfb: {  	[spmem:s4] =	stream.indirect.scatter.add.f32 [tilespmem:s24], [sflag:$0x5], $0x40, s0, s20, $0xb8;
	[tilespmem:$0x15E20] =	vst v63  }
0xfc: {  	_ =	swait.ge [sflag:s17], $0x1400  }
0xfd: {  	[sflag:s17] =	ssyncset.done $0x0  }
0xfe: {  	s0 =	sadd.s32 $0x1E0, s25;
	[sflag:s17] =	ssyncadd.s32 $0xFFFFEC00  }
0xff: {  	[tilespmem:s24], [sflag:$0x3] =	stream.indirect.gather [hbm4b:s6+s20], $0x40, s0, s20, $0xb8;
	[tilespmem:$0x15E20] =	vst v63  }
0x100: {  	_ =	swait.ge [sflag:s31], $0x1400  }
0x101: {  	[sflag:s31] =	ssyncset.done $0x0  }
.Ltmp1:
0x102: {  	s0 =	sadd.s32 $0x2800, s25;
	[sflag:s31] =	ssyncadd.s32 $0xFFFFEC00;
	(pc) =	sbr.rel @p0 .LBB2_4-.Ltmp1, $4  }
0x103: {  	[spmem:s4] =	stream.indirect.scatter.add.f32 [tilespmem:s26], [sflag:$0x5], $0x40, s0, s20, $0xb8;
	[tilespmem:$0x15E20] =	vst v63  }
0x104: {  	_ =	swait.ge [sflag:s17], $0x1400  }
0x105: {  	[sflag:s17] =	ssyncset.done $0x0  }
0x106: {  	s25 =	sadd.s32 $0x230, s25;
	[sflag:s17] =	ssyncadd.s32 $0xFFFFEC00  }
0x107: {  	[tilespmem:s26], [sflag:$0x4] =	stream.indirect.gather [hbm4b:s6+s20], $0x40, s25, s20, $0xb8;
	[tilespmem:$0x15E20] =	vst v63  }
0x108: {  	_ =	swait.ge [sflag:s28], $0x1400  }
0x109: {  	[sflag:s28] =	ssyncset.done $0x0  }
0x10a: {  	s0 =	simm.s32 $0x4C90;
	[sflag:s28] =	ssyncadd.s32 $0xFFFFEC00  }
0x10b: {  	[spmem:s4] =	stream.indirect.scatter.add.f32 [tilespmem:s21], [sflag:$0x5], $0x40, s0, s20, $0xb8;
	[tilespmem:$0x15E20] =	vst v63  }
0x10c: {  	_ =	swait.ge [sflag:s17], $0x1400  }
0x10d: {  	[sflag:s17] =	ssyncset.done $0x0  }
0x10e: {  	[sflag:s17] =	ssyncadd.s32 $0xFFFFEC00  }
0x10f: {  	_ =	swait.ge [sflag:s29], $0x1400  }
0x110: {  	[sflag:s29] =	ssyncset.done $0x0  }
0x111: {  	[sflag:s29] =	ssyncadd.s32 $0xFFFFEC00  }
0x112: {  	[spmem:s4] =	stream.indirect.scatter.add.f32 [tilespmem:s22], [sflag:$0x5], $0x40, s3, s20, $0xb8;
	[tilespmem:$0x15E20] =	vst v63  }
0x113: {  	_ =	swait.ge [sflag:s17], $0x1400  }
0x114: {  	[sflag:s17] =	ssyncset.done $0x0  }
0x115: {  	[sflag:s17] =	ssyncadd.s32 $0xFFFFEC00  }
0x116: {  	_ =	swait.ge [sflag:s30], $0x1400  }
0x117: {  	[sflag:s30] =	ssyncset.done $0x0  }
0x118: {  	[sflag:s30] =	ssyncadd.s32 $0xFFFFEC00  }
0x119: {  	[spmem:s4] =	stream.indirect.scatter.add.f32 [tilespmem:s24], [sflag:$0x5], $0x40, s18, s20, $0xb8;
	[tilespmem:$0x15E20] =	vst v63  }
0x11a: {  	_ =	swait.ge [sflag:s17], $0x1400  }
0x11b: {  	[sflag:s17] =	ssyncset.done $0x0  }
0x11c: {  	[sflag:s17] =	ssyncadd.s32 $0xFFFFEC00  }
0x11d: {  	_ =	swait.ge [sflag:s31], $0x1400  }
0x11e: {  	[sflag:s31] =	ssyncset.done $0x0  }
0x11f: {  	[sflag:s31] =	ssyncadd.s32 $0xFFFFEC00  }
0x120: {  	[spmem:s4] =	stream.indirect.scatter.add.f32 [tilespmem:s26], [sflag:$0x5], $0x40, s2, s20, $0xb8;
	[tilespmem:$0x15E20] =	vst v63  }
0x121: {  	_ =	swait.ge [sflag:s17], $0x1400  }
0x122: {  	[sflag:s17] =	ssyncset.done $0x0  }
0x123: {  	[sflag:s17] =	ssyncadd.s32 $0xFFFFEC00  }
0x124: {  	[tilespmem:s21], [sflag:$0x1] =	stream.indirect.gather [hbm4b:s6+s20], $0x40, s7, s20, $0xb8;
	[tilespmem:$0x15E20] =	vst v63  }
0x125: {  	_ =	swait.ge [sflag:s28], $0x1400  }
0x126: {  	[sflag:s28] =	ssyncset.done $0x0  }
0x127: {  	[sflag:s28] =	ssyncadd.s32 $0xFFFFEC00  }
0x128: {  	[spmem:s4] =	stream.indirect.scatter.add.f32 [tilespmem:s21], [sflag:$0x5], $0x40, s8, s20, $0xb8;
	[tilespmem:$0x15E20] =	vst v63  }
0x129: {  	_ =	swait.ge [sflag:s17], $0x1400  }
0x12a: {  	[sflag:s17] =	ssyncset.done $0x0  }
0x12b: {  	[sflag:s17] =	ssyncadd.s32 $0xFFFFEC00  }
0x12c: {  	[bflag:$0x0] =	sbarrier.arrive $0xFFFF  }
0x12d: {  	s23 =	rddreg [dreg:$0x8]  }
0x12e: {  	[hbm:s23], [sflag:s15] =	dma.local [spmem:s16], $0x1400  }
0x12f: {  	_ =	swait.ge [sflag:s17], $0x1400  }
0x130: {  	s14 =	sadd.s32 $0x1, s14;
	s25 =	rddreg [dreg:$0x9]  }
0x131: {  	p0 =	sne.s32 s14, s25  }
.Ltmp2:
0x132: {  	_ = 	snop;
	(pc) =	sbr.rel @p0 .LBB2_1-.Ltmp2, $3  }
0x133: {  	_ =	sdelay $0x1  }
0x134: {  	[sflag:s17] =	ssyncset.done $0x0  }
0x135: {  	[sflag:s17] =	ssyncadd.s32 $0xFFFFEC00;
	s25 =	simm.s32 $0xA0  }
0x136: {  	_ =	sfence.sel $0x180000  }
0x137: {  	[bflag:$0x0] =	sbarrier.arrive $0xFFFF  }
0x138: {  	_ =	strace $0x9000004D  }
0x139: {  	s0 =	stileid.u32;
	[bflag:$0x2] =	sbarrier.arrive $0xFFFF  }
0x13a: {  	p0 =	sne.s32 s0, $0x0;
	s0 =	rddreg [dreg:$0x4]  }
0x13b: {  	s0 =	sadd.s32 @!p0 $0x100000, s0  }
0x13c: {  	[sflag:s0] =	ssyncadd.tile.s32 @!p0 $0x1;
	_ =	shalt  }
.Lfunc_end2:
_tile_overlayer_lowered:
.L_overlay_start_2:
0x13d: {  	(tag) =	ssettag $0x2  }
0x13e: {  	s0 =	rddreg [dreg:$0x0];
	s2 =	stileid.u32  }
0x13f: {  	s1 =	rddreg [dreg:$0x1];
	p0 =	sne.s32 s2, $0x0  }
0x140: {  	s3 =	rddreg [dreg:$0x2];
	[bflag:$0x3] =	sbarrier.arrive $0xFFFF;
	s2 =	simm.s32 @!p0 $0x1C05  }
0x141: {  	[timem:s3], [sflag:s2] =	dma.local @!p0 [hbm:s0], s1  }
0x142: {  	s0 =	simm.s32 @!p0 $0x5  }
0x143: {  	_ =	swait.ge @!p0 [sflag:s0], s1  }
0x144: {  	s1 =	ssub.s32 @!p0 $0x0, s1;
	[sflag:s0] =	ssyncset.done @!p0 $0x0  }
0x145: {  	[sflag:s0] =	ssyncadd.s32 @!p0 s1  }
0x146: {  	[bflag:$0x3] =	sbarrier.arrive $0xFFFF  }
0x147: {  	_ =	shalt  }

// kernel: kernel.20.cloned.1.call-start
scs
__scs_entry_jumppad:
0x0: {  	(pc) =	sbr.rel $0x88, $3  }
0x1: {  	(tag) =	ssettag $0x0;
	lr =	simm.s32 $0x1  }
0x2: {  	[smem:$0x3F97] =	sst lr;
	_ =	strace $0xD0000000  }
0x3: {  	_ = 	snop  }
0x4: {  	_ = 	snop  }
0x5: {  	_ = 	snop  }
0x6: {  	_ = 	snop  }
0x7: {  	_ = 	snop  }
__scs_overlays_trampoline_lowered:
0x8: {  	[smem:$0x3FA6] =	sst s0  }
0x9: {  	[smem:$0x3FA7] =	sst s1  }
0xa: {  	[smem:$0x3FA8] =	sst s2  }
0xb: {  	[smem:$0x3FA9] =	sst s3  }
0xc: {  	[smem:$0x3FAA] =	sst s4  }
0xd: {  	[smem:$0x3FAB] =	sst s5  }
0xe: {  	[smem:$0x3FAC] =	sst s6  }
0xf: {  	[smem:$0x3FAD] =	sst s7  }
0x10: {  	[smem:$0x3FAE] =	sst s8  }
0x11: {  	[smem:$0x3FAF] =	sst s9;
	s0 =	simm.s32 @!p0 $0x0  }
0x12: {  	s1 =	sld [smem:$0x3F95];
	s0 =	simm.s32 @p0 $0x1  }
0x13: {  	[smem:$0x3FB0] =	sst s0;
	s0 =	simm.s32 @!p1 $0x0  }
0x14: {  	s2 =	sld [smem:$0x3F94];
	s0 =	simm.s32 @p1 $0x1  }
0x15: {  	[smem:$0x3FB1] =	sst s0;
	s0 =	simm.s32 @!p2 $0x0  }
0x16: {  	s3 =	sld [smem:$0x3FDB];
	s0 =	simm.s32 @p2 $0x1  }
0x17: {  	s4 =	simm.s32 $0x1BF5;
	[smem:$0x3FB3] =	sst s0  }
0x18: {  	s0 =	sld [smem:$0x3F96];
	_ =	swait.ge [sflag:s4], $0x0  }
0x19: {  	s7 =	sld [smem:$0x3F97]  }
0x1a: {  	s8 =	sadd.s32 $0xFFFFE003, lr  }
0x1b: {  	s9 =	sadd.s32 $0xFFFFFEF7, lr;
	s5 =	simm.s32 $0xFFFFFFFF;
	p2 =	slt.u32 s8, $0xFFFFF086  }
0x1c: {  	p1 =	slt.u32 s9, $0xF7A;
	s5 =	simm.s32 @!p2 $0x0  }
0x1d: {  	s5 =	simm.s32 @p1 $0x1;
	p0 =	seq.s32 s7, s2  }
0x1e: {  	s7 =	smul.u32 @!p0 $0xF7A, s2;
	p2 =	seq.s32 @!p0 s5, $0x0  }
0x1f: {  	s9 =	smul.u32 $0xF7A, s1;
	s8 =	simm.s32 @!p0 $0x1BF5;
	p2 =	por !p2, p0  }
0x20: {  	[sflag:s8] =	ssyncset.s32 @!p0 $0xFFFFF086;
	s6 =	sadd.s32 @!p0 s3, s7;
	s7 =	simm.s32 @!p0 $0x108  }
0x21: {  	s3 =	sadd.s32 s3, s9;
	s6 =	sadd.s32 @!p0 $0x88, s6;
	s7 =	simm.s32 @p2 $0x1082  }
0x22: {  	[simem:s7], [sflag:s8] =	dma.local @!p0 [hbm:s6], $0xF7A  }
0x23: {  	s9 =	sor.u32 $0xD0000000, s2;
	s6 =	simm.s32 $0x108;
	_ =	swait.ge @!p0 [sflag:s8], $0x0  }
0x24: {  	s3 =	sadd.s32 $0x88, s3;
	s6 =	simm.s32 @!p1 $0x1082;
	[sflag:s4] =	ssyncset.s32 $0xFFFFF086  }
0x25: {  	[simem:s6], [sflag:s4] =	dma.local [hbm:s3], $0xF7A  }
0x26: {  	[smem:$0x3F97] =	sst s1;
	(tag) =	ssettag s2;
	_ =	strace s9  }
0x27: {  	s1 =	sld [smem:$0x3FA7]  }
0x28: {  	s2 =	sld [smem:$0x3FA8]  }
0x29: {  	s4 =	sld [smem:$0x3FAA]  }
0x2a: {  	p0 =	seq.s32 s5, $0x0;
	s5 =	sld [smem:$0x3FAB]  }
0x2b: {  	s6 =	sld [smem:$0x3FAC]  }
0x2c: {  	s7 =	sld [smem:$0x3FAD]  }
0x2d: {  	s3 =	simm.s32 $0x108;
	s8 =	sld [smem:$0x3FAE]  }
0x2e: {  	s3 =	simm.s32 @!p0 $0x1082;
	s9 =	sld [smem:$0x3FAF]  }
0x2f: {  	lr =	sadd.s32 s0, s3;
	s0 =	sld [smem:$0x3FA6]  }
0x30: {  	s3 =	sld [smem:$0x3FA9]  }
0x31: {  	[smem:$0x3FB2] =	sst s10  }
0x32: {  	s10 =	sld [smem:$0x3FB0];
	_ =	sdelay $0x3  }
0x33: {  	p0 =	seq.s32 s10, $0x1;
	s10 =	sld [smem:$0x3FB2];
	_ =	sdelay $0x3  }
0x34: {  	[smem:$0x3FB2] =	sst s10  }
0x35: {  	s10 =	sld [smem:$0x3FB1];
	_ =	sdelay $0x3  }
0x36: {  	p1 =	seq.s32 s10, $0x1;
	s10 =	sld [smem:$0x3FB2];
	_ =	sdelay $0x3  }
0x37: {  	[smem:$0x3FB2] =	sst s10  }
0x38: {  	s10 =	sld [smem:$0x3FB3]  }
0x39: {  	_ = 	snop;
	(pc) =	sbr.ind lr, $3  }
0x3a: {  	_ = 	snop  }
0x3b: {  	_ = 	snop  }
0x3c: {  	p2 =	seq.s32 s10, $0x1;
	s10 =	sld [smem:$0x3FB2]  }
0x3d: {  	_ =	shalt  }
0x3e: {  	_ =	shalt  }
0x3f: {  	_ =	shalt  }
0x40: {  	_ =	shalt  }
0x41: {  	_ =	shalt  }
0x42: {  	_ =	shalt  }
0x43: {  	_ =	shalt  }
0x44: {  	_ =	shalt  }
0x45: {  	_ =	shalt  }
0x46: {  	_ =	shalt  }
0x47: {  	_ =	shalt  }
0x48: {  	_ =	shalt  }
0x49: {  	_ =	shalt  }
0x4a: {  	_ =	shalt  }
0x4b: {  	_ =	shalt  }
0x4c: {  	_ =	shalt  }
0x4d: {  	_ =	shalt  }
0x4e: {  	_ =	shalt  }
0x4f: {  	_ =	shalt  }
0x50: {  	_ =	shalt  }
0x51: {  	_ =	shalt  }
0x52: {  	_ =	shalt  }
0x53: {  	_ =	shalt  }
0x54: {  	_ =	shalt  }
0x55: {  	_ =	shalt  }
0x56: {  	_ =	shalt  }
0x57: {  	_ =	shalt  }
0x58: {  	_ =	shalt  }
0x59: {  	_ =	shalt  }
0x5a: {  	_ =	shalt  }
0x5b: {  	_ =	shalt  }
0x5c: {  	_ =	shalt  }
0x5d: {  	_ =	shalt  }
0x5e: {  	_ =	shalt  }
0x5f: {  	_ =	shalt  }
0x60: {  	_ =	shalt  }
0x61: {  	_ =	shalt  }
0x62: {  	_ =	shalt  }
0x63: {  	_ =	shalt  }
0x64: {  	_ =	shalt  }
0x65: {  	_ =	shalt  }
0x66: {  	_ =	shalt  }
0x67: {  	_ =	shalt  }
0x68: {  	_ =	shalt  }
0x69: {  	_ =	shalt  }
0x6a: {  	_ =	shalt  }
0x6b: {  	_ =	shalt  }
0x6c: {  	_ =	shalt  }
0x6d: {  	_ =	shalt  }
0x6e: {  	_ =	shalt  }
0x6f: {  	_ =	shalt  }
0x70: {  	_ =	shalt  }
0x71: {  	_ =	shalt  }
0x72: {  	_ =	shalt  }
0x73: {  	_ =	shalt  }
0x74: {  	_ =	shalt  }
0x75: {  	_ =	shalt  }
0x76: {  	_ =	shalt  }
0x77: {  	_ =	shalt  }
0x78: {  	_ =	shalt  }
0x79: {  	_ =	shalt  }
0x7a: {  	_ =	shalt  }
0x7b: {  	_ =	shalt  }
0x7c: {  	_ =	shalt  }
0x7d: {  	_ =	shalt  }
0x7e: {  	_ =	shalt  }
0x7f: {  	_ =	shalt  }
0x80: {  	_ =	shalt  }
0x81: {  	_ =	shalt  }
0x82: {  	_ =	shalt  }
0x83: {  	_ =	shalt  }
0x84: {  	_ =	shalt  }
0x85: {  	_ =	shalt  }
0x86: {  	_ =	shalt  }
0x87: {  	_ =	shalt  }
.Lfunc_end0:
.L_simem_size_0:
called_computation.3_lowered:
.L_overlay_start_0:
0x88: {  	s2 =	sld [smem:$0x3FD9]  }
0x89: {  	s3 =	sld [smem:$0x3FFE];
	_ =	sdelay $0x1  }
0x8a: {  	s1 =	srdreg.scid  }
0x8b: {  	s0 =	sand.u32 $0x1, s1  }
0x8c: {  	s16 =	sshll.u32 s0, $0xA;
	s2 =	sadd.s32 s3, s2  }
0x8d: {  	s2 =	sadd.s32 s2, s16  }
0x8e: {  	[smem:$0x3FBE] =	sst s2  }
0x8f: {  	_ = 	snop  }
0x90: {  	(tm) =	ssettm $0x1  }
0x91: {  	s17 =	sld [smem:$0x3FFB];
	_ =	sdelay $0x3  }
0x92: {  	_ =	strace s17  }
0x93: {  	s2 =	sld [smem:$0x3FFC];
	_ =	sdelay $0x3  }
0x94: {  	_ =	strace s2  }
0x95: {  	s2 =	sld [smem:$0x3FFD];
	_ =	sdelay $0x3  }
0x96: {  	_ =	strace s2  }
0x97: {  	_ =	strace $0x8FFFFFFF  }
0x98: {  	s18 =	sld [smem:$0x3FDB];
	_ =	sdelay $0x1  }
0x99: {  	s19 =	simm.s32 $_scs_section_size  }
0x9a: {  	s4 =	simm.s32 $_size__tile_overlayer_lowered;
	s5 =	simm.s32 $_tile_overlayer_lowered  }
0x9b: {  	s22 =	simm.s32 $0x1BFF;
	s21 =	sshll.u32 s5, $0x1;
	s2 =	sadd.s32 s19, s18  }
0x9c: {  	s6 =	simm.s32 $0x0;
	s20 =	sshll.u32 s4, $0x1;
	s4 =	sadd.s32 s21, s2  }
0x9d: {  	[timem:s6], [sflag:s22] =	dma.local [hbm:s4], s20  }
0x9e: {  	_ =	swait.ge [sflag:s22], s20  }
0x9f: {  	s3 =	ssub.s32 $0x0, s20;
	[sflag:s22] =	ssyncset.done $0x0  }
0xa0: {  	[sflag:s22] =	ssyncadd.s32 s3;
	_ =	sdelay $0x1  }
0xa1: {  	s23 =	simm.s32 $0x1B8B  }
0xa2: {  	_ =	swait.ge [sflag:s23], $0x1  }
0xa3: {  	[sflag:s23] =	ssyncset.done $0x0  }
0xa4: {  	s25 =	simm.s32 $0x1B8E;
	s24 =	sld [smem:$0x3FFE];
	[sflag:s23] =	ssyncadd.s32 $0xFFFFFFFF  }
0xa5: {  	s26 =	simm.s32 $execute0_lowered;
	[smem:$0x3FD2] =	sst s25  }
0xa6: {  	s4 =	sshll.u32 s26, $0x1;
	_ =	strace $0x8000004F;
	[dreg:$0x1] =	wrdreg $0xFFFFFFFF  }
0xa7: {  	s28 =	simm.s32 $_size_execute0_lowered;
	s2 =	sadd.s32 s2, s4;
	[dreg:$0x0] =	wrdreg $0x0  }
0xa8: {  	s4 =	sshll.u32 s28, $0x1;
	[dreg:$0x2] =	wrdreg s2  }
0xa9: {  	[dreg:$0x3] =	wrdreg s4  }
0xaa: {  	[dreg:$0x4] =	wrdreg $0xC0  }
0xab: {  	_ =	task [dreg:s6], $0x5FFFF  }
0xac: {  	[dreg:$0x1] =	wrdreg $0xFFFFFFFF  }
0xad: {  	[dreg:$0x0] =	wrdreg $0x60  }
0xae: {  	[dreg:$0x2] =	wrdreg s24  }
0xaf: {  	[dreg:$0x3] =	wrdreg $0x6A200  }
0xb0: {  	[dreg:$0x4] =	wrdreg $0x9  }
0xb1: {  	_ =	task.clear_ibuf [dreg:s6], $0x5FFFF;
	_ =	strace $0x9000004F  }
0xb2: {  	s29 =	simm.s32 $0x9;
	_ =	strace $0x80000051  }
0xb3: {  	_ =	swait.ge [sflag:s29], $0x1  }
0xb4: {  	[sflag:s29] =	ssyncadd.s32 $0xFFFFFFFF  }
0xb5: {  	_ =	strace $0x90000051  }
0xb6: {  	_ =	sfence  }
0xb7: {  	s30 =	sld [smem:$0x0];
	_ =	sdelay $0x2  }
0xb8: {  	s31 =	sshll.u32 s1, $0xD;
	s1 =	sshrl.u32 s1, $0x2  }
0xb9: {  	s3 =	sand.u32 $0x4000, s31;
	s1 =	sadd.s32 s1, s30  }
0xba: {  	s0 =	sor.u32 s3, s0;
	s1 =	sshll.u32 s1, $0x11  }
0xbb: {  	s0 =	sor.u32 s1, s0  }
0xbc: {  	s0 =	sadd.s32 $0x8F2B, s0  }
0xbd: {  	[sflag:s0] =	ssyncadd.remote.s32 $0x1  }
0xbe: {  	_ =	sfence.sel $0xFFFF  }
0xbf: {  	[dreg:$0x0] =	wrdreg $0xFFFFFFFF;
	(pc) =	sbr.abs _section_cstart, $3  }
0xc0: {  	[dreg:$0x1] =	wrdreg $0xFFFFFFFF  }
0xc1: {  	_ =	task.clear_ibuf [dreg:s6], $0x2FFFF;
	_ =	strace $0x9FFFFFFF  }
0xc2: {  	(tm) =	ssettm $0x7FFFFFFF  }
0xc3: {  	_ =	shalt  }
tec
execute0_lowered:
.L_overlay_start_1:
0x0: {  	(tag) =	ssettag $0x1  }
0x1: {  	s0 =	srdreg.scid;
	s6 =	rddreg [dreg:$0x0]  }
0x2: {  	s9 =	stileid.u32;
	s2 =	rddreg [dreg:$0x1]  }
0x3: {  	s3 =	simm.s32 $0x0;
	s15 =	simm.s32 $0x5;
	s17 =	simm.s32 $0x6220  }
0x4: {  	s18 =	simm.s32 $0x50;
	s19 =	simm.s32 $0x4E20;
	s20 =	simm.s32 $0x5320  }
0x5: {  	s22 =	simm.s32 $0x5820;
	s24 =	simm.s32 $0x5D20;
	s25 =	simm.s32 $0x1  }
0x6: {  	s26 =	simm.s32 $0x2;
	s28 =	simm.s32 $0x3;
	s29 =	simm.s32 $0x4  }
0x7: {  	s16 =	simm.s32 $0x26C0;
	s21 =	simm.s32 $0x4DD0;
	s23 =	simm.s32 $0x0  }
0x8: {  	s0 =	sand.u32 $0x1, s0;
	s8 =	smul.u32 $0x2800, s9;
	[smem:$0x7FF] =	sst s3  }
0x9: {  	s4 =	sadd.s32 $0x41200, s6;
	s1 =	sshll.u32 s0, $0x4;
	s5 =	smul.u32 $0x28000, s0  }
0xa: {  	s0 =	ssub.s32 $0x2, s0;
	s1 =	sor.u32 s9, s1;
	s9 =	smul.u32 $0xA000, s9  }
0xb: {  	_ =	strace $0x80000050;
	s30 =	sshrl.u32 s0, $0x1;
	s1 =	smul.u32 $0x4E2, s1  }
0xc: {  	s5 =	sadd.s32 s8, s5;
	s0 =	ssub.s32 s0, s30;
	s8 =	sadd.s32 s8, s2  }
0xd: {  	s7 =	sshrl.u32 s5, $0x3;
	s5 =	sadd.s32 $0x19C00, s6;
	s9 =	sshrl.u32 s9, $0x2  }
0xe: {  	s14 =	smax.u32 s0, $0x1;
	s0 =	simm.s32 $0x4D80;
	s1 =	sadd.s32 s1, s6  }
0xf: {  	s13 =	sadd.s32 s7, s6;
	s31 =	sadd.s32 s9, s2;
	s6 =	sadd.s32 $0x6000, s1  }
0x10: {  	s7 =	sadd.s32 $0xFE00, s1;
	s9 =	sadd.s32 $0x800, s31;
	s10 =	sadd.s32 $0x1000, s31  }
0x11: {  	s11 =	sadd.s32 $0x1800, s31;
	s12 =	sadd.s32 $0x2000, s31;
	s13 =	sadd.s32 $0x46200, s13  }
.LBB2_1:
0x12: {  	[tilespmem:s3], [sflag:$0x5] =	stream.linear.gather [hbm4b:s6+s3], $0x2710, $0x38;
	[tilespmem:$0x9220] =	vst v63  }
0x13: {  	_ =	swait.ge [sflag:s15], $0x2710  }
0x14: {  	[sflag:s15] =	ssyncset.done $0x0  }
0x15: {  	s1 =	simm.s32 $0x2710;
	[sflag:s15] =	ssyncadd.s32 $0xFFFFD8F0  }
0x16: {  	[tilespmem:s1], [sflag:$0x5] =	stream.linear.gather [hbm4b:s7+s3], $0x2710, $0x38;
	[tilespmem:$0x9220] =	vst v63  }
0x17: {  	_ =	swait.ge [sflag:s15], $0x2710  }
0x18: {  	[sflag:s15] =	ssyncset.done $0x0  }
0x19: {  	[sflag:s15] =	ssyncadd.s32 $0xFFFFD8F0  }
0x1a: {  	[tilespmem:s17], [sflag:$0x5] =	stream.linear.gather [hbm4b:s5+s3], $0x800, $0x38;
	[tilespmem:$0x9220] =	vst v63  }
0x1b: {  	_ =	swait.ge [sflag:s15], $0x800  }
0x1c: {  	[sflag:s15] =	ssyncset.done $0x0  }
0x1d: {  	[sflag:s15] =	ssyncadd.s32 $0xFFFFF800  }
0x1e: {  	[spmem:s8] =	stream.linear.scatter [tilespmem:s17], [sflag:$0x5], $0x800, $0x38;
	[tilespmem:$0x9220] =	vst v63  }
0x1f: {  	_ =	swait.ge [sflag:s15], $0x800  }
0x20: {  	[sflag:s15] =	ssyncset.done $0x0  }
0x21: {  	[sflag:s15] =	ssyncadd.s32 $0xFFFFF800  }
0x22: {  	[spmem:s9] =	stream.linear.scatter [tilespmem:s17], [sflag:$0x5], $0x800, $0x38;
	[tilespmem:$0x9220] =	vst v63  }
0x23: {  	_ =	swait.ge [sflag:s15], $0x800  }
0x24: {  	[sflag:s15] =	ssyncset.done $0x0  }
0x25: {  	[sflag:s15] =	ssyncadd.s32 $0xFFFFF800  }
0x26: {  	[spmem:s10] =	stream.linear.scatter [tilespmem:s17], [sflag:$0x5], $0x800, $0x38;
	[tilespmem:$0x9220] =	vst v63  }
0x27: {  	_ =	swait.ge [sflag:s15], $0x800  }
0x28: {  	[sflag:s15] =	ssyncset.done $0x0  }
0x29: {  	[sflag:s15] =	ssyncadd.s32 $0xFFFFF800  }
0x2a: {  	[spmem:s11] =	stream.linear.scatter [tilespmem:s17], [sflag:$0x5], $0x800, $0x38;
	[tilespmem:$0x9220] =	vst v63  }
0x2b: {  	_ =	swait.ge [sflag:s15], $0x800  }
0x2c: {  	[sflag:s15] =	ssyncset.done $0x0  }
0x2d: {  	[sflag:s15] =	ssyncadd.s32 $0xFFFFF800  }
0x2e: {  	[spmem:s12] =	stream.linear.scatter [tilespmem:s17], [sflag:$0x5], $0x800, $0x38;
	[tilespmem:$0x9220] =	vst v63  }
0x2f: {  	_ =	swait.ge [sflag:s15], $0x800  }
0x30: {  	[sflag:s15] =	ssyncset.done $0x0  }
0x31: {  	[sflag:s15] =	ssyncadd.s32 $0xFFFFF800  }
0x32: {  	[bflag:$0x0] =	sbarrier.arrive $0xFFFF  }
0x33: {  	[tilespmem:s19], [sflag:$0x1] =	stream.indirect.gather [hbm4b:s4+s18], $0x10, s3, s18, $0xb8;
	[tilespmem:$0x9220] =	vst v63  }
0x34: {  	_ = 	snop  }
0x35: {  	[tilespmem:s20], [sflag:$0x2] =	stream.indirect.gather [hbm4b:s4+s18], $0x10, s18, s18, $0xb8;
	[tilespmem:$0x9220] =	vst v63  }
0x36: {  	s1 =	simm.s32 $0xA0  }
0x37: {  	[tilespmem:s22], [sflag:$0x3] =	stream.indirect.gather [hbm4b:s4+s18], $0x10, s1, s18, $0xb8;
	[tilespmem:$0x9220] =	vst v63  }
0x38: {  	s1 =	simm.s32 $0xF0  }
0x39: {  	[tilespmem:s24], [sflag:$0x4] =	stream.indirect.gather [hbm4b:s4+s18], $0x10, s1, s18, $0xb8;
	[tilespmem:$0x9220] =	vst v63  }
0x3a: {  	_ =	swait.ge [sflag:s25], $0x500  }
0x3b: {  	[sflag:s25] =	ssyncset.done $0x0  }
0x3c: {  	s30 =	simm.s32 $0x2710;
	[sflag:s25] =	ssyncadd.s32 $0xFFFFFB00  }
0x3d: {  	[spmem:s2] =	stream.indirect.scatter.add.f32 [tilespmem:s19], [sflag:$0x5], $0x10, s30, s18, $0xb8;
	[tilespmem:$0x9220] =	vst v63  }
0x3e: {  	_ =	swait.ge [sflag:s15], $0x500  }
0x3f: {  	[sflag:s15] =	ssyncset.done $0x0  }
0x40: {  	s30 =	simm.s32 $0x140;
	[sflag:s15] =	ssyncadd.s32 $0xFFFFFB00  }
0x41: {  	[tilespmem:s19], [sflag:$0x1] =	stream.indirect.gather [hbm4b:s4+s18], $0x10, s30, s18, $0xb8;
	[tilespmem:$0x9220] =	vst v63  }
0x42: {  	_ =	swait.ge [sflag:s26], $0x500  }
0x43: {  	[sflag:s26] =	ssyncset.done $0x0  }
0x44: {  	s30 =	simm.s32 $0x2760;
	[sflag:s26] =	ssyncadd.s32 $0xFFFFFB00  }
0x45: {  	[spmem:s2] =	stream.indirect.scatter.add.f32 [tilespmem:s20], [sflag:$0x5], $0x10, s30, s18, $0xb8;
	[tilespmem:$0x9220] =	vst v63  }
0x46: {  	_ =	swait.ge [sflag:s15], $0x500  }
0x47: {  	[sflag:s15] =	ssyncset.done $0x0  }
0x48: {  	s30 =	simm.s32 $0x190;
	[sflag:s15] =	ssyncadd.s32 $0xFFFFFB00  }
0x49: {  	[tilespmem:s20], [sflag:$0x2] =	stream.indirect.gather [hbm4b:s4+s18], $0x10, s30, s18, $0xb8;
	[tilespmem:$0x9220] =	vst v63  }
0x4a: {  	_ =	swait.ge [sflag:s28], $0x500  }
0x4b: {  	[sflag:s28] =	ssyncset.done $0x0  }
0x4c: {  	s30 =	simm.s32 $0x27B0;
	[sflag:s28] =	ssyncadd.s32 $0xFFFFFB00  }
0x4d: {  	[spmem:s2] =	stream.indirect.scatter.add.f32 [tilespmem:s22], [sflag:$0x5], $0x10, s30, s18, $0xb8;
	[tilespmem:$0x9220] =	vst v63  }
0x4e: {  	_ =	swait.ge [sflag:s15], $0x500  }
0x4f: {  	[sflag:s15] =	ssyncset.done $0x0  }
0x50: {  	s30 =	simm.s32 $0x1E0;
	[sflag:s15] =	ssyncadd.s32 $0xFFFFFB00  }
0x51: {  	[tilespmem:s22], [sflag:$0x3] =	stream.indirect.gather [hbm4b:s4+s18], $0x10, s30, s18, $0xb8;
	[tilespmem:$0x9220] =	vst v63  }
0x52: {  	_ =	swait.ge [sflag:s29], $0x500  }
0x53: {  	[sflag:s29] =	ssyncset.done $0x0  }
0x54: {  	s30 =	simm.s32 $0x2800;
	[sflag:s29] =	ssyncadd.s32 $0xFFFFFB00  }
0x55: {  	[spmem:s2] =	stream.indirect.scatter.add.f32 [tilespmem:s24], [sflag:$0x5], $0x10, s30, s18, $0xb8;
	[tilespmem:$0x9220] =	vst v63  }
0x56: {  	_ =	swait.ge [sflag:s15], $0x500  }
0x57: {  	[sflag:s15] =	ssyncset.done $0x0  }
0x58: {  	s31 =	simm.s32 $0x230;
	s30 =	simm.s32 $0x500;
	[sflag:s15] =	ssyncadd.s32 $0xFFFFFB00  }
.LBB2_2:
0x59: {  	[tilespmem:s24], [sflag:$0x4] =	stream.indirect.gather [hbm4b:s4+s18], $0x10, s31, s18, $0xb8;
	[tilespmem:$0x9220] =	vst v63  }
0x5a: {  	s31 =	smov.u32 s30  }
0x5b: {  	p0 =	sne.s32 s30, $0x9100;
	s30 =	sadd.s32 $0x500, s30;
	_ =	swait.ge [sflag:s25], $0x500  }
0x5c: {  	s31 =	sshra.s32 s31, $0x2;
	[sflag:s25] =	ssyncset.done $0x0  }
0x5d: {  	s1 =	sadd.s32 $0x2710, s31;
	[sflag:s25] =	ssyncadd.s32 $0xFFFFFB00  }
0x5e: {  	[spmem:s2] =	stream.indirect.scatter.add.f32 [tilespmem:s19], [sflag:$0x5], $0x10, s1, s18, $0xb8;
	[tilespmem:$0x9220] =	vst v63  }
0x5f: {  	_ =	swait.ge [sflag:s15], $0x500  }
0x60: {  	[sflag:s15] =	ssyncset.done $0x0  }
0x61: {  	s1 =	sadd.s32 $0x140, s31;
	[sflag:s15] =	ssyncadd.s32 $0xFFFFFB00  }
0x62: {  	[tilespmem:s19], [sflag:$0x1] =	stream.indirect.gather [hbm4b:s4+s18], $0x10, s1, s18, $0xb8;
	[tilespmem:$0x9220] =	vst v63  }
0x63: {  	_ =	swait.ge [sflag:s26], $0x500  }
0x64: {  	[sflag:s26] =	ssyncset.done $0x0  }
0x65: {  	s1 =	sadd.s32 $0x2760, s31;
	[sflag:s26] =	ssyncadd.s32 $0xFFFFFB00  }
0x66: {  	[spmem:s2] =	stream.indirect.scatter.add.f32 [tilespmem:s20], [sflag:$0x5], $0x10, s1, s18, $0xb8;
	[tilespmem:$0x9220] =	vst v63  }
0x67: {  	_ =	swait.ge [sflag:s15], $0x500  }
0x68: {  	[sflag:s15] =	ssyncset.done $0x0  }
0x69: {  	s1 =	sadd.s32 $0x190, s31;
	[sflag:s15] =	ssyncadd.s32 $0xFFFFFB00  }
0x6a: {  	[tilespmem:s20], [sflag:$0x2] =	stream.indirect.gather [hbm4b:s4+s18], $0x10, s1, s18, $0xb8;
	[tilespmem:$0x9220] =	vst v63  }
0x6b: {  	_ =	swait.ge [sflag:s28], $0x500  }
0x6c: {  	[sflag:s28] =	ssyncset.done $0x0  }
0x6d: {  	s1 =	sadd.s32 $0x27B0, s31;
	[sflag:s28] =	ssyncadd.s32 $0xFFFFFB00  }
0x6e: {  	[spmem:s2] =	stream.indirect.scatter.add.f32 [tilespmem:s22], [sflag:$0x5], $0x10, s1, s18, $0xb8;
	[tilespmem:$0x9220] =	vst v63  }
0x6f: {  	_ =	swait.ge [sflag:s15], $0x500  }
0x70: {  	[sflag:s15] =	ssyncset.done $0x0  }
0x71: {  	s1 =	sadd.s32 $0x1E0, s31;
	[sflag:s15] =	ssyncadd.s32 $0xFFFFFB00  }
0x72: {  	[tilespmem:s22], [sflag:$0x3] =	stream.indirect.gather [hbm4b:s4+s18], $0x10, s1, s18, $0xb8;
	[tilespmem:$0x9220] =	vst v63  }
0x73: {  	_ =	swait.ge [sflag:s29], $0x500  }
0x74: {  	[sflag:s29] =	ssyncset.done $0x0  }
.Ltmp0:
0x75: {  	s1 =	sadd.s32 $0x2800, s31;
	[sflag:s29] =	ssyncadd.s32 $0xFFFFFB00;
	(pc) =	sbr.rel @p0 .LBB2_2-.Ltmp0, $4  }
0x76: {  	[spmem:s2] =	stream.indirect.scatter.add.f32 [tilespmem:s24], [sflag:$0x5], $0x10, s1, s18, $0xb8;
	[tilespmem:$0x9220] =	vst v63  }
0x77: {  	_ =	swait.ge [sflag:s15], $0x500  }
0x78: {  	[sflag:s15] =	ssyncset.done $0x0  }
0x79: {  	s31 =	sadd.s32 $0x230, s31;
	[sflag:s15] =	ssyncadd.s32 $0xFFFFFB00  }
0x7a: {  	[tilespmem:s24], [sflag:$0x4] =	stream.indirect.gather [hbm4b:s4+s18], $0x10, s31, s18, $0xb8;
	[tilespmem:$0x9220] =	vst v63  }
0x7b: {  	_ =	swait.ge [sflag:s25], $0x500  }
0x7c: {  	[sflag:s25] =	ssyncset.done $0x0  }
0x7d: {  	s1 =	simm.s32 $0x4C90;
	[sflag:s25] =	ssyncadd.s32 $0xFFFFFB00  }
0x7e: {  	[spmem:s2] =	stream.indirect.scatter.add.f32 [tilespmem:s19], [sflag:$0x5], $0x10, s1, s18, $0xb8;
	[tilespmem:$0x9220] =	vst v63  }
0x7f: {  	_ =	swait.ge [sflag:s15], $0x500  }
0x80: {  	[sflag:s15] =	ssyncset.done $0x0  }
0x81: {  	[sflag:s15] =	ssyncadd.s32 $0xFFFFFB00  }
0x82: {  	_ =	swait.ge [sflag:s26], $0x500  }
0x83: {  	[sflag:s26] =	ssyncset.done $0x0  }
0x84: {  	s31 =	simm.s32 $0x4CE0;
	[sflag:s26] =	ssyncadd.s32 $0xFFFFFB00  }
0x85: {  	[spmem:s2] =	stream.indirect.scatter.add.f32 [tilespmem:s20], [sflag:$0x5], $0x10, s31, s18, $0xb8;
	[tilespmem:$0x9220] =	vst v63  }
0x86: {  	_ =	swait.ge [sflag:s15], $0x500  }
0x87: {  	[sflag:s15] =	ssyncset.done $0x0  }
0x88: {  	[sflag:s15] =	ssyncadd.s32 $0xFFFFFB00  }
0x89: {  	_ =	swait.ge [sflag:s28], $0x500  }
0x8a: {  	[sflag:s28] =	ssyncset.done $0x0  }
0x8b: {  	s30 =	simm.s32 $0x4D30;
	[sflag:s28] =	ssyncadd.s32 $0xFFFFFB00  }
0x8c: {  	[spmem:s2] =	stream.indirect.scatter.add.f32 [tilespmem:s22], [sflag:$0x5], $0x10, s30, s18, $0xb8;
	[tilespmem:$0x9220] =	vst v63  }
0x8d: {  	_ =	swait.ge [sflag:s15], $0x500  }
0x8e: {  	[sflag:s15] =	ssyncset.done $0x0  }
0x8f: {  	[sflag:s15] =	ssyncadd.s32 $0xFFFFFB00  }
0x90: {  	_ =	swait.ge [sflag:s29], $0x500  }
0x91: {  	[sflag:s29] =	ssyncset.done $0x0  }
0x92: {  	[sflag:s29] =	ssyncadd.s32 $0xFFFFFB00  }
0x93: {  	[spmem:s2] =	stream.indirect.scatter.add.f32 [tilespmem:s24], [sflag:$0x5], $0x10, s0, s18, $0xb8;
	[tilespmem:$0x9220] =	vst v63  }
0x94: {  	_ =	swait.ge [sflag:s15], $0x500  }
0x95: {  	[sflag:s15] =	ssyncset.done $0x0  }
0x96: {  	[sflag:s15] =	ssyncadd.s32 $0xFFFFFB00  }
0x97: {  	[tilespmem:s19], [sflag:$0x1] =	stream.indirect.gather [hbm4b:s4+s18], $0x10, s16, s18, $0xb8;
	[tilespmem:$0x9220] =	vst v63  }
0x98: {  	_ =	swait.ge [sflag:s25], $0x500  }
0x99: {  	[sflag:s25] =	ssyncset.done $0x0  }
0x9a: {  	[sflag:s25] =	ssyncadd.s32 $0xFFFFFB00  }
0x9b: {  	[spmem:s2] =	stream.indirect.scatter.add.f32 [tilespmem:s19], [sflag:$0x5], $0x10, s21, s18, $0xb8;
	[tilespmem:$0x9220] =	vst v63  }
0x9c: {  	s31 =	stileid.u32;
	_ =	swait.ge [sflag:s15], $0x500  }
0x9d: {  	s23 =	sadd.s32 $0x1, s23;
	s1 =	sshll.u32 s31, $0x6;
	[sflag:s15] =	ssyncset.done $0x0  }
0x9e: {  	p0 =	sne.s32 s23, s14;
	s1 =	sor.u32 $0x1C05, s1;
	[sflag:s15] =	ssyncadd.s32 $0xFFFFFB00  }
.Ltmp1:
0x9f: {  	s30 =	sshrl.u32 s8, $0x3;
	[bflag:$0x0] =	sbarrier.arrive $0xFFFF;
	(pc) =	sbr.rel @p0 .LBB2_1-.Ltmp1, $4  }
0xa0: {  	[hbm:s13], [sflag:s1] =	dma.local [spmem:s30], $0x500  }
0xa1: {  	_ =	swait.ge [sflag:s15], $0x500  }
0xa2: {  	[sflag:s15] =	ssyncset.done $0x0  }
0xa3: {  	[sflag:s15] =	ssyncadd.s32 $0xFFFFFB00  }
0xa4: {  	_ =	sfence.sel $0x180000  }
0xa5: {  	[bflag:$0x0] =	sbarrier.arrive $0xFFFF  }
0xa6: {  	_ =	strace $0x90000050  }
0xa7: {  	s0 =	stileid.u32;
	[bflag:$0x2] =	sbarrier.arrive $0xFFFF  }
0xa8: {  	p0 =	sne.s32 s0, $0x0;
	s0 =	rddreg [dreg:$0x2]  }
0xa9: {  	s0 =	sadd.s32 @!p0 $0x100000, s0  }
0xaa: {  	[sflag:s0] =	ssyncadd.tile.s32 @!p0 $0x1;
	_ =	shalt  }
.Lfunc_end2:
_tile_overlayer_lowered:
.L_overlay_start_2:
0xab: {  	(tag) =	ssettag $0x2  }
0xac: {  	s0 =	rddreg [dreg:$0x0];
	s2 =	stileid.u32  }
0xad: {  	s1 =	rddreg [dreg:$0x1];
	p0 =	sne.s32 s2, $0x0  }
0xae: {  	s3 =	rddreg [dreg:$0x2];
	[bflag:$0x3] =	sbarrier.arrive $0xFFFF;
	s2 =	simm.s32 @!p0 $0x1C05  }
0xaf: {  	[timem:s3], [sflag:s2] =	dma.local @!p0 [hbm:s0], s1  }
0xb0: {  	s0 =	simm.s32 @!p0 $0x5  }
0xb1: {  	_ =	swait.ge @!p0 [sflag:s0], s1  }
0xb2: {  	s1 =	ssub.s32 @!p0 $0x0, s1;
	[sflag:s0] =	ssyncset.done @!p0 $0x0  }
0xb3: {  	[sflag:s0] =	ssyncadd.s32 @!p0 s1  }
0xb4: {  	[bflag:$0x3] =	sbarrier.arrive $0xFFFF  }
0xb5: {  	_ =	shalt  }

</sc_bundles>
